<compile_context>
chip_gen: v7x
topology: tpu7x:2x2x1
jax: 0.10.2.dev20260603
libtpu: 0.0.44.dev20260713+nightly
codegen_flags: <defaults>
</compile_context>

<pallas_src>
import functools

import jax
import jax.numpy as jnp
from jax import lax
from jax.experimental import pallas as pl
from jax.experimental.pallas import tpu as pltpu
from jax.experimental.pallas import tpu_sc as plsc

_N = 256
_NC = 2
_NS = 16
_NW = _NC * _NS
_ROWS = _N * _N
_RPW = _ROWS // _NW
_CHUNK = 64
_NCHUNK = _RPW // _CHUNK
_NBUF = 6


def _sc_gather_body(x2_hbm, idx0_hbm, idx1_hbm, out0_hbm, out1_hbm, *scr):
    idx0_v, idx1_v = scr[0], scr[1]
    bufs = scr[2:2 + _NBUF]
    gsems = scr[2 + _NBUF:2 + 2 * _NBUF]
    ssems = scr[2 + 2 * _NBUF:2 + 3 * _NBUF]
    wid = lax.axis_index("s") * _NC + lax.axis_index("c")
    base = wid * _RPW
    pltpu.sync_copy(idx0_hbm.at[pl.ds(base, _RPW)], idx0_v)
    pltpu.sync_copy(idx1_hbm.at[pl.ds(base, _RPW)], idx1_v)

    total = 2 * _NCHUNK

    def gather(c, buf, sem):
        if c < _NCHUNK:
            src = idx0_v.at[pl.ds(c * _CHUNK, _CHUNK)]
        else:
            src = idx1_v.at[pl.ds((c - _NCHUNK) * _CHUNK, _CHUNK)]
        return pltpu.async_copy(x2_hbm.at[src], buf, sem)

    def scatter(c, buf, sem):
        if c < _NCHUNK:
            dst = out0_hbm.at[pl.ds(base + c * _CHUNK, _CHUNK)]
        else:
            dst = out1_hbm.at[pl.ds(base + (c - _NCHUNK) * _CHUNK, _CHUNK)]
        return pltpu.async_copy(buf, dst, sem)

    gs = [None] * total
    ss = [None] * total
    for c in range(min(_NBUF, total)):
        gs[c] = gather(c, bufs[c % _NBUF], gsems[c % _NBUF])
    for c in range(total):
        gs[c].wait()
        ss[c] = scatter(c, bufs[c % _NBUF], ssems[c % _NBUF])
        n = c + _NBUF
        if n < total:
            ss[n - _NBUF].wait()
            gs[n] = gather(n, bufs[n % _NBUF], gsems[n % _NBUF])
    for c in range(max(0, total - _NBUF), total):
        ss[c].wait()


def _sc_gather2(x2, idx0, idx1):
    mesh = plsc.VectorSubcoreMesh(core_axis_name="c", subcore_axis_name="s")
    dma = pltpu.SemaphoreType.DMA
    run = functools.partial(
        pl.kernel, mesh=mesh,
        out_type=[jax.ShapeDtypeStruct((_ROWS, _N), jnp.float32),
                  jax.ShapeDtypeStruct((_ROWS, _N), jnp.float32)],
        scratch_types=[
            pltpu.VMEM((_RPW,), jnp.int32),
            pltpu.VMEM((_RPW,), jnp.int32),
        ] + [pltpu.VMEM((_CHUNK, _N), jnp.float32)] * _NBUF
          + [dma] * (2 * _NBUF),
    )(_sc_gather_body)
    return run(x2, idx0, idx1)


_BP = 16
_TSTEPS = _N // _BP


def _tc_body(y_smem, y_col, x_seq, out2, p_ref):
    j = pl.program_id(0)

    @pl.when(j == 0)
    def _():
        iota_k = jax.lax.broadcasted_iota(jnp.int32, (_N, _N), 1)
        p_ref[...] = (y_col[...] == iota_k).astype(jnp.float32)

    xs = x_seq[...].reshape(_BP * _N, _N)
    p = p_ref[...]
    res = jax.lax.dot_general(
        xs, p, (((1,), (1,)), ((), ())),
        preferred_element_type=jnp.float32,
        precision=jax.lax.Precision.DEFAULT)
    out2[...] = res.reshape(_BP, _N, _N)


def _tc_matmuls(x, y32):
    y_col = y32.reshape(_N, 1)
    grid_spec = pltpu.PrefetchScalarGridSpec(
        num_scalar_prefetch=1,
        grid=(_TSTEPS,),
        in_specs=[
            pl.BlockSpec((_N, 1), lambda j, y_ref: (0, 0)),
            pl.BlockSpec((_BP, _N, _N), lambda j, y_ref: (j, 0, 0)),
        ],
        out_specs=pl.BlockSpec((_BP, _N, _N), lambda j, y_ref: (j, 0, 0)),
        scratch_shapes=[pltpu.VMEM((_N, _N), jnp.float32)],
    )
    return pl.pallas_call(
        _tc_body, grid_spec=grid_spec,
        out_shape=jax.ShapeDtypeStruct((_N, _N, _N), jnp.float32),
    )(y32, y_col, x)


def kernel(x, y):
    y32 = y.astype(jnp.int32)
    ar = jnp.arange(_N, dtype=jnp.int32)
    idx0 = (y32[:, None] * _N + ar[None, :]).reshape(-1)
    idx1 = (ar[:, None] * _N + y32[None, :]).reshape(-1)
    x2 = x.reshape(_ROWS, _N)
    out0_2, out1_2 = _sc_gather2(x2, idx0, idx1)
    out0 = out0_2.reshape(_N, _N, _N)
    out1 = out1_2.reshape(_N, _N, _N)
    out2 = _tc_matmuls(x, y32)
    return (out0, out1, out2)

# --- scband reference (transcript-rebuilt; emitter-appended) ---
"""Pipeline reference for scband-model-4758823764367 (READ-ONLY COPY).

The authoritative reference and input builder live on the scoring server;
editing this copy changes nothing except your own understanding.
"""

import jax, jax.numpy as jnp
import numpy as np


def setup_inputs(seed: int = 0) -> dict:
    key = jax.random.key(seed)
    k1, k2 = jax.random.split(key)
    x = jax.random.normal(k1, (256, 256, 256), dtype=jnp.float32)
    y = jax.random.randint(k2, (256,), 0, 256, dtype=jnp.int64)
    return {"x": x, "y": y}


def reference(x, y):
    out0 = jnp.take(x, y, axis=0)
    out1 = jnp.take(x, y, axis=1)
    out2 = jnp.take(x, y, axis=2)
    return (out0, out1, out2)

if __name__ == "__main__":
    import jax
    _d = setup_inputs()
    print(jax.jit(kernel)(*tuple(_d.values())))

</pallas_src>

<mosaic_0001>
#map = affine_map<(d0, d1) -> (0, 0)>
#map1 = affine_map<(d0, d1) -> (0)>
module attributes {stable_mosaic.version = 14 : i64} {
  func.func @_sc_gather_body(%arg0: i32, %arg1: i32, %arg2: memref<65536x256xf32, #tpu.memory_space<hbm>>, %arg3: memref<65536xi32, #tpu.memory_space<hbm>>, %arg4: memref<65536xi32, #tpu.memory_space<hbm>>, %arg5: memref<65536x256xf32, #tpu.memory_space<hbm>>, %arg6: memref<65536x256xf32, #tpu.memory_space<hbm>>, %arg7: memref<2048xi32, #tpu.memory_space<vmem>>, %arg8: memref<2048xi32, #tpu.memory_space<vmem>>, %arg9: memref<64x256xf32, #tpu.memory_space<vmem>>, %arg10: memref<64x256xf32, #tpu.memory_space<vmem>>, %arg11: memref<64x256xf32, #tpu.memory_space<vmem>>, %arg12: memref<64x256xf32, #tpu.memory_space<vmem>>, %arg13: memref<64x256xf32, #tpu.memory_space<vmem>>, %arg14: memref<64x256xf32, #tpu.memory_space<vmem>>, %arg15: memref<!tpu.dma_semaphore, #tpu.memory_space<semaphore_mem>>, %arg16: memref<!tpu.dma_semaphore, #tpu.memory_space<semaphore_mem>>, %arg17: memref<!tpu.dma_semaphore, #tpu.memory_space<semaphore_mem>>, %arg18: memref<!tpu.dma_semaphore, #tpu.memory_space<semaphore_mem>>, %arg19: memref<!tpu.dma_semaphore, #tpu.memory_space<semaphore_mem>>, %arg20: memref<!tpu.dma_semaphore, #tpu.memory_space<semaphore_mem>>, %arg21: memref<!tpu.dma_semaphore, #tpu.memory_space<semaphore_mem>>, %arg22: memref<!tpu.dma_semaphore, #tpu.memory_space<semaphore_mem>>, %arg23: memref<!tpu.dma_semaphore, #tpu.memory_space<semaphore_mem>>, %arg24: memref<!tpu.dma_semaphore, #tpu.memory_space<semaphore_mem>>, %arg25: memref<!tpu.dma_semaphore, #tpu.memory_space<semaphore_mem>>, %arg26: memref<!tpu.dma_semaphore, #tpu.memory_space<semaphore_mem>>) attributes {dimension_semantics = [#tpu.dimension_semantics<core_parallel>, #tpu.dimension_semantics<subcore_parallel>], iteration_bounds = array<i64: 2, 16>, scalar_prefetch = 0 : i64, scratch_operands = 20 : i64, tpu.core_type = #tpu.core_type<sc_vector_subcore>, window_params = [{transform_indices = #map}, {transform_indices = #map1}, {transform_indices = #map1}, {transform_indices = #map}, {transform_indices = #map}]} {
    %mul3A = arith.constant 2 : i32
    %mul3A_0 = arith.muli %arg1, %mul3A : i32
    %add3A = arith.addi %mul3A_0, %arg0 : i32
    %mul3A_1 = arith.constant 2048 : i32
    %mul3A_2 = arith.muli %add3A, %mul3A_1 : i32
    "tpu.region"() ({
      %run_scoped3A = tpu.sem_alloc : memref<!tpu.dma_semaphore, #tpu.memory_space<semaphore_mem>>
      %dma_start3A_1281 = tpu.memref_slice %arg3[%mul3A_2] : memref<65536xi32, #tpu.memory_space<hbm>> -> memref<2048xi32, #tpu.memory_space<hbm>>
      %dma_start3A_1282 = tpu.memref_slice %arg3[%mul3A_2] : memref<65536xi32, #tpu.memory_space<hbm>> -> memref<2048xi32, #tpu.memory_space<hbm>>
      tpu.enqueue_dma source(%dma_start3A_1282 : memref<2048xi32, #tpu.memory_space<hbm>>) target(%arg7 : memref<2048xi32, #tpu.memory_space<vmem>>) target_semaphore(%run_scoped3A : memref<!tpu.dma_semaphore, #tpu.memory_space<semaphore_mem>>)
      %dma_wait3A_1283 = tpu.memref_slice %arg3[%mul3A_2] : memref<65536xi32, #tpu.memory_space<hbm>> -> memref<2048xi32, #tpu.memory_space<hbm>>
      %dma_wait3A_1284 = tpu.memref_slice %arg3[%mul3A_2] : memref<65536xi32, #tpu.memory_space<hbm>> -> memref<2048xi32, #tpu.memory_space<hbm>>
      tpu.wait_dma2 semaphore(%run_scoped3A : memref<!tpu.dma_semaphore, #tpu.memory_space<semaphore_mem>>) src(%dma_wait3A_1284 : memref<2048xi32, #tpu.memory_space<hbm>>) dst(%arg7 : memref<2048xi32, #tpu.memory_space<vmem>>)
      tpu.yield
    }) : () -> ()
    "tpu.region"() ({
      %run_scoped3A = tpu.sem_alloc : memref<!tpu.dma_semaphore, #tpu.memory_space<semaphore_mem>>
      %dma_start3A_1281 = tpu.memref_slice %arg4[%mul3A_2] : memref<65536xi32, #tpu.memory_space<hbm>> -> memref<2048xi32, #tpu.memory_space<hbm>>
      %dma_start3A_1282 = tpu.memref_slice %arg4[%mul3A_2] : memref<65536xi32, #tpu.memory_space<hbm>> -> memref<2048xi32, #tpu.memory_space<hbm>>
      tpu.enqueue_dma source(%dma_start3A_1282 : memref<2048xi32, #tpu.memory_space<hbm>>) target(%arg8 : memref<2048xi32, #tpu.memory_space<vmem>>) target_semaphore(%run_scoped3A : memref<!tpu.dma_semaphore, #tpu.memory_space<semaphore_mem>>)
      %dma_wait3A_1283 = tpu.memref_slice %arg4[%mul3A_2] : memref<65536xi32, #tpu.memory_space<hbm>> -> memref<2048xi32, #tpu.memory_space<hbm>>
      %dma_wait3A_1284 = tpu.memref_slice %arg4[%mul3A_2] : memref<65536xi32, #tpu.memory_space<hbm>> -> memref<2048xi32, #tpu.memory_space<hbm>>
      tpu.wait_dma2 semaphore(%run_scoped3A : memref<!tpu.dma_semaphore, #tpu.memory_space<semaphore_mem>>) src(%dma_wait3A_1284 : memref<2048xi32, #tpu.memory_space<hbm>>) dst(%arg8 : memref<2048xi32, #tpu.memory_space<vmem>>)
      tpu.yield
    }) : () -> ()
    %dma_start3A = arith.constant 0 : i32
    %dma_start3A_3 = tpu.memref_slice %arg7[%dma_start3A] : memref<2048xi32, #tpu.memory_space<vmem>> -> memref<64xi32, #tpu.memory_space<vmem>>
    %dma_start3A_4 = arith.constant 0 : i32
    %dma_start3A_5 = arith.constant 0 : i32
    %dma_start3A_6 = tpu.memref_slice %arg2[%dma_start3A_4, %dma_start3A_5] : memref<65536x256xf32, #tpu.memory_space<hbm>> -> memref<65536x256xf32, #tpu.memory_space<hbm>>
    tpu.enqueue_indirect_dma source(%dma_start3A_6 : memref<65536x256xf32, #tpu.memory_space<hbm>>) target(%arg9 : memref<64x256xf32, #tpu.memory_space<vmem>>) offsets(%dma_start3A_3 : memref<64xi32, #tpu.memory_space<vmem>>) semaphore(%arg15 : memref<!tpu.dma_semaphore, #tpu.memory_space<semaphore_mem>>)
    %dma_start3A_7 = arith.constant 64 : i32
    %dma_start3A_8 = tpu.memref_slice %arg7[%dma_start3A_7] : memref<2048xi32, #tpu.memory_space<vmem>> -> memref<64xi32, #tpu.memory_space<vmem>>
    %dma_start3A_9 = arith.constant 0 : i32
    %dma_start3A_10 = arith.constant 0 : i32
    %dma_start3A_11 = tpu.memref_slice %arg2[%dma_start3A_9, %dma_start3A_10] : memref<65536x256xf32, #tpu.memory_space<hbm>> -> memref<65536x256xf32, #tpu.memory_space<hbm>>
    tpu.enqueue_indirect_dma source(%dma_start3A_11 : memref<65536x256xf32, #tpu.memory_space<hbm>>) target(%arg10 : memref<64x256xf32, #tpu.memory_space<vmem>>) offsets(%dma_start3A_8 : memref<64xi32, #tpu.memory_space<vmem>>) semaphore(%arg16 : memref<!tpu.dma_semaphore, #tpu.memory_space<semaphore_mem>>)
    %dma_start3A_12 = arith.constant 128 : i32
    %dma_start3A_13 = tpu.memref_slice %arg7[%dma_start3A_12] : memref<2048xi32, #tpu.memory_space<vmem>> -> memref<64xi32, #tpu.memory_space<vmem>>
    %dma_start3A_14 = arith.constant 0 : i32
    %dma_start3A_15 = arith.constant 0 : i32
    %dma_start3A_16 = tpu.memref_slice %arg2[%dma_start3A_14, %dma_start3A_15] : memref<65536x256xf32, #tpu.memory_space<hbm>> -> memref<65536x256xf32, #tpu.memory_space<hbm>>
    tpu.enqueue_indirect_dma source(%dma_start3A_16 : memref<65536x256xf32, #tpu.memory_space<hbm>>) target(%arg11 : memref<64x256xf32, #tpu.memory_space<vmem>>) offsets(%dma_start3A_13 : memref<64xi32, #tpu.memory_space<vmem>>) semaphore(%arg17 : memref<!tpu.dma_semaphore, #tpu.memory_space<semaphore_mem>>)
    %dma_start3A_17 = arith.constant 192 : i32
    %dma_start3A_18 = tpu.memref_slice %arg7[%dma_start3A_17] : memref<2048xi32, #tpu.memory_space<vmem>> -> memref<64xi32, #tpu.memory_space<vmem>>
    %dma_start3A_19 = arith.constant 0 : i32
    %dma_start3A_20 = arith.constant 0 : i32
    %dma_start3A_21 = tpu.memref_slice %arg2[%dma_start3A_19, %dma_start3A_20] : memref<65536x256xf32, #tpu.memory_space<hbm>> -> memref<65536x256xf32, #tpu.memory_space<hbm>>
    tpu.enqueue_indirect_dma source(%dma_start3A_21 : memref<65536x256xf32, #tpu.memory_space<hbm>>) target(%arg12 : memref<64x256xf32, #tpu.memory_space<vmem>>) offsets(%dma_start3A_18 : memref<64xi32, #tpu.memory_space<vmem>>) semaphore(%arg18 : memref<!tpu.dma_semaphore, #tpu.memory_space<semaphore_mem>>)
    %dma_start3A_22 = arith.constant 256 : i32
    %dma_start3A_23 = tpu.memref_slice %arg7[%dma_start3A_22] : memref<2048xi32, #tpu.memory_space<vmem>> -> memref<64xi32, #tpu.memory_space<vmem>>
    %dma_start3A_24 = arith.constant 0 : i32
    %dma_start3A_25 = arith.constant 0 : i32
    %dma_start3A_26 = tpu.memref_slice %arg2[%dma_start3A_24, %dma_start3A_25] : memref<65536x256xf32, #tpu.memory_space<hbm>> -> memref<65536x256xf32, #tpu.memory_space<hbm>>
    tpu.enqueue_indirect_dma source(%dma_start3A_26 : memref<65536x256xf32, #tpu.memory_space<hbm>>) target(%arg13 : memref<64x256xf32, #tpu.memory_space<vmem>>) offsets(%dma_start3A_23 : memref<64xi32, #tpu.memory_space<vmem>>) semaphore(%arg19 : memref<!tpu.dma_semaphore, #tpu.memory_space<semaphore_mem>>)
    %dma_start3A_27 = arith.constant 320 : i32
    %dma_start3A_28 = tpu.memref_slice %arg7[%dma_start3A_27] : memref<2048xi32, #tpu.memory_space<vmem>> -> memref<64xi32, #tpu.memory_space<vmem>>
    %dma_start3A_29 = arith.constant 0 : i32
    %dma_start3A_30 = arith.constant 0 : i32
    %dma_start3A_31 = tpu.memref_slice %arg2[%dma_start3A_29, %dma_start3A_30] : memref<65536x256xf32, #tpu.memory_space<hbm>> -> memref<65536x256xf32, #tpu.memory_space<hbm>>
    tpu.enqueue_indirect_dma source(%dma_start3A_31 : memref<65536x256xf32, #tpu.memory_space<hbm>>) target(%arg14 : memref<64x256xf32, #tpu.memory_space<vmem>>) offsets(%dma_start3A_28 : memref<64xi32, #tpu.memory_space<vmem>>) semaphore(%arg20 : memref<!tpu.dma_semaphore, #tpu.memory_space<semaphore_mem>>)
    %dma_wait3A = arith.constant 0 : i32
    %dma_wait3A_32 = tpu.memref_slice %arg7[%dma_wait3A] : memref<2048xi32, #tpu.memory_space<vmem>> -> memref<64xi32, #tpu.memory_space<vmem>>
    %dma_wait3A_33 = arith.constant 0 : i32
    %dma_wait3A_34 = arith.constant 0 : i32
    %dma_wait3A_35 = tpu.memref_slice %arg2[%dma_wait3A_33, %dma_wait3A_34] : memref<65536x256xf32, #tpu.memory_space<hbm>> -> memref<65536x256xf32, #tpu.memory_space<hbm>>
    tpu.wait_indirect_dma semaphore(%arg15 : memref<!tpu.dma_semaphore, #tpu.memory_space<semaphore_mem>>) src(%dma_wait3A_35 : memref<65536x256xf32, #tpu.memory_space<hbm>>) dst(%arg9 : memref<64x256xf32, #tpu.memory_space<vmem>>)
    %add3A_36 = arith.constant 0 : i32
    %add3A_37 = arith.addi %mul3A_2, %add3A_36 : i32
    %dma_start3A_38 = arith.constant 0 : i32
    %dma_start3A_39 = tpu.memref_slice %arg5[%add3A_37, %dma_start3A_38] : memref<65536x256xf32, #tpu.memory_space<hbm>> -> memref<64x256xf32, #tpu.memory_space<hbm>>
    %dma_start3A_40 = arith.constant 0 : i32
    %dma_start3A_41 = tpu.memref_slice %arg5[%add3A_37, %dma_start3A_40] : memref<65536x256xf32, #tpu.memory_space<hbm>> -> memref<64x256xf32, #tpu.memory_space<hbm>>
    tpu.enqueue_dma source(%arg9 : memref<64x256xf32, #tpu.memory_space<vmem>>) target(%dma_start3A_41 : memref<64x256xf32, #tpu.memory_space<hbm>>) target_semaphore(%arg21 : memref<!tpu.dma_semaphore, #tpu.memory_space<semaphore_mem>>)
    %dma_wait3A_42 = arith.constant 0 : i32
    %dma_wait3A_43 = tpu.memref_slice %arg5[%add3A_37, %dma_wait3A_42] : memref<65536x256xf32, #tpu.memory_space<hbm>> -> memref<64x256xf32, #tpu.memory_space<hbm>>
    %dma_wait3A_44 = arith.constant 0 : i32
    %dma_wait3A_45 = tpu.memref_slice %arg5[%add3A_37, %dma_wait3A_44] : memref<65536x256xf32, #tpu.memory_space<hbm>> -> memref<64x256xf32, #tpu.memory_space<hbm>>
    tpu.wait_dma2 semaphore(%arg21 : memref<!tpu.dma_semaphore, #tpu.memory_space<semaphore_mem>>) src(%arg9 : memref<64x256xf32, #tpu.memory_space<vmem>>) dst(%dma_wait3A_45 : memref<64x256xf32, #tpu.memory_space<hbm>>)
    %dma_start3A_46 = arith.constant 384 : i32
    %dma_start3A_47 = tpu.memref_slice %arg7[%dma_start3A_46] : memref<2048xi32, #tpu.memory_space<vmem>> -> memref<64xi32, #tpu.memory_space<vmem>>
    %dma_start3A_48 = arith.constant 0 : i32
    %dma_start3A_49 = arith.constant 0 : i32
    %dma_start3A_50 = tpu.memref_slice %arg2[%dma_start3A_48, %dma_start3A_49] : memref<65536x256xf32, #tpu.memory_space<hbm>> -> memref<65536x256xf32, #tpu.memory_space<hbm>>
    tpu.enqueue_indirect_dma source(%dma_start3A_50 : memref<65536x256xf32, #tpu.memory_space<hbm>>) target(%arg9 : memref<64x256xf32, #tpu.memory_space<vmem>>) offsets(%dma_start3A_47 : memref<64xi32, #tpu.memory_space<vmem>>) semaphore(%arg15 : memref<!tpu.dma_semaphore, #tpu.memory_space<semaphore_mem>>)
    %dma_wait3A_51 = arith.constant 64 : i32
    %dma_wait3A_52 = tpu.memref_slice %arg7[%dma_wait3A_51] : memref<2048xi32, #tpu.memory_space<vmem>> -> memref<64xi32, #tpu.memory_space<vmem>>
    %dma_wait3A_53 = arith.constant 0 : i32
    %dma_wait3A_54 = arith.constant 0 : i32
    %dma_wait3A_55 = tpu.memref_slice %arg2[%dma_wait3A_53, %dma_wait3A_54] : memref<65536x256xf32, #tpu.memory_space<hbm>> -> memref<65536x256xf32, #tpu.memory_space<hbm>>
    tpu.wait_indirect_dma semaphore(%arg16 : memref<!tpu.dma_semaphore, #tpu.memory_space<semaphore_mem>>) src(%dma_wait3A_55 : memref<65536x256xf32, #tpu.memory_space<hbm>>) dst(%arg10 : memref<64x256xf32, #tpu.memory_space<vmem>>)
    %add3A_56 = arith.constant 64 : i32
    %add3A_57 = arith.addi %mul3A_2, %add3A_56 : i32
    %dma_start3A_58 = arith.constant 0 : i32
    %dma_start3A_59 = tpu.memref_slice %arg5[%add3A_57, %dma_start3A_58] : memref<65536x256xf32, #tpu.memory_space<hbm>> -> memref<64x256xf32, #tpu.memory_space<hbm>>
    %dma_start3A_60 = arith.constant 0 : i32
    %dma_start3A_61 = tpu.memref_slice %arg5[%add3A_57, %dma_start3A_60] : memref<65536x256xf32, #tpu.memory_space<hbm>> -> memref<64x256xf32, #tpu.memory_space<hbm>>
    tpu.enqueue_dma source(%arg10 : memref<64x256xf32, #tpu.memory_space<vmem>>) target(%dma_start3A_61 : memref<64x256xf32, #tpu.memory_space<hbm>>) target_semaphore(%arg22 : memref<!tpu.dma_semaphore, #tpu.memory_space<semaphore_mem>>)
    %dma_wait3A_62 = arith.constant 0 : i32
    %dma_wait3A_63 = tpu.memref_slice %arg5[%add3A_57, %dma_wait3A_62] : memref<65536x256xf32, #tpu.memory_space<hbm>> -> memref<64x256xf32, #tpu.memory_space<hbm>>
    %dma_wait3A_64 = arith.constant 0 : i32
    %dma_wait3A_65 = tpu.memref_slice %arg5[%add3A_57, %dma_wait3A_64] : memref<65536x256xf32, #tpu.memory_space<hbm>> -> memref<64x256xf32, #tpu.memory_space<hbm>>
    tpu.wait_dma2 semaphore(%arg22 : memref<!tpu.dma_semaphore, #tpu.memory_space<semaphore_mem>>) src(%arg10 : memref<64x256xf32, #tpu.memory_space<vmem>>) dst(%dma_wait3A_65 : memref<64x256xf32, #tpu.memory_space<hbm>>)
    %dma_start3A_66 = arith.constant 448 : i32
    %dma_start3A_67 = tpu.memref_slice %arg7[%dma_start3A_66] : memref<2048xi32, #tpu.memory_space<vmem>> -> memref<64xi32, #tpu.memory_space<vmem>>
    %dma_start3A_68 = arith.constant 0 : i32
    %dma_start3A_69 = arith.constant 0 : i32
    %dma_start3A_70 = tpu.memref_slice %arg2[%dma_start3A_68, %dma_start3A_69] : memref<65536x256xf32, #tpu.memory_space<hbm>> -> memref<65536x256xf32, #tpu.memory_space<hbm>>
    tpu.enqueue_indirect_dma source(%dma_start3A_70 : memref<65536x256xf32, #tpu.memory_space<hbm>>) target(%arg10 : memref<64x256xf32, #tpu.memory_space<vmem>>) offsets(%dma_start3A_67 : memref<64xi32, #tpu.memory_space<vmem>>) semaphore(%arg16 : memref<!tpu.dma_semaphore, #tpu.memory_space<semaphore_mem>>)
    %dma_wait3A_71 = arith.constant 128 : i32
    %dma_wait3A_72 = tpu.memref_slice %arg7[%dma_wait3A_71] : memref<2048xi32, #tpu.memory_space<vmem>> -> memref<64xi32, #tpu.memory_space<vmem>>
    %dma_wait3A_73 = arith.constant 0 : i32
    %dma_wait3A_74 = arith.constant 0 : i32
    %dma_wait3A_75 = tpu.memref_slice %arg2[%dma_wait3A_73, %dma_wait3A_74] : memref<65536x256xf32, #tpu.memory_space<hbm>> -> memref<65536x256xf32, #tpu.memory_space<hbm>>
    tpu.wait_indirect_dma semaphore(%arg17 : memref<!tpu.dma_semaphore, #tpu.memory_space<semaphore_mem>>) src(%dma_wait3A_75 : memref<65536x256xf32, #tpu.memory_space<hbm>>) dst(%arg11 : memref<64x256xf32, #tpu.memory_space<vmem>>)
    %add3A_76 = arith.constant 128 : i32
    %add3A_77 = arith.addi %mul3A_2, %add3A_76 : i32
    %dma_start3A_78 = arith.constant 0 : i32
    %dma_start3A_79 = tpu.memref_slice %arg5[%add3A_77, %dma_start3A_78] : memref<65536x256xf32, #tpu.memory_space<hbm>> -> memref<64x256xf32, #tpu.memory_space<hbm>>
    %dma_start3A_80 = arith.constant 0 : i32
    %dma_start3A_81 = tpu.memref_slice %arg5[%add3A_77, %dma_start3A_80] : memref<65536x256xf32, #tpu.memory_space<hbm>> -> memref<64x256xf32, #tpu.memory_space<hbm>>
    tpu.enqueue_dma source(%arg11 : memref<64x256xf32, #tpu.memory_space<vmem>>) target(%dma_start3A_81 : memref<64x256xf32, #tpu.memory_space<hbm>>) target_semaphore(%arg23 : memref<!tpu.dma_semaphore, #tpu.memory_space<semaphore_mem>>)
    %dma_wait3A_82 = arith.constant 0 : i32
    %dma_wait3A_83 = tpu.memref_slice %arg5[%add3A_77, %dma_wait3A_82] : memref<65536x256xf32, #tpu.memory_space<hbm>> -> memref<64x256xf32, #tpu.memory_space<hbm>>
    %dma_wait3A_84 = arith.constant 0 : i32
    %dma_wait3A_85 = tpu.memref_slice %arg5[%add3A_77, %dma_wait3A_84] : memref<65536x256xf32, #tpu.memory_space<hbm>> -> memref<64x256xf32, #tpu.memory_space<hbm>>
    tpu.wait_dma2 semaphore(%arg23 : memref<!tpu.dma_semaphore, #tpu.memory_space<semaphore_mem>>) src(%arg11 : memref<64x256xf32, #tpu.memory_space<vmem>>) dst(%dma_wait3A_85 : memref<64x256xf32, #tpu.memory_space<hbm>>)
    %dma_start3A_86 = arith.constant 512 : i32
    %dma_start3A_87 = tpu.memref_slice %arg7[%dma_start3A_86] : memref<2048xi32, #tpu.memory_space<vmem>> -> memref<64xi32, #tpu.memory_space<vmem>>
    %dma_start3A_88 = arith.constant 0 : i32
    %dma_start3A_89 = arith.constant 0 : i32
    %dma_start3A_90 = tpu.memref_slice %arg2[%dma_start3A_88, %dma_start3A_89] : memref<65536x256xf32, #tpu.memory_space<hbm>> -> memref<65536x256xf32, #tpu.memory_space<hbm>>
    tpu.enqueue_indirect_dma source(%dma_start3A_90 : memref<65536x256xf32, #tpu.memory_space<hbm>>) target(%arg11 : memref<64x256xf32, #tpu.memory_space<vmem>>) offsets(%dma_start3A_87 : memref<64xi32, #tpu.memory_space<vmem>>) semaphore(%arg17 : memref<!tpu.dma_semaphore, #tpu.memory_space<semaphore_mem>>)
    %dma_wait3A_91 = arith.constant 192 : i32
    %dma_wait3A_92 = tpu.memref_slice %arg7[%dma_wait3A_91] : memref<2048xi32, #tpu.memory_space<vmem>> -> memref<64xi32, #tpu.memory_space<vmem>>
    %dma_wait3A_93 = arith.constant 0 : i32
    %dma_wait3A_94 = arith.constant 0 : i32
    %dma_wait3A_95 = tpu.memref_slice %arg2[%dma_wait3A_93, %dma_wait3A_94] : memref<65536x256xf32, #tpu.memory_space<hbm>> -> memref<65536x256xf32, #tpu.memory_space<hbm>>
    tpu.wait_indirect_dma semaphore(%arg18 : memref<!tpu.dma_semaphore, #tpu.memory_space<semaphore_mem>>) src(%dma_wait3A_95 : memref<65536x256xf32, #tpu.memory_space<hbm>>) dst(%arg12 : memref<64x256xf32, #tpu.memory_space<vmem>>)
    %add3A_96 = arith.constant 192 : i32
    %add3A_97 = arith.addi %mul3A_2, %add3A_96 : i32
    %dma_start3A_98 = arith.constant 0 : i32
    %dma_start3A_99 = tpu.memref_slice %arg5[%add3A_97, %dma_start3A_98] : memref<65536x256xf32, #tpu.memory_space<hbm>> -> memref<64x256xf32, #tpu.memory_space<hbm>>
    %dma_start3A_100 = arith.constant 0 : i32
    %dma_start3A_101 = tpu.memref_slice %arg5[%add3A_97, %dma_start3A_100] : memref<65536x256xf32, #tpu.memory_space<hbm>> -> memref<64x256xf32, #tpu.memory_space<hbm>>
    tpu.enqueue_dma source(%arg12 : memref<64x256xf32, #tpu.memory_space<vmem>>) target(%dma_start3A_101 : memref<64x256xf32, #tpu.memory_space<hbm>>) target_semaphore(%arg24 : memref<!tpu.dma_semaphore, #tpu.memory_space<semaphore_mem>>)
    %dma_wait3A_102 = arith.constant 0 : i32
    %dma_wait3A_103 = tpu.memref_slice %arg5[%add3A_97, %dma_wait3A_102] : memref<65536x256xf32, #tpu.memory_space<hbm>> -> memref<64x256xf32, #tpu.memory_space<hbm>>
    %dma_wait3A_104 = arith.constant 0 : i32
    %dma_wait3A_105 = tpu.memref_slice %arg5[%add3A_97, %dma_wait3A_104] : memref<65536x256xf32, #tpu.memory_space<hbm>> -> memref<64x256xf32, #tpu.memory_space<hbm>>
    tpu.wait_dma2 semaphore(%arg24 : memref<!tpu.dma_semaphore, #tpu.memory_space<semaphore_mem>>) src(%arg12 : memref<64x256xf32, #tpu.memory_space<vmem>>) dst(%dma_wait3A_105 : memref<64x256xf32, #tpu.memory_space<hbm>>)
    %dma_start3A_106 = arith.constant 576 : i32
    %dma_start3A_107 = tpu.memref_slice %arg7[%dma_start3A_106] : memref<2048xi32, #tpu.memory_space<vmem>> -> memref<64xi32, #tpu.memory_space<vmem>>
    %dma_start3A_108 = arith.constant 0 : i32
    %dma_start3A_109 = arith.constant 0 : i32
    %dma_start3A_110 = tpu.memref_slice %arg2[%dma_start3A_108, %dma_start3A_109] : memref<65536x256xf32, #tpu.memory_space<hbm>> -> memref<65536x256xf32, #tpu.memory_space<hbm>>
    tpu.enqueue_indirect_dma source(%dma_start3A_110 : memref<65536x256xf32, #tpu.memory_space<hbm>>) target(%arg12 : memref<64x256xf32, #tpu.memory_space<vmem>>) offsets(%dma_start3A_107 : memref<64xi32, #tpu.memory_space<vmem>>) semaphore(%arg18 : memref<!tpu.dma_semaphore, #tpu.memory_space<semaphore_mem>>)
    %dma_wait3A_111 = arith.constant 256 : i32
    %dma_wait3A_112 = tpu.memref_slice %arg7[%dma_wait3A_111] : memref<2048xi32, #tpu.memory_space<vmem>> -> memref<64xi32, #tpu.memory_space<vmem>>
    %dma_wait3A_113 = arith.constant 0 : i32
    %dma_wait3A_114 = arith.constant 0 : i32
    %dma_wait3A_115 = tpu.memref_slice %arg2[%dma_wait3A_113, %dma_wait3A_114] : memref<65536x256xf32, #tpu.memory_space<hbm>> -> memref<65536x256xf32, #tpu.memory_space<hbm>>
    tpu.wait_indirect_dma semaphore(%arg19 : memref<!tpu.dma_semaphore, #tpu.memory_space<semaphore_mem>>) src(%dma_wait3A_115 : memref<65536x256xf32, #tpu.memory_space<hbm>>) dst(%arg13 : memref<64x256xf32, #tpu.memory_space<vmem>>)
    %add3A_116 = arith.constant 256 : i32
    %add3A_117 = arith.addi %mul3A_2, %add3A_116 : i32
    %dma_start3A_118 = arith.constant 0 : i32
    %dma_start3A_119 = tpu.memref_slice %arg5[%add3A_117, %dma_start3A_118] : memref<65536x256xf32, #tpu.memory_space<hbm>> -> memref<64x256xf32, #tpu.memory_space<hbm>>
    %dma_start3A_120 = arith.constant 0 : i32
    %dma_start3A_121 = tpu.memref_slice %arg5[%add3A_117, %dma_start3A_120] : memref<65536x256xf32, #tpu.memory_space<hbm>> -> memref<64x256xf32, #tpu.memory_space<hbm>>
    tpu.enqueue_dma source(%arg13 : memref<64x256xf32, #tpu.memory_space<vmem>>) target(%dma_start3A_121 : memref<64x256xf32, #tpu.memory_space<hbm>>) target_semaphore(%arg25 : memref<!tpu.dma_semaphore, #tpu.memory_space<semaphore_mem>>)
    %dma_wait3A_122 = arith.constant 0 : i32
    %dma_wait3A_123 = tpu.memref_slice %arg5[%add3A_117, %dma_wait3A_122] : memref<65536x256xf32, #tpu.memory_space<hbm>> -> memref<64x256xf32, #tpu.memory_space<hbm>>
    %dma_wait3A_124 = arith.constant 0 : i32
    %dma_wait3A_125 = tpu.memref_slice %arg5[%add3A_117, %dma_wait3A_124] : memref<65536x256xf32, #tpu.memory_space<hbm>> -> memref<64x256xf32, #tpu.memory_space<hbm>>
    tpu.wait_dma2 semaphore(%arg25 : memref<!tpu.dma_semaphore, #tpu.memory_space<semaphore_mem>>) src(%arg13 : memref<64x256xf32, #tpu.memory_space<vmem>>) dst(%dma_wait3A_125 : memref<64x256xf32, #tpu.memory_space<hbm>>)
    %dma_start3A_126 = arith.constant 640 : i32
    %dma_start3A_127 = tpu.memref_slice %arg7[%dma_start3A_126] : memref<2048xi32, #tpu.memory_space<vmem>> -> memref<64xi32, #tpu.memory_space<vmem>>
    %dma_start3A_128 = arith.constant 0 : i32
    %dma_start3A_129 = arith.constant 0 : i32
    %dma_start3A_130 = tpu.memref_slice %arg2[%dma_start3A_128, %dma_start3A_129] : memref<65536x256xf32, #tpu.memory_space<hbm>> -> memref<65536x256xf32, #tpu.memory_space<hbm>>
    tpu.enqueue_indirect_dma source(%dma_start3A_130 : memref<65536x256xf32, #tpu.memory_space<hbm>>) target(%arg13 : memref<64x256xf32, #tpu.memory_space<vmem>>) offsets(%dma_start3A_127 : memref<64xi32, #tpu.memory_space<vmem>>) semaphore(%arg19 : memref<!tpu.dma_semaphore, #tpu.memory_space<semaphore_mem>>)
    %dma_wait3A_131 = arith.constant 320 : i32
    %dma_wait3A_132 = tpu.memref_slice %arg7[%dma_wait3A_131] : memref<2048xi32, #tpu.memory_space<vmem>> -> memref<64xi32, #tpu.memory_space<vmem>>
    %dma_wait3A_133 = arith.constant 0 : i32
    %dma_wait3A_134 = arith.constant 0 : i32
    %dma_wait3A_135 = tpu.memref_slice %arg2[%dma_wait3A_133, %dma_wait3A_134] : memref<65536x256xf32, #tpu.memory_space<hbm>> -> memref<65536x256xf32, #tpu.memory_space<hbm>>
    tpu.wait_indirect_dma semaphore(%arg20 : memref<!tpu.dma_semaphore, #tpu.memory_space<semaphore_mem>>) src(%dma_wait3A_135 : memref<65536x256xf32, #tpu.memory_space<hbm>>) dst(%arg14 : memref<64x256xf32, #tpu.memory_space<vmem>>)
    %add3A_136 = arith.constant 320 : i32
    %add3A_137 = arith.addi %mul3A_2, %add3A_136 : i32
    %dma_start3A_138 = arith.constant 0 : i32
    %dma_start3A_139 = tpu.memref_slice %arg5[%add3A_137, %dma_start3A_138] : memref<65536x256xf32, #tpu.memory_space<hbm>> -> memref<64x256xf32, #tpu.memory_space<hbm>>
    %dma_start3A_140 = arith.constant 0 : i32
    %dma_start3A_141 = tpu.memref_slice %arg5[%add3A_137, %dma_start3A_140] : memref<65536x256xf32, #tpu.memory_space<hbm>> -> memref<64x256xf32, #tpu.memory_space<hbm>>
    tpu.enqueue_dma source(%arg14 : memref<64x256xf32, #tpu.memory_space<vmem>>) target(%dma_start3A_141 : memref<64x256xf32, #tpu.memory_space<hbm>>) target_semaphore(%arg26 : memref<!tpu.dma_semaphore, #tpu.memory_space<semaphore_mem>>)
    %dma_wait3A_142 = arith.constant 0 : i32
    %dma_wait3A_143 = tpu.memref_slice %arg5[%add3A_137, %dma_wait3A_142] : memref<65536x256xf32, #tpu.memory_space<hbm>> -> memref<64x256xf32, #tpu.memory_space<hbm>>
    %dma_wait3A_144 = arith.constant 0 : i32
    %dma_wait3A_145 = tpu.memref_slice %arg5[%add3A_137, %dma_wait3A_144] : memref<65536x256xf32, #tpu.memory_space<hbm>> -> memref<64x256xf32, #tpu.memory_space<hbm>>
    tpu.wait_dma2 semaphore(%arg26 : memref<!tpu.dma_semaphore, #tpu.memory_space<semaphore_mem>>) src(%arg14 : memref<64x256xf32, #tpu.memory_space<vmem>>) dst(%dma_wait3A_145 : memref<64x256xf32, #tpu.memory_space<hbm>>)
    %dma_start3A_146 = arith.constant 704 : i32
    %dma_start3A_147 = tpu.memref_slice %arg7[%dma_start3A_146] : memref<2048xi32, #tpu.memory_space<vmem>> -> memref<64xi32, #tpu.memory_space<vmem>>
    %dma_start3A_148 = arith.constant 0 : i32
    %dma_start3A_149 = arith.constant 0 : i32
    %dma_start3A_150 = tpu.memref_slice %arg2[%dma_start3A_148, %dma_start3A_149] : memref<65536x256xf32, #tpu.memory_space<hbm>> -> memref<65536x256xf32, #tpu.memory_space<hbm>>
    tpu.enqueue_indirect_dma source(%dma_start3A_150 : memref<65536x256xf32, #tpu.memory_space<hbm>>) target(%arg14 : memref<64x256xf32, #tpu.memory_space<vmem>>) offsets(%dma_start3A_147 : memref<64xi32, #tpu.memory_space<vmem>>) semaphore(%arg20 : memref<!tpu.dma_semaphore, #tpu.memory_space<semaphore_mem>>)
    %dma_wait3A_151 = arith.constant 384 : i32
    %dma_wait3A_152 = tpu.memref_slice %arg7[%dma_wait3A_151] : memref<2048xi32, #tpu.memory_space<vmem>> -> memref<64xi32, #tpu.memory_space<vmem>>
    %dma_wait3A_153 = arith.constant 0 : i32
    %dma_wait3A_154 = arith.constant 0 : i32
    %dma_wait3A_155 = tpu.memref_slice %arg2[%dma_wait3A_153, %dma_wait3A_154] : memref<65536x256xf32, #tpu.memory_space<hbm>> -> memref<65536x256xf32, #tpu.memory_space<hbm>>
    tpu.wait_indirect_dma semaphore(%arg15 : memref<!tpu.dma_semaphore, #tpu.memory_space<semaphore_mem>>) src(%dma_wait3A_155 : memref<65536x256xf32, #tpu.memory_space<hbm>>) dst(%arg9 : memref<64x256xf32, #tpu.memory_space<vmem>>)
    %add3A_156 = arith.constant 384 : i32
    %add3A_157 = arith.addi %mul3A_2, %add3A_156 : i32
    %dma_start3A_158 = arith.constant 0 : i32
    %dma_start3A_159 = tpu.memref_slice %arg5[%add3A_157, %dma_start3A_158] : memref<65536x256xf32, #tpu.memory_space<hbm>> -> memref<64x256xf32, #tpu.memory_space<hbm>>
    %dma_start3A_160 = arith.constant 0 : i32
    %dma_start3A_161 = tpu.memref_slice %arg5[%add3A_157, %dma_start3A_160] : memref<65536x256xf32, #tpu.memory_space<hbm>> -> memref<64x256xf32, #tpu.memory_space<hbm>>
    tpu.enqueue_dma source(%arg9 : memref<64x256xf32, #tpu.memory_space<vmem>>) target(%dma_start3A_161 : memref<64x256xf32, #tpu.memory_space<hbm>>) target_semaphore(%arg21 : memref<!tpu.dma_semaphore, #tpu.memory_space<semaphore_mem>>)
    %dma_wait3A_162 = arith.constant 0 : i32
    %dma_wait3A_163 = tpu.memref_slice %arg5[%add3A_157, %dma_wait3A_162] : memref<65536x256xf32, #tpu.memory_space<hbm>> -> memref<64x256xf32, #tpu.memory_space<hbm>>
    %dma_wait3A_164 = arith.constant 0 : i32
    %dma_wait3A_165 = tpu.memref_slice %arg5[%add3A_157, %dma_wait3A_164] : memref<65536x256xf32, #tpu.memory_space<hbm>> -> memref<64x256xf32, #tpu.memory_space<hbm>>
    tpu.wait_dma2 semaphore(%arg21 : memref<!tpu.dma_semaphore, #tpu.memory_space<semaphore_mem>>) src(%arg9 : memref<64x256xf32, #tpu.memory_space<vmem>>) dst(%dma_wait3A_165 : memref<64x256xf32, #tpu.memory_space<hbm>>)
    %dma_start3A_166 = arith.constant 768 : i32
    %dma_start3A_167 = tpu.memref_slice %arg7[%dma_start3A_166] : memref<2048xi32, #tpu.memory_space<vmem>> -> memref<64xi32, #tpu.memory_space<vmem>>
    %dma_start3A_168 = arith.constant 0 : i32
    %dma_start3A_169 = arith.constant 0 : i32
    %dma_start3A_170 = tpu.memref_slice %arg2[%dma_start3A_168, %dma_start3A_169] : memref<65536x256xf32, #tpu.memory_space<hbm>> -> memref<65536x256xf32, #tpu.memory_space<hbm>>
    tpu.enqueue_indirect_dma source(%dma_start3A_170 : memref<65536x256xf32, #tpu.memory_space<hbm>>) target(%arg9 : memref<64x256xf32, #tpu.memory_space<vmem>>) offsets(%dma_start3A_167 : memref<64xi32, #tpu.memory_space<vmem>>) semaphore(%arg15 : memref<!tpu.dma_semaphore, #tpu.memory_space<semaphore_mem>>)
    %dma_wait3A_171 = arith.constant 448 : i32
    %dma_wait3A_172 = tpu.memref_slice %arg7[%dma_wait3A_171] : memref<2048xi32, #tpu.memory_space<vmem>> -> memref<64xi32, #tpu.memory_space<vmem>>
    %dma_wait3A_173 = arith.constant 0 : i32
    %dma_wait3A_174 = arith.constant 0 : i32
    %dma_wait3A_175 = tpu.memref_slice %arg2[%dma_wait3A_173, %dma_wait3A_174] : memref<65536x256xf32, #tpu.memory_space<hbm>> -> memref<65536x256xf32, #tpu.memory_space<hbm>>
    tpu.wait_indirect_dma semaphore(%arg16 : memref<!tpu.dma_semaphore, #tpu.memory_space<semaphore_mem>>) src(%dma_wait3A_175 : memref<65536x256xf32, #tpu.memory_space<hbm>>) dst(%arg10 : memref<64x256xf32, #tpu.memory_space<vmem>>)
    %add3A_176 = arith.constant 448 : i32
    %add3A_177 = arith.addi %mul3A_2, %add3A_176 : i32
    %dma_start3A_178 = arith.constant 0 : i32
    %dma_start3A_179 = tpu.memref_slice %arg5[%add3A_177, %dma_start3A_178] : memref<65536x256xf32, #tpu.memory_space<hbm>> -> memref<64x256xf32, #tpu.memory_space<hbm>>
    %dma_start3A_180 = arith.constant 0 : i32
    %dma_start3A_181 = tpu.memref_slice %arg5[%add3A_177, %dma_start3A_180] : memref<65536x256xf32, #tpu.memory_space<hbm>> -> memref<64x256xf32, #tpu.memory_space<hbm>>
    tpu.enqueue_dma source(%arg10 : memref<64x256xf32, #tpu.memory_space<vmem>>) target(%dma_start3A_181 : memref<64x256xf32, #tpu.memory_space<hbm>>) target_semaphore(%arg22 : memref<!tpu.dma_semaphore, #tpu.memory_space<semaphore_mem>>)
    %dma_wait3A_182 = arith.constant 0 : i32
    %dma_wait3A_183 = tpu.memref_slice %arg5[%add3A_177, %dma_wait3A_182] : memref<65536x256xf32, #tpu.memory_space<hbm>> -> memref<64x256xf32, #tpu.memory_space<hbm>>
    %dma_wait3A_184 = arith.constant 0 : i32
    %dma_wait3A_185 = tpu.memref_slice %arg5[%add3A_177, %dma_wait3A_184] : memref<65536x256xf32, #tpu.memory_space<hbm>> -> memref<64x256xf32, #tpu.memory_space<hbm>>
    tpu.wait_dma2 semaphore(%arg22 : memref<!tpu.dma_semaphore, #tpu.memory_space<semaphore_mem>>) src(%arg10 : memref<64x256xf32, #tpu.memory_space<vmem>>) dst(%dma_wait3A_185 : memref<64x256xf32, #tpu.memory_space<hbm>>)
    %dma_start3A_186 = arith.constant 832 : i32
    %dma_start3A_187 = tpu.memref_slice %arg7[%dma_start3A_186] : memref<2048xi32, #tpu.memory_space<vmem>> -> memref<64xi32, #tpu.memory_space<vmem>>
    %dma_start3A_188 = arith.constant 0 : i32
    %dma_start3A_189 = arith.constant 0 : i32
    %dma_start3A_190 = tpu.memref_slice %arg2[%dma_start3A_188, %dma_start3A_189] : memref<65536x256xf32, #tpu.memory_space<hbm>> -> memref<65536x256xf32, #tpu.memory_space<hbm>>
    tpu.enqueue_indirect_dma source(%dma_start3A_190 : memref<65536x256xf32, #tpu.memory_space<hbm>>) target(%arg10 : memref<64x256xf32, #tpu.memory_space<vmem>>) offsets(%dma_start3A_187 : memref<64xi32, #tpu.memory_space<vmem>>) semaphore(%arg16 : memref<!tpu.dma_semaphore, #tpu.memory_space<semaphore_mem>>)
    %dma_wait3A_191 = arith.constant 512 : i32
    %dma_wait3A_192 = tpu.memref_slice %arg7[%dma_wait3A_191] : memref<2048xi32, #tpu.memory_space<vmem>> -> memref<64xi32, #tpu.memory_space<vmem>>
    %dma_wait3A_193 = arith.constant 0 : i32
    %dma_wait3A_194 = arith.constant 0 : i32
    %dma_wait3A_195 = tpu.memref_slice %arg2[%dma_wait3A_193, %dma_wait3A_194] : memref<65536x256xf32, #tpu.memory_space<hbm>> -> memref<65536x256xf32, #tpu.memory_space<hbm>>
    tpu.wait_indirect_dma semaphore(%arg17 : memref<!tpu.dma_semaphore, #tpu.memory_space<semaphore_mem>>) src(%dma_wait3A_195 : memref<65536x256xf32, #tpu.memory_space<hbm>>) dst(%arg11 : memref<64x256xf32, #tpu.memory_space<vmem>>)
    %add3A_196 = arith.constant 512 : i32
    %add3A_197 = arith.addi %mul3A_2, %add3A_196 : i32
    %dma_start3A_198 = arith.constant 0 : i32
    %dma_start3A_199 = tpu.memref_slice %arg5[%add3A_197, %dma_start3A_198] : memref<65536x256xf32, #tpu.memory_space<hbm>> -> memref<64x256xf32, #tpu.memory_space<hbm>>
    %dma_start3A_200 = arith.constant 0 : i32
    %dma_start3A_201 = tpu.memref_slice %arg5[%add3A_197, %dma_start3A_200] : memref<65536x256xf32, #tpu.memory_space<hbm>> -> memref<64x256xf32, #tpu.memory_space<hbm>>
    tpu.enqueue_dma source(%arg11 : memref<64x256xf32, #tpu.memory_space<vmem>>) target(%dma_start3A_201 : memref<64x256xf32, #tpu.memory_space<hbm>>) target_semaphore(%arg23 : memref<!tpu.dma_semaphore, #tpu.memory_space<semaphore_mem>>)
    %dma_wait3A_202 = arith.constant 0 : i32
    %dma_wait3A_203 = tpu.memref_slice %arg5[%add3A_197, %dma_wait3A_202] : memref<65536x256xf32, #tpu.memory_space<hbm>> -> memref<64x256xf32, #tpu.memory_space<hbm>>
    %dma_wait3A_204 = arith.constant 0 : i32
    %dma_wait3A_205 = tpu.memref_slice %arg5[%add3A_197, %dma_wait3A_204] : memref<65536x256xf32, #tpu.memory_space<hbm>> -> memref<64x256xf32, #tpu.memory_space<hbm>>
    tpu.wait_dma2 semaphore(%arg23 : memref<!tpu.dma_semaphore, #tpu.memory_space<semaphore_mem>>) src(%arg11 : memref<64x256xf32, #tpu.memory_space<vmem>>) dst(%dma_wait3A_205 : memref<64x256xf32, #tpu.memory_space<hbm>>)
    %dma_start3A_206 = arith.constant 896 : i32
    %dma_start3A_207 = tpu.memref_slice %arg7[%dma_start3A_206] : memref<2048xi32, #tpu.memory_space<vmem>> -> memref<64xi32, #tpu.memory_space<vmem>>
    %dma_start3A_208 = arith.constant 0 : i32
    %dma_start3A_209 = arith.constant 0 : i32
    %dma_start3A_210 = tpu.memref_slice %arg2[%dma_start3A_208, %dma_start3A_209] : memref<65536x256xf32, #tpu.memory_space<hbm>> -> memref<65536x256xf32, #tpu.memory_space<hbm>>
    tpu.enqueue_indirect_dma source(%dma_start3A_210 : memref<65536x256xf32, #tpu.memory_space<hbm>>) target(%arg11 : memref<64x256xf32, #tpu.memory_space<vmem>>) offsets(%dma_start3A_207 : memref<64xi32, #tpu.memory_space<vmem>>) semaphore(%arg17 : memref<!tpu.dma_semaphore, #tpu.memory_space<semaphore_mem>>)
    %dma_wait3A_211 = arith.constant 576 : i32
    %dma_wait3A_212 = tpu.memref_slice %arg7[%dma_wait3A_211] : memref<2048xi32, #tpu.memory_space<vmem>> -> memref<64xi32, #tpu.memory_space<vmem>>
    %dma_wait3A_213 = arith.constant 0 : i32
    %dma_wait3A_214 = arith.constant 0 : i32
    %dma_wait3A_215 = tpu.memref_slice %arg2[%dma_wait3A_213, %dma_wait3A_214] : memref<65536x256xf32, #tpu.memory_space<hbm>> -> memref<65536x256xf32, #tpu.memory_space<hbm>>
    tpu.wait_indirect_dma semaphore(%arg18 : memref<!tpu.dma_semaphore, #tpu.memory_space<semaphore_mem>>) src(%dma_wait3A_215 : memref<65536x256xf32, #tpu.memory_space<hbm>>) dst(%arg12 : memref<64x256xf32, #tpu.memory_space<vmem>>)
    %add3A_216 = arith.constant 576 : i32
    %add3A_217 = arith.addi %mul3A_2, %add3A_216 : i32
    %dma_start3A_218 = arith.constant 0 : i32
    %dma_start3A_219 = tpu.memref_slice %arg5[%add3A_217, %dma_start3A_218] : memref<65536x256xf32, #tpu.memory_space<hbm>> -> memref<64x256xf32, #tpu.memory_space<hbm>>
    %dma_start3A_220 = arith.constant 0 : i32
    %dma_start3A_221 = tpu.memref_slice %arg5[%add3A_217, %dma_start3A_220] : memref<65536x256xf32, #tpu.memory_space<hbm>> -> memref<64x256xf32, #tpu.memory_space<hbm>>
    tpu.enqueue_dma source(%arg12 : memref<64x256xf32, #tpu.memory_space<vmem>>) target(%dma_start3A_221 : memref<64x256xf32, #tpu.memory_space<hbm>>) target_semaphore(%arg24 : memref<!tpu.dma_semaphore, #tpu.memory_space<semaphore_mem>>)
    %dma_wait3A_222 = arith.constant 0 : i32
    %dma_wait3A_223 = tpu.memref_slice %arg5[%add3A_217, %dma_wait3A_222] : memref<65536x256xf32, #tpu.memory_space<hbm>> -> memref<64x256xf32, #tpu.memory_space<hbm>>
    %dma_wait3A_224 = arith.constant 0 : i32
    %dma_wait3A_225 = tpu.memref_slice %arg5[%add3A_217, %dma_wait3A_224] : memref<65536x256xf32, #tpu.memory_space<hbm>> -> memref<64x256xf32, #tpu.memory_space<hbm>>
    tpu.wait_dma2 semaphore(%arg24 : memref<!tpu.dma_semaphore, #tpu.memory_space<semaphore_mem>>) src(%arg12 : memref<64x256xf32, #tpu.memory_space<vmem>>) dst(%dma_wait3A_225 : memref<64x256xf32, #tpu.memory_space<hbm>>)
    %dma_start3A_226 = arith.constant 960 : i32
    %dma_start3A_227 = tpu.memref_slice %arg7[%dma_start3A_226] : memref<2048xi32, #tpu.memory_space<vmem>> -> memref<64xi32, #tpu.memory_space<vmem>>
    %dma_start3A_228 = arith.constant 0 : i32
    %dma_start3A_229 = arith.constant 0 : i32
    %dma_start3A_230 = tpu.memref_slice %arg2[%dma_start3A_228, %dma_start3A_229] : memref<65536x256xf32, #tpu.memory_space<hbm>> -> memref<65536x256xf32, #tpu.memory_space<hbm>>
    tpu.enqueue_indirect_dma source(%dma_start3A_230 : memref<65536x256xf32, #tpu.memory_space<hbm>>) target(%arg12 : memref<64x256xf32, #tpu.memory_space<vmem>>) offsets(%dma_start3A_227 : memref<64xi32, #tpu.memory_space<vmem>>) semaphore(%arg18 : memref<!tpu.dma_semaphore, #tpu.memory_space<semaphore_mem>>)
    %dma_wait3A_231 = arith.constant 640 : i32
    %dma_wait3A_232 = tpu.memref_slice %arg7[%dma_wait3A_231] : memref<2048xi32, #tpu.memory_space<vmem>> -> memref<64xi32, #tpu.memory_space<vmem>>
    %dma_wait3A_233 = arith.constant 0 : i32
    %dma_wait3A_234 = arith.constant 0 : i32
    %dma_wait3A_235 = tpu.memref_slice %arg2[%dma_wait3A_233, %dma_wait3A_234] : memref<65536x256xf32, #tpu.memory_space<hbm>> -> memref<65536x256xf32, #tpu.memory_space<hbm>>
    tpu.wait_indirect_dma semaphore(%arg19 : memref<!tpu.dma_semaphore, #tpu.memory_space<semaphore_mem>>) src(%dma_wait3A_235 : memref<65536x256xf32, #tpu.memory_space<hbm>>) dst(%arg13 : memref<64x256xf32, #tpu.memory_space<vmem>>)
    %add3A_236 = arith.constant 640 : i32
    %add3A_237 = arith.addi %mul3A_2, %add3A_236 : i32
    %dma_start3A_238 = arith.constant 0 : i32
    %dma_start3A_239 = tpu.memref_slice %arg5[%add3A_237, %dma_start3A_238] : memref<65536x256xf32, #tpu.memory_space<hbm>> -> memref<64x256xf32, #tpu.memory_space<hbm>>
    %dma_start3A_240 = arith.constant 0 : i32
    %dma_start3A_241 = tpu.memref_slice %arg5[%add3A_237, %dma_start3A_240] : memref<65536x256xf32, #tpu.memory_space<hbm>> -> memref<64x256xf32, #tpu.memory_space<hbm>>
    tpu.enqueue_dma source(%arg13 : memref<64x256xf32, #tpu.memory_space<vmem>>) target(%dma_start3A_241 : memref<64x256xf32, #tpu.memory_space<hbm>>) target_semaphore(%arg25 : memref<!tpu.dma_semaphore, #tpu.memory_space<semaphore_mem>>)
    %dma_wait3A_242 = arith.constant 0 : i32
    %dma_wait3A_243 = tpu.memref_slice %arg5[%add3A_237, %dma_wait3A_242] : memref<65536x256xf32, #tpu.memory_space<hbm>> -> memref<64x256xf32, #tpu.memory_space<hbm>>
    %dma_wait3A_244 = arith.constant 0 : i32
    %dma_wait3A_245 = tpu.memref_slice %arg5[%add3A_237, %dma_wait3A_244] : memref<65536x256xf32, #tpu.memory_space<hbm>> -> memref<64x256xf32, #tpu.memory_space<hbm>>
    tpu.wait_dma2 semaphore(%arg25 : memref<!tpu.dma_semaphore, #tpu.memory_space<semaphore_mem>>) src(%arg13 : memref<64x256xf32, #tpu.memory_space<vmem>>) dst(%dma_wait3A_245 : memref<64x256xf32, #tpu.memory_space<hbm>>)
    %dma_start3A_246 = arith.constant 1024 : i32
    %dma_start3A_247 = tpu.memref_slice %arg7[%dma_start3A_246] : memref<2048xi32, #tpu.memory_space<vmem>> -> memref<64xi32, #tpu.memory_space<vmem>>
    %dma_start3A_248 = arith.constant 0 : i32
    %dma_start3A_249 = arith.constant 0 : i32
    %dma_start3A_250 = tpu.memref_slice %arg2[%dma_start3A_248, %dma_start3A_249] : memref<65536x256xf32, #tpu.memory_space<hbm>> -> memref<65536x256xf32, #tpu.memory_space<hbm>>
    tpu.enqueue_indirect_dma source(%dma_start3A_250 : memref<65536x256xf32, #tpu.memory_space<hbm>>) target(%arg13 : memref<64x256xf32, #tpu.memory_space<vmem>>) offsets(%dma_start3A_247 : memref<64xi32, #tpu.memory_space<vmem>>) semaphore(%arg19 : memref<!tpu.dma_semaphore, #tpu.memory_space<semaphore_mem>>)
    %dma_wait3A_251 = arith.constant 704 : i32
    %dma_wait3A_252 = tpu.memref_slice %arg7[%dma_wait3A_251] : memref<2048xi32, #tpu.memory_space<vmem>> -> memref<64xi32, #tpu.memory_space<vmem>>
    %dma_wait3A_253 = arith.constant 0 : i32
    %dma_wait3A_254 = arith.constant 0 : i32
    %dma_wait3A_255 = tpu.memref_slice %arg2[%dma_wait3A_253, %dma_wait3A_254] : memref<65536x256xf32, #tpu.memory_space<hbm>> -> memref<65536x256xf32, #tpu.memory_space<hbm>>
    tpu.wait_indirect_dma semaphore(%arg20 : memref<!tpu.dma_semaphore, #tpu.memory_space<semaphore_mem>>) src(%dma_wait3A_255 : memref<65536x256xf32, #tpu.memory_space<hbm>>) dst(%arg14 : memref<64x256xf32, #tpu.memory_space<vmem>>)
    %add3A_256 = arith.constant 704 : i32
    %add3A_257 = arith.addi %mul3A_2, %add3A_256 : i32
    %dma_start3A_258 = arith.constant 0 : i32
    %dma_start3A_259 = tpu.memref_slice %arg5[%add3A_257, %dma_start3A_258] : memref<65536x256xf32, #tpu.memory_space<hbm>> -> memref<64x256xf32, #tpu.memory_space<hbm>>
    %dma_start3A_260 = arith.constant 0 : i32
    %dma_start3A_261 = tpu.memref_slice %arg5[%add3A_257, %dma_start3A_260] : memref<65536x256xf32, #tpu.memory_space<hbm>> -> memref<64x256xf32, #tpu.memory_space<hbm>>
    tpu.enqueue_dma source(%arg14 : memref<64x256xf32, #tpu.memory_space<vmem>>) target(%dma_start3A_261 : memref<64x256xf32, #tpu.memory_space<hbm>>) target_semaphore(%arg26 : memref<!tpu.dma_semaphore, #tpu.memory_space<semaphore_mem>>)
    %dma_wait3A_262 = arith.constant 0 : i32
    %dma_wait3A_263 = tpu.memref_slice %arg5[%add3A_257, %dma_wait3A_262] : memref<65536x256xf32, #tpu.memory_space<hbm>> -> memref<64x256xf32, #tpu.memory_space<hbm>>
    %dma_wait3A_264 = arith.constant 0 : i32
    %dma_wait3A_265 = tpu.memref_slice %arg5[%add3A_257, %dma_wait3A_264] : memref<65536x256xf32, #tpu.memory_space<hbm>> -> memref<64x256xf32, #tpu.memory_space<hbm>>
    tpu.wait_dma2 semaphore(%arg26 : memref<!tpu.dma_semaphore, #tpu.memory_space<semaphore_mem>>) src(%arg14 : memref<64x256xf32, #tpu.memory_space<vmem>>) dst(%dma_wait3A_265 : memref<64x256xf32, #tpu.memory_space<hbm>>)
    %dma_start3A_266 = arith.constant 1088 : i32
    %dma_start3A_267 = tpu.memref_slice %arg7[%dma_start3A_266] : memref<2048xi32, #tpu.memory_space<vmem>> -> memref<64xi32, #tpu.memory_space<vmem>>
    %dma_start3A_268 = arith.constant 0 : i32
    %dma_start3A_269 = arith.constant 0 : i32
    %dma_start3A_270 = tpu.memref_slice %arg2[%dma_start3A_268, %dma_start3A_269] : memref<65536x256xf32, #tpu.memory_space<hbm>> -> memref<65536x256xf32, #tpu.memory_space<hbm>>
    tpu.enqueue_indirect_dma source(%dma_start3A_270 : memref<65536x256xf32, #tpu.memory_space<hbm>>) target(%arg14 : memref<64x256xf32, #tpu.memory_space<vmem>>) offsets(%dma_start3A_267 : memref<64xi32, #tpu.memory_space<vmem>>) semaphore(%arg20 : memref<!tpu.dma_semaphore, #tpu.memory_space<semaphore_mem>>)
    %dma_wait3A_271 = arith.constant 768 : i32
    %dma_wait3A_272 = tpu.memref_slice %arg7[%dma_wait3A_271] : memref<2048xi32, #tpu.memory_space<vmem>> -> memref<64xi32, #tpu.memory_space<vmem>>
    %dma_wait3A_273 = arith.constant 0 : i32
    %dma_wait3A_274 = arith.constant 0 : i32
    %dma_wait3A_275 = tpu.memref_slice %arg2[%dma_wait3A_273, %dma_wait3A_274] : memref<65536x256xf32, #tpu.memory_space<hbm>> -> memref<65536x256xf32, #tpu.memory_space<hbm>>
    tpu.wait_indirect_dma semaphore(%arg15 : memref<!tpu.dma_semaphore, #tpu.memory_space<semaphore_mem>>) src(%dma_wait3A_275 : memref<65536x256xf32, #tpu.memory_space<hbm>>) dst(%arg9 : memref<64x256xf32, #tpu.memory_space<vmem>>)
    %add3A_276 = arith.constant 768 : i32
    %add3A_277 = arith.addi %mul3A_2, %add3A_276 : i32
    %dma_start3A_278 = arith.constant 0 : i32
    %dma_start3A_279 = tpu.memref_slice %arg5[%add3A_277, %dma_start3A_278] : memref<65536x256xf32, #tpu.memory_space<hbm>> -> memref<64x256xf32, #tpu.memory_space<hbm>>
    %dma_start3A_280 = arith.constant 0 : i32
    %dma_start3A_281 = tpu.memref_slice %arg5[%add3A_277, %dma_start3A_280] : memref<65536x256xf32, #tpu.memory_space<hbm>> -> memref<64x256xf32, #tpu.memory_space<hbm>>
    tpu.enqueue_dma source(%arg9 : memref<64x256xf32, #tpu.memory_space<vmem>>) target(%dma_start3A_281 : memref<64x256xf32, #tpu.memory_space<hbm>>) target_semaphore(%arg21 : memref<!tpu.dma_semaphore, #tpu.memory_space<semaphore_mem>>)
    %dma_wait3A_282 = arith.constant 0 : i32
    %dma_wait3A_283 = tpu.memref_slice %arg5[%add3A_277, %dma_wait3A_282] : memref<65536x256xf32, #tpu.memory_space<hbm>> -> memref<64x256xf32, #tpu.memory_space<hbm>>
    %dma_wait3A_284 = arith.constant 0 : i32
    %dma_wait3A_285 = tpu.memref_slice %arg5[%add3A_277, %dma_wait3A_284] : memref<65536x256xf32, #tpu.memory_space<hbm>> -> memref<64x256xf32, #tpu.memory_space<hbm>>
    tpu.wait_dma2 semaphore(%arg21 : memref<!tpu.dma_semaphore, #tpu.memory_space<semaphore_mem>>) src(%arg9 : memref<64x256xf32, #tpu.memory_space<vmem>>) dst(%dma_wait3A_285 : memref<64x256xf32, #tpu.memory_space<hbm>>)
    %dma_start3A_286 = arith.constant 1152 : i32
    %dma_start3A_287 = tpu.memref_slice %arg7[%dma_start3A_286] : memref<2048xi32, #tpu.memory_space<vmem>> -> memref<64xi32, #tpu.memory_space<vmem>>
    %dma_start3A_288 = arith.constant 0 : i32
    %dma_start3A_289 = arith.constant 0 : i32
    %dma_start3A_290 = tpu.memref_slice %arg2[%dma_start3A_288, %dma_start3A_289] : memref<65536x256xf32, #tpu.memory_space<hbm>> -> memref<65536x256xf32, #tpu.memory_space<hbm>>
    tpu.enqueue_indirect_dma source(%dma_start3A_290 : memref<65536x256xf32, #tpu.memory_space<hbm>>) target(%arg9 : memref<64x256xf32, #tpu.memory_space<vmem>>) offsets(%dma_start3A_287 : memref<64xi32, #tpu.memory_space<vmem>>) semaphore(%arg15 : memref<!tpu.dma_semaphore, #tpu.memory_space<semaphore_mem>>)
    %dma_wait3A_291 = arith.constant 832 : i32
    %dma_wait3A_292 = tpu.memref_slice %arg7[%dma_wait3A_291] : memref<2048xi32, #tpu.memory_space<vmem>> -> memref<64xi32, #tpu.memory_space<vmem>>
    %dma_wait3A_293 = arith.constant 0 : i32
    %dma_wait3A_294 = arith.constant 0 : i32
    %dma_wait3A_295 = tpu.memref_slice %arg2[%dma_wait3A_293, %dma_wait3A_294] : memref<65536x256xf32, #tpu.memory_space<hbm>> -> memref<65536x256xf32, #tpu.memory_space<hbm>>
    tpu.wait_indirect_dma semaphore(%arg16 : memref<!tpu.dma_semaphore, #tpu.memory_space<semaphore_mem>>) src(%dma_wait3A_295 : memref<65536x256xf32, #tpu.memory_space<hbm>>) dst(%arg10 : memref<64x256xf32, #tpu.memory_space<vmem>>)
    %add3A_296 = arith.constant 832 : i32
    %add3A_297 = arith.addi %mul3A_2, %add3A_296 : i32
    %dma_start3A_298 = arith.constant 0 : i32
    %dma_start3A_299 = tpu.memref_slice %arg5[%add3A_297, %dma_start3A_298] : memref<65536x256xf32, #tpu.memory_space<hbm>> -> memref<64x256xf32, #tpu.memory_space<hbm>>
    %dma_start3A_300 = arith.constant 0 : i32
    %dma_start3A_301 = tpu.memref_slice %arg5[%add3A_297, %dma_start3A_300] : memref<65536x256xf32, #tpu.memory_space<hbm>> -> memref<64x256xf32, #tpu.memory_space<hbm>>
    tpu.enqueue_dma source(%arg10 : memref<64x256xf32, #tpu.memory_space<vmem>>) target(%dma_start3A_301 : memref<64x256xf32, #tpu.memory_space<hbm>>) target_semaphore(%arg22 : memref<!tpu.dma_semaphore, #tpu.memory_space<semaphore_mem>>)
    %dma_wait3A_302 = arith.constant 0 : i32
    %dma_wait3A_303 = tpu.memref_slice %arg5[%add3A_297, %dma_wait3A_302] : memref<65536x256xf32, #tpu.memory_space<hbm>> -> memref<64x256xf32, #tpu.memory_space<hbm>>
    %dma_wait3A_304 = arith.constant 0 : i32
    %dma_wait3A_305 = tpu.memref_slice %arg5[%add3A_297, %dma_wait3A_304] : memref<65536x256xf32, #tpu.memory_space<hbm>> -> memref<64x256xf32, #tpu.memory_space<hbm>>
    tpu.wait_dma2 semaphore(%arg22 : memref<!tpu.dma_semaphore, #tpu.memory_space<semaphore_mem>>) src(%arg10 : memref<64x256xf32, #tpu.memory_space<vmem>>) dst(%dma_wait3A_305 : memref<64x256xf32, #tpu.memory_space<hbm>>)
    %dma_start3A_306 = arith.constant 1216 : i32
    %dma_start3A_307 = tpu.memref_slice %arg7[%dma_start3A_306] : memref<2048xi32, #tpu.memory_space<vmem>> -> memref<64xi32, #tpu.memory_space<vmem>>
    %dma_start3A_308 = arith.constant 0 : i32
    %dma_start3A_309 = arith.constant 0 : i32
    %dma_start3A_310 = tpu.memref_slice %arg2[%dma_start3A_308, %dma_start3A_309] : memref<65536x256xf32, #tpu.memory_space<hbm>> -> memref<65536x256xf32, #tpu.memory_space<hbm>>
    tpu.enqueue_indirect_dma source(%dma_start3A_310 : memref<65536x256xf32, #tpu.memory_space<hbm>>) target(%arg10 : memref<64x256xf32, #tpu.memory_space<vmem>>) offsets(%dma_start3A_307 : memref<64xi32, #tpu.memory_space<vmem>>) semaphore(%arg16 : memref<!tpu.dma_semaphore, #tpu.memory_space<semaphore_mem>>)
    %dma_wait3A_311 = arith.constant 896 : i32
    %dma_wait3A_312 = tpu.memref_slice %arg7[%dma_wait3A_311] : memref<2048xi32, #tpu.memory_space<vmem>> -> memref<64xi32, #tpu.memory_space<vmem>>
    %dma_wait3A_313 = arith.constant 0 : i32
    %dma_wait3A_314 = arith.constant 0 : i32
    %dma_wait3A_315 = tpu.memref_slice %arg2[%dma_wait3A_313, %dma_wait3A_314] : memref<65536x256xf32, #tpu.memory_space<hbm>> -> memref<65536x256xf32, #tpu.memory_space<hbm>>
    tpu.wait_indirect_dma semaphore(%arg17 : memref<!tpu.dma_semaphore, #tpu.memory_space<semaphore_mem>>) src(%dma_wait3A_315 : memref<65536x256xf32, #tpu.memory_space<hbm>>) dst(%arg11 : memref<64x256xf32, #tpu.memory_space<vmem>>)
    %add3A_316 = arith.constant 896 : i32
    %add3A_317 = arith.addi %mul3A_2, %add3A_316 : i32
    %dma_start3A_318 = arith.constant 0 : i32
    %dma_start3A_319 = tpu.memref_slice %arg5[%add3A_317, %dma_start3A_318] : memref<65536x256xf32, #tpu.memory_space<hbm>> -> memref<64x256xf32, #tpu.memory_space<hbm>>
    %dma_start3A_320 = arith.constant 0 : i32
    %dma_start3A_321 = tpu.memref_slice %arg5[%add3A_317, %dma_start3A_320] : memref<65536x256xf32, #tpu.memory_space<hbm>> -> memref<64x256xf32, #tpu.memory_space<hbm>>
    tpu.enqueue_dma source(%arg11 : memref<64x256xf32, #tpu.memory_space<vmem>>) target(%dma_start3A_321 : memref<64x256xf32, #tpu.memory_space<hbm>>) target_semaphore(%arg23 : memref<!tpu.dma_semaphore, #tpu.memory_space<semaphore_mem>>)
    %dma_wait3A_322 = arith.constant 0 : i32
    %dma_wait3A_323 = tpu.memref_slice %arg5[%add3A_317, %dma_wait3A_322] : memref<65536x256xf32, #tpu.memory_space<hbm>> -> memref<64x256xf32, #tpu.memory_space<hbm>>
    %dma_wait3A_324 = arith.constant 0 : i32
    %dma_wait3A_325 = tpu.memref_slice %arg5[%add3A_317, %dma_wait3A_324] : memref<65536x256xf32, #tpu.memory_space<hbm>> -> memref<64x256xf32, #tpu.memory_space<hbm>>
    tpu.wait_dma2 semaphore(%arg23 : memref<!tpu.dma_semaphore, #tpu.memory_space<semaphore_mem>>) src(%arg11 : memref<64x256xf32, #tpu.memory_space<vmem>>) dst(%dma_wait3A_325 : memref<64x256xf32, #tpu.memory_space<hbm>>)
    %dma_start3A_326 = arith.constant 1280 : i32
    %dma_start3A_327 = tpu.memref_slice %arg7[%dma_start3A_326] : memref<2048xi32, #tpu.memory_space<vmem>> -> memref<64xi32, #tpu.memory_space<vmem>>
    %dma_start3A_328 = arith.constant 0 : i32
    %dma_start3A_329 = arith.constant 0 : i32
    %dma_start3A_330 = tpu.memref_slice %arg2[%dma_start3A_328, %dma_start3A_329] : memref<65536x256xf32, #tpu.memory_space<hbm>> -> memref<65536x256xf32, #tpu.memory_space<hbm>>
    tpu.enqueue_indirect_dma source(%dma_start3A_330 : memref<65536x256xf32, #tpu.memory_space<hbm>>) target(%arg11 : memref<64x256xf32, #tpu.memory_space<vmem>>) offsets(%dma_start3A_327 : memref<64xi32, #tpu.memory_space<vmem>>) semaphore(%arg17 : memref<!tpu.dma_semaphore, #tpu.memory_space<semaphore_mem>>)
    %dma_wait3A_331 = arith.constant 960 : i32
    %dma_wait3A_332 = tpu.memref_slice %arg7[%dma_wait3A_331] : memref<2048xi32, #tpu.memory_space<vmem>> -> memref<64xi32, #tpu.memory_space<vmem>>
    %dma_wait3A_333 = arith.constant 0 : i32
    %dma_wait3A_334 = arith.constant 0 : i32
    %dma_wait3A_335 = tpu.memref_slice %arg2[%dma_wait3A_333, %dma_wait3A_334] : memref<65536x256xf32, #tpu.memory_space<hbm>> -> memref<65536x256xf32, #tpu.memory_space<hbm>>
    tpu.wait_indirect_dma semaphore(%arg18 : memref<!tpu.dma_semaphore, #tpu.memory_space<semaphore_mem>>) src(%dma_wait3A_335 : memref<65536x256xf32, #tpu.memory_space<hbm>>) dst(%arg12 : memref<64x256xf32, #tpu.memory_space<vmem>>)
    %add3A_336 = arith.constant 960 : i32
    %add3A_337 = arith.addi %mul3A_2, %add3A_336 : i32
    %dma_start3A_338 = arith.constant 0 : i32
    %dma_start3A_339 = tpu.memref_slice %arg5[%add3A_337, %dma_start3A_338] : memref<65536x256xf32, #tpu.memory_space<hbm>> -> memref<64x256xf32, #tpu.memory_space<hbm>>
    %dma_start3A_340 = arith.constant 0 : i32
    %dma_start3A_341 = tpu.memref_slice %arg5[%add3A_337, %dma_start3A_340] : memref<65536x256xf32, #tpu.memory_space<hbm>> -> memref<64x256xf32, #tpu.memory_space<hbm>>
    tpu.enqueue_dma source(%arg12 : memref<64x256xf32, #tpu.memory_space<vmem>>) target(%dma_start3A_341 : memref<64x256xf32, #tpu.memory_space<hbm>>) target_semaphore(%arg24 : memref<!tpu.dma_semaphore, #tpu.memory_space<semaphore_mem>>)
    %dma_wait3A_342 = arith.constant 0 : i32
    %dma_wait3A_343 = tpu.memref_slice %arg5[%add3A_337, %dma_wait3A_342] : memref<65536x256xf32, #tpu.memory_space<hbm>> -> memref<64x256xf32, #tpu.memory_space<hbm>>
    %dma_wait3A_344 = arith.constant 0 : i32
    %dma_wait3A_345 = tpu.memref_slice %arg5[%add3A_337, %dma_wait3A_344] : memref<65536x256xf32, #tpu.memory_space<hbm>> -> memref<64x256xf32, #tpu.memory_space<hbm>>
    tpu.wait_dma2 semaphore(%arg24 : memref<!tpu.dma_semaphore, #tpu.memory_space<semaphore_mem>>) src(%arg12 : memref<64x256xf32, #tpu.memory_space<vmem>>) dst(%dma_wait3A_345 : memref<64x256xf32, #tpu.memory_space<hbm>>)
    %dma_start3A_346 = arith.constant 1344 : i32
    %dma_start3A_347 = tpu.memref_slice %arg7[%dma_start3A_346] : memref<2048xi32, #tpu.memory_space<vmem>> -> memref<64xi32, #tpu.memory_space<vmem>>
    %dma_start3A_348 = arith.constant 0 : i32
    %dma_start3A_349 = arith.constant 0 : i32
    %dma_start3A_350 = tpu.memref_slice %arg2[%dma_start3A_348, %dma_start3A_349] : memref<65536x256xf32, #tpu.memory_space<hbm>> -> memref<65536x256xf32, #tpu.memory_space<hbm>>
    tpu.enqueue_indirect_dma source(%dma_start3A_350 : memref<65536x256xf32, #tpu.memory_space<hbm>>) target(%arg12 : memref<64x256xf32, #tpu.memory_space<vmem>>) offsets(%dma_start3A_347 : memref<64xi32, #tpu.memory_space<vmem>>) semaphore(%arg18 : memref<!tpu.dma_semaphore, #tpu.memory_space<semaphore_mem>>)
    %dma_wait3A_351 = arith.constant 1024 : i32
    %dma_wait3A_352 = tpu.memref_slice %arg7[%dma_wait3A_351] : memref<2048xi32, #tpu.memory_space<vmem>> -> memref<64xi32, #tpu.memory_space<vmem>>
    %dma_wait3A_353 = arith.constant 0 : i32
    %dma_wait3A_354 = arith.constant 0 : i32
    %dma_wait3A_355 = tpu.memref_slice %arg2[%dma_wait3A_353, %dma_wait3A_354] : memref<65536x256xf32, #tpu.memory_space<hbm>> -> memref<65536x256xf32, #tpu.memory_space<hbm>>
    tpu.wait_indirect_dma semaphore(%arg19 : memref<!tpu.dma_semaphore, #tpu.memory_space<semaphore_mem>>) src(%dma_wait3A_355 : memref<65536x256xf32, #tpu.memory_space<hbm>>) dst(%arg13 : memref<64x256xf32, #tpu.memory_space<vmem>>)
    %add3A_356 = arith.constant 1024 : i32
    %add3A_357 = arith.addi %mul3A_2, %add3A_356 : i32
    %dma_start3A_358 = arith.constant 0 : i32
    %dma_start3A_359 = tpu.memref_slice %arg5[%add3A_357, %dma_start3A_358] : memref<65536x256xf32, #tpu.memory_space<hbm>> -> memref<64x256xf32, #tpu.memory_space<hbm>>
    %dma_start3A_360 = arith.constant 0 : i32
    %dma_start3A_361 = tpu.memref_slice %arg5[%add3A_357, %dma_start3A_360] : memref<65536x256xf32, #tpu.memory_space<hbm>> -> memref<64x256xf32, #tpu.memory_space<hbm>>
    tpu.enqueue_dma source(%arg13 : memref<64x256xf32, #tpu.memory_space<vmem>>) target(%dma_start3A_361 : memref<64x256xf32, #tpu.memory_space<hbm>>) target_semaphore(%arg25 : memref<!tpu.dma_semaphore, #tpu.memory_space<semaphore_mem>>)
    %dma_wait3A_362 = arith.constant 0 : i32
    %dma_wait3A_363 = tpu.memref_slice %arg5[%add3A_357, %dma_wait3A_362] : memref<65536x256xf32, #tpu.memory_space<hbm>> -> memref<64x256xf32, #tpu.memory_space<hbm>>
    %dma_wait3A_364 = arith.constant 0 : i32
    %dma_wait3A_365 = tpu.memref_slice %arg5[%add3A_357, %dma_wait3A_364] : memref<65536x256xf32, #tpu.memory_space<hbm>> -> memref<64x256xf32, #tpu.memory_space<hbm>>
    tpu.wait_dma2 semaphore(%arg25 : memref<!tpu.dma_semaphore, #tpu.memory_space<semaphore_mem>>) src(%arg13 : memref<64x256xf32, #tpu.memory_space<vmem>>) dst(%dma_wait3A_365 : memref<64x256xf32, #tpu.memory_space<hbm>>)
    %dma_start3A_366 = arith.constant 1408 : i32
    %dma_start3A_367 = tpu.memref_slice %arg7[%dma_start3A_366] : memref<2048xi32, #tpu.memory_space<vmem>> -> memref<64xi32, #tpu.memory_space<vmem>>
    %dma_start3A_368 = arith.constant 0 : i32
    %dma_start3A_369 = arith.constant 0 : i32
    %dma_start3A_370 = tpu.memref_slice %arg2[%dma_start3A_368, %dma_start3A_369] : memref<65536x256xf32, #tpu.memory_space<hbm>> -> memref<65536x256xf32, #tpu.memory_space<hbm>>
    tpu.enqueue_indirect_dma source(%dma_start3A_370 : memref<65536x256xf32, #tpu.memory_space<hbm>>) target(%arg13 : memref<64x256xf32, #tpu.memory_space<vmem>>) offsets(%dma_start3A_367 : memref<64xi32, #tpu.memory_space<vmem>>) semaphore(%arg19 : memref<!tpu.dma_semaphore, #tpu.memory_space<semaphore_mem>>)
    %dma_wait3A_371 = arith.constant 1088 : i32
    %dma_wait3A_372 = tpu.memref_slice %arg7[%dma_wait3A_371] : memref<2048xi32, #tpu.memory_space<vmem>> -> memref<64xi32, #tpu.memory_space<vmem>>
    %dma_wait3A_373 = arith.constant 0 : i32
    %dma_wait3A_374 = arith.constant 0 : i32
    %dma_wait3A_375 = tpu.memref_slice %arg2[%dma_wait3A_373, %dma_wait3A_374] : memref<65536x256xf32, #tpu.memory_space<hbm>> -> memref<65536x256xf32, #tpu.memory_space<hbm>>
    tpu.wait_indirect_dma semaphore(%arg20 : memref<!tpu.dma_semaphore, #tpu.memory_space<semaphore_mem>>) src(%dma_wait3A_375 : memref<65536x256xf32, #tpu.memory_space<hbm>>) dst(%arg14 : memref<64x256xf32, #tpu.memory_space<vmem>>)
    %add3A_376 = arith.constant 1088 : i32
    %add3A_377 = arith.addi %mul3A_2, %add3A_376 : i32
    %dma_start3A_378 = arith.constant 0 : i32
    %dma_start3A_379 = tpu.memref_slice %arg5[%add3A_377, %dma_start3A_378] : memref<65536x256xf32, #tpu.memory_space<hbm>> -> memref<64x256xf32, #tpu.memory_space<hbm>>
    %dma_start3A_380 = arith.constant 0 : i32
    %dma_start3A_381 = tpu.memref_slice %arg5[%add3A_377, %dma_start3A_380] : memref<65536x256xf32, #tpu.memory_space<hbm>> -> memref<64x256xf32, #tpu.memory_space<hbm>>
    tpu.enqueue_dma source(%arg14 : memref<64x256xf32, #tpu.memory_space<vmem>>) target(%dma_start3A_381 : memref<64x256xf32, #tpu.memory_space<hbm>>) target_semaphore(%arg26 : memref<!tpu.dma_semaphore, #tpu.memory_space<semaphore_mem>>)
    %dma_wait3A_382 = arith.constant 0 : i32
    %dma_wait3A_383 = tpu.memref_slice %arg5[%add3A_377, %dma_wait3A_382] : memref<65536x256xf32, #tpu.memory_space<hbm>> -> memref<64x256xf32, #tpu.memory_space<hbm>>
    %dma_wait3A_384 = arith.constant 0 : i32
    %dma_wait3A_385 = tpu.memref_slice %arg5[%add3A_377, %dma_wait3A_384] : memref<65536x256xf32, #tpu.memory_space<hbm>> -> memref<64x256xf32, #tpu.memory_space<hbm>>
    tpu.wait_dma2 semaphore(%arg26 : memref<!tpu.dma_semaphore, #tpu.memory_space<semaphore_mem>>) src(%arg14 : memref<64x256xf32, #tpu.memory_space<vmem>>) dst(%dma_wait3A_385 : memref<64x256xf32, #tpu.memory_space<hbm>>)
    %dma_start3A_386 = arith.constant 1472 : i32
    %dma_start3A_387 = tpu.memref_slice %arg7[%dma_start3A_386] : memref<2048xi32, #tpu.memory_space<vmem>> -> memref<64xi32, #tpu.memory_space<vmem>>
    %dma_start3A_388 = arith.constant 0 : i32
    %dma_start3A_389 = arith.constant 0 : i32
    %dma_start3A_390 = tpu.memref_slice %arg2[%dma_start3A_388, %dma_start3A_389] : memref<65536x256xf32, #tpu.memory_space<hbm>> -> memref<65536x256xf32, #tpu.memory_space<hbm>>
    tpu.enqueue_indirect_dma source(%dma_start3A_390 : memref<65536x256xf32, #tpu.memory_space<hbm>>) target(%arg14 : memref<64x256xf32, #tpu.memory_space<vmem>>) offsets(%dma_start3A_387 : memref<64xi32, #tpu.memory_space<vmem>>) semaphore(%arg20 : memref<!tpu.dma_semaphore, #tpu.memory_space<semaphore_mem>>)
    %dma_wait3A_391 = arith.constant 1152 : i32
    %dma_wait3A_392 = tpu.memref_slice %arg7[%dma_wait3A_391] : memref<2048xi32, #tpu.memory_space<vmem>> -> memref<64xi32, #tpu.memory_space<vmem>>
    %dma_wait3A_393 = arith.constant 0 : i32
    %dma_wait3A_394 = arith.constant 0 : i32
    %dma_wait3A_395 = tpu.memref_slice %arg2[%dma_wait3A_393, %dma_wait3A_394] : memref<65536x256xf32, #tpu.memory_space<hbm>> -> memref<65536x256xf32, #tpu.memory_space<hbm>>
    tpu.wait_indirect_dma semaphore(%arg15 : memref<!tpu.dma_semaphore, #tpu.memory_space<semaphore_mem>>) src(%dma_wait3A_395 : memref<65536x256xf32, #tpu.memory_space<hbm>>) dst(%arg9 : memref<64x256xf32, #tpu.memory_space<vmem>>)
    %add3A_396 = arith.constant 1152 : i32
    %add3A_397 = arith.addi %mul3A_2, %add3A_396 : i32
    %dma_start3A_398 = arith.constant 0 : i32
    %dma_start3A_399 = tpu.memref_slice %arg5[%add3A_397, %dma_start3A_398] : memref<65536x256xf32, #tpu.memory_space<hbm>> -> memref<64x256xf32, #tpu.memory_space<hbm>>
    %dma_start3A_400 = arith.constant 0 : i32
    %dma_start3A_401 = tpu.memref_slice %arg5[%add3A_397, %dma_start3A_400] : memref<65536x256xf32, #tpu.memory_space<hbm>> -> memref<64x256xf32, #tpu.memory_space<hbm>>
    tpu.enqueue_dma source(%arg9 : memref<64x256xf32, #tpu.memory_space<vmem>>) target(%dma_start3A_401 : memref<64x256xf32, #tpu.memory_space<hbm>>) target_semaphore(%arg21 : memref<!tpu.dma_semaphore, #tpu.memory_space<semaphore_mem>>)
    %dma_wait3A_402 = arith.constant 0 : i32
    %dma_wait3A_403 = tpu.memref_slice %arg5[%add3A_397, %dma_wait3A_402] : memref<65536x256xf32, #tpu.memory_space<hbm>> -> memref<64x256xf32, #tpu.memory_space<hbm>>
    %dma_wait3A_404 = arith.constant 0 : i32
    %dma_wait3A_405 = tpu.memref_slice %arg5[%add3A_397, %dma_wait3A_404] : memref<65536x256xf32, #tpu.memory_space<hbm>> -> memref<64x256xf32, #tpu.memory_space<hbm>>
    tpu.wait_dma2 semaphore(%arg21 : memref<!tpu.dma_semaphore, #tpu.memory_space<semaphore_mem>>) src(%arg9 : memref<64x256xf32, #tpu.memory_space<vmem>>) dst(%dma_wait3A_405 : memref<64x256xf32, #tpu.memory_space<hbm>>)
    %dma_start3A_406 = arith.constant 1536 : i32
    %dma_start3A_407 = tpu.memref_slice %arg7[%dma_start3A_406] : memref<2048xi32, #tpu.memory_space<vmem>> -> memref<64xi32, #tpu.memory_space<vmem>>
    %dma_start3A_408 = arith.constant 0 : i32
    %dma_start3A_409 = arith.constant 0 : i32
    %dma_start3A_410 = tpu.memref_slice %arg2[%dma_start3A_408, %dma_start3A_409] : memref<65536x256xf32, #tpu.memory_space<hbm>> -> memref<65536x256xf32, #tpu.memory_space<hbm>>
    tpu.enqueue_indirect_dma source(%dma_start3A_410 : memref<65536x256xf32, #tpu.memory_space<hbm>>) target(%arg9 : memref<64x256xf32, #tpu.memory_space<vmem>>) offsets(%dma_start3A_407 : memref<64xi32, #tpu.memory_space<vmem>>) semaphore(%arg15 : memref<!tpu.dma_semaphore, #tpu.memory_space<semaphore_mem>>)
    %dma_wait3A_411 = arith.constant 1216 : i32
    %dma_wait3A_412 = tpu.memref_slice %arg7[%dma_wait3A_411] : memref<2048xi32, #tpu.memory_space<vmem>> -> memref<64xi32, #tpu.memory_space<vmem>>
    %dma_wait3A_413 = arith.constant 0 : i32
    %dma_wait3A_414 = arith.constant 0 : i32
    %dma_wait3A_415 = tpu.memref_slice %arg2[%dma_wait3A_413, %dma_wait3A_414] : memref<65536x256xf32, #tpu.memory_space<hbm>> -> memref<65536x256xf32, #tpu.memory_space<hbm>>
    tpu.wait_indirect_dma semaphore(%arg16 : memref<!tpu.dma_semaphore, #tpu.memory_space<semaphore_mem>>) src(%dma_wait3A_415 : memref<65536x256xf32, #tpu.memory_space<hbm>>) dst(%arg10 : memref<64x256xf32, #tpu.memory_space<vmem>>)
    %add3A_416 = arith.constant 1216 : i32
    %add3A_417 = arith.addi %mul3A_2, %add3A_416 : i32
    %dma_start3A_418 = arith.constant 0 : i32
    %dma_start3A_419 = tpu.memref_slice %arg5[%add3A_417, %dma_start3A_418] : memref<65536x256xf32, #tpu.memory_space<hbm>> -> memref<64x256xf32, #tpu.memory_space<hbm>>
    %dma_start3A_420 = arith.constant 0 : i32
    %dma_start3A_421 = tpu.memref_slice %arg5[%add3A_417, %dma_start3A_420] : memref<65536x256xf32, #tpu.memory_space<hbm>> -> memref<64x256xf32, #tpu.memory_space<hbm>>
    tpu.enqueue_dma source(%arg10 : memref<64x256xf32, #tpu.memory_space<vmem>>) target(%dma_start3A_421 : memref<64x256xf32, #tpu.memory_space<hbm>>) target_semaphore(%arg22 : memref<!tpu.dma_semaphore, #tpu.memory_space<semaphore_mem>>)
    %dma_wait3A_422 = arith.constant 0 : i32
    %dma_wait3A_423 = tpu.memref_slice %arg5[%add3A_417, %dma_wait3A_422] : memref<65536x256xf32, #tpu.memory_space<hbm>> -> memref<64x256xf32, #tpu.memory_space<hbm>>
    %dma_wait3A_424 = arith.constant 0 : i32
    %dma_wait3A_425 = tpu.memref_slice %arg5[%add3A_417, %dma_wait3A_424] : memref<65536x256xf32, #tpu.memory_space<hbm>> -> memref<64x256xf32, #tpu.memory_space<hbm>>
    tpu.wait_dma2 semaphore(%arg22 : memref<!tpu.dma_semaphore, #tpu.memory_space<semaphore_mem>>) src(%arg10 : memref<64x256xf32, #tpu.memory_space<vmem>>) dst(%dma_wait3A_425 : memref<64x256xf32, #tpu.memory_space<hbm>>)
    %dma_start3A_426 = arith.constant 1600 : i32
    %dma_start3A_427 = tpu.memref_slice %arg7[%dma_start3A_426] : memref<2048xi32, #tpu.memory_space<vmem>> -> memref<64xi32, #tpu.memory_space<vmem>>
    %dma_start3A_428 = arith.constant 0 : i32
    %dma_start3A_429 = arith.constant 0 : i32
    %dma_start3A_430 = tpu.memref_slice %arg2[%dma_start3A_428, %dma_start3A_429] : memref<65536x256xf32, #tpu.memory_space<hbm>> -> memref<65536x256xf32, #tpu.memory_space<hbm>>
    tpu.enqueue_indirect_dma source(%dma_start3A_430 : memref<65536x256xf32, #tpu.memory_space<hbm>>) target(%arg10 : memref<64x256xf32, #tpu.memory_space<vmem>>) offsets(%dma_start3A_427 : memref<64xi32, #tpu.memory_space<vmem>>) semaphore(%arg16 : memref<!tpu.dma_semaphore, #tpu.memory_space<semaphore_mem>>)
    %dma_wait3A_431 = arith.constant 1280 : i32
    %dma_wait3A_432 = tpu.memref_slice %arg7[%dma_wait3A_431] : memref<2048xi32, #tpu.memory_space<vmem>> -> memref<64xi32, #tpu.memory_space<vmem>>
    %dma_wait3A_433 = arith.constant 0 : i32
    %dma_wait3A_434 = arith.constant 0 : i32
    %dma_wait3A_435 = tpu.memref_slice %arg2[%dma_wait3A_433, %dma_wait3A_434] : memref<65536x256xf32, #tpu.memory_space<hbm>> -> memref<65536x256xf32, #tpu.memory_space<hbm>>
    tpu.wait_indirect_dma semaphore(%arg17 : memref<!tpu.dma_semaphore, #tpu.memory_space<semaphore_mem>>) src(%dma_wait3A_435 : memref<65536x256xf32, #tpu.memory_space<hbm>>) dst(%arg11 : memref<64x256xf32, #tpu.memory_space<vmem>>)
    %add3A_436 = arith.constant 1280 : i32
    %add3A_437 = arith.addi %mul3A_2, %add3A_436 : i32
    %dma_start3A_438 = arith.constant 0 : i32
    %dma_start3A_439 = tpu.memref_slice %arg5[%add3A_437, %dma_start3A_438] : memref<65536x256xf32, #tpu.memory_space<hbm>> -> memref<64x256xf32, #tpu.memory_space<hbm>>
    %dma_start3A_440 = arith.constant 0 : i32
    %dma_start3A_441 = tpu.memref_slice %arg5[%add3A_437, %dma_start3A_440] : memref<65536x256xf32, #tpu.memory_space<hbm>> -> memref<64x256xf32, #tpu.memory_space<hbm>>
    tpu.enqueue_dma source(%arg11 : memref<64x256xf32, #tpu.memory_space<vmem>>) target(%dma_start3A_441 : memref<64x256xf32, #tpu.memory_space<hbm>>) target_semaphore(%arg23 : memref<!tpu.dma_semaphore, #tpu.memory_space<semaphore_mem>>)
    %dma_wait3A_442 = arith.constant 0 : i32
    %dma_wait3A_443 = tpu.memref_slice %arg5[%add3A_437, %dma_wait3A_442] : memref<65536x256xf32, #tpu.memory_space<hbm>> -> memref<64x256xf32, #tpu.memory_space<hbm>>
    %dma_wait3A_444 = arith.constant 0 : i32
    %dma_wait3A_445 = tpu.memref_slice %arg5[%add3A_437, %dma_wait3A_444] : memref<65536x256xf32, #tpu.memory_space<hbm>> -> memref<64x256xf32, #tpu.memory_space<hbm>>
    tpu.wait_dma2 semaphore(%arg23 : memref<!tpu.dma_semaphore, #tpu.memory_space<semaphore_mem>>) src(%arg11 : memref<64x256xf32, #tpu.memory_space<vmem>>) dst(%dma_wait3A_445 : memref<64x256xf32, #tpu.memory_space<hbm>>)
    %dma_start3A_446 = arith.constant 1664 : i32
    %dma_start3A_447 = tpu.memref_slice %arg7[%dma_start3A_446] : memref<2048xi32, #tpu.memory_space<vmem>> -> memref<64xi32, #tpu.memory_space<vmem>>
    %dma_start3A_448 = arith.constant 0 : i32
    %dma_start3A_449 = arith.constant 0 : i32
    %dma_start3A_450 = tpu.memref_slice %arg2[%dma_start3A_448, %dma_start3A_449] : memref<65536x256xf32, #tpu.memory_space<hbm>> -> memref<65536x256xf32, #tpu.memory_space<hbm>>
    tpu.enqueue_indirect_dma source(%dma_start3A_450 : memref<65536x256xf32, #tpu.memory_space<hbm>>) target(%arg11 : memref<64x256xf32, #tpu.memory_space<vmem>>) offsets(%dma_start3A_447 : memref<64xi32, #tpu.memory_space<vmem>>) semaphore(%arg17 : memref<!tpu.dma_semaphore, #tpu.memory_space<semaphore_mem>>)
    %dma_wait3A_451 = arith.constant 1344 : i32
    %dma_wait3A_452 = tpu.memref_slice %arg7[%dma_wait3A_451] : memref<2048xi32, #tpu.memory_space<vmem>> -> memref<64xi32, #tpu.memory_space<vmem>>
    %dma_wait3A_453 = arith.constant 0 : i32
    %dma_wait3A_454 = arith.constant 0 : i32
    %dma_wait3A_455 = tpu.memref_slice %arg2[%dma_wait3A_453, %dma_wait3A_454] : memref<65536x256xf32, #tpu.memory_space<hbm>> -> memref<65536x256xf32, #tpu.memory_space<hbm>>
    tpu.wait_indirect_dma semaphore(%arg18 : memref<!tpu.dma_semaphore, #tpu.memory_space<semaphore_mem>>) src(%dma_wait3A_455 : memref<65536x256xf32, #tpu.memory_space<hbm>>) dst(%arg12 : memref<64x256xf32, #tpu.memory_space<vmem>>)
    %add3A_456 = arith.constant 1344 : i32
    %add3A_457 = arith.addi %mul3A_2, %add3A_456 : i32
    %dma_start3A_458 = arith.constant 0 : i32
    %dma_start3A_459 = tpu.memref_slice %arg5[%add3A_457, %dma_start3A_458] : memref<65536x256xf32, #tpu.memory_space<hbm>> -> memref<64x256xf32, #tpu.memory_space<hbm>>
    %dma_start3A_460 = arith.constant 0 : i32
    %dma_start3A_461 = tpu.memref_slice %arg5[%add3A_457, %dma_start3A_460] : memref<65536x256xf32, #tpu.memory_space<hbm>> -> memref<64x256xf32, #tpu.memory_space<hbm>>
    tpu.enqueue_dma source(%arg12 : memref<64x256xf32, #tpu.memory_space<vmem>>) target(%dma_start3A_461 : memref<64x256xf32, #tpu.memory_space<hbm>>) target_semaphore(%arg24 : memref<!tpu.dma_semaphore, #tpu.memory_space<semaphore_mem>>)
    %dma_wait3A_462 = arith.constant 0 : i32
    %dma_wait3A_463 = tpu.memref_slice %arg5[%add3A_457, %dma_wait3A_462] : memref<65536x256xf32, #tpu.memory_space<hbm>> -> memref<64x256xf32, #tpu.memory_space<hbm>>
    %dma_wait3A_464 = arith.constant 0 : i32
    %dma_wait3A_465 = tpu.memref_slice %arg5[%add3A_457, %dma_wait3A_464] : memref<65536x256xf32, #tpu.memory_space<hbm>> -> memref<64x256xf32, #tpu.memory_space<hbm>>
    tpu.wait_dma2 semaphore(%arg24 : memref<!tpu.dma_semaphore, #tpu.memory_space<semaphore_mem>>) src(%arg12 : memref<64x256xf32, #tpu.memory_space<vmem>>) dst(%dma_wait3A_465 : memref<64x256xf32, #tpu.memory_space<hbm>>)
    %dma_start3A_466 = arith.constant 1728 : i32
    %dma_start3A_467 = tpu.memref_slice %arg7[%dma_start3A_466] : memref<2048xi32, #tpu.memory_space<vmem>> -> memref<64xi32, #tpu.memory_space<vmem>>
    %dma_start3A_468 = arith.constant 0 : i32
    %dma_start3A_469 = arith.constant 0 : i32
    %dma_start3A_470 = tpu.memref_slice %arg2[%dma_start3A_468, %dma_start3A_469] : memref<65536x256xf32, #tpu.memory_space<hbm>> -> memref<65536x256xf32, #tpu.memory_space<hbm>>
    tpu.enqueue_indirect_dma source(%dma_start3A_470 : memref<65536x256xf32, #tpu.memory_space<hbm>>) target(%arg12 : memref<64x256xf32, #tpu.memory_space<vmem>>) offsets(%dma_start3A_467 : memref<64xi32, #tpu.memory_space<vmem>>) semaphore(%arg18 : memref<!tpu.dma_semaphore, #tpu.memory_space<semaphore_mem>>)
    %dma_wait3A_471 = arith.constant 1408 : i32
    %dma_wait3A_472 = tpu.memref_slice %arg7[%dma_wait3A_471] : memref<2048xi32, #tpu.memory_space<vmem>> -> memref<64xi32, #tpu.memory_space<vmem>>
    %dma_wait3A_473 = arith.constant 0 : i32
    %dma_wait3A_474 = arith.constant 0 : i32
    %dma_wait3A_475 = tpu.memref_slice %arg2[%dma_wait3A_473, %dma_wait3A_474] : memref<65536x256xf32, #tpu.memory_space<hbm>> -> memref<65536x256xf32, #tpu.memory_space<hbm>>
    tpu.wait_indirect_dma semaphore(%arg19 : memref<!tpu.dma_semaphore, #tpu.memory_space<semaphore_mem>>) src(%dma_wait3A_475 : memref<65536x256xf32, #tpu.memory_space<hbm>>) dst(%arg13 : memref<64x256xf32, #tpu.memory_space<vmem>>)
    %add3A_476 = arith.constant 1408 : i32
    %add3A_477 = arith.addi %mul3A_2, %add3A_476 : i32
    %dma_start3A_478 = arith.constant 0 : i32
    %dma_start3A_479 = tpu.memref_slice %arg5[%add3A_477, %dma_start3A_478] : memref<65536x256xf32, #tpu.memory_space<hbm>> -> memref<64x256xf32, #tpu.memory_space<hbm>>
    %dma_start3A_480 = arith.constant 0 : i32
    %dma_start3A_481 = tpu.memref_slice %arg5[%add3A_477, %dma_start3A_480] : memref<65536x256xf32, #tpu.memory_space<hbm>> -> memref<64x256xf32, #tpu.memory_space<hbm>>
    tpu.enqueue_dma source(%arg13 : memref<64x256xf32, #tpu.memory_space<vmem>>) target(%dma_start3A_481 : memref<64x256xf32, #tpu.memory_space<hbm>>) target_semaphore(%arg25 : memref<!tpu.dma_semaphore, #tpu.memory_space<semaphore_mem>>)
    %dma_wait3A_482 = arith.constant 0 : i32
    %dma_wait3A_483 = tpu.memref_slice %arg5[%add3A_477, %dma_wait3A_482] : memref<65536x256xf32, #tpu.memory_space<hbm>> -> memref<64x256xf32, #tpu.memory_space<hbm>>
    %dma_wait3A_484 = arith.constant 0 : i32
    %dma_wait3A_485 = tpu.memref_slice %arg5[%add3A_477, %dma_wait3A_484] : memref<65536x256xf32, #tpu.memory_space<hbm>> -> memref<64x256xf32, #tpu.memory_space<hbm>>
    tpu.wait_dma2 semaphore(%arg25 : memref<!tpu.dma_semaphore, #tpu.memory_space<semaphore_mem>>) src(%arg13 : memref<64x256xf32, #tpu.memory_space<vmem>>) dst(%dma_wait3A_485 : memref<64x256xf32, #tpu.memory_space<hbm>>)
    %dma_start3A_486 = arith.constant 1792 : i32
    %dma_start3A_487 = tpu.memref_slice %arg7[%dma_start3A_486] : memref<2048xi32, #tpu.memory_space<vmem>> -> memref<64xi32, #tpu.memory_space<vmem>>
    %dma_start3A_488 = arith.constant 0 : i32
    %dma_start3A_489 = arith.constant 0 : i32
    %dma_start3A_490 = tpu.memref_slice %arg2[%dma_start3A_488, %dma_start3A_489] : memref<65536x256xf32, #tpu.memory_space<hbm>> -> memref<65536x256xf32, #tpu.memory_space<hbm>>
    tpu.enqueue_indirect_dma source(%dma_start3A_490 : memref<65536x256xf32, #tpu.memory_space<hbm>>) target(%arg13 : memref<64x256xf32, #tpu.memory_space<vmem>>) offsets(%dma_start3A_487 : memref<64xi32, #tpu.memory_space<vmem>>) semaphore(%arg19 : memref<!tpu.dma_semaphore, #tpu.memory_space<semaphore_mem>>)
    %dma_wait3A_491 = arith.constant 1472 : i32
    %dma_wait3A_492 = tpu.memref_slice %arg7[%dma_wait3A_491] : memref<2048xi32, #tpu.memory_space<vmem>> -> memref<64xi32, #tpu.memory_space<vmem>>
    %dma_wait3A_493 = arith.constant 0 : i32
    %dma_wait3A_494 = arith.constant 0 : i32
    %dma_wait3A_495 = tpu.memref_slice %arg2[%dma_wait3A_493, %dma_wait3A_494] : memref<65536x256xf32, #tpu.memory_space<hbm>> -> memref<65536x256xf32, #tpu.memory_space<hbm>>
    tpu.wait_indirect_dma semaphore(%arg20 : memref<!tpu.dma_semaphore, #tpu.memory_space<semaphore_mem>>) src(%dma_wait3A_495 : memref<65536x256xf32, #tpu.memory_space<hbm>>) dst(%arg14 : memref<64x256xf32, #tpu.memory_space<vmem>>)
    %add3A_496 = arith.constant 1472 : i32
    %add3A_497 = arith.addi %mul3A_2, %add3A_496 : i32
    %dma_start3A_498 = arith.constant 0 : i32
    %dma_start3A_499 = tpu.memref_slice %arg5[%add3A_497, %dma_start3A_498] : memref<65536x256xf32, #tpu.memory_space<hbm>> -> memref<64x256xf32, #tpu.memory_space<hbm>>
    %dma_start3A_500 = arith.constant 0 : i32
    %dma_start3A_501 = tpu.memref_slice %arg5[%add3A_497, %dma_start3A_500] : memref<65536x256xf32, #tpu.memory_space<hbm>> -> memref<64x256xf32, #tpu.memory_space<hbm>>
    tpu.enqueue_dma source(%arg14 : memref<64x256xf32, #tpu.memory_space<vmem>>) target(%dma_start3A_501 : memref<64x256xf32, #tpu.memory_space<hbm>>) target_semaphore(%arg26 : memref<!tpu.dma_semaphore, #tpu.memory_space<semaphore_mem>>)
    %dma_wait3A_502 = arith.constant 0 : i32
    %dma_wait3A_503 = tpu.memref_slice %arg5[%add3A_497, %dma_wait3A_502] : memref<65536x256xf32, #tpu.memory_space<hbm>> -> memref<64x256xf32, #tpu.memory_space<hbm>>
    %dma_wait3A_504 = arith.constant 0 : i32
    %dma_wait3A_505 = tpu.memref_slice %arg5[%add3A_497, %dma_wait3A_504] : memref<65536x256xf32, #tpu.memory_space<hbm>> -> memref<64x256xf32, #tpu.memory_space<hbm>>
    tpu.wait_dma2 semaphore(%arg26 : memref<!tpu.dma_semaphore, #tpu.memory_space<semaphore_mem>>) src(%arg14 : memref<64x256xf32, #tpu.memory_space<vmem>>) dst(%dma_wait3A_505 : memref<64x256xf32, #tpu.memory_space<hbm>>)
    %dma_start3A_506 = arith.constant 1856 : i32
    %dma_start3A_507 = tpu.memref_slice %arg7[%dma_start3A_506] : memref<2048xi32, #tpu.memory_space<vmem>> -> memref<64xi32, #tpu.memory_space<vmem>>
    %dma_start3A_508 = arith.constant 0 : i32
    %dma_start3A_509 = arith.constant 0 : i32
    %dma_start3A_510 = tpu.memref_slice %arg2[%dma_start3A_508, %dma_start3A_509] : memref<65536x256xf32, #tpu.memory_space<hbm>> -> memref<65536x256xf32, #tpu.memory_space<hbm>>
    tpu.enqueue_indirect_dma source(%dma_start3A_510 : memref<65536x256xf32, #tpu.memory_space<hbm>>) target(%arg14 : memref<64x256xf32, #tpu.memory_space<vmem>>) offsets(%dma_start3A_507 : memref<64xi32, #tpu.memory_space<vmem>>) semaphore(%arg20 : memref<!tpu.dma_semaphore, #tpu.memory_space<semaphore_mem>>)
    %dma_wait3A_511 = arith.constant 1536 : i32
    %dma_wait3A_512 = tpu.memref_slice %arg7[%dma_wait3A_511] : memref<2048xi32, #tpu.memory_space<vmem>> -> memref<64xi32, #tpu.memory_space<vmem>>
    %dma_wait3A_513 = arith.constant 0 : i32
    %dma_wait3A_514 = arith.constant 0 : i32
    %dma_wait3A_515 = tpu.memref_slice %arg2[%dma_wait3A_513, %dma_wait3A_514] : memref<65536x256xf32, #tpu.memory_space<hbm>> -> memref<65536x256xf32, #tpu.memory_space<hbm>>
    tpu.wait_indirect_dma semaphore(%arg15 : memref<!tpu.dma_semaphore, #tpu.memory_space<semaphore_mem>>) src(%dma_wait3A_515 : memref<65536x256xf32, #tpu.memory_space<hbm>>) dst(%arg9 : memref<64x256xf32, #tpu.memory_space<vmem>>)
    %add3A_516 = arith.constant 1536 : i32
    %add3A_517 = arith.addi %mul3A_2, %add3A_516 : i32
    %dma_start3A_518 = arith.constant 0 : i32
    %dma_start3A_519 = tpu.memref_slice %arg5[%add3A_517, %dma_start3A_518] : memref<65536x256xf32, #tpu.memory_space<hbm>> -> memref<64x256xf32, #tpu.memory_space<hbm>>
    %dma_start3A_520 = arith.constant 0 : i32
    %dma_start3A_521 = tpu.memref_slice %arg5[%add3A_517, %dma_start3A_520] : memref<65536x256xf32, #tpu.memory_space<hbm>> -> memref<64x256xf32, #tpu.memory_space<hbm>>
    tpu.enqueue_dma source(%arg9 : memref<64x256xf32, #tpu.memory_space<vmem>>) target(%dma_start3A_521 : memref<64x256xf32, #tpu.memory_space<hbm>>) target_semaphore(%arg21 : memref<!tpu.dma_semaphore, #tpu.memory_space<semaphore_mem>>)
    %dma_wait3A_522 = arith.constant 0 : i32
    %dma_wait3A_523 = tpu.memref_slice %arg5[%add3A_517, %dma_wait3A_522] : memref<65536x256xf32, #tpu.memory_space<hbm>> -> memref<64x256xf32, #tpu.memory_space<hbm>>
    %dma_wait3A_524 = arith.constant 0 : i32
    %dma_wait3A_525 = tpu.memref_slice %arg5[%add3A_517, %dma_wait3A_524] : memref<65536x256xf32, #tpu.memory_space<hbm>> -> memref<64x256xf32, #tpu.memory_space<hbm>>
    tpu.wait_dma2 semaphore(%arg21 : memref<!tpu.dma_semaphore, #tpu.memory_space<semaphore_mem>>) src(%arg9 : memref<64x256xf32, #tpu.memory_space<vmem>>) dst(%dma_wait3A_525 : memref<64x256xf32, #tpu.memory_space<hbm>>)
    %dma_start3A_526 = arith.constant 1920 : i32
    %dma_start3A_527 = tpu.memref_slice %arg7[%dma_start3A_526] : memref<2048xi32, #tpu.memory_space<vmem>> -> memref<64xi32, #tpu.memory_space<vmem>>
    %dma_start3A_528 = arith.constant 0 : i32
    %dma_start3A_529 = arith.constant 0 : i32
    %dma_start3A_530 = tpu.memref_slice %arg2[%dma_start3A_528, %dma_start3A_529] : memref<65536x256xf32, #tpu.memory_space<hbm>> -> memref<65536x256xf32, #tpu.memory_space<hbm>>
    tpu.enqueue_indirect_dma source(%dma_start3A_530 : memref<65536x256xf32, #tpu.memory_space<hbm>>) target(%arg9 : memref<64x256xf32, #tpu.memory_space<vmem>>) offsets(%dma_start3A_527 : memref<64xi32, #tpu.memory_space<vmem>>) semaphore(%arg15 : memref<!tpu.dma_semaphore, #tpu.memory_space<semaphore_mem>>)
    %dma_wait3A_531 = arith.constant 1600 : i32
    %dma_wait3A_532 = tpu.memref_slice %arg7[%dma_wait3A_531] : memref<2048xi32, #tpu.memory_space<vmem>> -> memref<64xi32, #tpu.memory_space<vmem>>
    %dma_wait3A_533 = arith.constant 0 : i32
    %dma_wait3A_534 = arith.constant 0 : i32
    %dma_wait3A_535 = tpu.memref_slice %arg2[%dma_wait3A_533, %dma_wait3A_534] : memref<65536x256xf32, #tpu.memory_space<hbm>> -> memref<65536x256xf32, #tpu.memory_space<hbm>>
    tpu.wait_indirect_dma semaphore(%arg16 : memref<!tpu.dma_semaphore, #tpu.memory_space<semaphore_mem>>) src(%dma_wait3A_535 : memref<65536x256xf32, #tpu.memory_space<hbm>>) dst(%arg10 : memref<64x256xf32, #tpu.memory_space<vmem>>)
    %add3A_536 = arith.constant 1600 : i32
    %add3A_537 = arith.addi %mul3A_2, %add3A_536 : i32
    %dma_start3A_538 = arith.constant 0 : i32
    %dma_start3A_539 = tpu.memref_slice %arg5[%add3A_537, %dma_start3A_538] : memref<65536x256xf32, #tpu.memory_space<hbm>> -> memref<64x256xf32, #tpu.memory_space<hbm>>
    %dma_start3A_540 = arith.constant 0 : i32
    %dma_start3A_541 = tpu.memref_slice %arg5[%add3A_537, %dma_start3A_540] : memref<65536x256xf32, #tpu.memory_space<hbm>> -> memref<64x256xf32, #tpu.memory_space<hbm>>
    tpu.enqueue_dma source(%arg10 : memref<64x256xf32, #tpu.memory_space<vmem>>) target(%dma_start3A_541 : memref<64x256xf32, #tpu.memory_space<hbm>>) target_semaphore(%arg22 : memref<!tpu.dma_semaphore, #tpu.memory_space<semaphore_mem>>)
    %dma_wait3A_542 = arith.constant 0 : i32
    %dma_wait3A_543 = tpu.memref_slice %arg5[%add3A_537, %dma_wait3A_542] : memref<65536x256xf32, #tpu.memory_space<hbm>> -> memref<64x256xf32, #tpu.memory_space<hbm>>
    %dma_wait3A_544 = arith.constant 0 : i32
    %dma_wait3A_545 = tpu.memref_slice %arg5[%add3A_537, %dma_wait3A_544] : memref<65536x256xf32, #tpu.memory_space<hbm>> -> memref<64x256xf32, #tpu.memory_space<hbm>>
    tpu.wait_dma2 semaphore(%arg22 : memref<!tpu.dma_semaphore, #tpu.memory_space<semaphore_mem>>) src(%arg10 : memref<64x256xf32, #tpu.memory_space<vmem>>) dst(%dma_wait3A_545 : memref<64x256xf32, #tpu.memory_space<hbm>>)
    %dma_start3A_546 = arith.constant 1984 : i32
    %dma_start3A_547 = tpu.memref_slice %arg7[%dma_start3A_546] : memref<2048xi32, #tpu.memory_space<vmem>> -> memref<64xi32, #tpu.memory_space<vmem>>
    %dma_start3A_548 = arith.constant 0 : i32
    %dma_start3A_549 = arith.constant 0 : i32
    %dma_start3A_550 = tpu.memref_slice %arg2[%dma_start3A_548, %dma_start3A_549] : memref<65536x256xf32, #tpu.memory_space<hbm>> -> memref<65536x256xf32, #tpu.memory_space<hbm>>
    tpu.enqueue_indirect_dma source(%dma_start3A_550 : memref<65536x256xf32, #tpu.memory_space<hbm>>) target(%arg10 : memref<64x256xf32, #tpu.memory_space<vmem>>) offsets(%dma_start3A_547 : memref<64xi32, #tpu.memory_space<vmem>>) semaphore(%arg16 : memref<!tpu.dma_semaphore, #tpu.memory_space<semaphore_mem>>)
    %dma_wait3A_551 = arith.constant 1664 : i32
    %dma_wait3A_552 = tpu.memref_slice %arg7[%dma_wait3A_551] : memref<2048xi32, #tpu.memory_space<vmem>> -> memref<64xi32, #tpu.memory_space<vmem>>
    %dma_wait3A_553 = arith.constant 0 : i32
    %dma_wait3A_554 = arith.constant 0 : i32
    %dma_wait3A_555 = tpu.memref_slice %arg2[%dma_wait3A_553, %dma_wait3A_554] : memref<65536x256xf32, #tpu.memory_space<hbm>> -> memref<65536x256xf32, #tpu.memory_space<hbm>>
    tpu.wait_indirect_dma semaphore(%arg17 : memref<!tpu.dma_semaphore, #tpu.memory_space<semaphore_mem>>) src(%dma_wait3A_555 : memref<65536x256xf32, #tpu.memory_space<hbm>>) dst(%arg11 : memref<64x256xf32, #tpu.memory_space<vmem>>)
    %add3A_556 = arith.constant 1664 : i32
    %add3A_557 = arith.addi %mul3A_2, %add3A_556 : i32
    %dma_start3A_558 = arith.constant 0 : i32
    %dma_start3A_559 = tpu.memref_slice %arg5[%add3A_557, %dma_start3A_558] : memref<65536x256xf32, #tpu.memory_space<hbm>> -> memref<64x256xf32, #tpu.memory_space<hbm>>
    %dma_start3A_560 = arith.constant 0 : i32
    %dma_start3A_561 = tpu.memref_slice %arg5[%add3A_557, %dma_start3A_560] : memref<65536x256xf32, #tpu.memory_space<hbm>> -> memref<64x256xf32, #tpu.memory_space<hbm>>
    tpu.enqueue_dma source(%arg11 : memref<64x256xf32, #tpu.memory_space<vmem>>) target(%dma_start3A_561 : memref<64x256xf32, #tpu.memory_space<hbm>>) target_semaphore(%arg23 : memref<!tpu.dma_semaphore, #tpu.memory_space<semaphore_mem>>)
    %dma_wait3A_562 = arith.constant 0 : i32
    %dma_wait3A_563 = tpu.memref_slice %arg5[%add3A_557, %dma_wait3A_562] : memref<65536x256xf32, #tpu.memory_space<hbm>> -> memref<64x256xf32, #tpu.memory_space<hbm>>
    %dma_wait3A_564 = arith.constant 0 : i32
    %dma_wait3A_565 = tpu.memref_slice %arg5[%add3A_557, %dma_wait3A_564] : memref<65536x256xf32, #tpu.memory_space<hbm>> -> memref<64x256xf32, #tpu.memory_space<hbm>>
    tpu.wait_dma2 semaphore(%arg23 : memref<!tpu.dma_semaphore, #tpu.memory_space<semaphore_mem>>) src(%arg11 : memref<64x256xf32, #tpu.memory_space<vmem>>) dst(%dma_wait3A_565 : memref<64x256xf32, #tpu.memory_space<hbm>>)
    %dma_start3A_566 = arith.constant 0 : i32
    %dma_start3A_567 = tpu.memref_slice %arg8[%dma_start3A_566] : memref<2048xi32, #tpu.memory_space<vmem>> -> memref<64xi32, #tpu.memory_space<vmem>>
    %dma_start3A_568 = arith.constant 0 : i32
    %dma_start3A_569 = arith.constant 0 : i32
    %dma_start3A_570 = tpu.memref_slice %arg2[%dma_start3A_568, %dma_start3A_569] : memref<65536x256xf32, #tpu.memory_space<hbm>> -> memref<65536x256xf32, #tpu.memory_space<hbm>>
    tpu.enqueue_indirect_dma source(%dma_start3A_570 : memref<65536x256xf32, #tpu.memory_space<hbm>>) target(%arg11 : memref<64x256xf32, #tpu.memory_space<vmem>>) offsets(%dma_start3A_567 : memref<64xi32, #tpu.memory_space<vmem>>) semaphore(%arg17 : memref<!tpu.dma_semaphore, #tpu.memory_space<semaphore_mem>>)
    %dma_wait3A_571 = arith.constant 1728 : i32
    %dma_wait3A_572 = tpu.memref_slice %arg7[%dma_wait3A_571] : memref<2048xi32, #tpu.memory_space<vmem>> -> memref<64xi32, #tpu.memory_space<vmem>>
    %dma_wait3A_573 = arith.constant 0 : i32
    %dma_wait3A_574 = arith.constant 0 : i32
    %dma_wait3A_575 = tpu.memref_slice %arg2[%dma_wait3A_573, %dma_wait3A_574] : memref<65536x256xf32, #tpu.memory_space<hbm>> -> memref<65536x256xf32, #tpu.memory_space<hbm>>
    tpu.wait_indirect_dma semaphore(%arg18 : memref<!tpu.dma_semaphore, #tpu.memory_space<semaphore_mem>>) src(%dma_wait3A_575 : memref<65536x256xf32, #tpu.memory_space<hbm>>) dst(%arg12 : memref<64x256xf32, #tpu.memory_space<vmem>>)
    %add3A_576 = arith.constant 1728 : i32
    %add3A_577 = arith.addi %mul3A_2, %add3A_576 : i32
    %dma_start3A_578 = arith.constant 0 : i32
    %dma_start3A_579 = tpu.memref_slice %arg5[%add3A_577, %dma_start3A_578] : memref<65536x256xf32, #tpu.memory_space<hbm>> -> memref<64x256xf32, #tpu.memory_space<hbm>>
    %dma_start3A_580 = arith.constant 0 : i32
    %dma_start3A_581 = tpu.memref_slice %arg5[%add3A_577, %dma_start3A_580] : memref<65536x256xf32, #tpu.memory_space<hbm>> -> memref<64x256xf32, #tpu.memory_space<hbm>>
    tpu.enqueue_dma source(%arg12 : memref<64x256xf32, #tpu.memory_space<vmem>>) target(%dma_start3A_581 : memref<64x256xf32, #tpu.memory_space<hbm>>) target_semaphore(%arg24 : memref<!tpu.dma_semaphore, #tpu.memory_space<semaphore_mem>>)
    %dma_wait3A_582 = arith.constant 0 : i32
    %dma_wait3A_583 = tpu.memref_slice %arg5[%add3A_577, %dma_wait3A_582] : memref<65536x256xf32, #tpu.memory_space<hbm>> -> memref<64x256xf32, #tpu.memory_space<hbm>>
    %dma_wait3A_584 = arith.constant 0 : i32
    %dma_wait3A_585 = tpu.memref_slice %arg5[%add3A_577, %dma_wait3A_584] : memref<65536x256xf32, #tpu.memory_space<hbm>> -> memref<64x256xf32, #tpu.memory_space<hbm>>
    tpu.wait_dma2 semaphore(%arg24 : memref<!tpu.dma_semaphore, #tpu.memory_space<semaphore_mem>>) src(%arg12 : memref<64x256xf32, #tpu.memory_space<vmem>>) dst(%dma_wait3A_585 : memref<64x256xf32, #tpu.memory_space<hbm>>)
    %dma_start3A_586 = arith.constant 64 : i32
    %dma_start3A_587 = tpu.memref_slice %arg8[%dma_start3A_586] : memref<2048xi32, #tpu.memory_space<vmem>> -> memref<64xi32, #tpu.memory_space<vmem>>
    %dma_start3A_588 = arith.constant 0 : i32
    %dma_start3A_589 = arith.constant 0 : i32
    %dma_start3A_590 = tpu.memref_slice %arg2[%dma_start3A_588, %dma_start3A_589] : memref<65536x256xf32, #tpu.memory_space<hbm>> -> memref<65536x256xf32, #tpu.memory_space<hbm>>
    tpu.enqueue_indirect_dma source(%dma_start3A_590 : memref<65536x256xf32, #tpu.memory_space<hbm>>) target(%arg12 : memref<64x256xf32, #tpu.memory_space<vmem>>) offsets(%dma_start3A_587 : memref<64xi32, #tpu.memory_space<vmem>>) semaphore(%arg18 : memref<!tpu.dma_semaphore, #tpu.memory_space<semaphore_mem>>)
    %dma_wait3A_591 = arith.constant 1792 : i32
    %dma_wait3A_592 = tpu.memref_slice %arg7[%dma_wait3A_591] : memref<2048xi32, #tpu.memory_space<vmem>> -> memref<64xi32, #tpu.memory_space<vmem>>
    %dma_wait3A_593 = arith.constant 0 : i32
    %dma_wait3A_594 = arith.constant 0 : i32
    %dma_wait3A_595 = tpu.memref_slice %arg2[%dma_wait3A_593, %dma_wait3A_594] : memref<65536x256xf32, #tpu.memory_space<hbm>> -> memref<65536x256xf32, #tpu.memory_space<hbm>>
    tpu.wait_indirect_dma semaphore(%arg19 : memref<!tpu.dma_semaphore, #tpu.memory_space<semaphore_mem>>) src(%dma_wait3A_595 : memref<65536x256xf32, #tpu.memory_space<hbm>>) dst(%arg13 : memref<64x256xf32, #tpu.memory_space<vmem>>)
    %add3A_596 = arith.constant 1792 : i32
    %add3A_597 = arith.addi %mul3A_2, %add3A_596 : i32
    %dma_start3A_598 = arith.constant 0 : i32
    %dma_start3A_599 = tpu.memref_slice %arg5[%add3A_597, %dma_start3A_598] : memref<65536x256xf32, #tpu.memory_space<hbm>> -> memref<64x256xf32, #tpu.memory_space<hbm>>
    %dma_start3A_600 = arith.constant 0 : i32
    %dma_start3A_601 = tpu.memref_slice %arg5[%add3A_597, %dma_start3A_600] : memref<65536x256xf32, #tpu.memory_space<hbm>> -> memref<64x256xf32, #tpu.memory_space<hbm>>
    tpu.enqueue_dma source(%arg13 : memref<64x256xf32, #tpu.memory_space<vmem>>) target(%dma_start3A_601 : memref<64x256xf32, #tpu.memory_space<hbm>>) target_semaphore(%arg25 : memref<!tpu.dma_semaphore, #tpu.memory_space<semaphore_mem>>)
    %dma_wait3A_602 = arith.constant 0 : i32
    %dma_wait3A_603 = tpu.memref_slice %arg5[%add3A_597, %dma_wait3A_602] : memref<65536x256xf32, #tpu.memory_space<hbm>> -> memref<64x256xf32, #tpu.memory_space<hbm>>
    %dma_wait3A_604 = arith.constant 0 : i32
    %dma_wait3A_605 = tpu.memref_slice %arg5[%add3A_597, %dma_wait3A_604] : memref<65536x256xf32, #tpu.memory_space<hbm>> -> memref<64x256xf32, #tpu.memory_space<hbm>>
    tpu.wait_dma2 semaphore(%arg25 : memref<!tpu.dma_semaphore, #tpu.memory_space<semaphore_mem>>) src(%arg13 : memref<64x256xf32, #tpu.memory_space<vmem>>) dst(%dma_wait3A_605 : memref<64x256xf32, #tpu.memory_space<hbm>>)
    %dma_start3A_606 = arith.constant 128 : i32
    %dma_start3A_607 = tpu.memref_slice %arg8[%dma_start3A_606] : memref<2048xi32, #tpu.memory_space<vmem>> -> memref<64xi32, #tpu.memory_space<vmem>>
    %dma_start3A_608 = arith.constant 0 : i32
    %dma_start3A_609 = arith.constant 0 : i32
    %dma_start3A_610 = tpu.memref_slice %arg2[%dma_start3A_608, %dma_start3A_609] : memref<65536x256xf32, #tpu.memory_space<hbm>> -> memref<65536x256xf32, #tpu.memory_space<hbm>>
    tpu.enqueue_indirect_dma source(%dma_start3A_610 : memref<65536x256xf32, #tpu.memory_space<hbm>>) target(%arg13 : memref<64x256xf32, #tpu.memory_space<vmem>>) offsets(%dma_start3A_607 : memref<64xi32, #tpu.memory_space<vmem>>) semaphore(%arg19 : memref<!tpu.dma_semaphore, #tpu.memory_space<semaphore_mem>>)
    %dma_wait3A_611 = arith.constant 1856 : i32
    %dma_wait3A_612 = tpu.memref_slice %arg7[%dma_wait3A_611] : memref<2048xi32, #tpu.memory_space<vmem>> -> memref<64xi32, #tpu.memory_space<vmem>>
    %dma_wait3A_613 = arith.constant 0 : i32
    %dma_wait3A_614 = arith.constant 0 : i32
    %dma_wait3A_615 = tpu.memref_slice %arg2[%dma_wait3A_613, %dma_wait3A_614] : memref<65536x256xf32, #tpu.memory_space<hbm>> -> memref<65536x256xf32, #tpu.memory_space<hbm>>
    tpu.wait_indirect_dma semaphore(%arg20 : memref<!tpu.dma_semaphore, #tpu.memory_space<semaphore_mem>>) src(%dma_wait3A_615 : memref<65536x256xf32, #tpu.memory_space<hbm>>) dst(%arg14 : memref<64x256xf32, #tpu.memory_space<vmem>>)
    %add3A_616 = arith.constant 1856 : i32
    %add3A_617 = arith.addi %mul3A_2, %add3A_616 : i32
    %dma_start3A_618 = arith.constant 0 : i32
    %dma_start3A_619 = tpu.memref_slice %arg5[%add3A_617, %dma_start3A_618] : memref<65536x256xf32, #tpu.memory_space<hbm>> -> memref<64x256xf32, #tpu.memory_space<hbm>>
    %dma_start3A_620 = arith.constant 0 : i32
    %dma_start3A_621 = tpu.memref_slice %arg5[%add3A_617, %dma_start3A_620] : memref<65536x256xf32, #tpu.memory_space<hbm>> -> memref<64x256xf32, #tpu.memory_space<hbm>>
    tpu.enqueue_dma source(%arg14 : memref<64x256xf32, #tpu.memory_space<vmem>>) target(%dma_start3A_621 : memref<64x256xf32, #tpu.memory_space<hbm>>) target_semaphore(%arg26 : memref<!tpu.dma_semaphore, #tpu.memory_space<semaphore_mem>>)
    %dma_wait3A_622 = arith.constant 0 : i32
    %dma_wait3A_623 = tpu.memref_slice %arg5[%add3A_617, %dma_wait3A_622] : memref<65536x256xf32, #tpu.memory_space<hbm>> -> memref<64x256xf32, #tpu.memory_space<hbm>>
    %dma_wait3A_624 = arith.constant 0 : i32
    %dma_wait3A_625 = tpu.memref_slice %arg5[%add3A_617, %dma_wait3A_624] : memref<65536x256xf32, #tpu.memory_space<hbm>> -> memref<64x256xf32, #tpu.memory_space<hbm>>
    tpu.wait_dma2 semaphore(%arg26 : memref<!tpu.dma_semaphore, #tpu.memory_space<semaphore_mem>>) src(%arg14 : memref<64x256xf32, #tpu.memory_space<vmem>>) dst(%dma_wait3A_625 : memref<64x256xf32, #tpu.memory_space<hbm>>)
    %dma_start3A_626 = arith.constant 192 : i32
    %dma_start3A_627 = tpu.memref_slice %arg8[%dma_start3A_626] : memref<2048xi32, #tpu.memory_space<vmem>> -> memref<64xi32, #tpu.memory_space<vmem>>
    %dma_start3A_628 = arith.constant 0 : i32
    %dma_start3A_629 = arith.constant 0 : i32
    %dma_start3A_630 = tpu.memref_slice %arg2[%dma_start3A_628, %dma_start3A_629] : memref<65536x256xf32, #tpu.memory_space<hbm>> -> memref<65536x256xf32, #tpu.memory_space<hbm>>
    tpu.enqueue_indirect_dma source(%dma_start3A_630 : memref<65536x256xf32, #tpu.memory_space<hbm>>) target(%arg14 : memref<64x256xf32, #tpu.memory_space<vmem>>) offsets(%dma_start3A_627 : memref<64xi32, #tpu.memory_space<vmem>>) semaphore(%arg20 : memref<!tpu.dma_semaphore, #tpu.memory_space<semaphore_mem>>)
    %dma_wait3A_631 = arith.constant 1920 : i32
    %dma_wait3A_632 = tpu.memref_slice %arg7[%dma_wait3A_631] : memref<2048xi32, #tpu.memory_space<vmem>> -> memref<64xi32, #tpu.memory_space<vmem>>
    %dma_wait3A_633 = arith.constant 0 : i32
    %dma_wait3A_634 = arith.constant 0 : i32
    %dma_wait3A_635 = tpu.memref_slice %arg2[%dma_wait3A_633, %dma_wait3A_634] : memref<65536x256xf32, #tpu.memory_space<hbm>> -> memref<65536x256xf32, #tpu.memory_space<hbm>>
    tpu.wait_indirect_dma semaphore(%arg15 : memref<!tpu.dma_semaphore, #tpu.memory_space<semaphore_mem>>) src(%dma_wait3A_635 : memref<65536x256xf32, #tpu.memory_space<hbm>>) dst(%arg9 : memref<64x256xf32, #tpu.memory_space<vmem>>)
    %add3A_636 = arith.constant 1920 : i32
    %add3A_637 = arith.addi %mul3A_2, %add3A_636 : i32
    %dma_start3A_638 = arith.constant 0 : i32
    %dma_start3A_639 = tpu.memref_slice %arg5[%add3A_637, %dma_start3A_638] : memref<65536x256xf32, #tpu.memory_space<hbm>> -> memref<64x256xf32, #tpu.memory_space<hbm>>
    %dma_start3A_640 = arith.constant 0 : i32
    %dma_start3A_641 = tpu.memref_slice %arg5[%add3A_637, %dma_start3A_640] : memref<65536x256xf32, #tpu.memory_space<hbm>> -> memref<64x256xf32, #tpu.memory_space<hbm>>
    tpu.enqueue_dma source(%arg9 : memref<64x256xf32, #tpu.memory_space<vmem>>) target(%dma_start3A_641 : memref<64x256xf32, #tpu.memory_space<hbm>>) target_semaphore(%arg21 : memref<!tpu.dma_semaphore, #tpu.memory_space<semaphore_mem>>)
    %dma_wait3A_642 = arith.constant 0 : i32
    %dma_wait3A_643 = tpu.memref_slice %arg5[%add3A_637, %dma_wait3A_642] : memref<65536x256xf32, #tpu.memory_space<hbm>> -> memref<64x256xf32, #tpu.memory_space<hbm>>
    %dma_wait3A_644 = arith.constant 0 : i32
    %dma_wait3A_645 = tpu.memref_slice %arg5[%add3A_637, %dma_wait3A_644] : memref<65536x256xf32, #tpu.memory_space<hbm>> -> memref<64x256xf32, #tpu.memory_space<hbm>>
    tpu.wait_dma2 semaphore(%arg21 : memref<!tpu.dma_semaphore, #tpu.memory_space<semaphore_mem>>) src(%arg9 : memref<64x256xf32, #tpu.memory_space<vmem>>) dst(%dma_wait3A_645 : memref<64x256xf32, #tpu.memory_space<hbm>>)
    %dma_start3A_646 = arith.constant 256 : i32
    %dma_start3A_647 = tpu.memref_slice %arg8[%dma_start3A_646] : memref<2048xi32, #tpu.memory_space<vmem>> -> memref<64xi32, #tpu.memory_space<vmem>>
    %dma_start3A_648 = arith.constant 0 : i32
    %dma_start3A_649 = arith.constant 0 : i32
    %dma_start3A_650 = tpu.memref_slice %arg2[%dma_start3A_648, %dma_start3A_649] : memref<65536x256xf32, #tpu.memory_space<hbm>> -> memref<65536x256xf32, #tpu.memory_space<hbm>>
    tpu.enqueue_indirect_dma source(%dma_start3A_650 : memref<65536x256xf32, #tpu.memory_space<hbm>>) target(%arg9 : memref<64x256xf32, #tpu.memory_space<vmem>>) offsets(%dma_start3A_647 : memref<64xi32, #tpu.memory_space<vmem>>) semaphore(%arg15 : memref<!tpu.dma_semaphore, #tpu.memory_space<semaphore_mem>>)
    %dma_wait3A_651 = arith.constant 1984 : i32
    %dma_wait3A_652 = tpu.memref_slice %arg7[%dma_wait3A_651] : memref<2048xi32, #tpu.memory_space<vmem>> -> memref<64xi32, #tpu.memory_space<vmem>>
    %dma_wait3A_653 = arith.constant 0 : i32
    %dma_wait3A_654 = arith.constant 0 : i32
    %dma_wait3A_655 = tpu.memref_slice %arg2[%dma_wait3A_653, %dma_wait3A_654] : memref<65536x256xf32, #tpu.memory_space<hbm>> -> memref<65536x256xf32, #tpu.memory_space<hbm>>
    tpu.wait_indirect_dma semaphore(%arg16 : memref<!tpu.dma_semaphore, #tpu.memory_space<semaphore_mem>>) src(%dma_wait3A_655 : memref<65536x256xf32, #tpu.memory_space<hbm>>) dst(%arg10 : memref<64x256xf32, #tpu.memory_space<vmem>>)
    %add3A_656 = arith.constant 1984 : i32
    %add3A_657 = arith.addi %mul3A_2, %add3A_656 : i32
    %dma_start3A_658 = arith.constant 0 : i32
    %dma_start3A_659 = tpu.memref_slice %arg5[%add3A_657, %dma_start3A_658] : memref<65536x256xf32, #tpu.memory_space<hbm>> -> memref<64x256xf32, #tpu.memory_space<hbm>>
    %dma_start3A_660 = arith.constant 0 : i32
    %dma_start3A_661 = tpu.memref_slice %arg5[%add3A_657, %dma_start3A_660] : memref<65536x256xf32, #tpu.memory_space<hbm>> -> memref<64x256xf32, #tpu.memory_space<hbm>>
    tpu.enqueue_dma source(%arg10 : memref<64x256xf32, #tpu.memory_space<vmem>>) target(%dma_start3A_661 : memref<64x256xf32, #tpu.memory_space<hbm>>) target_semaphore(%arg22 : memref<!tpu.dma_semaphore, #tpu.memory_space<semaphore_mem>>)
    %dma_wait3A_662 = arith.constant 0 : i32
    %dma_wait3A_663 = tpu.memref_slice %arg5[%add3A_657, %dma_wait3A_662] : memref<65536x256xf32, #tpu.memory_space<hbm>> -> memref<64x256xf32, #tpu.memory_space<hbm>>
    %dma_wait3A_664 = arith.constant 0 : i32
    %dma_wait3A_665 = tpu.memref_slice %arg5[%add3A_657, %dma_wait3A_664] : memref<65536x256xf32, #tpu.memory_space<hbm>> -> memref<64x256xf32, #tpu.memory_space<hbm>>
    tpu.wait_dma2 semaphore(%arg22 : memref<!tpu.dma_semaphore, #tpu.memory_space<semaphore_mem>>) src(%arg10 : memref<64x256xf32, #tpu.memory_space<vmem>>) dst(%dma_wait3A_665 : memref<64x256xf32, #tpu.memory_space<hbm>>)
    %dma_start3A_666 = arith.constant 320 : i32
    %dma_start3A_667 = tpu.memref_slice %arg8[%dma_start3A_666] : memref<2048xi32, #tpu.memory_space<vmem>> -> memref<64xi32, #tpu.memory_space<vmem>>
    %dma_start3A_668 = arith.constant 0 : i32
    %dma_start3A_669 = arith.constant 0 : i32
    %dma_start3A_670 = tpu.memref_slice %arg2[%dma_start3A_668, %dma_start3A_669] : memref<65536x256xf32, #tpu.memory_space<hbm>> -> memref<65536x256xf32, #tpu.memory_space<hbm>>
    tpu.enqueue_indirect_dma source(%dma_start3A_670 : memref<65536x256xf32, #tpu.memory_space<hbm>>) target(%arg10 : memref<64x256xf32, #tpu.memory_space<vmem>>) offsets(%dma_start3A_667 : memref<64xi32, #tpu.memory_space<vmem>>) semaphore(%arg16 : memref<!tpu.dma_semaphore, #tpu.memory_space<semaphore_mem>>)
    %dma_wait3A_671 = arith.constant 0 : i32
    %dma_wait3A_672 = tpu.memref_slice %arg8[%dma_wait3A_671] : memref<2048xi32, #tpu.memory_space<vmem>> -> memref<64xi32, #tpu.memory_space<vmem>>
    %dma_wait3A_673 = arith.constant 0 : i32
    %dma_wait3A_674 = arith.constant 0 : i32
    %dma_wait3A_675 = tpu.memref_slice %arg2[%dma_wait3A_673, %dma_wait3A_674] : memref<65536x256xf32, #tpu.memory_space<hbm>> -> memref<65536x256xf32, #tpu.memory_space<hbm>>
    tpu.wait_indirect_dma semaphore(%arg17 : memref<!tpu.dma_semaphore, #tpu.memory_space<semaphore_mem>>) src(%dma_wait3A_675 : memref<65536x256xf32, #tpu.memory_space<hbm>>) dst(%arg11 : memref<64x256xf32, #tpu.memory_space<vmem>>)
    %add3A_676 = arith.constant 0 : i32
    %add3A_677 = arith.addi %mul3A_2, %add3A_676 : i32
    %dma_start3A_678 = arith.constant 0 : i32
    %dma_start3A_679 = tpu.memref_slice %arg6[%add3A_677, %dma_start3A_678] : memref<65536x256xf32, #tpu.memory_space<hbm>> -> memref<64x256xf32, #tpu.memory_space<hbm>>
    %dma_start3A_680 = arith.constant 0 : i32
    %dma_start3A_681 = tpu.memref_slice %arg6[%add3A_677, %dma_start3A_680] : memref<65536x256xf32, #tpu.memory_space<hbm>> -> memref<64x256xf32, #tpu.memory_space<hbm>>
    tpu.enqueue_dma source(%arg11 : memref<64x256xf32, #tpu.memory_space<vmem>>) target(%dma_start3A_681 : memref<64x256xf32, #tpu.memory_space<hbm>>) target_semaphore(%arg23 : memref<!tpu.dma_semaphore, #tpu.memory_space<semaphore_mem>>)
    %dma_wait3A_682 = arith.constant 0 : i32
    %dma_wait3A_683 = tpu.memref_slice %arg6[%add3A_677, %dma_wait3A_682] : memref<65536x256xf32, #tpu.memory_space<hbm>> -> memref<64x256xf32, #tpu.memory_space<hbm>>
    %dma_wait3A_684 = arith.constant 0 : i32
    %dma_wait3A_685 = tpu.memref_slice %arg6[%add3A_677, %dma_wait3A_684] : memref<65536x256xf32, #tpu.memory_space<hbm>> -> memref<64x256xf32, #tpu.memory_space<hbm>>
    tpu.wait_dma2 semaphore(%arg23 : memref<!tpu.dma_semaphore, #tpu.memory_space<semaphore_mem>>) src(%arg11 : memref<64x256xf32, #tpu.memory_space<vmem>>) dst(%dma_wait3A_685 : memref<64x256xf32, #tpu.memory_space<hbm>>)
    %dma_start3A_686 = arith.constant 384 : i32
    %dma_start3A_687 = tpu.memref_slice %arg8[%dma_start3A_686] : memref<2048xi32, #tpu.memory_space<vmem>> -> memref<64xi32, #tpu.memory_space<vmem>>
    %dma_start3A_688 = arith.constant 0 : i32
    %dma_start3A_689 = arith.constant 0 : i32
    %dma_start3A_690 = tpu.memref_slice %arg2[%dma_start3A_688, %dma_start3A_689] : memref<65536x256xf32, #tpu.memory_space<hbm>> -> memref<65536x256xf32, #tpu.memory_space<hbm>>
    tpu.enqueue_indirect_dma source(%dma_start3A_690 : memref<65536x256xf32, #tpu.memory_space<hbm>>) target(%arg11 : memref<64x256xf32, #tpu.memory_space<vmem>>) offsets(%dma_start3A_687 : memref<64xi32, #tpu.memory_space<vmem>>) semaphore(%arg17 : memref<!tpu.dma_semaphore, #tpu.memory_space<semaphore_mem>>)
    %dma_wait3A_691 = arith.constant 64 : i32
    %dma_wait3A_692 = tpu.memref_slice %arg8[%dma_wait3A_691] : memref<2048xi32, #tpu.memory_space<vmem>> -> memref<64xi32, #tpu.memory_space<vmem>>
    %dma_wait3A_693 = arith.constant 0 : i32
    %dma_wait3A_694 = arith.constant 0 : i32
    %dma_wait3A_695 = tpu.memref_slice %arg2[%dma_wait3A_693, %dma_wait3A_694] : memref<65536x256xf32, #tpu.memory_space<hbm>> -> memref<65536x256xf32, #tpu.memory_space<hbm>>
    tpu.wait_indirect_dma semaphore(%arg18 : memref<!tpu.dma_semaphore, #tpu.memory_space<semaphore_mem>>) src(%dma_wait3A_695 : memref<65536x256xf32, #tpu.memory_space<hbm>>) dst(%arg12 : memref<64x256xf32, #tpu.memory_space<vmem>>)
    %add3A_696 = arith.constant 64 : i32
    %add3A_697 = arith.addi %mul3A_2, %add3A_696 : i32
    %dma_start3A_698 = arith.constant 0 : i32
    %dma_start3A_699 = tpu.memref_slice %arg6[%add3A_697, %dma_start3A_698] : memref<65536x256xf32, #tpu.memory_space<hbm>> -> memref<64x256xf32, #tpu.memory_space<hbm>>
    %dma_start3A_700 = arith.constant 0 : i32
    %dma_start3A_701 = tpu.memref_slice %arg6[%add3A_697, %dma_start3A_700] : memref<65536x256xf32, #tpu.memory_space<hbm>> -> memref<64x256xf32, #tpu.memory_space<hbm>>
    tpu.enqueue_dma source(%arg12 : memref<64x256xf32, #tpu.memory_space<vmem>>) target(%dma_start3A_701 : memref<64x256xf32, #tpu.memory_space<hbm>>) target_semaphore(%arg24 : memref<!tpu.dma_semaphore, #tpu.memory_space<semaphore_mem>>)
    %dma_wait3A_702 = arith.constant 0 : i32
    %dma_wait3A_703 = tpu.memref_slice %arg6[%add3A_697, %dma_wait3A_702] : memref<65536x256xf32, #tpu.memory_space<hbm>> -> memref<64x256xf32, #tpu.memory_space<hbm>>
    %dma_wait3A_704 = arith.constant 0 : i32
    %dma_wait3A_705 = tpu.memref_slice %arg6[%add3A_697, %dma_wait3A_704] : memref<65536x256xf32, #tpu.memory_space<hbm>> -> memref<64x256xf32, #tpu.memory_space<hbm>>
    tpu.wait_dma2 semaphore(%arg24 : memref<!tpu.dma_semaphore, #tpu.memory_space<semaphore_mem>>) src(%arg12 : memref<64x256xf32, #tpu.memory_space<vmem>>) dst(%dma_wait3A_705 : memref<64x256xf32, #tpu.memory_space<hbm>>)
    %dma_start3A_706 = arith.constant 448 : i32
    %dma_start3A_707 = tpu.memref_slice %arg8[%dma_start3A_706] : memref<2048xi32, #tpu.memory_space<vmem>> -> memref<64xi32, #tpu.memory_space<vmem>>
    %dma_start3A_708 = arith.constant 0 : i32
    %dma_start3A_709 = arith.constant 0 : i32
    %dma_start3A_710 = tpu.memref_slice %arg2[%dma_start3A_708, %dma_start3A_709] : memref<65536x256xf32, #tpu.memory_space<hbm>> -> memref<65536x256xf32, #tpu.memory_space<hbm>>
    tpu.enqueue_indirect_dma source(%dma_start3A_710 : memref<65536x256xf32, #tpu.memory_space<hbm>>) target(%arg12 : memref<64x256xf32, #tpu.memory_space<vmem>>) offsets(%dma_start3A_707 : memref<64xi32, #tpu.memory_space<vmem>>) semaphore(%arg18 : memref<!tpu.dma_semaphore, #tpu.memory_space<semaphore_mem>>)
    %dma_wait3A_711 = arith.constant 128 : i32
    %dma_wait3A_712 = tpu.memref_slice %arg8[%dma_wait3A_711] : memref<2048xi32, #tpu.memory_space<vmem>> -> memref<64xi32, #tpu.memory_space<vmem>>
    %dma_wait3A_713 = arith.constant 0 : i32
    %dma_wait3A_714 = arith.constant 0 : i32
    %dma_wait3A_715 = tpu.memref_slice %arg2[%dma_wait3A_713, %dma_wait3A_714] : memref<65536x256xf32, #tpu.memory_space<hbm>> -> memref<65536x256xf32, #tpu.memory_space<hbm>>
    tpu.wait_indirect_dma semaphore(%arg19 : memref<!tpu.dma_semaphore, #tpu.memory_space<semaphore_mem>>) src(%dma_wait3A_715 : memref<65536x256xf32, #tpu.memory_space<hbm>>) dst(%arg13 : memref<64x256xf32, #tpu.memory_space<vmem>>)
    %add3A_716 = arith.constant 128 : i32
    %add3A_717 = arith.addi %mul3A_2, %add3A_716 : i32
    %dma_start3A_718 = arith.constant 0 : i32
    %dma_start3A_719 = tpu.memref_slice %arg6[%add3A_717, %dma_start3A_718] : memref<65536x256xf32, #tpu.memory_space<hbm>> -> memref<64x256xf32, #tpu.memory_space<hbm>>
    %dma_start3A_720 = arith.constant 0 : i32
    %dma_start3A_721 = tpu.memref_slice %arg6[%add3A_717, %dma_start3A_720] : memref<65536x256xf32, #tpu.memory_space<hbm>> -> memref<64x256xf32, #tpu.memory_space<hbm>>
    tpu.enqueue_dma source(%arg13 : memref<64x256xf32, #tpu.memory_space<vmem>>) target(%dma_start3A_721 : memref<64x256xf32, #tpu.memory_space<hbm>>) target_semaphore(%arg25 : memref<!tpu.dma_semaphore, #tpu.memory_space<semaphore_mem>>)
    %dma_wait3A_722 = arith.constant 0 : i32
    %dma_wait3A_723 = tpu.memref_slice %arg6[%add3A_717, %dma_wait3A_722] : memref<65536x256xf32, #tpu.memory_space<hbm>> -> memref<64x256xf32, #tpu.memory_space<hbm>>
    %dma_wait3A_724 = arith.constant 0 : i32
    %dma_wait3A_725 = tpu.memref_slice %arg6[%add3A_717, %dma_wait3A_724] : memref<65536x256xf32, #tpu.memory_space<hbm>> -> memref<64x256xf32, #tpu.memory_space<hbm>>
    tpu.wait_dma2 semaphore(%arg25 : memref<!tpu.dma_semaphore, #tpu.memory_space<semaphore_mem>>) src(%arg13 : memref<64x256xf32, #tpu.memory_space<vmem>>) dst(%dma_wait3A_725 : memref<64x256xf32, #tpu.memory_space<hbm>>)
    %dma_start3A_726 = arith.constant 512 : i32
    %dma_start3A_727 = tpu.memref_slice %arg8[%dma_start3A_726] : memref<2048xi32, #tpu.memory_space<vmem>> -> memref<64xi32, #tpu.memory_space<vmem>>
    %dma_start3A_728 = arith.constant 0 : i32
    %dma_start3A_729 = arith.constant 0 : i32
    %dma_start3A_730 = tpu.memref_slice %arg2[%dma_start3A_728, %dma_start3A_729] : memref<65536x256xf32, #tpu.memory_space<hbm>> -> memref<65536x256xf32, #tpu.memory_space<hbm>>
    tpu.enqueue_indirect_dma source(%dma_start3A_730 : memref<65536x256xf32, #tpu.memory_space<hbm>>) target(%arg13 : memref<64x256xf32, #tpu.memory_space<vmem>>) offsets(%dma_start3A_727 : memref<64xi32, #tpu.memory_space<vmem>>) semaphore(%arg19 : memref<!tpu.dma_semaphore, #tpu.memory_space<semaphore_mem>>)
    %dma_wait3A_731 = arith.constant 192 : i32
    %dma_wait3A_732 = tpu.memref_slice %arg8[%dma_wait3A_731] : memref<2048xi32, #tpu.memory_space<vmem>> -> memref<64xi32, #tpu.memory_space<vmem>>
    %dma_wait3A_733 = arith.constant 0 : i32
    %dma_wait3A_734 = arith.constant 0 : i32
    %dma_wait3A_735 = tpu.memref_slice %arg2[%dma_wait3A_733, %dma_wait3A_734] : memref<65536x256xf32, #tpu.memory_space<hbm>> -> memref<65536x256xf32, #tpu.memory_space<hbm>>
    tpu.wait_indirect_dma semaphore(%arg20 : memref<!tpu.dma_semaphore, #tpu.memory_space<semaphore_mem>>) src(%dma_wait3A_735 : memref<65536x256xf32, #tpu.memory_space<hbm>>) dst(%arg14 : memref<64x256xf32, #tpu.memory_space<vmem>>)
    %add3A_736 = arith.constant 192 : i32
    %add3A_737 = arith.addi %mul3A_2, %add3A_736 : i32
    %dma_start3A_738 = arith.constant 0 : i32
    %dma_start3A_739 = tpu.memref_slice %arg6[%add3A_737, %dma_start3A_738] : memref<65536x256xf32, #tpu.memory_space<hbm>> -> memref<64x256xf32, #tpu.memory_space<hbm>>
    %dma_start3A_740 = arith.constant 0 : i32
    %dma_start3A_741 = tpu.memref_slice %arg6[%add3A_737, %dma_start3A_740] : memref<65536x256xf32, #tpu.memory_space<hbm>> -> memref<64x256xf32, #tpu.memory_space<hbm>>
    tpu.enqueue_dma source(%arg14 : memref<64x256xf32, #tpu.memory_space<vmem>>) target(%dma_start3A_741 : memref<64x256xf32, #tpu.memory_space<hbm>>) target_semaphore(%arg26 : memref<!tpu.dma_semaphore, #tpu.memory_space<semaphore_mem>>)
    %dma_wait3A_742 = arith.constant 0 : i32
    %dma_wait3A_743 = tpu.memref_slice %arg6[%add3A_737, %dma_wait3A_742] : memref<65536x256xf32, #tpu.memory_space<hbm>> -> memref<64x256xf32, #tpu.memory_space<hbm>>
    %dma_wait3A_744 = arith.constant 0 : i32
    %dma_wait3A_745 = tpu.memref_slice %arg6[%add3A_737, %dma_wait3A_744] : memref<65536x256xf32, #tpu.memory_space<hbm>> -> memref<64x256xf32, #tpu.memory_space<hbm>>
    tpu.wait_dma2 semaphore(%arg26 : memref<!tpu.dma_semaphore, #tpu.memory_space<semaphore_mem>>) src(%arg14 : memref<64x256xf32, #tpu.memory_space<vmem>>) dst(%dma_wait3A_745 : memref<64x256xf32, #tpu.memory_space<hbm>>)
    %dma_start3A_746 = arith.constant 576 : i32
    %dma_start3A_747 = tpu.memref_slice %arg8[%dma_start3A_746] : memref<2048xi32, #tpu.memory_space<vmem>> -> memref<64xi32, #tpu.memory_space<vmem>>
    %dma_start3A_748 = arith.constant 0 : i32
    %dma_start3A_749 = arith.constant 0 : i32
    %dma_start3A_750 = tpu.memref_slice %arg2[%dma_start3A_748, %dma_start3A_749] : memref<65536x256xf32, #tpu.memory_space<hbm>> -> memref<65536x256xf32, #tpu.memory_space<hbm>>
    tpu.enqueue_indirect_dma source(%dma_start3A_750 : memref<65536x256xf32, #tpu.memory_space<hbm>>) target(%arg14 : memref<64x256xf32, #tpu.memory_space<vmem>>) offsets(%dma_start3A_747 : memref<64xi32, #tpu.memory_space<vmem>>) semaphore(%arg20 : memref<!tpu.dma_semaphore, #tpu.memory_space<semaphore_mem>>)
    %dma_wait3A_751 = arith.constant 256 : i32
    %dma_wait3A_752 = tpu.memref_slice %arg8[%dma_wait3A_751] : memref<2048xi32, #tpu.memory_space<vmem>> -> memref<64xi32, #tpu.memory_space<vmem>>
    %dma_wait3A_753 = arith.constant 0 : i32
    %dma_wait3A_754 = arith.constant 0 : i32
    %dma_wait3A_755 = tpu.memref_slice %arg2[%dma_wait3A_753, %dma_wait3A_754] : memref<65536x256xf32, #tpu.memory_space<hbm>> -> memref<65536x256xf32, #tpu.memory_space<hbm>>
    tpu.wait_indirect_dma semaphore(%arg15 : memref<!tpu.dma_semaphore, #tpu.memory_space<semaphore_mem>>) src(%dma_wait3A_755 : memref<65536x256xf32, #tpu.memory_space<hbm>>) dst(%arg9 : memref<64x256xf32, #tpu.memory_space<vmem>>)
    %add3A_756 = arith.constant 256 : i32
    %add3A_757 = arith.addi %mul3A_2, %add3A_756 : i32
    %dma_start3A_758 = arith.constant 0 : i32
    %dma_start3A_759 = tpu.memref_slice %arg6[%add3A_757, %dma_start3A_758] : memref<65536x256xf32, #tpu.memory_space<hbm>> -> memref<64x256xf32, #tpu.memory_space<hbm>>
    %dma_start3A_760 = arith.constant 0 : i32
    %dma_start3A_761 = tpu.memref_slice %arg6[%add3A_757, %dma_start3A_760] : memref<65536x256xf32, #tpu.memory_space<hbm>> -> memref<64x256xf32, #tpu.memory_space<hbm>>
    tpu.enqueue_dma source(%arg9 : memref<64x256xf32, #tpu.memory_space<vmem>>) target(%dma_start3A_761 : memref<64x256xf32, #tpu.memory_space<hbm>>) target_semaphore(%arg21 : memref<!tpu.dma_semaphore, #tpu.memory_space<semaphore_mem>>)
    %dma_wait3A_762 = arith.constant 0 : i32
    %dma_wait3A_763 = tpu.memref_slice %arg6[%add3A_757, %dma_wait3A_762] : memref<65536x256xf32, #tpu.memory_space<hbm>> -> memref<64x256xf32, #tpu.memory_space<hbm>>
    %dma_wait3A_764 = arith.constant 0 : i32
    %dma_wait3A_765 = tpu.memref_slice %arg6[%add3A_757, %dma_wait3A_764] : memref<65536x256xf32, #tpu.memory_space<hbm>> -> memref<64x256xf32, #tpu.memory_space<hbm>>
    tpu.wait_dma2 semaphore(%arg21 : memref<!tpu.dma_semaphore, #tpu.memory_space<semaphore_mem>>) src(%arg9 : memref<64x256xf32, #tpu.memory_space<vmem>>) dst(%dma_wait3A_765 : memref<64x256xf32, #tpu.memory_space<hbm>>)
    %dma_start3A_766 = arith.constant 640 : i32
    %dma_start3A_767 = tpu.memref_slice %arg8[%dma_start3A_766] : memref<2048xi32, #tpu.memory_space<vmem>> -> memref<64xi32, #tpu.memory_space<vmem>>
    %dma_start3A_768 = arith.constant 0 : i32
    %dma_start3A_769 = arith.constant 0 : i32
    %dma_start3A_770 = tpu.memref_slice %arg2[%dma_start3A_768, %dma_start3A_769] : memref<65536x256xf32, #tpu.memory_space<hbm>> -> memref<65536x256xf32, #tpu.memory_space<hbm>>
    tpu.enqueue_indirect_dma source(%dma_start3A_770 : memref<65536x256xf32, #tpu.memory_space<hbm>>) target(%arg9 : memref<64x256xf32, #tpu.memory_space<vmem>>) offsets(%dma_start3A_767 : memref<64xi32, #tpu.memory_space<vmem>>) semaphore(%arg15 : memref<!tpu.dma_semaphore, #tpu.memory_space<semaphore_mem>>)
    %dma_wait3A_771 = arith.constant 320 : i32
    %dma_wait3A_772 = tpu.memref_slice %arg8[%dma_wait3A_771] : memref<2048xi32, #tpu.memory_space<vmem>> -> memref<64xi32, #tpu.memory_space<vmem>>
    %dma_wait3A_773 = arith.constant 0 : i32
    %dma_wait3A_774 = arith.constant 0 : i32
    %dma_wait3A_775 = tpu.memref_slice %arg2[%dma_wait3A_773, %dma_wait3A_774] : memref<65536x256xf32, #tpu.memory_space<hbm>> -> memref<65536x256xf32, #tpu.memory_space<hbm>>
    tpu.wait_indirect_dma semaphore(%arg16 : memref<!tpu.dma_semaphore, #tpu.memory_space<semaphore_mem>>) src(%dma_wait3A_775 : memref<65536x256xf32, #tpu.memory_space<hbm>>) dst(%arg10 : memref<64x256xf32, #tpu.memory_space<vmem>>)
    %add3A_776 = arith.constant 320 : i32
    %add3A_777 = arith.addi %mul3A_2, %add3A_776 : i32
    %dma_start3A_778 = arith.constant 0 : i32
    %dma_start3A_779 = tpu.memref_slice %arg6[%add3A_777, %dma_start3A_778] : memref<65536x256xf32, #tpu.memory_space<hbm>> -> memref<64x256xf32, #tpu.memory_space<hbm>>
    %dma_start3A_780 = arith.constant 0 : i32
    %dma_start3A_781 = tpu.memref_slice %arg6[%add3A_777, %dma_start3A_780] : memref<65536x256xf32, #tpu.memory_space<hbm>> -> memref<64x256xf32, #tpu.memory_space<hbm>>
    tpu.enqueue_dma source(%arg10 : memref<64x256xf32, #tpu.memory_space<vmem>>) target(%dma_start3A_781 : memref<64x256xf32, #tpu.memory_space<hbm>>) target_semaphore(%arg22 : memref<!tpu.dma_semaphore, #tpu.memory_space<semaphore_mem>>)
    %dma_wait3A_782 = arith.constant 0 : i32
    %dma_wait3A_783 = tpu.memref_slice %arg6[%add3A_777, %dma_wait3A_782] : memref<65536x256xf32, #tpu.memory_space<hbm>> -> memref<64x256xf32, #tpu.memory_space<hbm>>
    %dma_wait3A_784 = arith.constant 0 : i32
    %dma_wait3A_785 = tpu.memref_slice %arg6[%add3A_777, %dma_wait3A_784] : memref<65536x256xf32, #tpu.memory_space<hbm>> -> memref<64x256xf32, #tpu.memory_space<hbm>>
    tpu.wait_dma2 semaphore(%arg22 : memref<!tpu.dma_semaphore, #tpu.memory_space<semaphore_mem>>) src(%arg10 : memref<64x256xf32, #tpu.memory_space<vmem>>) dst(%dma_wait3A_785 : memref<64x256xf32, #tpu.memory_space<hbm>>)
    %dma_start3A_786 = arith.constant 704 : i32
    %dma_start3A_787 = tpu.memref_slice %arg8[%dma_start3A_786] : memref<2048xi32, #tpu.memory_space<vmem>> -> memref<64xi32, #tpu.memory_space<vmem>>
    %dma_start3A_788 = arith.constant 0 : i32
    %dma_start3A_789 = arith.constant 0 : i32
    %dma_start3A_790 = tpu.memref_slice %arg2[%dma_start3A_788, %dma_start3A_789] : memref<65536x256xf32, #tpu.memory_space<hbm>> -> memref<65536x256xf32, #tpu.memory_space<hbm>>
    tpu.enqueue_indirect_dma source(%dma_start3A_790 : memref<65536x256xf32, #tpu.memory_space<hbm>>) target(%arg10 : memref<64x256xf32, #tpu.memory_space<vmem>>) offsets(%dma_start3A_787 : memref<64xi32, #tpu.memory_space<vmem>>) semaphore(%arg16 : memref<!tpu.dma_semaphore, #tpu.memory_space<semaphore_mem>>)
    %dma_wait3A_791 = arith.constant 384 : i32
    %dma_wait3A_792 = tpu.memref_slice %arg8[%dma_wait3A_791] : memref<2048xi32, #tpu.memory_space<vmem>> -> memref<64xi32, #tpu.memory_space<vmem>>
    %dma_wait3A_793 = arith.constant 0 : i32
    %dma_wait3A_794 = arith.constant 0 : i32
    %dma_wait3A_795 = tpu.memref_slice %arg2[%dma_wait3A_793, %dma_wait3A_794] : memref<65536x256xf32, #tpu.memory_space<hbm>> -> memref<65536x256xf32, #tpu.memory_space<hbm>>
    tpu.wait_indirect_dma semaphore(%arg17 : memref<!tpu.dma_semaphore, #tpu.memory_space<semaphore_mem>>) src(%dma_wait3A_795 : memref<65536x256xf32, #tpu.memory_space<hbm>>) dst(%arg11 : memref<64x256xf32, #tpu.memory_space<vmem>>)
    %add3A_796 = arith.constant 384 : i32
    %add3A_797 = arith.addi %mul3A_2, %add3A_796 : i32
    %dma_start3A_798 = arith.constant 0 : i32
    %dma_start3A_799 = tpu.memref_slice %arg6[%add3A_797, %dma_start3A_798] : memref<65536x256xf32, #tpu.memory_space<hbm>> -> memref<64x256xf32, #tpu.memory_space<hbm>>
    %dma_start3A_800 = arith.constant 0 : i32
    %dma_start3A_801 = tpu.memref_slice %arg6[%add3A_797, %dma_start3A_800] : memref<65536x256xf32, #tpu.memory_space<hbm>> -> memref<64x256xf32, #tpu.memory_space<hbm>>
    tpu.enqueue_dma source(%arg11 : memref<64x256xf32, #tpu.memory_space<vmem>>) target(%dma_start3A_801 : memref<64x256xf32, #tpu.memory_space<hbm>>) target_semaphore(%arg23 : memref<!tpu.dma_semaphore, #tpu.memory_space<semaphore_mem>>)
    %dma_wait3A_802 = arith.constant 0 : i32
    %dma_wait3A_803 = tpu.memref_slice %arg6[%add3A_797, %dma_wait3A_802] : memref<65536x256xf32, #tpu.memory_space<hbm>> -> memref<64x256xf32, #tpu.memory_space<hbm>>
    %dma_wait3A_804 = arith.constant 0 : i32
    %dma_wait3A_805 = tpu.memref_slice %arg6[%add3A_797, %dma_wait3A_804] : memref<65536x256xf32, #tpu.memory_space<hbm>> -> memref<64x256xf32, #tpu.memory_space<hbm>>
    tpu.wait_dma2 semaphore(%arg23 : memref<!tpu.dma_semaphore, #tpu.memory_space<semaphore_mem>>) src(%arg11 : memref<64x256xf32, #tpu.memory_space<vmem>>) dst(%dma_wait3A_805 : memref<64x256xf32, #tpu.memory_space<hbm>>)
    %dma_start3A_806 = arith.constant 768 : i32
    %dma_start3A_807 = tpu.memref_slice %arg8[%dma_start3A_806] : memref<2048xi32, #tpu.memory_space<vmem>> -> memref<64xi32, #tpu.memory_space<vmem>>
    %dma_start3A_808 = arith.constant 0 : i32
    %dma_start3A_809 = arith.constant 0 : i32
    %dma_start3A_810 = tpu.memref_slice %arg2[%dma_start3A_808, %dma_start3A_809] : memref<65536x256xf32, #tpu.memory_space<hbm>> -> memref<65536x256xf32, #tpu.memory_space<hbm>>
    tpu.enqueue_indirect_dma source(%dma_start3A_810 : memref<65536x256xf32, #tpu.memory_space<hbm>>) target(%arg11 : memref<64x256xf32, #tpu.memory_space<vmem>>) offsets(%dma_start3A_807 : memref<64xi32, #tpu.memory_space<vmem>>) semaphore(%arg17 : memref<!tpu.dma_semaphore, #tpu.memory_space<semaphore_mem>>)
    %dma_wait3A_811 = arith.constant 448 : i32
    %dma_wait3A_812 = tpu.memref_slice %arg8[%dma_wait3A_811] : memref<2048xi32, #tpu.memory_space<vmem>> -> memref<64xi32, #tpu.memory_space<vmem>>
    %dma_wait3A_813 = arith.constant 0 : i32
    %dma_wait3A_814 = arith.constant 0 : i32
    %dma_wait3A_815 = tpu.memref_slice %arg2[%dma_wait3A_813, %dma_wait3A_814] : memref<65536x256xf32, #tpu.memory_space<hbm>> -> memref<65536x256xf32, #tpu.memory_space<hbm>>
    tpu.wait_indirect_dma semaphore(%arg18 : memref<!tpu.dma_semaphore, #tpu.memory_space<semaphore_mem>>) src(%dma_wait3A_815 : memref<65536x256xf32, #tpu.memory_space<hbm>>) dst(%arg12 : memref<64x256xf32, #tpu.memory_space<vmem>>)
    %add3A_816 = arith.constant 448 : i32
    %add3A_817 = arith.addi %mul3A_2, %add3A_816 : i32
    %dma_start3A_818 = arith.constant 0 : i32
    %dma_start3A_819 = tpu.memref_slice %arg6[%add3A_817, %dma_start3A_818] : memref<65536x256xf32, #tpu.memory_space<hbm>> -> memref<64x256xf32, #tpu.memory_space<hbm>>
    %dma_start3A_820 = arith.constant 0 : i32
    %dma_start3A_821 = tpu.memref_slice %arg6[%add3A_817, %dma_start3A_820] : memref<65536x256xf32, #tpu.memory_space<hbm>> -> memref<64x256xf32, #tpu.memory_space<hbm>>
    tpu.enqueue_dma source(%arg12 : memref<64x256xf32, #tpu.memory_space<vmem>>) target(%dma_start3A_821 : memref<64x256xf32, #tpu.memory_space<hbm>>) target_semaphore(%arg24 : memref<!tpu.dma_semaphore, #tpu.memory_space<semaphore_mem>>)
    %dma_wait3A_822 = arith.constant 0 : i32
    %dma_wait3A_823 = tpu.memref_slice %arg6[%add3A_817, %dma_wait3A_822] : memref<65536x256xf32, #tpu.memory_space<hbm>> -> memref<64x256xf32, #tpu.memory_space<hbm>>
    %dma_wait3A_824 = arith.constant 0 : i32
    %dma_wait3A_825 = tpu.memref_slice %arg6[%add3A_817, %dma_wait3A_824] : memref<65536x256xf32, #tpu.memory_space<hbm>> -> memref<64x256xf32, #tpu.memory_space<hbm>>
    tpu.wait_dma2 semaphore(%arg24 : memref<!tpu.dma_semaphore, #tpu.memory_space<semaphore_mem>>) src(%arg12 : memref<64x256xf32, #tpu.memory_space<vmem>>) dst(%dma_wait3A_825 : memref<64x256xf32, #tpu.memory_space<hbm>>)
    %dma_start3A_826 = arith.constant 832 : i32
    %dma_start3A_827 = tpu.memref_slice %arg8[%dma_start3A_826] : memref<2048xi32, #tpu.memory_space<vmem>> -> memref<64xi32, #tpu.memory_space<vmem>>
    %dma_start3A_828 = arith.constant 0 : i32
    %dma_start3A_829 = arith.constant 0 : i32
    %dma_start3A_830 = tpu.memref_slice %arg2[%dma_start3A_828, %dma_start3A_829] : memref<65536x256xf32, #tpu.memory_space<hbm>> -> memref<65536x256xf32, #tpu.memory_space<hbm>>
    tpu.enqueue_indirect_dma source(%dma_start3A_830 : memref<65536x256xf32, #tpu.memory_space<hbm>>) target(%arg12 : memref<64x256xf32, #tpu.memory_space<vmem>>) offsets(%dma_start3A_827 : memref<64xi32, #tpu.memory_space<vmem>>) semaphore(%arg18 : memref<!tpu.dma_semaphore, #tpu.memory_space<semaphore_mem>>)
    %dma_wait3A_831 = arith.constant 512 : i32
    %dma_wait3A_832 = tpu.memref_slice %arg8[%dma_wait3A_831] : memref<2048xi32, #tpu.memory_space<vmem>> -> memref<64xi32, #tpu.memory_space<vmem>>
    %dma_wait3A_833 = arith.constant 0 : i32
    %dma_wait3A_834 = arith.constant 0 : i32
    %dma_wait3A_835 = tpu.memref_slice %arg2[%dma_wait3A_833, %dma_wait3A_834] : memref<65536x256xf32, #tpu.memory_space<hbm>> -> memref<65536x256xf32, #tpu.memory_space<hbm>>
    tpu.wait_indirect_dma semaphore(%arg19 : memref<!tpu.dma_semaphore, #tpu.memory_space<semaphore_mem>>) src(%dma_wait3A_835 : memref<65536x256xf32, #tpu.memory_space<hbm>>) dst(%arg13 : memref<64x256xf32, #tpu.memory_space<vmem>>)
    %add3A_836 = arith.constant 512 : i32
    %add3A_837 = arith.addi %mul3A_2, %add3A_836 : i32
    %dma_start3A_838 = arith.constant 0 : i32
    %dma_start3A_839 = tpu.memref_slice %arg6[%add3A_837, %dma_start3A_838] : memref<65536x256xf32, #tpu.memory_space<hbm>> -> memref<64x256xf32, #tpu.memory_space<hbm>>
    %dma_start3A_840 = arith.constant 0 : i32
    %dma_start3A_841 = tpu.memref_slice %arg6[%add3A_837, %dma_start3A_840] : memref<65536x256xf32, #tpu.memory_space<hbm>> -> memref<64x256xf32, #tpu.memory_space<hbm>>
    tpu.enqueue_dma source(%arg13 : memref<64x256xf32, #tpu.memory_space<vmem>>) target(%dma_start3A_841 : memref<64x256xf32, #tpu.memory_space<hbm>>) target_semaphore(%arg25 : memref<!tpu.dma_semaphore, #tpu.memory_space<semaphore_mem>>)
    %dma_wait3A_842 = arith.constant 0 : i32
    %dma_wait3A_843 = tpu.memref_slice %arg6[%add3A_837, %dma_wait3A_842] : memref<65536x256xf32, #tpu.memory_space<hbm>> -> memref<64x256xf32, #tpu.memory_space<hbm>>
    %dma_wait3A_844 = arith.constant 0 : i32
    %dma_wait3A_845 = tpu.memref_slice %arg6[%add3A_837, %dma_wait3A_844] : memref<65536x256xf32, #tpu.memory_space<hbm>> -> memref<64x256xf32, #tpu.memory_space<hbm>>
    tpu.wait_dma2 semaphore(%arg25 : memref<!tpu.dma_semaphore, #tpu.memory_space<semaphore_mem>>) src(%arg13 : memref<64x256xf32, #tpu.memory_space<vmem>>) dst(%dma_wait3A_845 : memref<64x256xf32, #tpu.memory_space<hbm>>)
    %dma_start3A_846 = arith.constant 896 : i32
    %dma_start3A_847 = tpu.memref_slice %arg8[%dma_start3A_846] : memref<2048xi32, #tpu.memory_space<vmem>> -> memref<64xi32, #tpu.memory_space<vmem>>
    %dma_start3A_848 = arith.constant 0 : i32
    %dma_start3A_849 = arith.constant 0 : i32
    %dma_start3A_850 = tpu.memref_slice %arg2[%dma_start3A_848, %dma_start3A_849] : memref<65536x256xf32, #tpu.memory_space<hbm>> -> memref<65536x256xf32, #tpu.memory_space<hbm>>
    tpu.enqueue_indirect_dma source(%dma_start3A_850 : memref<65536x256xf32, #tpu.memory_space<hbm>>) target(%arg13 : memref<64x256xf32, #tpu.memory_space<vmem>>) offsets(%dma_start3A_847 : memref<64xi32, #tpu.memory_space<vmem>>) semaphore(%arg19 : memref<!tpu.dma_semaphore, #tpu.memory_space<semaphore_mem>>)
    %dma_wait3A_851 = arith.constant 576 : i32
    %dma_wait3A_852 = tpu.memref_slice %arg8[%dma_wait3A_851] : memref<2048xi32, #tpu.memory_space<vmem>> -> memref<64xi32, #tpu.memory_space<vmem>>
    %dma_wait3A_853 = arith.constant 0 : i32
    %dma_wait3A_854 = arith.constant 0 : i32
    %dma_wait3A_855 = tpu.memref_slice %arg2[%dma_wait3A_853, %dma_wait3A_854] : memref<65536x256xf32, #tpu.memory_space<hbm>> -> memref<65536x256xf32, #tpu.memory_space<hbm>>
    tpu.wait_indirect_dma semaphore(%arg20 : memref<!tpu.dma_semaphore, #tpu.memory_space<semaphore_mem>>) src(%dma_wait3A_855 : memref<65536x256xf32, #tpu.memory_space<hbm>>) dst(%arg14 : memref<64x256xf32, #tpu.memory_space<vmem>>)
    %add3A_856 = arith.constant 576 : i32
    %add3A_857 = arith.addi %mul3A_2, %add3A_856 : i32
    %dma_start3A_858 = arith.constant 0 : i32
    %dma_start3A_859 = tpu.memref_slice %arg6[%add3A_857, %dma_start3A_858] : memref<65536x256xf32, #tpu.memory_space<hbm>> -> memref<64x256xf32, #tpu.memory_space<hbm>>
    %dma_start3A_860 = arith.constant 0 : i32
    %dma_start3A_861 = tpu.memref_slice %arg6[%add3A_857, %dma_start3A_860] : memref<65536x256xf32, #tpu.memory_space<hbm>> -> memref<64x256xf32, #tpu.memory_space<hbm>>
    tpu.enqueue_dma source(%arg14 : memref<64x256xf32, #tpu.memory_space<vmem>>) target(%dma_start3A_861 : memref<64x256xf32, #tpu.memory_space<hbm>>) target_semaphore(%arg26 : memref<!tpu.dma_semaphore, #tpu.memory_space<semaphore_mem>>)
    %dma_wait3A_862 = arith.constant 0 : i32
    %dma_wait3A_863 = tpu.memref_slice %arg6[%add3A_857, %dma_wait3A_862] : memref<65536x256xf32, #tpu.memory_space<hbm>> -> memref<64x256xf32, #tpu.memory_space<hbm>>
    %dma_wait3A_864 = arith.constant 0 : i32
    %dma_wait3A_865 = tpu.memref_slice %arg6[%add3A_857, %dma_wait3A_864] : memref<65536x256xf32, #tpu.memory_space<hbm>> -> memref<64x256xf32, #tpu.memory_space<hbm>>
    tpu.wait_dma2 semaphore(%arg26 : memref<!tpu.dma_semaphore, #tpu.memory_space<semaphore_mem>>) src(%arg14 : memref<64x256xf32, #tpu.memory_space<vmem>>) dst(%dma_wait3A_865 : memref<64x256xf32, #tpu.memory_space<hbm>>)
    %dma_start3A_866 = arith.constant 960 : i32
    %dma_start3A_867 = tpu.memref_slice %arg8[%dma_start3A_866] : memref<2048xi32, #tpu.memory_space<vmem>> -> memref<64xi32, #tpu.memory_space<vmem>>
    %dma_start3A_868 = arith.constant 0 : i32
    %dma_start3A_869 = arith.constant 0 : i32
    %dma_start3A_870 = tpu.memref_slice %arg2[%dma_start3A_868, %dma_start3A_869] : memref<65536x256xf32, #tpu.memory_space<hbm>> -> memref<65536x256xf32, #tpu.memory_space<hbm>>
    tpu.enqueue_indirect_dma source(%dma_start3A_870 : memref<65536x256xf32, #tpu.memory_space<hbm>>) target(%arg14 : memref<64x256xf32, #tpu.memory_space<vmem>>) offsets(%dma_start3A_867 : memref<64xi32, #tpu.memory_space<vmem>>) semaphore(%arg20 : memref<!tpu.dma_semaphore, #tpu.memory_space<semaphore_mem>>)
    %dma_wait3A_871 = arith.constant 640 : i32
    %dma_wait3A_872 = tpu.memref_slice %arg8[%dma_wait3A_871] : memref<2048xi32, #tpu.memory_space<vmem>> -> memref<64xi32, #tpu.memory_space<vmem>>
    %dma_wait3A_873 = arith.constant 0 : i32
    %dma_wait3A_874 = arith.constant 0 : i32
    %dma_wait3A_875 = tpu.memref_slice %arg2[%dma_wait3A_873, %dma_wait3A_874] : memref<65536x256xf32, #tpu.memory_space<hbm>> -> memref<65536x256xf32, #tpu.memory_space<hbm>>
    tpu.wait_indirect_dma semaphore(%arg15 : memref<!tpu.dma_semaphore, #tpu.memory_space<semaphore_mem>>) src(%dma_wait3A_875 : memref<65536x256xf32, #tpu.memory_space<hbm>>) dst(%arg9 : memref<64x256xf32, #tpu.memory_space<vmem>>)
    %add3A_876 = arith.constant 640 : i32
    %add3A_877 = arith.addi %mul3A_2, %add3A_876 : i32
    %dma_start3A_878 = arith.constant 0 : i32
    %dma_start3A_879 = tpu.memref_slice %arg6[%add3A_877, %dma_start3A_878] : memref<65536x256xf32, #tpu.memory_space<hbm>> -> memref<64x256xf32, #tpu.memory_space<hbm>>
    %dma_start3A_880 = arith.constant 0 : i32
    %dma_start3A_881 = tpu.memref_slice %arg6[%add3A_877, %dma_start3A_880] : memref<65536x256xf32, #tpu.memory_space<hbm>> -> memref<64x256xf32, #tpu.memory_space<hbm>>
    tpu.enqueue_dma source(%arg9 : memref<64x256xf32, #tpu.memory_space<vmem>>) target(%dma_start3A_881 : memref<64x256xf32, #tpu.memory_space<hbm>>) target_semaphore(%arg21 : memref<!tpu.dma_semaphore, #tpu.memory_space<semaphore_mem>>)
    %dma_wait3A_882 = arith.constant 0 : i32
    %dma_wait3A_883 = tpu.memref_slice %arg6[%add3A_877, %dma_wait3A_882] : memref<65536x256xf32, #tpu.memory_space<hbm>> -> memref<64x256xf32, #tpu.memory_space<hbm>>
    %dma_wait3A_884 = arith.constant 0 : i32
    %dma_wait3A_885 = tpu.memref_slice %arg6[%add3A_877, %dma_wait3A_884] : memref<65536x256xf32, #tpu.memory_space<hbm>> -> memref<64x256xf32, #tpu.memory_space<hbm>>
    tpu.wait_dma2 semaphore(%arg21 : memref<!tpu.dma_semaphore, #tpu.memory_space<semaphore_mem>>) src(%arg9 : memref<64x256xf32, #tpu.memory_space<vmem>>) dst(%dma_wait3A_885 : memref<64x256xf32, #tpu.memory_space<hbm>>)
    %dma_start3A_886 = arith.constant 1024 : i32
    %dma_start3A_887 = tpu.memref_slice %arg8[%dma_start3A_886] : memref<2048xi32, #tpu.memory_space<vmem>> -> memref<64xi32, #tpu.memory_space<vmem>>
    %dma_start3A_888 = arith.constant 0 : i32
    %dma_start3A_889 = arith.constant 0 : i32
    %dma_start3A_890 = tpu.memref_slice %arg2[%dma_start3A_888, %dma_start3A_889] : memref<65536x256xf32, #tpu.memory_space<hbm>> -> memref<65536x256xf32, #tpu.memory_space<hbm>>
    tpu.enqueue_indirect_dma source(%dma_start3A_890 : memref<65536x256xf32, #tpu.memory_space<hbm>>) target(%arg9 : memref<64x256xf32, #tpu.memory_space<vmem>>) offsets(%dma_start3A_887 : memref<64xi32, #tpu.memory_space<vmem>>) semaphore(%arg15 : memref<!tpu.dma_semaphore, #tpu.memory_space<semaphore_mem>>)
    %dma_wait3A_891 = arith.constant 704 : i32
    %dma_wait3A_892 = tpu.memref_slice %arg8[%dma_wait3A_891] : memref<2048xi32, #tpu.memory_space<vmem>> -> memref<64xi32, #tpu.memory_space<vmem>>
    %dma_wait3A_893 = arith.constant 0 : i32
    %dma_wait3A_894 = arith.constant 0 : i32
    %dma_wait3A_895 = tpu.memref_slice %arg2[%dma_wait3A_893, %dma_wait3A_894] : memref<65536x256xf32, #tpu.memory_space<hbm>> -> memref<65536x256xf32, #tpu.memory_space<hbm>>
    tpu.wait_indirect_dma semaphore(%arg16 : memref<!tpu.dma_semaphore, #tpu.memory_space<semaphore_mem>>) src(%dma_wait3A_895 : memref<65536x256xf32, #tpu.memory_space<hbm>>) dst(%arg10 : memref<64x256xf32, #tpu.memory_space<vmem>>)
    %add3A_896 = arith.constant 704 : i32
    %add3A_897 = arith.addi %mul3A_2, %add3A_896 : i32
    %dma_start3A_898 = arith.constant 0 : i32
    %dma_start3A_899 = tpu.memref_slice %arg6[%add3A_897, %dma_start3A_898] : memref<65536x256xf32, #tpu.memory_space<hbm>> -> memref<64x256xf32, #tpu.memory_space<hbm>>
    %dma_start3A_900 = arith.constant 0 : i32
    %dma_start3A_901 = tpu.memref_slice %arg6[%add3A_897, %dma_start3A_900] : memref<65536x256xf32, #tpu.memory_space<hbm>> -> memref<64x256xf32, #tpu.memory_space<hbm>>
    tpu.enqueue_dma source(%arg10 : memref<64x256xf32, #tpu.memory_space<vmem>>) target(%dma_start3A_901 : memref<64x256xf32, #tpu.memory_space<hbm>>) target_semaphore(%arg22 : memref<!tpu.dma_semaphore, #tpu.memory_space<semaphore_mem>>)
    %dma_wait3A_902 = arith.constant 0 : i32
    %dma_wait3A_903 = tpu.memref_slice %arg6[%add3A_897, %dma_wait3A_902] : memref<65536x256xf32, #tpu.memory_space<hbm>> -> memref<64x256xf32, #tpu.memory_space<hbm>>
    %dma_wait3A_904 = arith.constant 0 : i32
    %dma_wait3A_905 = tpu.memref_slice %arg6[%add3A_897, %dma_wait3A_904] : memref<65536x256xf32, #tpu.memory_space<hbm>> -> memref<64x256xf32, #tpu.memory_space<hbm>>
    tpu.wait_dma2 semaphore(%arg22 : memref<!tpu.dma_semaphore, #tpu.memory_space<semaphore_mem>>) src(%arg10 : memref<64x256xf32, #tpu.memory_space<vmem>>) dst(%dma_wait3A_905 : memref<64x256xf32, #tpu.memory_space<hbm>>)
    %dma_start3A_906 = arith.constant 1088 : i32
    %dma_start3A_907 = tpu.memref_slice %arg8[%dma_start3A_906] : memref<2048xi32, #tpu.memory_space<vmem>> -> memref<64xi32, #tpu.memory_space<vmem>>
    %dma_start3A_908 = arith.constant 0 : i32
    %dma_start3A_909 = arith.constant 0 : i32
    %dma_start3A_910 = tpu.memref_slice %arg2[%dma_start3A_908, %dma_start3A_909] : memref<65536x256xf32, #tpu.memory_space<hbm>> -> memref<65536x256xf32, #tpu.memory_space<hbm>>
    tpu.enqueue_indirect_dma source(%dma_start3A_910 : memref<65536x256xf32, #tpu.memory_space<hbm>>) target(%arg10 : memref<64x256xf32, #tpu.memory_space<vmem>>) offsets(%dma_start3A_907 : memref<64xi32, #tpu.memory_space<vmem>>) semaphore(%arg16 : memref<!tpu.dma_semaphore, #tpu.memory_space<semaphore_mem>>)
    %dma_wait3A_911 = arith.constant 768 : i32
    %dma_wait3A_912 = tpu.memref_slice %arg8[%dma_wait3A_911] : memref<2048xi32, #tpu.memory_space<vmem>> -> memref<64xi32, #tpu.memory_space<vmem>>
    %dma_wait3A_913 = arith.constant 0 : i32
    %dma_wait3A_914 = arith.constant 0 : i32
    %dma_wait3A_915 = tpu.memref_slice %arg2[%dma_wait3A_913, %dma_wait3A_914] : memref<65536x256xf32, #tpu.memory_space<hbm>> -> memref<65536x256xf32, #tpu.memory_space<hbm>>
    tpu.wait_indirect_dma semaphore(%arg17 : memref<!tpu.dma_semaphore, #tpu.memory_space<semaphore_mem>>) src(%dma_wait3A_915 : memref<65536x256xf32, #tpu.memory_space<hbm>>) dst(%arg11 : memref<64x256xf32, #tpu.memory_space<vmem>>)
    %add3A_916 = arith.constant 768 : i32
    %add3A_917 = arith.addi %mul3A_2, %add3A_916 : i32
    %dma_start3A_918 = arith.constant 0 : i32
    %dma_start3A_919 = tpu.memref_slice %arg6[%add3A_917, %dma_start3A_918] : memref<65536x256xf32, #tpu.memory_space<hbm>> -> memref<64x256xf32, #tpu.memory_space<hbm>>
    %dma_start3A_920 = arith.constant 0 : i32
    %dma_start3A_921 = tpu.memref_slice %arg6[%add3A_917, %dma_start3A_920] : memref<65536x256xf32, #tpu.memory_space<hbm>> -> memref<64x256xf32, #tpu.memory_space<hbm>>
    tpu.enqueue_dma source(%arg11 : memref<64x256xf32, #tpu.memory_space<vmem>>) target(%dma_start3A_921 : memref<64x256xf32, #tpu.memory_space<hbm>>) target_semaphore(%arg23 : memref<!tpu.dma_semaphore, #tpu.memory_space<semaphore_mem>>)
    %dma_wait3A_922 = arith.constant 0 : i32
    %dma_wait3A_923 = tpu.memref_slice %arg6[%add3A_917, %dma_wait3A_922] : memref<65536x256xf32, #tpu.memory_space<hbm>> -> memref<64x256xf32, #tpu.memory_space<hbm>>
    %dma_wait3A_924 = arith.constant 0 : i32
    %dma_wait3A_925 = tpu.memref_slice %arg6[%add3A_917, %dma_wait3A_924] : memref<65536x256xf32, #tpu.memory_space<hbm>> -> memref<64x256xf32, #tpu.memory_space<hbm>>
    tpu.wait_dma2 semaphore(%arg23 : memref<!tpu.dma_semaphore, #tpu.memory_space<semaphore_mem>>) src(%arg11 : memref<64x256xf32, #tpu.memory_space<vmem>>) dst(%dma_wait3A_925 : memref<64x256xf32, #tpu.memory_space<hbm>>)
    %dma_start3A_926 = arith.constant 1152 : i32
    %dma_start3A_927 = tpu.memref_slice %arg8[%dma_start3A_926] : memref<2048xi32, #tpu.memory_space<vmem>> -> memref<64xi32, #tpu.memory_space<vmem>>
    %dma_start3A_928 = arith.constant 0 : i32
    %dma_start3A_929 = arith.constant 0 : i32
    %dma_start3A_930 = tpu.memref_slice %arg2[%dma_start3A_928, %dma_start3A_929] : memref<65536x256xf32, #tpu.memory_space<hbm>> -> memref<65536x256xf32, #tpu.memory_space<hbm>>
    tpu.enqueue_indirect_dma source(%dma_start3A_930 : memref<65536x256xf32, #tpu.memory_space<hbm>>) target(%arg11 : memref<64x256xf32, #tpu.memory_space<vmem>>) offsets(%dma_start3A_927 : memref<64xi32, #tpu.memory_space<vmem>>) semaphore(%arg17 : memref<!tpu.dma_semaphore, #tpu.memory_space<semaphore_mem>>)
    %dma_wait3A_931 = arith.constant 832 : i32
    %dma_wait3A_932 = tpu.memref_slice %arg8[%dma_wait3A_931] : memref<2048xi32, #tpu.memory_space<vmem>> -> memref<64xi32, #tpu.memory_space<vmem>>
    %dma_wait3A_933 = arith.constant 0 : i32
    %dma_wait3A_934 = arith.constant 0 : i32
    %dma_wait3A_935 = tpu.memref_slice %arg2[%dma_wait3A_933, %dma_wait3A_934] : memref<65536x256xf32, #tpu.memory_space<hbm>> -> memref<65536x256xf32, #tpu.memory_space<hbm>>
    tpu.wait_indirect_dma semaphore(%arg18 : memref<!tpu.dma_semaphore, #tpu.memory_space<semaphore_mem>>) src(%dma_wait3A_935 : memref<65536x256xf32, #tpu.memory_space<hbm>>) dst(%arg12 : memref<64x256xf32, #tpu.memory_space<vmem>>)
    %add3A_936 = arith.constant 832 : i32
    %add3A_937 = arith.addi %mul3A_2, %add3A_936 : i32
    %dma_start3A_938 = arith.constant 0 : i32
    %dma_start3A_939 = tpu.memref_slice %arg6[%add3A_937, %dma_start3A_938] : memref<65536x256xf32, #tpu.memory_space<hbm>> -> memref<64x256xf32, #tpu.memory_space<hbm>>
    %dma_start3A_940 = arith.constant 0 : i32
    %dma_start3A_941 = tpu.memref_slice %arg6[%add3A_937, %dma_start3A_940] : memref<65536x256xf32, #tpu.memory_space<hbm>> -> memref<64x256xf32, #tpu.memory_space<hbm>>
    tpu.enqueue_dma source(%arg12 : memref<64x256xf32, #tpu.memory_space<vmem>>) target(%dma_start3A_941 : memref<64x256xf32, #tpu.memory_space<hbm>>) target_semaphore(%arg24 : memref<!tpu.dma_semaphore, #tpu.memory_space<semaphore_mem>>)
    %dma_wait3A_942 = arith.constant 0 : i32
    %dma_wait3A_943 = tpu.memref_slice %arg6[%add3A_937, %dma_wait3A_942] : memref<65536x256xf32, #tpu.memory_space<hbm>> -> memref<64x256xf32, #tpu.memory_space<hbm>>
    %dma_wait3A_944 = arith.constant 0 : i32
    %dma_wait3A_945 = tpu.memref_slice %arg6[%add3A_937, %dma_wait3A_944] : memref<65536x256xf32, #tpu.memory_space<hbm>> -> memref<64x256xf32, #tpu.memory_space<hbm>>
    tpu.wait_dma2 semaphore(%arg24 : memref<!tpu.dma_semaphore, #tpu.memory_space<semaphore_mem>>) src(%arg12 : memref<64x256xf32, #tpu.memory_space<vmem>>) dst(%dma_wait3A_945 : memref<64x256xf32, #tpu.memory_space<hbm>>)
    %dma_start3A_946 = arith.constant 1216 : i32
    %dma_start3A_947 = tpu.memref_slice %arg8[%dma_start3A_946] : memref<2048xi32, #tpu.memory_space<vmem>> -> memref<64xi32, #tpu.memory_space<vmem>>
    %dma_start3A_948 = arith.constant 0 : i32
    %dma_start3A_949 = arith.constant 0 : i32
    %dma_start3A_950 = tpu.memref_slice %arg2[%dma_start3A_948, %dma_start3A_949] : memref<65536x256xf32, #tpu.memory_space<hbm>> -> memref<65536x256xf32, #tpu.memory_space<hbm>>
    tpu.enqueue_indirect_dma source(%dma_start3A_950 : memref<65536x256xf32, #tpu.memory_space<hbm>>) target(%arg12 : memref<64x256xf32, #tpu.memory_space<vmem>>) offsets(%dma_start3A_947 : memref<64xi32, #tpu.memory_space<vmem>>) semaphore(%arg18 : memref<!tpu.dma_semaphore, #tpu.memory_space<semaphore_mem>>)
    %dma_wait3A_951 = arith.constant 896 : i32
    %dma_wait3A_952 = tpu.memref_slice %arg8[%dma_wait3A_951] : memref<2048xi32, #tpu.memory_space<vmem>> -> memref<64xi32, #tpu.memory_space<vmem>>
    %dma_wait3A_953 = arith.constant 0 : i32
    %dma_wait3A_954 = arith.constant 0 : i32
    %dma_wait3A_955 = tpu.memref_slice %arg2[%dma_wait3A_953, %dma_wait3A_954] : memref<65536x256xf32, #tpu.memory_space<hbm>> -> memref<65536x256xf32, #tpu.memory_space<hbm>>
    tpu.wait_indirect_dma semaphore(%arg19 : memref<!tpu.dma_semaphore, #tpu.memory_space<semaphore_mem>>) src(%dma_wait3A_955 : memref<65536x256xf32, #tpu.memory_space<hbm>>) dst(%arg13 : memref<64x256xf32, #tpu.memory_space<vmem>>)
    %add3A_956 = arith.constant 896 : i32
    %add3A_957 = arith.addi %mul3A_2, %add3A_956 : i32
    %dma_start3A_958 = arith.constant 0 : i32
    %dma_start3A_959 = tpu.memref_slice %arg6[%add3A_957, %dma_start3A_958] : memref<65536x256xf32, #tpu.memory_space<hbm>> -> memref<64x256xf32, #tpu.memory_space<hbm>>
    %dma_start3A_960 = arith.constant 0 : i32
    %dma_start3A_961 = tpu.memref_slice %arg6[%add3A_957, %dma_start3A_960] : memref<65536x256xf32, #tpu.memory_space<hbm>> -> memref<64x256xf32, #tpu.memory_space<hbm>>
    tpu.enqueue_dma source(%arg13 : memref<64x256xf32, #tpu.memory_space<vmem>>) target(%dma_start3A_961 : memref<64x256xf32, #tpu.memory_space<hbm>>) target_semaphore(%arg25 : memref<!tpu.dma_semaphore, #tpu.memory_space<semaphore_mem>>)
    %dma_wait3A_962 = arith.constant 0 : i32
    %dma_wait3A_963 = tpu.memref_slice %arg6[%add3A_957, %dma_wait3A_962] : memref<65536x256xf32, #tpu.memory_space<hbm>> -> memref<64x256xf32, #tpu.memory_space<hbm>>
    %dma_wait3A_964 = arith.constant 0 : i32
    %dma_wait3A_965 = tpu.memref_slice %arg6[%add3A_957, %dma_wait3A_964] : memref<65536x256xf32, #tpu.memory_space<hbm>> -> memref<64x256xf32, #tpu.memory_space<hbm>>
    tpu.wait_dma2 semaphore(%arg25 : memref<!tpu.dma_semaphore, #tpu.memory_space<semaphore_mem>>) src(%arg13 : memref<64x256xf32, #tpu.memory_space<vmem>>) dst(%dma_wait3A_965 : memref<64x256xf32, #tpu.memory_space<hbm>>)
    %dma_start3A_966 = arith.constant 1280 : i32
    %dma_start3A_967 = tpu.memref_slice %arg8[%dma_start3A_966] : memref<2048xi32, #tpu.memory_space<vmem>> -> memref<64xi32, #tpu.memory_space<vmem>>
    %dma_start3A_968 = arith.constant 0 : i32
    %dma_start3A_969 = arith.constant 0 : i32
    %dma_start3A_970 = tpu.memref_slice %arg2[%dma_start3A_968, %dma_start3A_969] : memref<65536x256xf32, #tpu.memory_space<hbm>> -> memref<65536x256xf32, #tpu.memory_space<hbm>>
    tpu.enqueue_indirect_dma source(%dma_start3A_970 : memref<65536x256xf32, #tpu.memory_space<hbm>>) target(%arg13 : memref<64x256xf32, #tpu.memory_space<vmem>>) offsets(%dma_start3A_967 : memref<64xi32, #tpu.memory_space<vmem>>) semaphore(%arg19 : memref<!tpu.dma_semaphore, #tpu.memory_space<semaphore_mem>>)
    %dma_wait3A_971 = arith.constant 960 : i32
    %dma_wait3A_972 = tpu.memref_slice %arg8[%dma_wait3A_971] : memref<2048xi32, #tpu.memory_space<vmem>> -> memref<64xi32, #tpu.memory_space<vmem>>
    %dma_wait3A_973 = arith.constant 0 : i32
    %dma_wait3A_974 = arith.constant 0 : i32
    %dma_wait3A_975 = tpu.memref_slice %arg2[%dma_wait3A_973, %dma_wait3A_974] : memref<65536x256xf32, #tpu.memory_space<hbm>> -> memref<65536x256xf32, #tpu.memory_space<hbm>>
    tpu.wait_indirect_dma semaphore(%arg20 : memref<!tpu.dma_semaphore, #tpu.memory_space<semaphore_mem>>) src(%dma_wait3A_975 : memref<65536x256xf32, #tpu.memory_space<hbm>>) dst(%arg14 : memref<64x256xf32, #tpu.memory_space<vmem>>)
    %add3A_976 = arith.constant 960 : i32
    %add3A_977 = arith.addi %mul3A_2, %add3A_976 : i32
    %dma_start3A_978 = arith.constant 0 : i32
    %dma_start3A_979 = tpu.memref_slice %arg6[%add3A_977, %dma_start3A_978] : memref<65536x256xf32, #tpu.memory_space<hbm>> -> memref<64x256xf32, #tpu.memory_space<hbm>>
    %dma_start3A_980 = arith.constant 0 : i32
    %dma_start3A_981 = tpu.memref_slice %arg6[%add3A_977, %dma_start3A_980] : memref<65536x256xf32, #tpu.memory_space<hbm>> -> memref<64x256xf32, #tpu.memory_space<hbm>>
    tpu.enqueue_dma source(%arg14 : memref<64x256xf32, #tpu.memory_space<vmem>>) target(%dma_start3A_981 : memref<64x256xf32, #tpu.memory_space<hbm>>) target_semaphore(%arg26 : memref<!tpu.dma_semaphore, #tpu.memory_space<semaphore_mem>>)
    %dma_wait3A_982 = arith.constant 0 : i32
    %dma_wait3A_983 = tpu.memref_slice %arg6[%add3A_977, %dma_wait3A_982] : memref<65536x256xf32, #tpu.memory_space<hbm>> -> memref<64x256xf32, #tpu.memory_space<hbm>>
    %dma_wait3A_984 = arith.constant 0 : i32
    %dma_wait3A_985 = tpu.memref_slice %arg6[%add3A_977, %dma_wait3A_984] : memref<65536x256xf32, #tpu.memory_space<hbm>> -> memref<64x256xf32, #tpu.memory_space<hbm>>
    tpu.wait_dma2 semaphore(%arg26 : memref<!tpu.dma_semaphore, #tpu.memory_space<semaphore_mem>>) src(%arg14 : memref<64x256xf32, #tpu.memory_space<vmem>>) dst(%dma_wait3A_985 : memref<64x256xf32, #tpu.memory_space<hbm>>)
    %dma_start3A_986 = arith.constant 1344 : i32
    %dma_start3A_987 = tpu.memref_slice %arg8[%dma_start3A_986] : memref<2048xi32, #tpu.memory_space<vmem>> -> memref<64xi32, #tpu.memory_space<vmem>>
    %dma_start3A_988 = arith.constant 0 : i32
    %dma_start3A_989 = arith.constant 0 : i32
    %dma_start3A_990 = tpu.memref_slice %arg2[%dma_start3A_988, %dma_start3A_989] : memref<65536x256xf32, #tpu.memory_space<hbm>> -> memref<65536x256xf32, #tpu.memory_space<hbm>>
    tpu.enqueue_indirect_dma source(%dma_start3A_990 : memref<65536x256xf32, #tpu.memory_space<hbm>>) target(%arg14 : memref<64x256xf32, #tpu.memory_space<vmem>>) offsets(%dma_start3A_987 : memref<64xi32, #tpu.memory_space<vmem>>) semaphore(%arg20 : memref<!tpu.dma_semaphore, #tpu.memory_space<semaphore_mem>>)
    %dma_wait3A_991 = arith.constant 1024 : i32
    %dma_wait3A_992 = tpu.memref_slice %arg8[%dma_wait3A_991] : memref<2048xi32, #tpu.memory_space<vmem>> -> memref<64xi32, #tpu.memory_space<vmem>>
    %dma_wait3A_993 = arith.constant 0 : i32
    %dma_wait3A_994 = arith.constant 0 : i32
    %dma_wait3A_995 = tpu.memref_slice %arg2[%dma_wait3A_993, %dma_wait3A_994] : memref<65536x256xf32, #tpu.memory_space<hbm>> -> memref<65536x256xf32, #tpu.memory_space<hbm>>
    tpu.wait_indirect_dma semaphore(%arg15 : memref<!tpu.dma_semaphore, #tpu.memory_space<semaphore_mem>>) src(%dma_wait3A_995 : memref<65536x256xf32, #tpu.memory_space<hbm>>) dst(%arg9 : memref<64x256xf32, #tpu.memory_space<vmem>>)
    %add3A_996 = arith.constant 1024 : i32
    %add3A_997 = arith.addi %mul3A_2, %add3A_996 : i32
    %dma_start3A_998 = arith.constant 0 : i32
    %dma_start3A_999 = tpu.memref_slice %arg6[%add3A_997, %dma_start3A_998] : memref<65536x256xf32, #tpu.memory_space<hbm>> -> memref<64x256xf32, #tpu.memory_space<hbm>>
    %dma_start3A_1000 = arith.constant 0 : i32
    %dma_start3A_1001 = tpu.memref_slice %arg6[%add3A_997, %dma_start3A_1000] : memref<65536x256xf32, #tpu.memory_space<hbm>> -> memref<64x256xf32, #tpu.memory_space<hbm>>
    tpu.enqueue_dma source(%arg9 : memref<64x256xf32, #tpu.memory_space<vmem>>) target(%dma_start3A_1001 : memref<64x256xf32, #tpu.memory_space<hbm>>) target_semaphore(%arg21 : memref<!tpu.dma_semaphore, #tpu.memory_space<semaphore_mem>>)
    %dma_wait3A_1002 = arith.constant 0 : i32
    %dma_wait3A_1003 = tpu.memref_slice %arg6[%add3A_997, %dma_wait3A_1002] : memref<65536x256xf32, #tpu.memory_space<hbm>> -> memref<64x256xf32, #tpu.memory_space<hbm>>
    %dma_wait3A_1004 = arith.constant 0 : i32
    %dma_wait3A_1005 = tpu.memref_slice %arg6[%add3A_997, %dma_wait3A_1004] : memref<65536x256xf32, #tpu.memory_space<hbm>> -> memref<64x256xf32, #tpu.memory_space<hbm>>
    tpu.wait_dma2 semaphore(%arg21 : memref<!tpu.dma_semaphore, #tpu.memory_space<semaphore_mem>>) src(%arg9 : memref<64x256xf32, #tpu.memory_space<vmem>>) dst(%dma_wait3A_1005 : memref<64x256xf32, #tpu.memory_space<hbm>>)
    %dma_start3A_1006 = arith.constant 1408 : i32
    %dma_start3A_1007 = tpu.memref_slice %arg8[%dma_start3A_1006] : memref<2048xi32, #tpu.memory_space<vmem>> -> memref<64xi32, #tpu.memory_space<vmem>>
    %dma_start3A_1008 = arith.constant 0 : i32
    %dma_start3A_1009 = arith.constant 0 : i32
    %dma_start3A_1010 = tpu.memref_slice %arg2[%dma_start3A_1008, %dma_start3A_1009] : memref<65536x256xf32, #tpu.memory_space<hbm>> -> memref<65536x256xf32, #tpu.memory_space<hbm>>
    tpu.enqueue_indirect_dma source(%dma_start3A_1010 : memref<65536x256xf32, #tpu.memory_space<hbm>>) target(%arg9 : memref<64x256xf32, #tpu.memory_space<vmem>>) offsets(%dma_start3A_1007 : memref<64xi32, #tpu.memory_space<vmem>>) semaphore(%arg15 : memref<!tpu.dma_semaphore, #tpu.memory_space<semaphore_mem>>)
    %dma_wait3A_1011 = arith.constant 1088 : i32
    %dma_wait3A_1012 = tpu.memref_slice %arg8[%dma_wait3A_1011] : memref<2048xi32, #tpu.memory_space<vmem>> -> memref<64xi32, #tpu.memory_space<vmem>>
    %dma_wait3A_1013 = arith.constant 0 : i32
    %dma_wait3A_1014 = arith.constant 0 : i32
    %dma_wait3A_1015 = tpu.memref_slice %arg2[%dma_wait3A_1013, %dma_wait3A_1014] : memref<65536x256xf32, #tpu.memory_space<hbm>> -> memref<65536x256xf32, #tpu.memory_space<hbm>>
    tpu.wait_indirect_dma semaphore(%arg16 : memref<!tpu.dma_semaphore, #tpu.memory_space<semaphore_mem>>) src(%dma_wait3A_1015 : memref<65536x256xf32, #tpu.memory_space<hbm>>) dst(%arg10 : memref<64x256xf32, #tpu.memory_space<vmem>>)
    %add3A_1016 = arith.constant 1088 : i32
    %add3A_1017 = arith.addi %mul3A_2, %add3A_1016 : i32
    %dma_start3A_1018 = arith.constant 0 : i32
    %dma_start3A_1019 = tpu.memref_slice %arg6[%add3A_1017, %dma_start3A_1018] : memref<65536x256xf32, #tpu.memory_space<hbm>> -> memref<64x256xf32, #tpu.memory_space<hbm>>
    %dma_start3A_1020 = arith.constant 0 : i32
    %dma_start3A_1021 = tpu.memref_slice %arg6[%add3A_1017, %dma_start3A_1020] : memref<65536x256xf32, #tpu.memory_space<hbm>> -> memref<64x256xf32, #tpu.memory_space<hbm>>
    tpu.enqueue_dma source(%arg10 : memref<64x256xf32, #tpu.memory_space<vmem>>) target(%dma_start3A_1021 : memref<64x256xf32, #tpu.memory_space<hbm>>) target_semaphore(%arg22 : memref<!tpu.dma_semaphore, #tpu.memory_space<semaphore_mem>>)
    %dma_wait3A_1022 = arith.constant 0 : i32
    %dma_wait3A_1023 = tpu.memref_slice %arg6[%add3A_1017, %dma_wait3A_1022] : memref<65536x256xf32, #tpu.memory_space<hbm>> -> memref<64x256xf32, #tpu.memory_space<hbm>>
    %dma_wait3A_1024 = arith.constant 0 : i32
    %dma_wait3A_1025 = tpu.memref_slice %arg6[%add3A_1017, %dma_wait3A_1024] : memref<65536x256xf32, #tpu.memory_space<hbm>> -> memref<64x256xf32, #tpu.memory_space<hbm>>
    tpu.wait_dma2 semaphore(%arg22 : memref<!tpu.dma_semaphore, #tpu.memory_space<semaphore_mem>>) src(%arg10 : memref<64x256xf32, #tpu.memory_space<vmem>>) dst(%dma_wait3A_1025 : memref<64x256xf32, #tpu.memory_space<hbm>>)
    %dma_start3A_1026 = arith.constant 1472 : i32
    %dma_start3A_1027 = tpu.memref_slice %arg8[%dma_start3A_1026] : memref<2048xi32, #tpu.memory_space<vmem>> -> memref<64xi32, #tpu.memory_space<vmem>>
    %dma_start3A_1028 = arith.constant 0 : i32
    %dma_start3A_1029 = arith.constant 0 : i32
    %dma_start3A_1030 = tpu.memref_slice %arg2[%dma_start3A_1028, %dma_start3A_1029] : memref<65536x256xf32, #tpu.memory_space<hbm>> -> memref<65536x256xf32, #tpu.memory_space<hbm>>
    tpu.enqueue_indirect_dma source(%dma_start3A_1030 : memref<65536x256xf32, #tpu.memory_space<hbm>>) target(%arg10 : memref<64x256xf32, #tpu.memory_space<vmem>>) offsets(%dma_start3A_1027 : memref<64xi32, #tpu.memory_space<vmem>>) semaphore(%arg16 : memref<!tpu.dma_semaphore, #tpu.memory_space<semaphore_mem>>)
    %dma_wait3A_1031 = arith.constant 1152 : i32
    %dma_wait3A_1032 = tpu.memref_slice %arg8[%dma_wait3A_1031] : memref<2048xi32, #tpu.memory_space<vmem>> -> memref<64xi32, #tpu.memory_space<vmem>>
    %dma_wait3A_1033 = arith.constant 0 : i32
    %dma_wait3A_1034 = arith.constant 0 : i32
    %dma_wait3A_1035 = tpu.memref_slice %arg2[%dma_wait3A_1033, %dma_wait3A_1034] : memref<65536x256xf32, #tpu.memory_space<hbm>> -> memref<65536x256xf32, #tpu.memory_space<hbm>>
    tpu.wait_indirect_dma semaphore(%arg17 : memref<!tpu.dma_semaphore, #tpu.memory_space<semaphore_mem>>) src(%dma_wait3A_1035 : memref<65536x256xf32, #tpu.memory_space<hbm>>) dst(%arg11 : memref<64x256xf32, #tpu.memory_space<vmem>>)
    %add3A_1036 = arith.constant 1152 : i32
    %add3A_1037 = arith.addi %mul3A_2, %add3A_1036 : i32
    %dma_start3A_1038 = arith.constant 0 : i32
    %dma_start3A_1039 = tpu.memref_slice %arg6[%add3A_1037, %dma_start3A_1038] : memref<65536x256xf32, #tpu.memory_space<hbm>> -> memref<64x256xf32, #tpu.memory_space<hbm>>
    %dma_start3A_1040 = arith.constant 0 : i32
    %dma_start3A_1041 = tpu.memref_slice %arg6[%add3A_1037, %dma_start3A_1040] : memref<65536x256xf32, #tpu.memory_space<hbm>> -> memref<64x256xf32, #tpu.memory_space<hbm>>
    tpu.enqueue_dma source(%arg11 : memref<64x256xf32, #tpu.memory_space<vmem>>) target(%dma_start3A_1041 : memref<64x256xf32, #tpu.memory_space<hbm>>) target_semaphore(%arg23 : memref<!tpu.dma_semaphore, #tpu.memory_space<semaphore_mem>>)
    %dma_wait3A_1042 = arith.constant 0 : i32
    %dma_wait3A_1043 = tpu.memref_slice %arg6[%add3A_1037, %dma_wait3A_1042] : memref<65536x256xf32, #tpu.memory_space<hbm>> -> memref<64x256xf32, #tpu.memory_space<hbm>>
    %dma_wait3A_1044 = arith.constant 0 : i32
    %dma_wait3A_1045 = tpu.memref_slice %arg6[%add3A_1037, %dma_wait3A_1044] : memref<65536x256xf32, #tpu.memory_space<hbm>> -> memref<64x256xf32, #tpu.memory_space<hbm>>
    tpu.wait_dma2 semaphore(%arg23 : memref<!tpu.dma_semaphore, #tpu.memory_space<semaphore_mem>>) src(%arg11 : memref<64x256xf32, #tpu.memory_space<vmem>>) dst(%dma_wait3A_1045 : memref<64x256xf32, #tpu.memory_space<hbm>>)
    %dma_start3A_1046 = arith.constant 1536 : i32
    %dma_start3A_1047 = tpu.memref_slice %arg8[%dma_start3A_1046] : memref<2048xi32, #tpu.memory_space<vmem>> -> memref<64xi32, #tpu.memory_space<vmem>>
    %dma_start3A_1048 = arith.constant 0 : i32
    %dma_start3A_1049 = arith.constant 0 : i32
    %dma_start3A_1050 = tpu.memref_slice %arg2[%dma_start3A_1048, %dma_start3A_1049] : memref<65536x256xf32, #tpu.memory_space<hbm>> -> memref<65536x256xf32, #tpu.memory_space<hbm>>
    tpu.enqueue_indirect_dma source(%dma_start3A_1050 : memref<65536x256xf32, #tpu.memory_space<hbm>>) target(%arg11 : memref<64x256xf32, #tpu.memory_space<vmem>>) offsets(%dma_start3A_1047 : memref<64xi32, #tpu.memory_space<vmem>>) semaphore(%arg17 : memref<!tpu.dma_semaphore, #tpu.memory_space<semaphore_mem>>)
    %dma_wait3A_1051 = arith.constant 1216 : i32
    %dma_wait3A_1052 = tpu.memref_slice %arg8[%dma_wait3A_1051] : memref<2048xi32, #tpu.memory_space<vmem>> -> memref<64xi32, #tpu.memory_space<vmem>>
    %dma_wait3A_1053 = arith.constant 0 : i32
    %dma_wait3A_1054 = arith.constant 0 : i32
    %dma_wait3A_1055 = tpu.memref_slice %arg2[%dma_wait3A_1053, %dma_wait3A_1054] : memref<65536x256xf32, #tpu.memory_space<hbm>> -> memref<65536x256xf32, #tpu.memory_space<hbm>>
    tpu.wait_indirect_dma semaphore(%arg18 : memref<!tpu.dma_semaphore, #tpu.memory_space<semaphore_mem>>) src(%dma_wait3A_1055 : memref<65536x256xf32, #tpu.memory_space<hbm>>) dst(%arg12 : memref<64x256xf32, #tpu.memory_space<vmem>>)
    %add3A_1056 = arith.constant 1216 : i32
    %add3A_1057 = arith.addi %mul3A_2, %add3A_1056 : i32
    %dma_start3A_1058 = arith.constant 0 : i32
    %dma_start3A_1059 = tpu.memref_slice %arg6[%add3A_1057, %dma_start3A_1058] : memref<65536x256xf32, #tpu.memory_space<hbm>> -> memref<64x256xf32, #tpu.memory_space<hbm>>
    %dma_start3A_1060 = arith.constant 0 : i32
    %dma_start3A_1061 = tpu.memref_slice %arg6[%add3A_1057, %dma_start3A_1060] : memref<65536x256xf32, #tpu.memory_space<hbm>> -> memref<64x256xf32, #tpu.memory_space<hbm>>
    tpu.enqueue_dma source(%arg12 : memref<64x256xf32, #tpu.memory_space<vmem>>) target(%dma_start3A_1061 : memref<64x256xf32, #tpu.memory_space<hbm>>) target_semaphore(%arg24 : memref<!tpu.dma_semaphore, #tpu.memory_space<semaphore_mem>>)
    %dma_wait3A_1062 = arith.constant 0 : i32
    %dma_wait3A_1063 = tpu.memref_slice %arg6[%add3A_1057, %dma_wait3A_1062] : memref<65536x256xf32, #tpu.memory_space<hbm>> -> memref<64x256xf32, #tpu.memory_space<hbm>>
    %dma_wait3A_1064 = arith.constant 0 : i32
    %dma_wait3A_1065 = tpu.memref_slice %arg6[%add3A_1057, %dma_wait3A_1064] : memref<65536x256xf32, #tpu.memory_space<hbm>> -> memref<64x256xf32, #tpu.memory_space<hbm>>
    tpu.wait_dma2 semaphore(%arg24 : memref<!tpu.dma_semaphore, #tpu.memory_space<semaphore_mem>>) src(%arg12 : memref<64x256xf32, #tpu.memory_space<vmem>>) dst(%dma_wait3A_1065 : memref<64x256xf32, #tpu.memory_space<hbm>>)
    %dma_start3A_1066 = arith.constant 1600 : i32
    %dma_start3A_1067 = tpu.memref_slice %arg8[%dma_start3A_1066] : memref<2048xi32, #tpu.memory_space<vmem>> -> memref<64xi32, #tpu.memory_space<vmem>>
    %dma_start3A_1068 = arith.constant 0 : i32
    %dma_start3A_1069 = arith.constant 0 : i32
    %dma_start3A_1070 = tpu.memref_slice %arg2[%dma_start3A_1068, %dma_start3A_1069] : memref<65536x256xf32, #tpu.memory_space<hbm>> -> memref<65536x256xf32, #tpu.memory_space<hbm>>
    tpu.enqueue_indirect_dma source(%dma_start3A_1070 : memref<65536x256xf32, #tpu.memory_space<hbm>>) target(%arg12 : memref<64x256xf32, #tpu.memory_space<vmem>>) offsets(%dma_start3A_1067 : memref<64xi32, #tpu.memory_space<vmem>>) semaphore(%arg18 : memref<!tpu.dma_semaphore, #tpu.memory_space<semaphore_mem>>)
    %dma_wait3A_1071 = arith.constant 1280 : i32
    %dma_wait3A_1072 = tpu.memref_slice %arg8[%dma_wait3A_1071] : memref<2048xi32, #tpu.memory_space<vmem>> -> memref<64xi32, #tpu.memory_space<vmem>>
    %dma_wait3A_1073 = arith.constant 0 : i32
    %dma_wait3A_1074 = arith.constant 0 : i32
    %dma_wait3A_1075 = tpu.memref_slice %arg2[%dma_wait3A_1073, %dma_wait3A_1074] : memref<65536x256xf32, #tpu.memory_space<hbm>> -> memref<65536x256xf32, #tpu.memory_space<hbm>>
    tpu.wait_indirect_dma semaphore(%arg19 : memref<!tpu.dma_semaphore, #tpu.memory_space<semaphore_mem>>) src(%dma_wait3A_1075 : memref<65536x256xf32, #tpu.memory_space<hbm>>) dst(%arg13 : memref<64x256xf32, #tpu.memory_space<vmem>>)
    %add3A_1076 = arith.constant 1280 : i32
    %add3A_1077 = arith.addi %mul3A_2, %add3A_1076 : i32
    %dma_start3A_1078 = arith.constant 0 : i32
    %dma_start3A_1079 = tpu.memref_slice %arg6[%add3A_1077, %dma_start3A_1078] : memref<65536x256xf32, #tpu.memory_space<hbm>> -> memref<64x256xf32, #tpu.memory_space<hbm>>
    %dma_start3A_1080 = arith.constant 0 : i32
    %dma_start3A_1081 = tpu.memref_slice %arg6[%add3A_1077, %dma_start3A_1080] : memref<65536x256xf32, #tpu.memory_space<hbm>> -> memref<64x256xf32, #tpu.memory_space<hbm>>
    tpu.enqueue_dma source(%arg13 : memref<64x256xf32, #tpu.memory_space<vmem>>) target(%dma_start3A_1081 : memref<64x256xf32, #tpu.memory_space<hbm>>) target_semaphore(%arg25 : memref<!tpu.dma_semaphore, #tpu.memory_space<semaphore_mem>>)
    %dma_wait3A_1082 = arith.constant 0 : i32
    %dma_wait3A_1083 = tpu.memref_slice %arg6[%add3A_1077, %dma_wait3A_1082] : memref<65536x256xf32, #tpu.memory_space<hbm>> -> memref<64x256xf32, #tpu.memory_space<hbm>>
    %dma_wait3A_1084 = arith.constant 0 : i32
    %dma_wait3A_1085 = tpu.memref_slice %arg6[%add3A_1077, %dma_wait3A_1084] : memref<65536x256xf32, #tpu.memory_space<hbm>> -> memref<64x256xf32, #tpu.memory_space<hbm>>
    tpu.wait_dma2 semaphore(%arg25 : memref<!tpu.dma_semaphore, #tpu.memory_space<semaphore_mem>>) src(%arg13 : memref<64x256xf32, #tpu.memory_space<vmem>>) dst(%dma_wait3A_1085 : memref<64x256xf32, #tpu.memory_space<hbm>>)
    %dma_start3A_1086 = arith.constant 1664 : i32
    %dma_start3A_1087 = tpu.memref_slice %arg8[%dma_start3A_1086] : memref<2048xi32, #tpu.memory_space<vmem>> -> memref<64xi32, #tpu.memory_space<vmem>>
    %dma_start3A_1088 = arith.constant 0 : i32
    %dma_start3A_1089 = arith.constant 0 : i32
    %dma_start3A_1090 = tpu.memref_slice %arg2[%dma_start3A_1088, %dma_start3A_1089] : memref<65536x256xf32, #tpu.memory_space<hbm>> -> memref<65536x256xf32, #tpu.memory_space<hbm>>
    tpu.enqueue_indirect_dma source(%dma_start3A_1090 : memref<65536x256xf32, #tpu.memory_space<hbm>>) target(%arg13 : memref<64x256xf32, #tpu.memory_space<vmem>>) offsets(%dma_start3A_1087 : memref<64xi32, #tpu.memory_space<vmem>>) semaphore(%arg19 : memref<!tpu.dma_semaphore, #tpu.memory_space<semaphore_mem>>)
    %dma_wait3A_1091 = arith.constant 1344 : i32
    %dma_wait3A_1092 = tpu.memref_slice %arg8[%dma_wait3A_1091] : memref<2048xi32, #tpu.memory_space<vmem>> -> memref<64xi32, #tpu.memory_space<vmem>>
    %dma_wait3A_1093 = arith.constant 0 : i32
    %dma_wait3A_1094 = arith.constant 0 : i32
    %dma_wait3A_1095 = tpu.memref_slice %arg2[%dma_wait3A_1093, %dma_wait3A_1094] : memref<65536x256xf32, #tpu.memory_space<hbm>> -> memref<65536x256xf32, #tpu.memory_space<hbm>>
    tpu.wait_indirect_dma semaphore(%arg20 : memref<!tpu.dma_semaphore, #tpu.memory_space<semaphore_mem>>) src(%dma_wait3A_1095 : memref<65536x256xf32, #tpu.memory_space<hbm>>) dst(%arg14 : memref<64x256xf32, #tpu.memory_space<vmem>>)
    %add3A_1096 = arith.constant 1344 : i32
    %add3A_1097 = arith.addi %mul3A_2, %add3A_1096 : i32
    %dma_start3A_1098 = arith.constant 0 : i32
    %dma_start3A_1099 = tpu.memref_slice %arg6[%add3A_1097, %dma_start3A_1098] : memref<65536x256xf32, #tpu.memory_space<hbm>> -> memref<64x256xf32, #tpu.memory_space<hbm>>
    %dma_start3A_1100 = arith.constant 0 : i32
    %dma_start3A_1101 = tpu.memref_slice %arg6[%add3A_1097, %dma_start3A_1100] : memref<65536x256xf32, #tpu.memory_space<hbm>> -> memref<64x256xf32, #tpu.memory_space<hbm>>
    tpu.enqueue_dma source(%arg14 : memref<64x256xf32, #tpu.memory_space<vmem>>) target(%dma_start3A_1101 : memref<64x256xf32, #tpu.memory_space<hbm>>) target_semaphore(%arg26 : memref<!tpu.dma_semaphore, #tpu.memory_space<semaphore_mem>>)
    %dma_wait3A_1102 = arith.constant 0 : i32
    %dma_wait3A_1103 = tpu.memref_slice %arg6[%add3A_1097, %dma_wait3A_1102] : memref<65536x256xf32, #tpu.memory_space<hbm>> -> memref<64x256xf32, #tpu.memory_space<hbm>>
    %dma_wait3A_1104 = arith.constant 0 : i32
    %dma_wait3A_1105 = tpu.memref_slice %arg6[%add3A_1097, %dma_wait3A_1104] : memref<65536x256xf32, #tpu.memory_space<hbm>> -> memref<64x256xf32, #tpu.memory_space<hbm>>
    tpu.wait_dma2 semaphore(%arg26 : memref<!tpu.dma_semaphore, #tpu.memory_space<semaphore_mem>>) src(%arg14 : memref<64x256xf32, #tpu.memory_space<vmem>>) dst(%dma_wait3A_1105 : memref<64x256xf32, #tpu.memory_space<hbm>>)
    %dma_start3A_1106 = arith.constant 1728 : i32
    %dma_start3A_1107 = tpu.memref_slice %arg8[%dma_start3A_1106] : memref<2048xi32, #tpu.memory_space<vmem>> -> memref<64xi32, #tpu.memory_space<vmem>>
    %dma_start3A_1108 = arith.constant 0 : i32
    %dma_start3A_1109 = arith.constant 0 : i32
    %dma_start3A_1110 = tpu.memref_slice %arg2[%dma_start3A_1108, %dma_start3A_1109] : memref<65536x256xf32, #tpu.memory_space<hbm>> -> memref<65536x256xf32, #tpu.memory_space<hbm>>
    tpu.enqueue_indirect_dma source(%dma_start3A_1110 : memref<65536x256xf32, #tpu.memory_space<hbm>>) target(%arg14 : memref<64x256xf32, #tpu.memory_space<vmem>>) offsets(%dma_start3A_1107 : memref<64xi32, #tpu.memory_space<vmem>>) semaphore(%arg20 : memref<!tpu.dma_semaphore, #tpu.memory_space<semaphore_mem>>)
    %dma_wait3A_1111 = arith.constant 1408 : i32
    %dma_wait3A_1112 = tpu.memref_slice %arg8[%dma_wait3A_1111] : memref<2048xi32, #tpu.memory_space<vmem>> -> memref<64xi32, #tpu.memory_space<vmem>>
    %dma_wait3A_1113 = arith.constant 0 : i32
    %dma_wait3A_1114 = arith.constant 0 : i32
    %dma_wait3A_1115 = tpu.memref_slice %arg2[%dma_wait3A_1113, %dma_wait3A_1114] : memref<65536x256xf32, #tpu.memory_space<hbm>> -> memref<65536x256xf32, #tpu.memory_space<hbm>>
    tpu.wait_indirect_dma semaphore(%arg15 : memref<!tpu.dma_semaphore, #tpu.memory_space<semaphore_mem>>) src(%dma_wait3A_1115 : memref<65536x256xf32, #tpu.memory_space<hbm>>) dst(%arg9 : memref<64x256xf32, #tpu.memory_space<vmem>>)
    %add3A_1116 = arith.constant 1408 : i32
    %add3A_1117 = arith.addi %mul3A_2, %add3A_1116 : i32
    %dma_start3A_1118 = arith.constant 0 : i32
    %dma_start3A_1119 = tpu.memref_slice %arg6[%add3A_1117, %dma_start3A_1118] : memref<65536x256xf32, #tpu.memory_space<hbm>> -> memref<64x256xf32, #tpu.memory_space<hbm>>
    %dma_start3A_1120 = arith.constant 0 : i32
    %dma_start3A_1121 = tpu.memref_slice %arg6[%add3A_1117, %dma_start3A_1120] : memref<65536x256xf32, #tpu.memory_space<hbm>> -> memref<64x256xf32, #tpu.memory_space<hbm>>
    tpu.enqueue_dma source(%arg9 : memref<64x256xf32, #tpu.memory_space<vmem>>) target(%dma_start3A_1121 : memref<64x256xf32, #tpu.memory_space<hbm>>) target_semaphore(%arg21 : memref<!tpu.dma_semaphore, #tpu.memory_space<semaphore_mem>>)
    %dma_wait3A_1122 = arith.constant 0 : i32
    %dma_wait3A_1123 = tpu.memref_slice %arg6[%add3A_1117, %dma_wait3A_1122] : memref<65536x256xf32, #tpu.memory_space<hbm>> -> memref<64x256xf32, #tpu.memory_space<hbm>>
    %dma_wait3A_1124 = arith.constant 0 : i32
    %dma_wait3A_1125 = tpu.memref_slice %arg6[%add3A_1117, %dma_wait3A_1124] : memref<65536x256xf32, #tpu.memory_space<hbm>> -> memref<64x256xf32, #tpu.memory_space<hbm>>
    tpu.wait_dma2 semaphore(%arg21 : memref<!tpu.dma_semaphore, #tpu.memory_space<semaphore_mem>>) src(%arg9 : memref<64x256xf32, #tpu.memory_space<vmem>>) dst(%dma_wait3A_1125 : memref<64x256xf32, #tpu.memory_space<hbm>>)
    %dma_start3A_1126 = arith.constant 1792 : i32
    %dma_start3A_1127 = tpu.memref_slice %arg8[%dma_start3A_1126] : memref<2048xi32, #tpu.memory_space<vmem>> -> memref<64xi32, #tpu.memory_space<vmem>>
    %dma_start3A_1128 = arith.constant 0 : i32
    %dma_start3A_1129 = arith.constant 0 : i32
    %dma_start3A_1130 = tpu.memref_slice %arg2[%dma_start3A_1128, %dma_start3A_1129] : memref<65536x256xf32, #tpu.memory_space<hbm>> -> memref<65536x256xf32, #tpu.memory_space<hbm>>
    tpu.enqueue_indirect_dma source(%dma_start3A_1130 : memref<65536x256xf32, #tpu.memory_space<hbm>>) target(%arg9 : memref<64x256xf32, #tpu.memory_space<vmem>>) offsets(%dma_start3A_1127 : memref<64xi32, #tpu.memory_space<vmem>>) semaphore(%arg15 : memref<!tpu.dma_semaphore, #tpu.memory_space<semaphore_mem>>)
    %dma_wait3A_1131 = arith.constant 1472 : i32
    %dma_wait3A_1132 = tpu.memref_slice %arg8[%dma_wait3A_1131] : memref<2048xi32, #tpu.memory_space<vmem>> -> memref<64xi32, #tpu.memory_space<vmem>>
    %dma_wait3A_1133 = arith.constant 0 : i32
    %dma_wait3A_1134 = arith.constant 0 : i32
    %dma_wait3A_1135 = tpu.memref_slice %arg2[%dma_wait3A_1133, %dma_wait3A_1134] : memref<65536x256xf32, #tpu.memory_space<hbm>> -> memref<65536x256xf32, #tpu.memory_space<hbm>>
    tpu.wait_indirect_dma semaphore(%arg16 : memref<!tpu.dma_semaphore, #tpu.memory_space<semaphore_mem>>) src(%dma_wait3A_1135 : memref<65536x256xf32, #tpu.memory_space<hbm>>) dst(%arg10 : memref<64x256xf32, #tpu.memory_space<vmem>>)
    %add3A_1136 = arith.constant 1472 : i32
    %add3A_1137 = arith.addi %mul3A_2, %add3A_1136 : i32
    %dma_start3A_1138 = arith.constant 0 : i32
    %dma_start3A_1139 = tpu.memref_slice %arg6[%add3A_1137, %dma_start3A_1138] : memref<65536x256xf32, #tpu.memory_space<hbm>> -> memref<64x256xf32, #tpu.memory_space<hbm>>
    %dma_start3A_1140 = arith.constant 0 : i32
    %dma_start3A_1141 = tpu.memref_slice %arg6[%add3A_1137, %dma_start3A_1140] : memref<65536x256xf32, #tpu.memory_space<hbm>> -> memref<64x256xf32, #tpu.memory_space<hbm>>
    tpu.enqueue_dma source(%arg10 : memref<64x256xf32, #tpu.memory_space<vmem>>) target(%dma_start3A_1141 : memref<64x256xf32, #tpu.memory_space<hbm>>) target_semaphore(%arg22 : memref<!tpu.dma_semaphore, #tpu.memory_space<semaphore_mem>>)
    %dma_wait3A_1142 = arith.constant 0 : i32
    %dma_wait3A_1143 = tpu.memref_slice %arg6[%add3A_1137, %dma_wait3A_1142] : memref<65536x256xf32, #tpu.memory_space<hbm>> -> memref<64x256xf32, #tpu.memory_space<hbm>>
    %dma_wait3A_1144 = arith.constant 0 : i32
    %dma_wait3A_1145 = tpu.memref_slice %arg6[%add3A_1137, %dma_wait3A_1144] : memref<65536x256xf32, #tpu.memory_space<hbm>> -> memref<64x256xf32, #tpu.memory_space<hbm>>
    tpu.wait_dma2 semaphore(%arg22 : memref<!tpu.dma_semaphore, #tpu.memory_space<semaphore_mem>>) src(%arg10 : memref<64x256xf32, #tpu.memory_space<vmem>>) dst(%dma_wait3A_1145 : memref<64x256xf32, #tpu.memory_space<hbm>>)
    %dma_start3A_1146 = arith.constant 1856 : i32
    %dma_start3A_1147 = tpu.memref_slice %arg8[%dma_start3A_1146] : memref<2048xi32, #tpu.memory_space<vmem>> -> memref<64xi32, #tpu.memory_space<vmem>>
    %dma_start3A_1148 = arith.constant 0 : i32
    %dma_start3A_1149 = arith.constant 0 : i32
    %dma_start3A_1150 = tpu.memref_slice %arg2[%dma_start3A_1148, %dma_start3A_1149] : memref<65536x256xf32, #tpu.memory_space<hbm>> -> memref<65536x256xf32, #tpu.memory_space<hbm>>
    tpu.enqueue_indirect_dma source(%dma_start3A_1150 : memref<65536x256xf32, #tpu.memory_space<hbm>>) target(%arg10 : memref<64x256xf32, #tpu.memory_space<vmem>>) offsets(%dma_start3A_1147 : memref<64xi32, #tpu.memory_space<vmem>>) semaphore(%arg16 : memref<!tpu.dma_semaphore, #tpu.memory_space<semaphore_mem>>)
    %dma_wait3A_1151 = arith.constant 1536 : i32
    %dma_wait3A_1152 = tpu.memref_slice %arg8[%dma_wait3A_1151] : memref<2048xi32, #tpu.memory_space<vmem>> -> memref<64xi32, #tpu.memory_space<vmem>>
    %dma_wait3A_1153 = arith.constant 0 : i32
    %dma_wait3A_1154 = arith.constant 0 : i32
    %dma_wait3A_1155 = tpu.memref_slice %arg2[%dma_wait3A_1153, %dma_wait3A_1154] : memref<65536x256xf32, #tpu.memory_space<hbm>> -> memref<65536x256xf32, #tpu.memory_space<hbm>>
    tpu.wait_indirect_dma semaphore(%arg17 : memref<!tpu.dma_semaphore, #tpu.memory_space<semaphore_mem>>) src(%dma_wait3A_1155 : memref<65536x256xf32, #tpu.memory_space<hbm>>) dst(%arg11 : memref<64x256xf32, #tpu.memory_space<vmem>>)
    %add3A_1156 = arith.constant 1536 : i32
    %add3A_1157 = arith.addi %mul3A_2, %add3A_1156 : i32
    %dma_start3A_1158 = arith.constant 0 : i32
    %dma_start3A_1159 = tpu.memref_slice %arg6[%add3A_1157, %dma_start3A_1158] : memref<65536x256xf32, #tpu.memory_space<hbm>> -> memref<64x256xf32, #tpu.memory_space<hbm>>
    %dma_start3A_1160 = arith.constant 0 : i32
    %dma_start3A_1161 = tpu.memref_slice %arg6[%add3A_1157, %dma_start3A_1160] : memref<65536x256xf32, #tpu.memory_space<hbm>> -> memref<64x256xf32, #tpu.memory_space<hbm>>
    tpu.enqueue_dma source(%arg11 : memref<64x256xf32, #tpu.memory_space<vmem>>) target(%dma_start3A_1161 : memref<64x256xf32, #tpu.memory_space<hbm>>) target_semaphore(%arg23 : memref<!tpu.dma_semaphore, #tpu.memory_space<semaphore_mem>>)
    %dma_wait3A_1162 = arith.constant 0 : i32
    %dma_wait3A_1163 = tpu.memref_slice %arg6[%add3A_1157, %dma_wait3A_1162] : memref<65536x256xf32, #tpu.memory_space<hbm>> -> memref<64x256xf32, #tpu.memory_space<hbm>>
    %dma_wait3A_1164 = arith.constant 0 : i32
    %dma_wait3A_1165 = tpu.memref_slice %arg6[%add3A_1157, %dma_wait3A_1164] : memref<65536x256xf32, #tpu.memory_space<hbm>> -> memref<64x256xf32, #tpu.memory_space<hbm>>
    tpu.wait_dma2 semaphore(%arg23 : memref<!tpu.dma_semaphore, #tpu.memory_space<semaphore_mem>>) src(%arg11 : memref<64x256xf32, #tpu.memory_space<vmem>>) dst(%dma_wait3A_1165 : memref<64x256xf32, #tpu.memory_space<hbm>>)
    %dma_start3A_1166 = arith.constant 1920 : i32
    %dma_start3A_1167 = tpu.memref_slice %arg8[%dma_start3A_1166] : memref<2048xi32, #tpu.memory_space<vmem>> -> memref<64xi32, #tpu.memory_space<vmem>>
    %dma_start3A_1168 = arith.constant 0 : i32
    %dma_start3A_1169 = arith.constant 0 : i32
    %dma_start3A_1170 = tpu.memref_slice %arg2[%dma_start3A_1168, %dma_start3A_1169] : memref<65536x256xf32, #tpu.memory_space<hbm>> -> memref<65536x256xf32, #tpu.memory_space<hbm>>
    tpu.enqueue_indirect_dma source(%dma_start3A_1170 : memref<65536x256xf32, #tpu.memory_space<hbm>>) target(%arg11 : memref<64x256xf32, #tpu.memory_space<vmem>>) offsets(%dma_start3A_1167 : memref<64xi32, #tpu.memory_space<vmem>>) semaphore(%arg17 : memref<!tpu.dma_semaphore, #tpu.memory_space<semaphore_mem>>)
    %dma_wait3A_1171 = arith.constant 1600 : i32
    %dma_wait3A_1172 = tpu.memref_slice %arg8[%dma_wait3A_1171] : memref<2048xi32, #tpu.memory_space<vmem>> -> memref<64xi32, #tpu.memory_space<vmem>>
    %dma_wait3A_1173 = arith.constant 0 : i32
    %dma_wait3A_1174 = arith.constant 0 : i32
    %dma_wait3A_1175 = tpu.memref_slice %arg2[%dma_wait3A_1173, %dma_wait3A_1174] : memref<65536x256xf32, #tpu.memory_space<hbm>> -> memref<65536x256xf32, #tpu.memory_space<hbm>>
    tpu.wait_indirect_dma semaphore(%arg18 : memref<!tpu.dma_semaphore, #tpu.memory_space<semaphore_mem>>) src(%dma_wait3A_1175 : memref<65536x256xf32, #tpu.memory_space<hbm>>) dst(%arg12 : memref<64x256xf32, #tpu.memory_space<vmem>>)
    %add3A_1176 = arith.constant 1600 : i32
    %add3A_1177 = arith.addi %mul3A_2, %add3A_1176 : i32
    %dma_start3A_1178 = arith.constant 0 : i32
    %dma_start3A_1179 = tpu.memref_slice %arg6[%add3A_1177, %dma_start3A_1178] : memref<65536x256xf32, #tpu.memory_space<hbm>> -> memref<64x256xf32, #tpu.memory_space<hbm>>
    %dma_start3A_1180 = arith.constant 0 : i32
    %dma_start3A_1181 = tpu.memref_slice %arg6[%add3A_1177, %dma_start3A_1180] : memref<65536x256xf32, #tpu.memory_space<hbm>> -> memref<64x256xf32, #tpu.memory_space<hbm>>
    tpu.enqueue_dma source(%arg12 : memref<64x256xf32, #tpu.memory_space<vmem>>) target(%dma_start3A_1181 : memref<64x256xf32, #tpu.memory_space<hbm>>) target_semaphore(%arg24 : memref<!tpu.dma_semaphore, #tpu.memory_space<semaphore_mem>>)
    %dma_wait3A_1182 = arith.constant 0 : i32
    %dma_wait3A_1183 = tpu.memref_slice %arg6[%add3A_1177, %dma_wait3A_1182] : memref<65536x256xf32, #tpu.memory_space<hbm>> -> memref<64x256xf32, #tpu.memory_space<hbm>>
    %dma_wait3A_1184 = arith.constant 0 : i32
    %dma_wait3A_1185 = tpu.memref_slice %arg6[%add3A_1177, %dma_wait3A_1184] : memref<65536x256xf32, #tpu.memory_space<hbm>> -> memref<64x256xf32, #tpu.memory_space<hbm>>
    tpu.wait_dma2 semaphore(%arg24 : memref<!tpu.dma_semaphore, #tpu.memory_space<semaphore_mem>>) src(%arg12 : memref<64x256xf32, #tpu.memory_space<vmem>>) dst(%dma_wait3A_1185 : memref<64x256xf32, #tpu.memory_space<hbm>>)
    %dma_start3A_1186 = arith.constant 1984 : i32
    %dma_start3A_1187 = tpu.memref_slice %arg8[%dma_start3A_1186] : memref<2048xi32, #tpu.memory_space<vmem>> -> memref<64xi32, #tpu.memory_space<vmem>>
    %dma_start3A_1188 = arith.constant 0 : i32
    %dma_start3A_1189 = arith.constant 0 : i32
    %dma_start3A_1190 = tpu.memref_slice %arg2[%dma_start3A_1188, %dma_start3A_1189] : memref<65536x256xf32, #tpu.memory_space<hbm>> -> memref<65536x256xf32, #tpu.memory_space<hbm>>
    tpu.enqueue_indirect_dma source(%dma_start3A_1190 : memref<65536x256xf32, #tpu.memory_space<hbm>>) target(%arg12 : memref<64x256xf32, #tpu.memory_space<vmem>>) offsets(%dma_start3A_1187 : memref<64xi32, #tpu.memory_space<vmem>>) semaphore(%arg18 : memref<!tpu.dma_semaphore, #tpu.memory_space<semaphore_mem>>)
    %dma_wait3A_1191 = arith.constant 1664 : i32
    %dma_wait3A_1192 = tpu.memref_slice %arg8[%dma_wait3A_1191] : memref<2048xi32, #tpu.memory_space<vmem>> -> memref<64xi32, #tpu.memory_space<vmem>>
    %dma_wait3A_1193 = arith.constant 0 : i32
    %dma_wait3A_1194 = arith.constant 0 : i32
    %dma_wait3A_1195 = tpu.memref_slice %arg2[%dma_wait3A_1193, %dma_wait3A_1194] : memref<65536x256xf32, #tpu.memory_space<hbm>> -> memref<65536x256xf32, #tpu.memory_space<hbm>>
    tpu.wait_indirect_dma semaphore(%arg19 : memref<!tpu.dma_semaphore, #tpu.memory_space<semaphore_mem>>) src(%dma_wait3A_1195 : memref<65536x256xf32, #tpu.memory_space<hbm>>) dst(%arg13 : memref<64x256xf32, #tpu.memory_space<vmem>>)
    %add3A_1196 = arith.constant 1664 : i32
    %add3A_1197 = arith.addi %mul3A_2, %add3A_1196 : i32
    %dma_start3A_1198 = arith.constant 0 : i32
    %dma_start3A_1199 = tpu.memref_slice %arg6[%add3A_1197, %dma_start3A_1198] : memref<65536x256xf32, #tpu.memory_space<hbm>> -> memref<64x256xf32, #tpu.memory_space<hbm>>
    %dma_start3A_1200 = arith.constant 0 : i32
    %dma_start3A_1201 = tpu.memref_slice %arg6[%add3A_1197, %dma_start3A_1200] : memref<65536x256xf32, #tpu.memory_space<hbm>> -> memref<64x256xf32, #tpu.memory_space<hbm>>
    tpu.enqueue_dma source(%arg13 : memref<64x256xf32, #tpu.memory_space<vmem>>) target(%dma_start3A_1201 : memref<64x256xf32, #tpu.memory_space<hbm>>) target_semaphore(%arg25 : memref<!tpu.dma_semaphore, #tpu.memory_space<semaphore_mem>>)
    %dma_wait3A_1202 = arith.constant 1728 : i32
    %dma_wait3A_1203 = tpu.memref_slice %arg8[%dma_wait3A_1202] : memref<2048xi32, #tpu.memory_space<vmem>> -> memref<64xi32, #tpu.memory_space<vmem>>
    %dma_wait3A_1204 = arith.constant 0 : i32
    %dma_wait3A_1205 = arith.constant 0 : i32
    %dma_wait3A_1206 = tpu.memref_slice %arg2[%dma_wait3A_1204, %dma_wait3A_1205] : memref<65536x256xf32, #tpu.memory_space<hbm>> -> memref<65536x256xf32, #tpu.memory_space<hbm>>
    tpu.wait_indirect_dma semaphore(%arg20 : memref<!tpu.dma_semaphore, #tpu.memory_space<semaphore_mem>>) src(%dma_wait3A_1206 : memref<65536x256xf32, #tpu.memory_space<hbm>>) dst(%arg14 : memref<64x256xf32, #tpu.memory_space<vmem>>)
    %add3A_1207 = arith.constant 1728 : i32
    %add3A_1208 = arith.addi %mul3A_2, %add3A_1207 : i32
    %dma_start3A_1209 = arith.constant 0 : i32
    %dma_start3A_1210 = tpu.memref_slice %arg6[%add3A_1208, %dma_start3A_1209] : memref<65536x256xf32, #tpu.memory_space<hbm>> -> memref<64x256xf32, #tpu.memory_space<hbm>>
    %dma_start3A_1211 = arith.constant 0 : i32
    %dma_start3A_1212 = tpu.memref_slice %arg6[%add3A_1208, %dma_start3A_1211] : memref<65536x256xf32, #tpu.memory_space<hbm>> -> memref<64x256xf32, #tpu.memory_space<hbm>>
    tpu.enqueue_dma source(%arg14 : memref<64x256xf32, #tpu.memory_space<vmem>>) target(%dma_start3A_1212 : memref<64x256xf32, #tpu.memory_space<hbm>>) target_semaphore(%arg26 : memref<!tpu.dma_semaphore, #tpu.memory_space<semaphore_mem>>)
    %dma_wait3A_1213 = arith.constant 1792 : i32
    %dma_wait3A_1214 = tpu.memref_slice %arg8[%dma_wait3A_1213] : memref<2048xi32, #tpu.memory_space<vmem>> -> memref<64xi32, #tpu.memory_space<vmem>>
    %dma_wait3A_1215 = arith.constant 0 : i32
    %dma_wait3A_1216 = arith.constant 0 : i32
    %dma_wait3A_1217 = tpu.memref_slice %arg2[%dma_wait3A_1215, %dma_wait3A_1216] : memref<65536x256xf32, #tpu.memory_space<hbm>> -> memref<65536x256xf32, #tpu.memory_space<hbm>>
    tpu.wait_indirect_dma semaphore(%arg15 : memref<!tpu.dma_semaphore, #tpu.memory_space<semaphore_mem>>) src(%dma_wait3A_1217 : memref<65536x256xf32, #tpu.memory_space<hbm>>) dst(%arg9 : memref<64x256xf32, #tpu.memory_space<vmem>>)
    %add3A_1218 = arith.constant 1792 : i32
    %add3A_1219 = arith.addi %mul3A_2, %add3A_1218 : i32
    %dma_start3A_1220 = arith.constant 0 : i32
    %dma_start3A_1221 = tpu.memref_slice %arg6[%add3A_1219, %dma_start3A_1220] : memref<65536x256xf32, #tpu.memory_space<hbm>> -> memref<64x256xf32, #tpu.memory_space<hbm>>
    %dma_start3A_1222 = arith.constant 0 : i32
    %dma_start3A_1223 = tpu.memref_slice %arg6[%add3A_1219, %dma_start3A_1222] : memref<65536x256xf32, #tpu.memory_space<hbm>> -> memref<64x256xf32, #tpu.memory_space<hbm>>
    tpu.enqueue_dma source(%arg9 : memref<64x256xf32, #tpu.memory_space<vmem>>) target(%dma_start3A_1223 : memref<64x256xf32, #tpu.memory_space<hbm>>) target_semaphore(%arg21 : memref<!tpu.dma_semaphore, #tpu.memory_space<semaphore_mem>>)
    %dma_wait3A_1224 = arith.constant 1856 : i32
    %dma_wait3A_1225 = tpu.memref_slice %arg8[%dma_wait3A_1224] : memref<2048xi32, #tpu.memory_space<vmem>> -> memref<64xi32, #tpu.memory_space<vmem>>
    %dma_wait3A_1226 = arith.constant 0 : i32
    %dma_wait3A_1227 = arith.constant 0 : i32
    %dma_wait3A_1228 = tpu.memref_slice %arg2[%dma_wait3A_1226, %dma_wait3A_1227] : memref<65536x256xf32, #tpu.memory_space<hbm>> -> memref<65536x256xf32, #tpu.memory_space<hbm>>
    tpu.wait_indirect_dma semaphore(%arg16 : memref<!tpu.dma_semaphore, #tpu.memory_space<semaphore_mem>>) src(%dma_wait3A_1228 : memref<65536x256xf32, #tpu.memory_space<hbm>>) dst(%arg10 : memref<64x256xf32, #tpu.memory_space<vmem>>)
    %add3A_1229 = arith.constant 1856 : i32
    %add3A_1230 = arith.addi %mul3A_2, %add3A_1229 : i32
    %dma_start3A_1231 = arith.constant 0 : i32
    %dma_start3A_1232 = tpu.memref_slice %arg6[%add3A_1230, %dma_start3A_1231] : memref<65536x256xf32, #tpu.memory_space<hbm>> -> memref<64x256xf32, #tpu.memory_space<hbm>>
    %dma_start3A_1233 = arith.constant 0 : i32
    %dma_start3A_1234 = tpu.memref_slice %arg6[%add3A_1230, %dma_start3A_1233] : memref<65536x256xf32, #tpu.memory_space<hbm>> -> memref<64x256xf32, #tpu.memory_space<hbm>>
    tpu.enqueue_dma source(%arg10 : memref<64x256xf32, #tpu.memory_space<vmem>>) target(%dma_start3A_1234 : memref<64x256xf32, #tpu.memory_space<hbm>>) target_semaphore(%arg22 : memref<!tpu.dma_semaphore, #tpu.memory_space<semaphore_mem>>)
    %dma_wait3A_1235 = arith.constant 1920 : i32
    %dma_wait3A_1236 = tpu.memref_slice %arg8[%dma_wait3A_1235] : memref<2048xi32, #tpu.memory_space<vmem>> -> memref<64xi32, #tpu.memory_space<vmem>>
    %dma_wait3A_1237 = arith.constant 0 : i32
    %dma_wait3A_1238 = arith.constant 0 : i32
    %dma_wait3A_1239 = tpu.memref_slice %arg2[%dma_wait3A_1237, %dma_wait3A_1238] : memref<65536x256xf32, #tpu.memory_space<hbm>> -> memref<65536x256xf32, #tpu.memory_space<hbm>>
    tpu.wait_indirect_dma semaphore(%arg17 : memref<!tpu.dma_semaphore, #tpu.memory_space<semaphore_mem>>) src(%dma_wait3A_1239 : memref<65536x256xf32, #tpu.memory_space<hbm>>) dst(%arg11 : memref<64x256xf32, #tpu.memory_space<vmem>>)
    %add3A_1240 = arith.constant 1920 : i32
    %add3A_1241 = arith.addi %mul3A_2, %add3A_1240 : i32
    %dma_start3A_1242 = arith.constant 0 : i32
    %dma_start3A_1243 = tpu.memref_slice %arg6[%add3A_1241, %dma_start3A_1242] : memref<65536x256xf32, #tpu.memory_space<hbm>> -> memref<64x256xf32, #tpu.memory_space<hbm>>
    %dma_start3A_1244 = arith.constant 0 : i32
    %dma_start3A_1245 = tpu.memref_slice %arg6[%add3A_1241, %dma_start3A_1244] : memref<65536x256xf32, #tpu.memory_space<hbm>> -> memref<64x256xf32, #tpu.memory_space<hbm>>
    tpu.enqueue_dma source(%arg11 : memref<64x256xf32, #tpu.memory_space<vmem>>) target(%dma_start3A_1245 : memref<64x256xf32, #tpu.memory_space<hbm>>) target_semaphore(%arg23 : memref<!tpu.dma_semaphore, #tpu.memory_space<semaphore_mem>>)
    %dma_wait3A_1246 = arith.constant 1984 : i32
    %dma_wait3A_1247 = tpu.memref_slice %arg8[%dma_wait3A_1246] : memref<2048xi32, #tpu.memory_space<vmem>> -> memref<64xi32, #tpu.memory_space<vmem>>
    %dma_wait3A_1248 = arith.constant 0 : i32
    %dma_wait3A_1249 = arith.constant 0 : i32
    %dma_wait3A_1250 = tpu.memref_slice %arg2[%dma_wait3A_1248, %dma_wait3A_1249] : memref<65536x256xf32, #tpu.memory_space<hbm>> -> memref<65536x256xf32, #tpu.memory_space<hbm>>
    tpu.wait_indirect_dma semaphore(%arg18 : memref<!tpu.dma_semaphore, #tpu.memory_space<semaphore_mem>>) src(%dma_wait3A_1250 : memref<65536x256xf32, #tpu.memory_space<hbm>>) dst(%arg12 : memref<64x256xf32, #tpu.memory_space<vmem>>)
    %add3A_1251 = arith.constant 1984 : i32
    %add3A_1252 = arith.addi %mul3A_2, %add3A_1251 : i32
    %dma_start3A_1253 = arith.constant 0 : i32
    %dma_start3A_1254 = tpu.memref_slice %arg6[%add3A_1252, %dma_start3A_1253] : memref<65536x256xf32, #tpu.memory_space<hbm>> -> memref<64x256xf32, #tpu.memory_space<hbm>>
    %dma_start3A_1255 = arith.constant 0 : i32
    %dma_start3A_1256 = tpu.memref_slice %arg6[%add3A_1252, %dma_start3A_1255] : memref<65536x256xf32, #tpu.memory_space<hbm>> -> memref<64x256xf32, #tpu.memory_space<hbm>>
    tpu.enqueue_dma source(%arg12 : memref<64x256xf32, #tpu.memory_space<vmem>>) target(%dma_start3A_1256 : memref<64x256xf32, #tpu.memory_space<hbm>>) target_semaphore(%arg24 : memref<!tpu.dma_semaphore, #tpu.memory_space<semaphore_mem>>)
    %dma_wait3A_1257 = arith.constant 0 : i32
    %dma_wait3A_1258 = tpu.memref_slice %arg6[%add3A_1197, %dma_wait3A_1257] : memref<65536x256xf32, #tpu.memory_space<hbm>> -> memref<64x256xf32, #tpu.memory_space<hbm>>
    %dma_wait3A_1259 = arith.constant 0 : i32
    %dma_wait3A_1260 = tpu.memref_slice %arg6[%add3A_1197, %dma_wait3A_1259] : memref<65536x256xf32, #tpu.memory_space<hbm>> -> memref<64x256xf32, #tpu.memory_space<hbm>>
    tpu.wait_dma2 semaphore(%arg25 : memref<!tpu.dma_semaphore, #tpu.memory_space<semaphore_mem>>) src(%arg13 : memref<64x256xf32, #tpu.memory_space<vmem>>) dst(%dma_wait3A_1260 : memref<64x256xf32, #tpu.memory_space<hbm>>)
    %dma_wait3A_1261 = arith.constant 0 : i32
    %dma_wait3A_1262 = tpu.memref_slice %arg6[%add3A_1208, %dma_wait3A_1261] : memref<65536x256xf32, #tpu.memory_space<hbm>> -> memref<64x256xf32, #tpu.memory_space<hbm>>
    %dma_wait3A_1263 = arith.constant 0 : i32
    %dma_wait3A_1264 = tpu.memref_slice %arg6[%add3A_1208, %dma_wait3A_1263] : memref<65536x256xf32, #tpu.memory_space<hbm>> -> memref<64x256xf32, #tpu.memory_space<hbm>>
    tpu.wait_dma2 semaphore(%arg26 : memref<!tpu.dma_semaphore, #tpu.memory_space<semaphore_mem>>) src(%arg14 : memref<64x256xf32, #tpu.memory_space<vmem>>) dst(%dma_wait3A_1264 : memref<64x256xf32, #tpu.memory_space<hbm>>)
    %dma_wait3A_1265 = arith.constant 0 : i32
    %dma_wait3A_1266 = tpu.memref_slice %arg6[%add3A_1219, %dma_wait3A_1265] : memref<65536x256xf32, #tpu.memory_space<hbm>> -> memref<64x256xf32, #tpu.memory_space<hbm>>
    %dma_wait3A_1267 = arith.constant 0 : i32
    %dma_wait3A_1268 = tpu.memref_slice %arg6[%add3A_1219, %dma_wait3A_1267] : memref<65536x256xf32, #tpu.memory_space<hbm>> -> memref<64x256xf32, #tpu.memory_space<hbm>>
    tpu.wait_dma2 semaphore(%arg21 : memref<!tpu.dma_semaphore, #tpu.memory_space<semaphore_mem>>) src(%arg9 : memref<64x256xf32, #tpu.memory_space<vmem>>) dst(%dma_wait3A_1268 : memref<64x256xf32, #tpu.memory_space<hbm>>)
    %dma_wait3A_1269 = arith.constant 0 : i32
    %dma_wait3A_1270 = tpu.memref_slice %arg6[%add3A_1230, %dma_wait3A_1269] : memref<65536x256xf32, #tpu.memory_space<hbm>> -> memref<64x256xf32, #tpu.memory_space<hbm>>
    %dma_wait3A_1271 = arith.constant 0 : i32
    %dma_wait3A_1272 = tpu.memref_slice %arg6[%add3A_1230, %dma_wait3A_1271] : memref<65536x256xf32, #tpu.memory_space<hbm>> -> memref<64x256xf32, #tpu.memory_space<hbm>>
    tpu.wait_dma2 semaphore(%arg22 : memref<!tpu.dma_semaphore, #tpu.memory_space<semaphore_mem>>) src(%arg10 : memref<64x256xf32, #tpu.memory_space<vmem>>) dst(%dma_wait3A_1272 : memref<64x256xf32, #tpu.memory_space<hbm>>)
    %dma_wait3A_1273 = arith.constant 0 : i32
    %dma_wait3A_1274 = tpu.memref_slice %arg6[%add3A_1241, %dma_wait3A_1273] : memref<65536x256xf32, #tpu.memory_space<hbm>> -> memref<64x256xf32, #tpu.memory_space<hbm>>
    %dma_wait3A_1275 = arith.constant 0 : i32
    %dma_wait3A_1276 = tpu.memref_slice %arg6[%add3A_1241, %dma_wait3A_1275] : memref<65536x256xf32, #tpu.memory_space<hbm>> -> memref<64x256xf32, #tpu.memory_space<hbm>>
    tpu.wait_dma2 semaphore(%arg23 : memref<!tpu.dma_semaphore, #tpu.memory_space<semaphore_mem>>) src(%arg11 : memref<64x256xf32, #tpu.memory_space<vmem>>) dst(%dma_wait3A_1276 : memref<64x256xf32, #tpu.memory_space<hbm>>)
    %dma_wait3A_1277 = arith.constant 0 : i32
    %dma_wait3A_1278 = tpu.memref_slice %arg6[%add3A_1252, %dma_wait3A_1277] : memref<65536x256xf32, #tpu.memory_space<hbm>> -> memref<64x256xf32, #tpu.memory_space<hbm>>
    %dma_wait3A_1279 = arith.constant 0 : i32
    %dma_wait3A_1280 = tpu.memref_slice %arg6[%add3A_1252, %dma_wait3A_1279] : memref<65536x256xf32, #tpu.memory_space<hbm>> -> memref<64x256xf32, #tpu.memory_space<hbm>>
    tpu.wait_dma2 semaphore(%arg24 : memref<!tpu.dma_semaphore, #tpu.memory_space<semaphore_mem>>) src(%arg12 : memref<64x256xf32, #tpu.memory_space<vmem>>) dst(%dma_wait3A_1280 : memref<64x256xf32, #tpu.memory_space<hbm>>)
    return
  }
}

module attributes {stable_mosaic.version = 14 : i64} {
  func.func @_tc_body(%arg0: i32, %arg1: memref<256xi32, #tpu.memory_space<smem>>, %arg2: memref<256x1xi32, #tpu.memory_space<vmem>>, %arg3: memref<16x256x256xf32, #tpu.memory_space<vmem>>, %arg4: memref<16x256x256xf32, #tpu.memory_space<vmem>>, %arg5: memref<256x256xf32, #tpu.memory_space<vmem>>) attributes {dimension_semantics = [#tpu.dimension_semantics<arbitrary>], iteration_bounds = array<i64: 16>, scalar_prefetch = 1 : i64, scratch_operands = 1 : i64, tpu.core_type = #tpu.core_type<tc>, window_params = [{pipeline_mode = #tpu.pipeline_mode<synchronous>, transform_indices = @transform_0, window_bounds = array<i64: 256, 1>}, {transform_indices = @transform_1, window_bounds = array<i64: 16, 256, 256>}, {transform_indices = @transform_2, window_bounds = array<i64: 16, 256, 256>}]} {
    %eq3A = arith.constant 0 : i32
    %eq3A_0 = arith.cmpi eq, %arg0, %eq3A : i32
    %convert_element_type3A = arith.extui %eq3A_0 : i1 to i32
    %cond3A = arith.constant 0 : i32
    %cond3A_1 = arith.cmpi ne, %convert_element_type3A, %cond3A : i32
    scf.if %cond3A_1 {
      %iota3A = tpu.iota {dimensions = array<i32: 1>} : vector<256x256xi32>
      %get3A_13 = arith.constant 0 : index
      %get3A_14 = arith.constant 0 : index
      %get3A_15 = vector.load %arg2[%get3A_13, %get3A_14] : memref<256x1xi32, #tpu.memory_space<vmem>>, vector<256x1xi32>
      %eq3A_16 = vector.broadcast %get3A_15 : vector<256x1xi32> to vector<256x256xi32>
      %eq3A_17 = arith.cmpi eq, %eq3A_16, %iota3A : vector<256x256xi32>
      %convert_element_type3A_18 = arith.extui %eq3A_17 : vector<256x256xi1> to vector<256x256xi32>
      %convert_element_type3A_19 = arith.sitofp %convert_element_type3A_18 : vector<256x256xi32> to vector<256x256xf32>
      %swap3A_20 = arith.constant 0 : index
      %swap3A_21 = arith.constant 0 : index
      %swap3A_22 = vector.load %arg5[%swap3A_20, %swap3A_21] : memref<256x256xf32, #tpu.memory_space<vmem>>, vector<256x256xf32>
      tpu.vector_store %arg5[%swap3A_20, %swap3A_21], %convert_element_type3A_19 {strides = array<i32>} : memref<256x256xf32, #tpu.memory_space<vmem>>, vector<256x256xf32>,
    } else {
    }
    %get3A = arith.constant 0 : index
    %get3A_2 = arith.constant 0 : index
    %get3A_3 = arith.constant 0 : index
    %get3A_4 = vector.load %arg3[%get3A, %get3A_2, %get3A_3] : memref<16x256x256xf32, #tpu.memory_space<vmem>>, vector<16x256x256xf32>
    %reshape3A = vector.shape_cast %get3A_4 : vector<16x256x256xf32> to vector<4096x256xf32>
    %get3A_5 = arith.constant 0 : index
    %get3A_6 = arith.constant 0 : index
    %get3A_7 = vector.load %arg5[%get3A_5, %get3A_6] : memref<256x256xf32, #tpu.memory_space<vmem>>, vector<256x256xf32>
    %dot_general3A = arith.constant dense<0.000000e+00> : vector<4096x256xf32>
    %dot_general3A_8 = tpu.matmul %reshape3A, %get3A_7, %dot_general3A {dimension_numbers = #tpu.dot_dimension_numbers<[1], [1], [0], [0], [0, 0, 1, 0], [], []>, transpose_lhs_hint = false} : vector<4096x256xf32>, vector<256x256xf32>, vector<4096x256xf32> -> vector<4096x256xf32>
    %reshape3A_9 = vector.shape_cast %dot_general3A_8 : vector<4096x256xf32> to vector<16x256x256xf32>
    %swap3A = arith.constant 0 : index
    %swap3A_10 = arith.constant 0 : index
    %swap3A_11 = arith.constant 0 : index
    %swap3A_12 = vector.load %arg4[%swap3A, %swap3A_10, %swap3A_11] : memref<16x256x256xf32, #tpu.memory_space<vmem>>, vector<16x256x256xf32>
    tpu.vector_store %arg4[%swap3A, %swap3A_10, %swap3A_11], %reshape3A_9 {strides = array<i32>} : memref<16x256x256xf32, #tpu.memory_space<vmem>>, vector<16x256x256xf32>,
    return
  }
  func.func @transform_0(%arg0: i32, %arg1: memref<256xi32, #tpu.memory_space<smem>>) -> (i32, i32) {
    %c0_i32 = arith.constant 0 : i32
    %c0_i32_0 = arith.constant 0 : i32
    %c0_i32_1 = arith.constant 0 : i32
    return %c0_i32, %c0_i32_0 : i32, i32
  }
  func.func @transform_1(%arg0: i32, %arg1: memref<256xi32, #tpu.memory_space<smem>>) -> (i32, i32, i32) {
    %c0_i32 = arith.constant 0 : i32
    %c0_i32_0 = arith.constant 0 : i32
    %c0_i32_1 = arith.constant 0 : i32
    return %arg0, %c0_i32, %c0_i32_0 : i32, i32, i32
  }
  func.func @transform_2(%arg0: i32, %arg1: memref<256xi32, #tpu.memory_space<smem>>) -> (i32, i32, i32) {
    %c0_i32 = arith.constant 0 : i32
    %c0_i32_0 = arith.constant 0 : i32
    %c0_i32_1 = arith.constant 0 : i32
    return %arg0, %c0_i32, %c0_i32_0 : i32, i32, i32
  }
}

</mosaic_0001>

<sc_bundles>
// kernel: kernel.4.cloned.1.call-start
scs
__scs_entry_jumppad:
0x0: {  	(pc) =	sbr.rel $0x88, $3  }
0x1: {  	(tag) =	ssettag $0x0;
	lr =	simm.s32 $0x1  }
0x2: {  	[smem:$0x3F9F] =	sst lr;
	_ =	strace $0xD0000000  }
0x3: {  	_ = 	snop  }
0x4: {  	_ = 	snop  }
0x5: {  	_ = 	snop  }
0x6: {  	_ = 	snop  }
0x7: {  	_ = 	snop  }
__scs_overlays_trampoline_lowered:
0x8: {  	[smem:$0x3FAE] =	sst s0  }
0x9: {  	[smem:$0x3FAF] =	sst s1  }
0xa: {  	[smem:$0x3FB0] =	sst s2  }
0xb: {  	[smem:$0x3FB1] =	sst s3  }
0xc: {  	[smem:$0x3FB2] =	sst s4  }
0xd: {  	[smem:$0x3FB3] =	sst s5  }
0xe: {  	[smem:$0x3FB4] =	sst s6  }
0xf: {  	[smem:$0x3FB5] =	sst s7  }
0x10: {  	[smem:$0x3FB6] =	sst s8  }
0x11: {  	[smem:$0x3FB7] =	sst s9;
	s0 =	simm.s32 @!p0 $0x0  }
0x12: {  	s1 =	sld [smem:$0x3F9D];
	s0 =	simm.s32 @p0 $0x1  }
0x13: {  	[smem:$0x3FB8] =	sst s0;
	s0 =	simm.s32 @!p1 $0x0  }
0x14: {  	s2 =	sld [smem:$0x3F9C];
	s0 =	simm.s32 @p1 $0x1  }
0x15: {  	[smem:$0x3FB9] =	sst s0;
	s0 =	simm.s32 @!p2 $0x0  }
0x16: {  	s3 =	sld [smem:$0x3FDB];
	s0 =	simm.s32 @p2 $0x1  }
0x17: {  	s4 =	simm.s32 $0x1BF5;
	[smem:$0x3FBB] =	sst s0  }
0x18: {  	s0 =	sld [smem:$0x3F9E];
	_ =	swait.ge [sflag:s4], $0x0  }
0x19: {  	s7 =	sld [smem:$0x3F9F]  }
0x1a: {  	s8 =	sadd.s32 $0xFFFFE003, lr  }
0x1b: {  	s9 =	sadd.s32 $0xFFFFFEF7, lr;
	s5 =	simm.s32 $0xFFFFFFFF;
	p2 =	slt.u32 s8, $0xFFFFF086  }
0x1c: {  	p1 =	slt.u32 s9, $0xF7A;
	s5 =	simm.s32 @!p2 $0x0  }
0x1d: {  	s5 =	simm.s32 @p1 $0x1;
	p0 =	seq.s32 s7, s2  }
0x1e: {  	s7 =	smul.u32 @!p0 $0xF7A, s2;
	p2 =	seq.s32 @!p0 s5, $0x0  }
0x1f: {  	s9 =	smul.u32 $0xF7A, s1;
	s8 =	simm.s32 @!p0 $0x1BF5;
	p2 =	por !p2, p0  }
0x20: {  	[sflag:s8] =	ssyncset.s32 @!p0 $0xFFFFF086;
	s6 =	sadd.s32 @!p0 s3, s7;
	s7 =	simm.s32 @!p0 $0x108  }
0x21: {  	s3 =	sadd.s32 s3, s9;
	s6 =	sadd.s32 @!p0 $0x88, s6;
	s7 =	simm.s32 @p2 $0x1082  }
0x22: {  	[simem:s7], [sflag:s8] =	dma.local @!p0 [hbm:s6], $0xF7A  }
0x23: {  	s9 =	sor.u32 $0xD0000000, s2;
	s6 =	simm.s32 $0x108;
	_ =	swait.ge @!p0 [sflag:s8], $0x0  }
0x24: {  	s3 =	sadd.s32 $0x88, s3;
	s6 =	simm.s32 @!p1 $0x1082;
	[sflag:s4] =	ssyncset.s32 $0xFFFFF086  }
0x25: {  	[simem:s6], [sflag:s4] =	dma.local [hbm:s3], $0xF7A  }
0x26: {  	[smem:$0x3F9F] =	sst s1;
	(tag) =	ssettag s2;
	_ =	strace s9  }
0x27: {  	s1 =	sld [smem:$0x3FAF]  }
0x28: {  	s2 =	sld [smem:$0x3FB0]  }
0x29: {  	s4 =	sld [smem:$0x3FB2]  }
0x2a: {  	p0 =	seq.s32 s5, $0x0;
	s5 =	sld [smem:$0x3FB3]  }
0x2b: {  	s6 =	sld [smem:$0x3FB4]  }
0x2c: {  	s7 =	sld [smem:$0x3FB5]  }
0x2d: {  	s3 =	simm.s32 $0x108;
	s8 =	sld [smem:$0x3FB6]  }
0x2e: {  	s3 =	simm.s32 @!p0 $0x1082;
	s9 =	sld [smem:$0x3FB7]  }
0x2f: {  	lr =	sadd.s32 s0, s3;
	s0 =	sld [smem:$0x3FAE]  }
0x30: {  	s3 =	sld [smem:$0x3FB1]  }
0x31: {  	[smem:$0x3FBA] =	sst s10  }
0x32: {  	s10 =	sld [smem:$0x3FB8];
	_ =	sdelay $0x3  }
0x33: {  	p0 =	seq.s32 s10, $0x1;
	s10 =	sld [smem:$0x3FBA];
	_ =	sdelay $0x3  }
0x34: {  	[smem:$0x3FBA] =	sst s10  }
0x35: {  	s10 =	sld [smem:$0x3FB9];
	_ =	sdelay $0x3  }
0x36: {  	p1 =	seq.s32 s10, $0x1;
	s10 =	sld [smem:$0x3FBA];
	_ =	sdelay $0x3  }
0x37: {  	[smem:$0x3FBA] =	sst s10  }
0x38: {  	s10 =	sld [smem:$0x3FBB]  }
0x39: {  	_ = 	snop;
	(pc) =	sbr.ind lr, $3  }
0x3a: {  	_ = 	snop  }
0x3b: {  	_ = 	snop  }
0x3c: {  	p2 =	seq.s32 s10, $0x1;
	s10 =	sld [smem:$0x3FBA]  }
0x3d: {  	_ =	shalt  }
0x3e: {  	_ =	shalt  }
0x3f: {  	_ =	shalt  }
0x40: {  	_ =	shalt  }
0x41: {  	_ =	shalt  }
0x42: {  	_ =	shalt  }
0x43: {  	_ =	shalt  }
0x44: {  	_ =	shalt  }
0x45: {  	_ =	shalt  }
0x46: {  	_ =	shalt  }
0x47: {  	_ =	shalt  }
0x48: {  	_ =	shalt  }
0x49: {  	_ =	shalt  }
0x4a: {  	_ =	shalt  }
0x4b: {  	_ =	shalt  }
0x4c: {  	_ =	shalt  }
0x4d: {  	_ =	shalt  }
0x4e: {  	_ =	shalt  }
0x4f: {  	_ =	shalt  }
0x50: {  	_ =	shalt  }
0x51: {  	_ =	shalt  }
0x52: {  	_ =	shalt  }
0x53: {  	_ =	shalt  }
0x54: {  	_ =	shalt  }
0x55: {  	_ =	shalt  }
0x56: {  	_ =	shalt  }
0x57: {  	_ =	shalt  }
0x58: {  	_ =	shalt  }
0x59: {  	_ =	shalt  }
0x5a: {  	_ =	shalt  }
0x5b: {  	_ =	shalt  }
0x5c: {  	_ =	shalt  }
0x5d: {  	_ =	shalt  }
0x5e: {  	_ =	shalt  }
0x5f: {  	_ =	shalt  }
0x60: {  	_ =	shalt  }
0x61: {  	_ =	shalt  }
0x62: {  	_ =	shalt  }
0x63: {  	_ =	shalt  }
0x64: {  	_ =	shalt  }
0x65: {  	_ =	shalt  }
0x66: {  	_ =	shalt  }
0x67: {  	_ =	shalt  }
0x68: {  	_ =	shalt  }
0x69: {  	_ =	shalt  }
0x6a: {  	_ =	shalt  }
0x6b: {  	_ =	shalt  }
0x6c: {  	_ =	shalt  }
0x6d: {  	_ =	shalt  }
0x6e: {  	_ =	shalt  }
0x6f: {  	_ =	shalt  }
0x70: {  	_ =	shalt  }
0x71: {  	_ =	shalt  }
0x72: {  	_ =	shalt  }
0x73: {  	_ =	shalt  }
0x74: {  	_ =	shalt  }
0x75: {  	_ =	shalt  }
0x76: {  	_ =	shalt  }
0x77: {  	_ =	shalt  }
0x78: {  	_ =	shalt  }
0x79: {  	_ =	shalt  }
0x7a: {  	_ =	shalt  }
0x7b: {  	_ =	shalt  }
0x7c: {  	_ =	shalt  }
0x7d: {  	_ =	shalt  }
0x7e: {  	_ =	shalt  }
0x7f: {  	_ =	shalt  }
0x80: {  	_ =	shalt  }
0x81: {  	_ =	shalt  }
0x82: {  	_ =	shalt  }
0x83: {  	_ =	shalt  }
0x84: {  	_ =	shalt  }
0x85: {  	_ =	shalt  }
0x86: {  	_ =	shalt  }
0x87: {  	_ =	shalt  }
.Lfunc_end0:
.L_simem_size_0:
called_computation_lowered:
.L_overlay_start_0:
0x88: {  	s2 =	sld [smem:$0x3FD9]  }
0x89: {  	s3 =	sld [smem:$0x3FFE];
	_ =	sdelay $0x1  }
0x8a: {  	s1 =	srdreg.scid  }
0x8b: {  	s0 =	sand.u32 $0x1, s1  }
0x8c: {  	s14 =	sshll.u32 s0, $0xA;
	s2 =	sadd.s32 s3, s2  }
0x8d: {  	s2 =	sadd.s32 s2, s14  }
0x8e: {  	[smem:$0x3FC6] =	sst s2  }
0x8f: {  	_ = 	snop  }
0x90: {  	s2 =	sld [smem:$0x3FD0];
	_ =	sdelay $0x2  }
0x91: {  	s4 =	simm.s32 $0xA;
	s5 =	simm.s32 $0x10;
	s15 =	sld [smem:$0x3FC9]  }
0x92: {  	[smem:s5], [sflag:s4] =	dma.local [hbm:s2], $0x1  }
0x93: {  	_ =	swait.eq [sflag:s4], $0x1  }
0x94: {  	[sflag:s4] =	ssyncset.done $0x0  }
0x95: {  	s16 =	sld [smem:$0x10];
	[sflag:s4] =	ssyncadd.s32 $0xFFFFFFFF  }
0x96: {  	s17 =	sld [smem:$0x11];
	(tm) =	ssettm $0x1  }
0x97: {  	s18 =	sld [smem:$0x3FFB];
	_ =	sdelay $0x3  }
0x98: {  	_ =	strace s18  }
0x99: {  	s5 =	sld [smem:$0x3FFC];
	_ =	sdelay $0x3  }
0x9a: {  	_ =	strace s5  }
0x9b: {  	s5 =	sld [smem:$0x3FFD];
	_ =	sdelay $0x3  }
0x9c: {  	_ =	strace s5  }
0x9d: {  	_ =	strace $0x8FFFFFFF  }
0x9e: {  	s19 =	sld [smem:$0x3FDB];
	_ =	sdelay $0x1  }
0x9f: {  	s6 =	simm.s32 $_scs_section_size  }
0xa0: {  	s7 =	simm.s32 $_size__tile_overlayer_lowered;
	s8 =	simm.s32 $_tile_overlayer_lowered  }
0xa1: {  	s22 =	simm.s32 $0x1BFF;
	s21 =	sshll.u32 s8, $0x1;
	s5 =	sadd.s32 s6, s19  }
0xa2: {  	s9 =	simm.s32 $0x0;
	s20 =	sshll.u32 s7, $0x1;
	s7 =	sadd.s32 s21, s5  }
0xa3: {  	[timem:s9], [sflag:s22] =	dma.local [hbm:s7], s20  }
0xa4: {  	_ =	swait.ge [sflag:s22], s20  }
0xa5: {  	s6 =	ssub.s32 $0x0, s20;
	[sflag:s22] =	ssyncset.done $0x0  }
0xa6: {  	[sflag:s22] =	ssyncadd.s32 s6;
	_ =	sdelay $0x1  }
0xa7: {  	s23 =	simm.s32 $0x1B8B  }
0xa8: {  	_ =	swait.ge [sflag:s23], $0x1  }
0xa9: {  	[sflag:s23] =	ssyncset.done $0x0  }
0xaa: {  	s25 =	simm.s32 $0x1B8E;
	s24 =	sld [smem:$0x3FFE];
	[sflag:s23] =	ssyncadd.s32 $0xFFFFFFFF  }
0xab: {  	s26 =	simm.s32 $execute0_lowered;
	[smem:$0x3FD2] =	sst s25  }
0xac: {  	s7 =	sshll.u32 s26, $0x1;
	_ =	strace $0x80000046;
	[dreg:$0x1] =	wrdreg $0xFFFFFFFF  }
0xad: {  	s28 =	simm.s32 $_size_execute0_lowered;
	s5 =	sadd.s32 s5, s7;
	[dreg:$0x0] =	wrdreg $0x0  }
0xae: {  	s7 =	sshll.u32 s28, $0x1;
	[dreg:$0x2] =	wrdreg s5  }
0xaf: {  	[dreg:$0x3] =	wrdreg s7  }
0xb0: {  	[dreg:$0x4] =	wrdreg $0xC0  }
0xb1: {  	_ =	task [dreg:s9], $0x5FFFF  }
0xb2: {  	[dreg:$0x1] =	wrdreg $0xFFFFFFFF  }
0xb3: {  	[dreg:$0x0] =	wrdreg $0x60  }
0xb4: {  	[dreg:$0x2] =	wrdreg s15  }
0xb5: {  	[dreg:$0x3] =	wrdreg s24  }
0xb6: {  	[dreg:$0x4] =	wrdreg s16  }
0xb7: {  	[dreg:$0x5] =	wrdreg s17  }
0xb8: {  	[dreg:$0x6] =	wrdreg $0x9  }
0xb9: {  	_ =	task.clear_ibuf [dreg:s9], $0x7FFFF;
	_ =	strace $0x90000046  }
0xba: {  	s29 =	simm.s32 $0x9;
	_ =	strace $0x80000048  }
0xbb: {  	_ =	swait.ge [sflag:s29], $0x1  }
0xbc: {  	[sflag:s29] =	ssyncadd.s32 $0xFFFFFFFF  }
0xbd: {  	_ =	strace $0x90000048  }
0xbe: {  	_ =	sfence  }
0xbf: {  	s30 =	sld [smem:$0x0];
	_ =	sdelay $0x2  }
0xc0: {  	s31 =	sshll.u32 s1, $0xD;
	s1 =	sshrl.u32 s1, $0x2  }
0xc1: {  	s3 =	sand.u32 $0x4000, s31;
	s1 =	sadd.s32 s1, s30  }
0xc2: {  	s0 =	sor.u32 s3, s0;
	s1 =	sshll.u32 s1, $0x11  }
0xc3: {  	s0 =	sor.u32 s1, s0  }
0xc4: {  	s0 =	sadd.s32 $0x8F2B, s0  }
0xc5: {  	[sflag:s0] =	ssyncadd.remote.s32 $0x1  }
0xc6: {  	_ =	sfence.sel $0xFFFF  }
0xc7: {  	[dreg:$0x0] =	wrdreg $0xFFFFFFFF;
	(pc) =	sbr.abs _section_cstart, $3  }
0xc8: {  	[dreg:$0x1] =	wrdreg $0xFFFFFFFF  }
0xc9: {  	_ =	task.clear_ibuf [dreg:s9], $0x2FFFF;
	_ =	strace $0x9FFFFFFF  }
0xca: {  	(tm) =	ssettm $0x7FFFFFFF  }
0xcb: {  	_ =	shalt  }
tec
execute0_lowered:
.L_overlay_start_1:
0x0: {  	(tag) =	ssettag $0x1  }
0x1: {  	s1 =	rddreg [dreg:$0x0]  }
0x2: {  	s0 =	srdreg.scid;
	s2 =	rddreg [dreg:$0x1]  }
0x3: {  	s3 =	stileid.u32;
	s4 =	rddreg [dreg:$0x2];
	s0 =	sand.u32 $0x1, s0  }
0x4: {  	s3 =	sshll.u32 s3, $0xC;
	[smem:$0x7F9] =	sst s0;
	s5 =	sshll.u32 s0, $0xB  }
0x5: {  	s0 =	rddreg [dreg:$0x3];
	s5 =	sor.u32 s5, s3  }
0x6: {  	s3 =	simm.s32 $0x0;
	s6 =	sshrl.u32 s5, $0x3;
	s5 =	sshll.u32 s5, $0x5  }
0x7: {  	[smem:$0x7FF] =	sst s3;
	s7 =	sor.u32 $0x800, s5  }
0x8: {  	_ =	strace $0x80000047;
	s9 =	sor.u32 $0x1000, s5;
	[smem:$0x7D7] =	sst s7  }
0x9: {  	s11 =	sor.u32 $0x1800, s5;
	[smem:$0x7D9] =	sst s9  }
0xa: {  	s13 =	sor.u32 $0x2000, s5;
	[smem:$0x7DB] =	sst s11  }
0xb: {  	s15 =	sor.u32 $0x2800, s5;
	[smem:$0x7DD] =	sst s13  }
0xc: {  	s2 =	sadd.s32 s6, s2;
	s17 =	sor.u32 $0x3000, s5;
	[smem:$0x7DF] =	sst s15  }
0xd: {  	s6 =	sadd.s32 $0xA00, s2;
	[smem:$0x7E1] =	sst s17  }
0xe: {  	s2 =	sadd.s32 $0x2A00, s2;
	[dreg:$0x5] =	wrdreg s6  }
0xf: {  	s8 =	sadd.s32 s4, s7;
	[dreg:$0x6] =	wrdreg s2  }
0x10: {  	s10 =	sadd.s32 s4, s9;
	[dreg:$0x8] =	wrdreg s8  }
0x11: {  	s12 =	sadd.s32 s4, s11;
	[dreg:$0x9] =	wrdreg s10  }
0x12: {  	s14 =	sadd.s32 s4, s13;
	[dreg:$0xa] =	wrdreg s12  }
0x13: {  	s16 =	sadd.s32 s4, s15;
	[dreg:$0xb] =	wrdreg s14  }
0x14: {  	s18 =	sadd.s32 s4, s17;
	[dreg:$0xc] =	wrdreg s16  }
0x15: {  	s13 =	sor.u32 $0x4000, s5;
	s6 =	sadd.s32 s4, s5;
	[dreg:$0xd] =	wrdreg s18  }
0x16: {  	s15 =	sor.u32 $0x5000, s5;
	s20 =	sadd.s32 s4, s13;
	[dreg:$0x7] =	wrdreg s6  }
0x17: {  	s17 =	sor.u32 $0x6000, s5;
	s22 =	sadd.s32 s4, s15;
	[dreg:$0xf] =	wrdreg s20  }
0x18: {  	s24 =	sadd.s32 s4, s17;
	[dreg:$0x11] =	wrdreg s22  }
0x19: {  	s13 =	sadd.s32 s0, s13;
	[dreg:$0x13] =	wrdreg s24  }
0x1a: {  	s15 =	sadd.s32 s0, s15;
	[smem:$0x7E4] =	sst s13  }
0x1b: {  	s12 =	sor.u32 $0x3800, s5;
	s17 =	sadd.s32 s0, s17;
	[smem:$0x7E6] =	sst s15  }
0x1c: {  	s14 =	sor.u32 $0x4800, s5;
	s19 =	sadd.s32 s4, s12;
	[smem:$0x7E8] =	sst s17  }
0x1d: {  	s16 =	sor.u32 $0x5800, s5;
	s21 =	sadd.s32 s4, s14;
	[dreg:$0xe] =	wrdreg s19  }
0x1e: {  	s18 =	sor.u32 $0x6800, s5;
	s23 =	sadd.s32 s4, s16;
	[dreg:$0x10] =	wrdreg s21  }
0x1f: {  	s25 =	sadd.s32 s4, s18;
	[dreg:$0x12] =	wrdreg s23  }
0x20: {  	s12 =	sadd.s32 s0, s12;
	[dreg:$0x14] =	wrdreg s25  }
0x21: {  	s14 =	sadd.s32 s0, s14;
	[smem:$0x7E3] =	sst s12  }
0x22: {  	s16 =	sadd.s32 s0, s16;
	[smem:$0x7E5] =	sst s14  }
0x23: {  	s20 =	sor.u32 $0x7800, s5;
	s18 =	sadd.s32 s0, s18;
	[smem:$0x7E7] =	sst s16  }
0x24: {  	s22 =	sor.u32 $0x8800, s5;
	s28 =	sadd.s32 s4, s20;
	[smem:$0x7E9] =	sst s18  }
0x25: {  	s24 =	sor.u32 $0x9800, s5;
	s30 =	sadd.s32 s4, s22;
	[dreg:$0x16] =	wrdreg s28  }
0x26: {  	s6 =	sadd.s32 s4, s24;
	[dreg:$0x18] =	wrdreg s30  }
0x27: {  	s13 =	sadd.s32 s0, s22;
	[dreg:$0x1a] =	wrdreg s6  }
0x28: {  	s19 =	sor.u32 $0x7000, s5;
	s15 =	sadd.s32 s0, s24;
	[smem:$0x7ED] =	sst s13  }
0x29: {  	s21 =	sor.u32 $0x8000, s5;
	s26 =	sadd.s32 s4, s19;
	[smem:$0x7EF] =	sst s15  }
0x2a: {  	s23 =	sor.u32 $0x9000, s5;
	s29 =	sadd.s32 s4, s21;
	[dreg:$0x15] =	wrdreg s26  }
0x2b: {  	s25 =	sor.u32 $0xA000, s5;
	s31 =	sadd.s32 s4, s23;
	[dreg:$0x17] =	wrdreg s29  }
0x2c: {  	s7 =	sadd.s32 s4, s25;
	[dreg:$0x19] =	wrdreg s31  }
0x2d: {  	s12 =	sadd.s32 s0, s21;
	[dreg:$0x1b] =	wrdreg s7  }
0x2e: {  	s14 =	sadd.s32 s0, s23;
	[smem:$0x7EC] =	sst s12  }
0x2f: {  	s28 =	sor.u32 $0xB000, s5;
	s16 =	sadd.s32 s0, s25;
	[smem:$0x7EE] =	sst s14  }
0x30: {  	s30 =	sor.u32 $0xC000, s5;
	s9 =	sadd.s32 s4, s28;
	[smem:$0x7F0] =	sst s16  }
0x31: {  	s11 =	sadd.s32 s4, s30;
	[dreg:$0x1d] =	wrdreg s9  }
0x32: {  	s18 =	sadd.s32 s0, s28;
	[dreg:$0x1f] =	wrdreg s11  }
0x33: {  	s26 =	sor.u32 $0xA800, s5;
	s29 =	sor.u32 $0xB800, s5;
	[smem:$0x7F2] =	sst s18  }
0x34: {  	s8 =	sadd.s32 s4, s26;
	s17 =	sadd.s32 s0, s26;
	s26 =	sld [smem:$0x7F9]  }
0x35: {  	s31 =	sor.u32 $0xC800, s5;
	s10 =	sadd.s32 s4, s29;
	[dreg:$0x1c] =	wrdreg s8  }
0x36: {  	s6 =	sadd.s32 s4, s31;
	[dreg:$0x1e] =	wrdreg s10  }
0x37: {  	[smem:$0x7CF] =	sst s6  }
0x38: {  	s21 =	sadd.s32 s0, s31;
	[smem:$0x7F1] =	sst s17  }
0x39: {  	s11 =	sor.u32 $0xD000, s5;
	s31 =	simm.s32 $0x800;
	[smem:$0x7F5] =	sst s21  }
0x3a: {  	s9 =	sor.u32 $0xE000, s5;
	s7 =	sadd.s32 s4, s11;
	[smem:$0x7FD] =	sst s31  }
0x3b: {  	s2 =	sadd.s32 s4, s9;
	[smem:$0x7D0] =	sst s7  }
0x3c: {  	s22 =	sadd.s32 s0, s11;
	[smem:$0x7D2] =	sst s2  }
0x3d: {  	s10 =	sor.u32 $0xD800, s5;
	s24 =	sadd.s32 s0, s9;
	[smem:$0x7F6] =	sst s22  }
0x3e: {  	s6 =	sor.u32 $0xF000, s5;
	s8 =	sadd.s32 s4, s10;
	[smem:$0x7F8] =	sst s24  }
0x3f: {  	s2 =	sadd.s32 s4, s6;
	[smem:$0x7D1] =	sst s8  }
0x40: {  	s23 =	sadd.s32 s0, s10;
	[smem:$0x7D4] =	sst s2  }
0x41: {  	s28 =	sadd.s32 s0, s6;
	s8 =	sor.u32 $0xE800, s5;
	[smem:$0x7F7] =	sst s23  }
0x42: {  	[smem:$0x7FB] =	sst s28;
	s7 =	sadd.s32 s4, s8  }
0x43: {  	s25 =	sadd.s32 s0, s8;
	[smem:$0x7D3] =	sst s7;
	s7 =	sor.u32 $0xF800, s5  }
0x44: {  	[smem:$0x7FA] =	sst s25;
	s4 =	sadd.s32 s4, s7  }
0x45: {  	[smem:$0x7D5] =	sst s4  }
0x46: {  	s5 =	sadd.s32 s0, s5;
	s4 =	sld [smem:$0x7D7]  }
0x47: {  	[smem:$0x7D6] =	sst s5  }
0x48: {  	s5 =	sld [smem:$0x7D9]  }
0x49: {  	s2 =	sadd.s32 s0, s4;
	s4 =	sld [smem:$0x7DB]  }
0x4a: {  	[smem:$0x7D8] =	sst s2  }
0x4b: {  	s13 =	simm.s32 $0x1;
	s2 =	sadd.s32 s0, s5;
	s5 =	sld [smem:$0x7DD]  }
0x4c: {  	s15 =	simm.s32 $0x7;
	s16 =	simm.s32 $0x2;
	[smem:$0x7DA] =	sst s2  }
0x4d: {  	s14 =	simm.s32 $0x5;
	s2 =	sadd.s32 s0, s4;
	s4 =	sld [smem:$0x7DF]  }
0x4e: {  	s18 =	simm.s32 $0x3;
	s17 =	simm.s32 $0x8;
	[smem:$0x7DC] =	sst s2  }
0x4f: {  	s21 =	simm.s32 $0xA;
	s2 =	sadd.s32 s0, s5;
	s5 =	sld [smem:$0x7E1]  }
0x50: {  	s24 =	simm.s32 $0xB;
	[smem:$0x7DE] =	sst s2;
	s2 =	sadd.s32 s0, s4  }
0x51: {  	s25 =	simm.s32 $0x6;
	s4 =	sadd.s32 s0, s19;
	[smem:$0x7E0] =	sst s2  }
0x52: {  	s19 =	sadd.s32 s0, s29;
	s2 =	sadd.s32 s0, s5;
	[smem:$0x7EA] =	sst s4  }
0x53: {  	s5 =	sadd.s32 s0, s20;
	[smem:$0x7F3] =	sst s19;
	s20 =	sadd.s32 s0, s30  }
0x54: {  	s4 =	ssub.s32 $0x2, s26;
	s0 =	sadd.s32 s0, s7;
	[smem:$0x7E2] =	sst s2  }
0x55: {  	v2 =	vlaneseq.u32;
	s19 =	simm.s32 $0x9;
	[smem:$0x7EB] =	sst s5;
	s29 =	sshrl.u32 s4, $0x1  }
0x56: {  	vm0 =	vmmov $0xffff;
	v1 =	vshrl.u32 v2, $0x3;
	s26 =	simm.s32 $0xC;
	[smem:$0x7F4] =	sst s20;
	s30 =	ssub.s32 s4, s29  }
0x57: {  	v0 =	vand.u32 $0x7, v2;
	v2 =	vor.u32 $0x8, v2;
	v1 =	vmul.u32 $0x8, v1;
	[smem:$0x7FC] =	sst s0;
	s20 =	simm.s32 $0x4;
	s2 =	smax.u32 s30, $0x1  }
.LBB2_1:
0x58: {  	[smem:$0x7CE] =	sst s2  }
0x59: {  	s28 =	rddreg [dreg:$0x5];
	s30 =	simm.s32 $0xD  }
0x5a: {  	[tilespmem:s3], [sflag:$0xD] =	stream.linear.gather [hbm4b:s28+s3], $0x800, $0x38;
	[tilespmem:$0x19000] =	vst v63  }
0x5b: {  	_ =	swait.ge [sflag:s30], $0x800  }
0x5c: {  	s29 =	sld [smem:$0x7FD]  }
0x5d: {  	[sflag:s30] =	ssyncset.done $0x0  }
0x5e: {  	s23 =	rddreg [dreg:$0x6];
	[sflag:s30] =	ssyncadd.s32 $0xFFFFF800  }
0x5f: {  	[tilespmem:s29], [sflag:$0xD] =	stream.linear.gather [hbm4b:s23+s3], $0x800, $0x38;
	[tilespmem:$0x19000] =	vst v63  }
0x60: {  	_ =	swait.ge [sflag:s30], $0x800  }
0x61: {  	[sflag:s30] =	ssyncset.done $0x0  }
0x62: {  	[sflag:s30] =	ssyncadd.s32 $0xFFFFF800  }
0x63: {  	v3 =	vld [tilespmem:$0x0];
	_ =	sdelay $0x4  }
0x64: {  	v4 =	vshll.u32 v3, $0x1  }
0x65: {  	v3 =	vand.u32 $0x7, v3;
	v4 =	vand.u32 $0xFFFFFFF0, v4  }
0x66: {  	v3 =	vor.u32 v3, v4  }
0x67: {  	v4 =	vperm.xlane v3, v0;
	_ =	sdelay $0x1  }
0x68: {  	v3 =	vperm.xlane v3, v2;
	v4 =	vadd.s32 v1, v4;
	_ =	sdelay $0x1  }
0x69: {  	v3 =	vadd.s32 v1, v3;
	_ =	sdelay $0x1  }
0x6a: {  	s0 =	simm.s32 $0x1000  }
0x6b: {  	[tilespmem:s0], [sflag:$0x1] =	stream.indirect_vreg.gather [hbm4b:s1+s3], $0x80, v4, vm0, $0xb8;
	[tilespmem:$0x19000] =	vst v63  }
0x6c: {  	s29 =	simm.s32 $0x1800  }
0x6d: {  	[tilespmem:s29], [sflag:$0x1] =	stream.indirect_vreg.gather [hbm4b:s1+s3], $0x80, v3, vm0, $0xb8;
	[tilespmem:$0x19000] =	vst v63  }
0x6e: {  	v3 =	vld [tilespmem:$0x10];
	_ =	sdelay $0x4  }
0x6f: {  	v33 =	vshll.u32 v3, $0x1  }
0x70: {  	v3 =	vand.u32 $0x7, v3;
	v4 =	vand.u32 $0xFFFFFFF0, v33  }
0x71: {  	v3 =	vor.u32 v3, v4  }
0x72: {  	v4 =	vperm.xlane v3, v0;
	_ =	sdelay $0x1  }
0x73: {  	v3 =	vperm.xlane v3, v2;
	v4 =	vadd.s32 v1, v4;
	_ =	sdelay $0x1  }
0x74: {  	v3 =	vadd.s32 v1, v3;
	_ =	sdelay $0x1  }
0x75: {  	s30 =	simm.s32 $0x2000  }
0x76: {  	[tilespmem:s30], [sflag:$0x1] =	stream.indirect_vreg.gather [hbm4b:s1+s3], $0x80, v4, vm0, $0xb8;
	[tilespmem:$0x19000] =	vst v63  }
0x77: {  	s31 =	simm.s32 $0x2800  }
0x78: {  	[tilespmem:s31], [sflag:$0x1] =	stream.indirect_vreg.gather [hbm4b:s1+s3], $0x80, v3, vm0, $0xb8;
	[tilespmem:$0x19000] =	vst v63  }
0x79: {  	v3 =	vld [tilespmem:$0x20];
	_ =	sdelay $0x4  }
0x7a: {  	v34 =	vshll.u32 v3, $0x1  }
0x7b: {  	v3 =	vand.u32 $0x7, v3;
	v4 =	vand.u32 $0xFFFFFFF0, v34  }
0x7c: {  	v3 =	vor.u32 v3, v4  }
0x7d: {  	v4 =	vperm.xlane v3, v0;
	_ =	sdelay $0x1  }
0x7e: {  	v3 =	vperm.xlane v3, v2;
	v4 =	vadd.s32 v1, v4;
	_ =	sdelay $0x1  }
0x7f: {  	v3 =	vadd.s32 v1, v3;
	_ =	sdelay $0x1  }
0x80: {  	s4 =	simm.s32 $0x3000  }
0x81: {  	[tilespmem:s4], [sflag:$0x1] =	stream.indirect_vreg.gather [hbm4b:s1+s3], $0x80, v4, vm0, $0xb8;
	[tilespmem:$0x19000] =	vst v63  }
0x82: {  	s5 =	simm.s32 $0x3800  }
0x83: {  	[tilespmem:s5], [sflag:$0x1] =	stream.indirect_vreg.gather [hbm4b:s1+s3], $0x80, v3, vm0, $0xb8;
	[tilespmem:$0x19000] =	vst v63  }
0x84: {  	v3 =	vld [tilespmem:$0x30];
	_ =	sdelay $0x4  }
0x85: {  	v35 =	vshll.u32 v3, $0x1  }
0x86: {  	v3 =	vand.u32 $0x7, v3;
	v4 =	vand.u32 $0xFFFFFFF0, v35  }
0x87: {  	v3 =	vor.u32 v3, v4  }
0x88: {  	v4 =	vperm.xlane v3, v0;
	_ =	sdelay $0x1  }
0x89: {  	v3 =	vperm.xlane v3, v2;
	v4 =	vadd.s32 v1, v4;
	_ =	sdelay $0x1  }
0x8a: {  	v3 =	vadd.s32 v1, v3;
	_ =	sdelay $0x1  }
0x8b: {  	s6 =	simm.s32 $0x4000  }
0x8c: {  	[tilespmem:s6], [sflag:$0x1] =	stream.indirect_vreg.gather [hbm4b:s1+s3], $0x80, v4, vm0, $0xb8;
	[tilespmem:$0x19000] =	vst v63  }
0x8d: {  	s8 =	simm.s32 $0x4800  }
0x8e: {  	[tilespmem:s8], [sflag:$0x1] =	stream.indirect_vreg.gather [hbm4b:s1+s3], $0x80, v3, vm0, $0xb8;
	[tilespmem:$0x19000] =	vst v63  }
0x8f: {  	v3 =	vld [tilespmem:$0x40];
	_ =	sdelay $0x4  }
0x90: {  	v36 =	vshll.u32 v3, $0x1  }
0x91: {  	v3 =	vand.u32 $0x7, v3;
	v4 =	vand.u32 $0xFFFFFFF0, v36  }
0x92: {  	v3 =	vor.u32 v3, v4  }
0x93: {  	v4 =	vperm.xlane v3, v0;
	_ =	sdelay $0x1  }
0x94: {  	v3 =	vperm.xlane v3, v2;
	v4 =	vadd.s32 v1, v4;
	_ =	sdelay $0x1  }
0x95: {  	v3 =	vadd.s32 v1, v3;
	_ =	sdelay $0x1  }
0x96: {  	s9 =	simm.s32 $0x5000  }
0x97: {  	[tilespmem:s9], [sflag:$0x2] =	stream.indirect_vreg.gather [hbm4b:s1+s3], $0x80, v4, vm0, $0xb8;
	[tilespmem:$0x19000] =	vst v63  }
0x98: {  	s11 =	simm.s32 $0x5800  }
0x99: {  	[tilespmem:s11], [sflag:$0x2] =	stream.indirect_vreg.gather [hbm4b:s1+s3], $0x80, v3, vm0, $0xb8;
	[tilespmem:$0x19000] =	vst v63  }
0x9a: {  	v3 =	vld [tilespmem:$0x50];
	_ =	sdelay $0x4  }
0x9b: {  	v37 =	vshll.u32 v3, $0x1  }
0x9c: {  	v3 =	vand.u32 $0x7, v3;
	v4 =	vand.u32 $0xFFFFFFF0, v37  }
0x9d: {  	v3 =	vor.u32 v3, v4  }
0x9e: {  	v4 =	vperm.xlane v3, v0;
	_ =	sdelay $0x1  }
0x9f: {  	v3 =	vperm.xlane v3, v2;
	v4 =	vadd.s32 v1, v4;
	_ =	sdelay $0x1  }
0xa0: {  	v3 =	vadd.s32 v1, v3;
	_ =	sdelay $0x1  }
0xa1: {  	s12 =	simm.s32 $0x6000  }
0xa2: {  	[tilespmem:s12], [sflag:$0x2] =	stream.indirect_vreg.gather [hbm4b:s1+s3], $0x80, v4, vm0, $0xb8;
	[tilespmem:$0x19000] =	vst v63  }
0xa3: {  	s22 =	simm.s32 $0x6800  }
0xa4: {  	[tilespmem:s22], [sflag:$0x2] =	stream.indirect_vreg.gather [hbm4b:s1+s3], $0x80, v3, vm0, $0xb8;
	[tilespmem:$0x19000] =	vst v63  }
0xa5: {  	v3 =	vld [tilespmem:$0x60];
	_ =	sdelay $0x4  }
0xa6: {  	v38 =	vshll.u32 v3, $0x1  }
0xa7: {  	v3 =	vand.u32 $0x7, v3;
	v4 =	vand.u32 $0xFFFFFFF0, v38  }
0xa8: {  	v3 =	vor.u32 v3, v4  }
0xa9: {  	v4 =	vperm.xlane v3, v0;
	_ =	sdelay $0x1  }
0xaa: {  	v3 =	vperm.xlane v3, v2;
	v4 =	vadd.s32 v1, v4;
	_ =	sdelay $0x1  }
0xab: {  	v3 =	vadd.s32 v1, v3;
	_ =	sdelay $0x1  }
0xac: {  	s23 =	simm.s32 $0x7000  }
0xad: {  	[tilespmem:s23], [sflag:$0x2] =	stream.indirect_vreg.gather [hbm4b:s1+s3], $0x80, v4, vm0, $0xb8;
	[tilespmem:$0x19000] =	vst v63  }
0xae: {  	s28 =	simm.s32 $0x7800  }
0xaf: {  	[tilespmem:s28], [sflag:$0x2] =	stream.indirect_vreg.gather [hbm4b:s1+s3], $0x80, v3, vm0, $0xb8;
	[tilespmem:$0x19000] =	vst v63  }
0xb0: {  	v3 =	vld [tilespmem:$0x70];
	_ =	sdelay $0x4  }
0xb1: {  	v39 =	vshll.u32 v3, $0x1  }
0xb2: {  	v3 =	vand.u32 $0x7, v3;
	v4 =	vand.u32 $0xFFFFFFF0, v39  }
0xb3: {  	v3 =	vor.u32 v3, v4  }
0xb4: {  	v4 =	vperm.xlane v3, v0;
	_ =	sdelay $0x1  }
0xb5: {  	v3 =	vperm.xlane v3, v2;
	v4 =	vadd.s32 v1, v4;
	_ =	sdelay $0x1  }
0xb6: {  	v3 =	vadd.s32 v1, v3;
	_ =	sdelay $0x1  }
0xb7: {  	s29 =	simm.s32 $0x8000  }
0xb8: {  	[tilespmem:s29], [sflag:$0x2] =	stream.indirect_vreg.gather [hbm4b:s1+s3], $0x80, v4, vm0, $0xb8;
	[tilespmem:$0x19000] =	vst v63  }
0xb9: {  	s30 =	simm.s32 $0x8800  }
0xba: {  	[tilespmem:s30], [sflag:$0x2] =	stream.indirect_vreg.gather [hbm4b:s1+s3], $0x80, v3, vm0, $0xb8;
	[tilespmem:$0x19000] =	vst v63  }
0xbb: {  	v3 =	vld [tilespmem:$0x80];
	_ =	sdelay $0x4  }
0xbc: {  	v40 =	vshll.u32 v3, $0x1  }
0xbd: {  	v3 =	vand.u32 $0x7, v3;
	v4 =	vand.u32 $0xFFFFFFF0, v40  }
0xbe: {  	v3 =	vor.u32 v3, v4  }
0xbf: {  	v4 =	vperm.xlane v3, v0;
	_ =	sdelay $0x1  }
0xc0: {  	v3 =	vperm.xlane v3, v2;
	v4 =	vadd.s32 v1, v4;
	_ =	sdelay $0x1  }
0xc1: {  	v3 =	vadd.s32 v1, v3;
	_ =	sdelay $0x1  }
0xc2: {  	s31 =	simm.s32 $0x9000  }
0xc3: {  	[tilespmem:s31], [sflag:$0x3] =	stream.indirect_vreg.gather [hbm4b:s1+s3], $0x80, v4, vm0, $0xb8;
	[tilespmem:$0x19000] =	vst v63  }
0xc4: {  	s9 =	simm.s32 $0x9800  }
0xc5: {  	[tilespmem:s9], [sflag:$0x3] =	stream.indirect_vreg.gather [hbm4b:s1+s3], $0x80, v3, vm0, $0xb8;
	[tilespmem:$0x19000] =	vst v63  }
0xc6: {  	v3 =	vld [tilespmem:$0x90];
	_ =	sdelay $0x4  }
0xc7: {  	v41 =	vshll.u32 v3, $0x1  }
0xc8: {  	v3 =	vand.u32 $0x7, v3;
	v4 =	vand.u32 $0xFFFFFFF0, v41  }
0xc9: {  	v3 =	vor.u32 v3, v4  }
0xca: {  	v4 =	vperm.xlane v3, v0;
	_ =	sdelay $0x1  }
0xcb: {  	v3 =	vperm.xlane v3, v2;
	v4 =	vadd.s32 v1, v4;
	_ =	sdelay $0x1  }
0xcc: {  	v3 =	vadd.s32 v1, v3;
	_ =	sdelay $0x1  }
0xcd: {  	s12 =	simm.s32 $0xA000  }
0xce: {  	[tilespmem:s12], [sflag:$0x3] =	stream.indirect_vreg.gather [hbm4b:s1+s3], $0x80, v4, vm0, $0xb8;
	[tilespmem:$0x19000] =	vst v63  }
0xcf: {  	s22 =	simm.s32 $0xA800  }
0xd0: {  	[tilespmem:s22], [sflag:$0x3] =	stream.indirect_vreg.gather [hbm4b:s1+s3], $0x80, v3, vm0, $0xb8;
	[tilespmem:$0x19000] =	vst v63  }
0xd1: {  	v3 =	vld [tilespmem:$0xA0];
	_ =	sdelay $0x4  }
0xd2: {  	v42 =	vshll.u32 v3, $0x1  }
0xd3: {  	v3 =	vand.u32 $0x7, v3;
	v4 =	vand.u32 $0xFFFFFFF0, v42  }
0xd4: {  	v3 =	vor.u32 v3, v4  }
0xd5: {  	v4 =	vperm.xlane v3, v0;
	_ =	sdelay $0x1  }
0xd6: {  	v3 =	vperm.xlane v3, v2;
	v4 =	vadd.s32 v1, v4;
	_ =	sdelay $0x1  }
0xd7: {  	v3 =	vadd.s32 v1, v3;
	_ =	sdelay $0x1  }
0xd8: {  	s28 =	simm.s32 $0xB000  }
0xd9: {  	[tilespmem:s28], [sflag:$0x3] =	stream.indirect_vreg.gather [hbm4b:s1+s3], $0x80, v4, vm0, $0xb8;
	[tilespmem:$0x19000] =	vst v63  }
0xda: {  	s29 =	simm.s32 $0xB800  }
0xdb: {  	[tilespmem:s29], [sflag:$0x3] =	stream.indirect_vreg.gather [hbm4b:s1+s3], $0x80, v3, vm0, $0xb8;
	[tilespmem:$0x19000] =	vst v63  }
0xdc: {  	v3 =	vld [tilespmem:$0xB0];
	_ =	sdelay $0x4  }
0xdd: {  	v43 =	vshll.u32 v3, $0x1  }
0xde: {  	v3 =	vand.u32 $0x7, v3;
	v4 =	vand.u32 $0xFFFFFFF0, v43  }
0xdf: {  	v3 =	vor.u32 v3, v4  }
0xe0: {  	v4 =	vperm.xlane v3, v0;
	_ =	sdelay $0x1  }
0xe1: {  	v3 =	vperm.xlane v3, v2;
	v4 =	vadd.s32 v1, v4;
	_ =	sdelay $0x1  }
0xe2: {  	v3 =	vadd.s32 v1, v3;
	_ =	sdelay $0x1  }
0xe3: {  	s31 =	simm.s32 $0xC000  }
0xe4: {  	[tilespmem:s31], [sflag:$0x3] =	stream.indirect_vreg.gather [hbm4b:s1+s3], $0x80, v4, vm0, $0xb8;
	[tilespmem:$0x19000] =	vst v63  }
0xe5: {  	s9 =	simm.s32 $0xC800  }
0xe6: {  	[tilespmem:s9], [sflag:$0x3] =	stream.indirect_vreg.gather [hbm4b:s1+s3], $0x80, v3, vm0, $0xb8;
	[tilespmem:$0x19000] =	vst v63  }
0xe7: {  	v3 =	vld [tilespmem:$0xC0];
	_ =	sdelay $0x4  }
0xe8: {  	v44 =	vshll.u32 v3, $0x1  }
0xe9: {  	v3 =	vand.u32 $0x7, v3;
	v4 =	vand.u32 $0xFFFFFFF0, v44  }
0xea: {  	v3 =	vor.u32 v3, v4  }
0xeb: {  	v4 =	vperm.xlane v3, v0;
	_ =	sdelay $0x1  }
0xec: {  	v3 =	vperm.xlane v3, v2;
	v4 =	vadd.s32 v1, v4;
	_ =	sdelay $0x1  }
0xed: {  	v3 =	vadd.s32 v1, v3;
	_ =	sdelay $0x1  }
0xee: {  	s12 =	simm.s32 $0xD000  }
0xef: {  	[tilespmem:s12], [sflag:$0x4] =	stream.indirect_vreg.gather [hbm4b:s1+s3], $0x80, v4, vm0, $0xb8;
	[tilespmem:$0x19000] =	vst v63  }
0xf0: {  	s22 =	simm.s32 $0xD800  }
0xf1: {  	[tilespmem:s22], [sflag:$0x4] =	stream.indirect_vreg.gather [hbm4b:s1+s3], $0x80, v3, vm0, $0xb8;
	[tilespmem:$0x19000] =	vst v63  }
0xf2: {  	v3 =	vld [tilespmem:$0xD0];
	_ =	sdelay $0x4  }
0xf3: {  	v45 =	vshll.u32 v3, $0x1  }
0xf4: {  	v3 =	vand.u32 $0x7, v3;
	v4 =	vand.u32 $0xFFFFFFF0, v45  }
0xf5: {  	v3 =	vor.u32 v3, v4  }
0xf6: {  	v4 =	vperm.xlane v3, v0;
	_ =	sdelay $0x1  }
0xf7: {  	v3 =	vperm.xlane v3, v2;
	v4 =	vadd.s32 v1, v4;
	_ =	sdelay $0x1  }
0xf8: {  	v3 =	vadd.s32 v1, v3;
	_ =	sdelay $0x1  }
0xf9: {  	s28 =	simm.s32 $0xE000  }
0xfa: {  	[tilespmem:s28], [sflag:$0x4] =	stream.indirect_vreg.gather [hbm4b:s1+s3], $0x80, v4, vm0, $0xb8;
	[tilespmem:$0x19000] =	vst v63  }
0xfb: {  	s29 =	simm.s32 $0xE800  }
0xfc: {  	[tilespmem:s29], [sflag:$0x4] =	stream.indirect_vreg.gather [hbm4b:s1+s3], $0x80, v3, vm0, $0xb8;
	[tilespmem:$0x19000] =	vst v63  }
0xfd: {  	v3 =	vld [tilespmem:$0xE0];
	_ =	sdelay $0x4  }
0xfe: {  	v46 =	vshll.u32 v3, $0x1  }
0xff: {  	v3 =	vand.u32 $0x7, v3;
	v4 =	vand.u32 $0xFFFFFFF0, v46  }
0x100: {  	v3 =	vor.u32 v3, v4  }
0x101: {  	v4 =	vperm.xlane v3, v0;
	_ =	sdelay $0x1  }
0x102: {  	v3 =	vperm.xlane v3, v2;
	v4 =	vadd.s32 v1, v4;
	_ =	sdelay $0x1  }
0x103: {  	v3 =	vadd.s32 v1, v3;
	_ =	sdelay $0x1  }
0x104: {  	s31 =	simm.s32 $0xF000  }
0x105: {  	[tilespmem:s31], [sflag:$0x4] =	stream.indirect_vreg.gather [hbm4b:s1+s3], $0x80, v4, vm0, $0xb8;
	[tilespmem:$0x19000] =	vst v63  }
0x106: {  	s9 =	simm.s32 $0xF800  }
0x107: {  	[tilespmem:s9], [sflag:$0x4] =	stream.indirect_vreg.gather [hbm4b:s1+s3], $0x80, v3, vm0, $0xb8;
	[tilespmem:$0x19000] =	vst v63  }
0x108: {  	v3 =	vld [tilespmem:$0xF0];
	_ =	sdelay $0x4  }
0x109: {  	v47 =	vshll.u32 v3, $0x1  }
0x10a: {  	v3 =	vand.u32 $0x7, v3;
	v4 =	vand.u32 $0xFFFFFFF0, v47  }
0x10b: {  	v3 =	vor.u32 v3, v4  }
0x10c: {  	v4 =	vperm.xlane v3, v0;
	_ =	sdelay $0x1  }
0x10d: {  	v3 =	vperm.xlane v3, v2;
	v4 =	vadd.s32 v1, v4;
	_ =	sdelay $0x1  }
0x10e: {  	v3 =	vadd.s32 v1, v3;
	_ =	sdelay $0x1  }
0x10f: {  	s12 =	simm.s32 $0x10000  }
0x110: {  	[tilespmem:s12], [sflag:$0x4] =	stream.indirect_vreg.gather [hbm4b:s1+s3], $0x80, v4, vm0, $0xb8;
	[tilespmem:$0x19000] =	vst v63  }
0x111: {  	s22 =	simm.s32 $0x10800  }
0x112: {  	[tilespmem:s22], [sflag:$0x4] =	stream.indirect_vreg.gather [hbm4b:s1+s3], $0x80, v3, vm0, $0xb8;
	[tilespmem:$0x19000] =	vst v63  }
0x113: {  	v3 =	vld [tilespmem:$0x100];
	_ =	sdelay $0x4  }
0x114: {  	v48 =	vshll.u32 v3, $0x1  }
0x115: {  	v3 =	vand.u32 $0x7, v3;
	v4 =	vand.u32 $0xFFFFFFF0, v48  }
0x116: {  	v3 =	vor.u32 v3, v4  }
0x117: {  	v4 =	vperm.xlane v3, v0;
	_ =	sdelay $0x1  }
0x118: {  	v3 =	vperm.xlane v3, v2;
	v4 =	vadd.s32 v1, v4;
	_ =	sdelay $0x1  }
0x119: {  	v3 =	vadd.s32 v1, v3;
	_ =	sdelay $0x1  }
0x11a: {  	s28 =	simm.s32 $0x11000  }
0x11b: {  	[tilespmem:s28], [sflag:$0x5] =	stream.indirect_vreg.gather [hbm4b:s1+s3], $0x80, v4, vm0, $0xb8;
	[tilespmem:$0x19000] =	vst v63  }
0x11c: {  	s29 =	simm.s32 $0x11800  }
0x11d: {  	[tilespmem:s29], [sflag:$0x5] =	stream.indirect_vreg.gather [hbm4b:s1+s3], $0x80, v3, vm0, $0xb8;
	[tilespmem:$0x19000] =	vst v63  }
0x11e: {  	v3 =	vld [tilespmem:$0x110];
	_ =	sdelay $0x4  }
0x11f: {  	v49 =	vshll.u32 v3, $0x1  }
0x120: {  	v3 =	vand.u32 $0x7, v3;
	v4 =	vand.u32 $0xFFFFFFF0, v49  }
0x121: {  	v3 =	vor.u32 v3, v4  }
0x122: {  	v4 =	vperm.xlane v3, v0;
	_ =	sdelay $0x1  }
0x123: {  	v3 =	vperm.xlane v3, v2;
	v4 =	vadd.s32 v1, v4;
	_ =	sdelay $0x1  }
0x124: {  	v3 =	vadd.s32 v1, v3;
	_ =	sdelay $0x1  }
0x125: {  	s31 =	simm.s32 $0x12000  }
0x126: {  	[tilespmem:s31], [sflag:$0x5] =	stream.indirect_vreg.gather [hbm4b:s1+s3], $0x80, v4, vm0, $0xb8;
	[tilespmem:$0x19000] =	vst v63  }
0x127: {  	s9 =	simm.s32 $0x12800  }
0x128: {  	[tilespmem:s9], [sflag:$0x5] =	stream.indirect_vreg.gather [hbm4b:s1+s3], $0x80, v3, vm0, $0xb8;
	[tilespmem:$0x19000] =	vst v63  }
0x129: {  	v3 =	vld [tilespmem:$0x120];
	_ =	sdelay $0x4  }
0x12a: {  	v50 =	vshll.u32 v3, $0x1  }
0x12b: {  	v3 =	vand.u32 $0x7, v3;
	v4 =	vand.u32 $0xFFFFFFF0, v50  }
0x12c: {  	v3 =	vor.u32 v3, v4  }
0x12d: {  	v4 =	vperm.xlane v3, v0;
	_ =	sdelay $0x1  }
0x12e: {  	v3 =	vperm.xlane v3, v2;
	v4 =	vadd.s32 v1, v4;
	_ =	sdelay $0x1  }
0x12f: {  	v3 =	vadd.s32 v1, v3;
	_ =	sdelay $0x1  }
0x130: {  	s12 =	simm.s32 $0x13000  }
0x131: {  	[tilespmem:s12], [sflag:$0x5] =	stream.indirect_vreg.gather [hbm4b:s1+s3], $0x80, v4, vm0, $0xb8;
	[tilespmem:$0x19000] =	vst v63  }
0x132: {  	s22 =	simm.s32 $0x13800  }
0x133: {  	[tilespmem:s22], [sflag:$0x5] =	stream.indirect_vreg.gather [hbm4b:s1+s3], $0x80, v3, vm0, $0xb8;
	[tilespmem:$0x19000] =	vst v63  }
0x134: {  	v3 =	vld [tilespmem:$0x130];
	_ =	sdelay $0x4  }
0x135: {  	v51 =	vshll.u32 v3, $0x1  }
0x136: {  	v3 =	vand.u32 $0x7, v3;
	v4 =	vand.u32 $0xFFFFFFF0, v51  }
0x137: {  	v3 =	vor.u32 v3, v4  }
0x138: {  	v4 =	vperm.xlane v3, v0;
	_ =	sdelay $0x1  }
0x139: {  	v3 =	vperm.xlane v3, v2;
	v4 =	vadd.s32 v1, v4;
	_ =	sdelay $0x1  }
0x13a: {  	v3 =	vadd.s32 v1, v3;
	_ =	sdelay $0x1  }
0x13b: {  	s28 =	simm.s32 $0x14000  }
0x13c: {  	[tilespmem:s28], [sflag:$0x5] =	stream.indirect_vreg.gather [hbm4b:s1+s3], $0x80, v4, vm0, $0xb8;
	[tilespmem:$0x19000] =	vst v63  }
0x13d: {  	s29 =	simm.s32 $0x14800  }
0x13e: {  	[tilespmem:s29], [sflag:$0x5] =	stream.indirect_vreg.gather [hbm4b:s1+s3], $0x80, v3, vm0, $0xb8;
	[tilespmem:$0x19000] =	vst v63  }
0x13f: {  	v3 =	vld [tilespmem:$0x140];
	_ =	sdelay $0x4  }
0x140: {  	v52 =	vshll.u32 v3, $0x1  }
0x141: {  	v3 =	vand.u32 $0x7, v3;
	v4 =	vand.u32 $0xFFFFFFF0, v52  }
0x142: {  	v3 =	vor.u32 v3, v4  }
0x143: {  	v4 =	vperm.xlane v3, v0;
	_ =	sdelay $0x1  }
0x144: {  	v3 =	vperm.xlane v3, v2;
	v4 =	vadd.s32 v1, v4;
	_ =	sdelay $0x1  }
0x145: {  	v3 =	vadd.s32 v1, v3;
	_ =	sdelay $0x1  }
0x146: {  	s9 =	simm.s32 $0x15000  }
0x147: {  	[tilespmem:s9], [sflag:$0x6] =	stream.indirect_vreg.gather [hbm4b:s1+s3], $0x80, v4, vm0, $0xb8;
	[tilespmem:$0x19000] =	vst v63  }
0x148: {  	s12 =	simm.s32 $0x15800  }
0x149: {  	[tilespmem:s12], [sflag:$0x6] =	stream.indirect_vreg.gather [hbm4b:s1+s3], $0x80, v3, vm0, $0xb8;
	[tilespmem:$0x19000] =	vst v63  }
0x14a: {  	v3 =	vld [tilespmem:$0x150];
	_ =	sdelay $0x4  }
0x14b: {  	v53 =	vshll.u32 v3, $0x1  }
0x14c: {  	v3 =	vand.u32 $0x7, v3;
	v4 =	vand.u32 $0xFFFFFFF0, v53  }
0x14d: {  	v3 =	vor.u32 v3, v4  }
0x14e: {  	v4 =	vperm.xlane v3, v0;
	_ =	sdelay $0x1  }
0x14f: {  	v3 =	vperm.xlane v3, v2;
	v4 =	vadd.s32 v1, v4;
	_ =	sdelay $0x1  }
0x150: {  	v3 =	vadd.s32 v1, v3;
	_ =	sdelay $0x1  }
0x151: {  	s22 =	simm.s32 $0x16000  }
0x152: {  	[tilespmem:s22], [sflag:$0x6] =	stream.indirect_vreg.gather [hbm4b:s1+s3], $0x80, v4, vm0, $0xb8;
	[tilespmem:$0x19000] =	vst v63  }
0x153: {  	s28 =	simm.s32 $0x16800  }
0x154: {  	[tilespmem:s28], [sflag:$0x6] =	stream.indirect_vreg.gather [hbm4b:s1+s3], $0x80, v3, vm0, $0xb8;
	[tilespmem:$0x19000] =	vst v63  }
0x155: {  	v3 =	vld [tilespmem:$0x160];
	_ =	sdelay $0x4  }
0x156: {  	v54 =	vshll.u32 v3, $0x1  }
0x157: {  	v3 =	vand.u32 $0x7, v3;
	v4 =	vand.u32 $0xFFFFFFF0, v54  }
0x158: {  	v3 =	vor.u32 v3, v4  }
0x159: {  	v4 =	vperm.xlane v3, v0;
	_ =	sdelay $0x1  }
0x15a: {  	v3 =	vperm.xlane v3, v2;
	v4 =	vadd.s32 v1, v4;
	_ =	sdelay $0x1  }
0x15b: {  	v3 =	vadd.s32 v1, v3;
	_ =	sdelay $0x1  }
0x15c: {  	s29 =	simm.s32 $0x17000  }
0x15d: {  	[tilespmem:s29], [sflag:$0x6] =	stream.indirect_vreg.gather [hbm4b:s1+s3], $0x80, v4, vm0, $0xb8;
	[tilespmem:$0x19000] =	vst v63  }
0x15e: {  	s9 =	simm.s32 $0x17800  }
0x15f: {  	[tilespmem:s9], [sflag:$0x6] =	stream.indirect_vreg.gather [hbm4b:s1+s3], $0x80, v3, vm0, $0xb8;
	[tilespmem:$0x19000] =	vst v63  }
0x160: {  	v3 =	vld [tilespmem:$0x170];
	_ =	sdelay $0x4  }
0x161: {  	v55 =	vshll.u32 v3, $0x1  }
0x162: {  	v3 =	vand.u32 $0x7, v3;
	v4 =	vand.u32 $0xFFFFFFF0, v55  }
0x163: {  	v3 =	vor.u32 v3, v4  }
0x164: {  	v4 =	vperm.xlane v3, v0;
	_ =	sdelay $0x1  }
0x165: {  	v3 =	vperm.xlane v3, v2;
	v4 =	vadd.s32 v1, v4;
	_ =	sdelay $0x1  }
0x166: {  	v3 =	vadd.s32 v1, v3;
	_ =	sdelay $0x1  }
0x167: {  	s12 =	simm.s32 $0x18000  }
0x168: {  	[tilespmem:s12], [sflag:$0x6] =	stream.indirect_vreg.gather [hbm4b:s1+s3], $0x80, v4, vm0, $0xb8;
	[tilespmem:$0x19000] =	vst v63  }
0x169: {  	s28 =	simm.s32 $0x18800  }
0x16a: {  	[tilespmem:s28], [sflag:$0x6] =	stream.indirect_vreg.gather [hbm4b:s1+s3], $0x80, v3, vm0, $0xb8;
	[tilespmem:$0x19000] =	vst v63  }
0x16b: {  	_ =	swait.ge [sflag:s13], $0x4000  }
0x16c: {  	[sflag:s13] =	ssyncset.done $0x0  }
0x16d: {  	s12 =	simm.s32 $0x1000;
	s9 =	rddreg [dreg:$0x7];
	[sflag:s13] =	ssyncadd.s32 $0xFFFFC000  }
0x16e: {  	[hbm4b:s9+s3] =	stream.linear.scatter [tilespmem:s12], [sflag:$0x7], $0x4000, $0x38;
	[tilespmem:$0x19000] =	vst v63  }
0x16f: {  	_ =	swait.ge [sflag:s15], $0x4000  }
0x170: {  	[sflag:s15] =	ssyncset.done $0x0  }
0x171: {  	[sflag:s15] =	ssyncadd.s32 $0xFFFFC000  }
0x172: {  	v3 =	vld [tilespmem:$0x180];
	_ =	sdelay $0x4  }
0x173: {  	v56 =	vshll.u32 v3, $0x1  }
0x174: {  	v3 =	vand.u32 $0x7, v3;
	v4 =	vand.u32 $0xFFFFFFF0, v56  }
0x175: {  	v3 =	vor.u32 v3, v4  }
0x176: {  	v4 =	vperm.xlane v3, v0;
	_ =	sdelay $0x1  }
0x177: {  	v3 =	vperm.xlane v3, v2;
	v4 =	vadd.s32 v1, v4;
	_ =	sdelay $0x1  }
0x178: {  	v3 =	vadd.s32 v1, v3;
	_ =	sdelay $0x2  }
0x179: {  	[tilespmem:s12], [sflag:$0x1] =	stream.indirect_vreg.gather [hbm4b:s1+s3], $0x80, v4, vm0, $0xb8;
	[tilespmem:$0x19000] =	vst v63  }
0x17a: {  	s28 =	simm.s32 $0x1800  }
0x17b: {  	[tilespmem:s28], [sflag:$0x1] =	stream.indirect_vreg.gather [hbm4b:s1+s3], $0x80, v3, vm0, $0xb8;
	[tilespmem:$0x19000] =	vst v63  }
0x17c: {  	v3 =	vld [tilespmem:$0x190];
	_ =	sdelay $0x4  }
0x17d: {  	v57 =	vshll.u32 v3, $0x1  }
0x17e: {  	v3 =	vand.u32 $0x7, v3;
	v4 =	vand.u32 $0xFFFFFFF0, v57  }
0x17f: {  	v3 =	vor.u32 v3, v4  }
0x180: {  	v4 =	vperm.xlane v3, v0;
	_ =	sdelay $0x1  }
0x181: {  	v3 =	vperm.xlane v3, v2;
	v4 =	vadd.s32 v1, v4;
	_ =	sdelay $0x1  }
0x182: {  	v3 =	vadd.s32 v1, v3;
	_ =	sdelay $0x1  }
0x183: {  	s2 =	simm.s32 $0x2000  }
0x184: {  	[tilespmem:s2], [sflag:$0x1] =	stream.indirect_vreg.gather [hbm4b:s1+s3], $0x80, v4, vm0, $0xb8;
	[tilespmem:$0x19000] =	vst v63  }
0x185: {  	s12 =	simm.s32 $0x2800  }
0x186: {  	[tilespmem:s12], [sflag:$0x1] =	stream.indirect_vreg.gather [hbm4b:s1+s3], $0x80, v3, vm0, $0xb8;
	[tilespmem:$0x19000] =	vst v63  }
0x187: {  	v3 =	vld [tilespmem:$0x1A0];
	_ =	sdelay $0x4  }
0x188: {  	v58 =	vshll.u32 v3, $0x1  }
0x189: {  	v3 =	vand.u32 $0x7, v3;
	v4 =	vand.u32 $0xFFFFFFF0, v58  }
0x18a: {  	v3 =	vor.u32 v3, v4  }
0x18b: {  	v4 =	vperm.xlane v3, v0;
	_ =	sdelay $0x1  }
0x18c: {  	v3 =	vperm.xlane v3, v2;
	v4 =	vadd.s32 v1, v4;
	_ =	sdelay $0x1  }
0x18d: {  	v3 =	vadd.s32 v1, v3;
	_ =	sdelay $0x1  }
0x18e: {  	s7 =	simm.s32 $0x3000  }
0x18f: {  	[tilespmem:s7], [sflag:$0x1] =	stream.indirect_vreg.gather [hbm4b:s1+s3], $0x80, v4, vm0, $0xb8;
	[tilespmem:$0x19000] =	vst v63  }
0x190: {  	s2 =	simm.s32 $0x3800  }
0x191: {  	[tilespmem:s2], [sflag:$0x1] =	stream.indirect_vreg.gather [hbm4b:s1+s3], $0x80, v3, vm0, $0xb8;
	[tilespmem:$0x19000] =	vst v63  }
0x192: {  	v3 =	vld [tilespmem:$0x1B0];
	_ =	sdelay $0x4  }
0x193: {  	v59 =	vshll.u32 v3, $0x1  }
0x194: {  	v3 =	vand.u32 $0x7, v3;
	v4 =	vand.u32 $0xFFFFFFF0, v59  }
0x195: {  	v3 =	vor.u32 v3, v4  }
0x196: {  	v4 =	vperm.xlane v3, v0;
	_ =	sdelay $0x1  }
0x197: {  	v3 =	vperm.xlane v3, v2;
	v4 =	vadd.s32 v1, v4;
	_ =	sdelay $0x1  }
0x198: {  	v3 =	vadd.s32 v1, v3;
	_ =	sdelay $0x1  }
0x199: {  	s10 =	simm.s32 $0x4000  }
0x19a: {  	[tilespmem:s10], [sflag:$0x1] =	stream.indirect_vreg.gather [hbm4b:s1+s3], $0x80, v4, vm0, $0xb8;
	[tilespmem:$0x19000] =	vst v63  }
0x19b: {  	s9 =	simm.s32 $0x4800  }
0x19c: {  	[tilespmem:s9], [sflag:$0x1] =	stream.indirect_vreg.gather [hbm4b:s1+s3], $0x80, v3, vm0, $0xb8;
	[tilespmem:$0x19000] =	vst v63  }
0x19d: {  	_ =	swait.ge [sflag:s16], $0x4000  }
0x19e: {  	[sflag:s16] =	ssyncset.done $0x0  }
0x19f: {  	s5 =	simm.s32 $0x5000;
	s7 =	rddreg [dreg:$0x8];
	[sflag:s16] =	ssyncadd.s32 $0xFFFFC000  }
0x1a0: {  	[hbm4b:s7+s3] =	stream.linear.scatter [tilespmem:s5], [sflag:$0x8], $0x4000, $0x38;
	[tilespmem:$0x19000] =	vst v63  }
0x1a1: {  	_ =	swait.ge [sflag:s17], $0x4000  }
0x1a2: {  	[sflag:s17] =	ssyncset.done $0x0  }
0x1a3: {  	[sflag:s17] =	ssyncadd.s32 $0xFFFFC000  }
0x1a4: {  	v3 =	vld [tilespmem:$0x1C0];
	_ =	sdelay $0x4  }
0x1a5: {  	v60 =	vshll.u32 v3, $0x1  }
0x1a6: {  	v3 =	vand.u32 $0x7, v3;
	v4 =	vand.u32 $0xFFFFFFF0, v60  }
0x1a7: {  	v3 =	vor.u32 v3, v4  }
0x1a8: {  	v4 =	vperm.xlane v3, v0;
	_ =	sdelay $0x1  }
0x1a9: {  	v3 =	vperm.xlane v3, v2;
	v4 =	vadd.s32 v1, v4;
	_ =	sdelay $0x1  }
0x1aa: {  	v3 =	vadd.s32 v1, v3;
	_ =	sdelay $0x2  }
0x1ab: {  	[tilespmem:s5], [sflag:$0x2] =	stream.indirect_vreg.gather [hbm4b:s1+s3], $0x80, v4, vm0, $0xb8;
	[tilespmem:$0x19000] =	vst v63  }
0x1ac: {  	s8 =	simm.s32 $0x5800  }
0x1ad: {  	[tilespmem:s8], [sflag:$0x2] =	stream.indirect_vreg.gather [hbm4b:s1+s3], $0x80, v3, vm0, $0xb8;
	[tilespmem:$0x19000] =	vst v63  }
0x1ae: {  	v3 =	vld [tilespmem:$0x1D0];
	_ =	sdelay $0x4  }
0x1af: {  	v61 =	vshll.u32 v3, $0x1  }
0x1b0: {  	v3 =	vand.u32 $0x7, v3;
	v4 =	vand.u32 $0xFFFFFFF0, v61  }
0x1b1: {  	v3 =	vor.u32 v3, v4  }
0x1b2: {  	v4 =	vperm.xlane v3, v0;
	_ =	sdelay $0x1  }
0x1b3: {  	v3 =	vperm.xlane v3, v2;
	v4 =	vadd.s32 v1, v4;
	_ =	sdelay $0x1  }
0x1b4: {  	v3 =	vadd.s32 v1, v3;
	_ =	sdelay $0x1  }
0x1b5: {  	s4 =	simm.s32 $0x6000  }
0x1b6: {  	[tilespmem:s4], [sflag:$0x2] =	stream.indirect_vreg.gather [hbm4b:s1+s3], $0x80, v4, vm0, $0xb8;
	[tilespmem:$0x19000] =	vst v63  }
0x1b7: {  	s7 =	simm.s32 $0x6800  }
0x1b8: {  	[tilespmem:s7], [sflag:$0x2] =	stream.indirect_vreg.gather [hbm4b:s1+s3], $0x80, v3, vm0, $0xb8;
	[tilespmem:$0x19000] =	vst v63  }
0x1b9: {  	v3 =	vld [tilespmem:$0x1E0];
	_ =	sdelay $0x4  }
0x1ba: {  	v62 =	vshll.u32 v3, $0x1  }
0x1bb: {  	v3 =	vand.u32 $0x7, v3;
	v4 =	vand.u32 $0xFFFFFFF0, v62  }
0x1bc: {  	v3 =	vor.u32 v3, v4  }
0x1bd: {  	v4 =	vperm.xlane v3, v0;
	_ =	sdelay $0x1  }
0x1be: {  	v3 =	vperm.xlane v3, v2;
	v4 =	vadd.s32 v1, v4;
	_ =	sdelay $0x1  }
0x1bf: {  	v3 =	vadd.s32 v1, v3;
	_ =	sdelay $0x1  }
0x1c0: {  	s6 =	simm.s32 $0x7000  }
0x1c1: {  	[tilespmem:s6], [sflag:$0x2] =	stream.indirect_vreg.gather [hbm4b:s1+s3], $0x80, v4, vm0, $0xb8;
	[tilespmem:$0x19000] =	vst v63  }
0x1c2: {  	s5 =	simm.s32 $0x7800  }
0x1c3: {  	[tilespmem:s5], [sflag:$0x2] =	stream.indirect_vreg.gather [hbm4b:s1+s3], $0x80, v3, vm0, $0xb8;
	[tilespmem:$0x19000] =	vst v63  }
0x1c4: {  	v3 =	vld [tilespmem:$0x1F0];
	_ =	sdelay $0x4  }
0x1c5: {  	v63 =	vshll.u32 v3, $0x1  }
0x1c6: {  	v3 =	vand.u32 $0x7, v3;
	v4 =	vand.u32 $0xFFFFFFF0, v63  }
0x1c7: {  	v3 =	vor.u32 v3, v4  }
0x1c8: {  	v4 =	vperm.xlane v3, v0;
	_ =	sdelay $0x1  }
0x1c9: {  	v3 =	vperm.xlane v3, v2;
	v4 =	vadd.s32 v1, v4;
	_ =	sdelay $0x1  }
0x1ca: {  	v3 =	vadd.s32 v1, v3;
	_ =	sdelay $0x1  }
0x1cb: {  	s23 =	simm.s32 $0x8000  }
0x1cc: {  	[tilespmem:s23], [sflag:$0x2] =	stream.indirect_vreg.gather [hbm4b:s1+s3], $0x80, v4, vm0, $0xb8;
	[tilespmem:$0x19000] =	vst v63  }
0x1cd: {  	s10 =	simm.s32 $0x8800  }
0x1ce: {  	[tilespmem:s10], [sflag:$0x2] =	stream.indirect_vreg.gather [hbm4b:s1+s3], $0x80, v3, vm0, $0xb8;
	[tilespmem:$0x19000] =	vst v63  }
0x1cf: {  	_ =	swait.ge [sflag:s18], $0x4000  }
0x1d0: {  	[sflag:s18] =	ssyncset.done $0x0  }
0x1d1: {  	s11 =	simm.s32 $0x9000;
	s8 =	rddreg [dreg:$0x9];
	[sflag:s18] =	ssyncadd.s32 $0xFFFFC000  }
0x1d2: {  	[hbm4b:s8+s3] =	stream.linear.scatter [tilespmem:s11], [sflag:$0x9], $0x4000, $0x38;
	[tilespmem:$0x19000] =	vst v63  }
0x1d3: {  	_ =	swait.ge [sflag:s19], $0x4000  }
0x1d4: {  	[sflag:s19] =	ssyncset.done $0x0  }
0x1d5: {  	[sflag:s19] =	ssyncadd.s32 $0xFFFFC000  }
0x1d6: {  	v3 =	vld [tilespmem:$0x200];
	_ =	sdelay $0x4  }
0x1d7: {  	v8 =	vshll.u32 v3, $0x1  }
0x1d8: {  	v3 =	vand.u32 $0x7, v3;
	v4 =	vand.u32 $0xFFFFFFF0, v8  }
0x1d9: {  	v3 =	vor.u32 v3, v4  }
0x1da: {  	v4 =	vperm.xlane v3, v0;
	_ =	sdelay $0x1  }
0x1db: {  	v3 =	vperm.xlane v3, v2;
	v4 =	vadd.s32 v1, v4;
	_ =	sdelay $0x1  }
0x1dc: {  	v3 =	vadd.s32 v1, v3;
	_ =	sdelay $0x2  }
0x1dd: {  	[tilespmem:s11], [sflag:$0x3] =	stream.indirect_vreg.gather [hbm4b:s1+s3], $0x80, v4, vm0, $0xb8;
	[tilespmem:$0x19000] =	vst v63  }
0x1de: {  	s11 =	simm.s32 $0x9800  }
0x1df: {  	[tilespmem:s11], [sflag:$0x3] =	stream.indirect_vreg.gather [hbm4b:s1+s3], $0x80, v3, vm0, $0xb8;
	[tilespmem:$0x19000] =	vst v63  }
0x1e0: {  	v3 =	vld [tilespmem:$0x210];
	_ =	sdelay $0x4  }
0x1e1: {  	v9 =	vshll.u32 v3, $0x1  }
0x1e2: {  	v3 =	vand.u32 $0x7, v3;
	v4 =	vand.u32 $0xFFFFFFF0, v9  }
0x1e3: {  	v3 =	vor.u32 v3, v4  }
0x1e4: {  	v4 =	vperm.xlane v3, v0;
	_ =	sdelay $0x1  }
0x1e5: {  	v3 =	vperm.xlane v3, v2;
	v4 =	vadd.s32 v1, v4;
	_ =	sdelay $0x1  }
0x1e6: {  	v3 =	vadd.s32 v1, v3;
	_ =	sdelay $0x1  }
0x1e7: {  	s30 =	simm.s32 $0xA000  }
0x1e8: {  	[tilespmem:s30], [sflag:$0x3] =	stream.indirect_vreg.gather [hbm4b:s1+s3], $0x80, v4, vm0, $0xb8;
	[tilespmem:$0x19000] =	vst v63  }
0x1e9: {  	s6 =	simm.s32 $0xA800  }
0x1ea: {  	[tilespmem:s6], [sflag:$0x3] =	stream.indirect_vreg.gather [hbm4b:s1+s3], $0x80, v3, vm0, $0xb8;
	[tilespmem:$0x19000] =	vst v63  }
0x1eb: {  	v3 =	vld [tilespmem:$0x220];
	_ =	sdelay $0x4  }
0x1ec: {  	v10 =	vshll.u32 v3, $0x1  }
0x1ed: {  	v3 =	vand.u32 $0x7, v3;
	v4 =	vand.u32 $0xFFFFFFF0, v10  }
0x1ee: {  	v3 =	vor.u32 v3, v4  }
0x1ef: {  	v4 =	vperm.xlane v3, v0;
	_ =	sdelay $0x1  }
0x1f0: {  	v3 =	vperm.xlane v3, v2;
	v4 =	vadd.s32 v1, v4;
	_ =	sdelay $0x1  }
0x1f1: {  	v3 =	vadd.s32 v1, v3;
	_ =	sdelay $0x1  }
0x1f2: {  	s23 =	simm.s32 $0xB000  }
0x1f3: {  	[tilespmem:s23], [sflag:$0x3] =	stream.indirect_vreg.gather [hbm4b:s1+s3], $0x80, v4, vm0, $0xb8;
	[tilespmem:$0x19000] =	vst v63  }
0x1f4: {  	s23 =	simm.s32 $0xB800  }
0x1f5: {  	[tilespmem:s23], [sflag:$0x3] =	stream.indirect_vreg.gather [hbm4b:s1+s3], $0x80, v3, vm0, $0xb8;
	[tilespmem:$0x19000] =	vst v63  }
0x1f6: {  	v3 =	vld [tilespmem:$0x230];
	_ =	sdelay $0x4  }
0x1f7: {  	v11 =	vshll.u32 v3, $0x1  }
0x1f8: {  	v3 =	vand.u32 $0x7, v3;
	v4 =	vand.u32 $0xFFFFFFF0, v11  }
0x1f9: {  	v3 =	vor.u32 v3, v4  }
0x1fa: {  	v4 =	vperm.xlane v3, v0;
	_ =	sdelay $0x1  }
0x1fb: {  	v3 =	vperm.xlane v3, v2;
	v4 =	vadd.s32 v1, v4;
	_ =	sdelay $0x1  }
0x1fc: {  	v3 =	vadd.s32 v1, v3;
	_ =	sdelay $0x1  }
0x1fd: {  	s28 =	simm.s32 $0xC000  }
0x1fe: {  	[tilespmem:s28], [sflag:$0x3] =	stream.indirect_vreg.gather [hbm4b:s1+s3], $0x80, v4, vm0, $0xb8;
	[tilespmem:$0x19000] =	vst v63  }
0x1ff: {  	s8 =	simm.s32 $0xC800  }
0x200: {  	[tilespmem:s8], [sflag:$0x3] =	stream.indirect_vreg.gather [hbm4b:s1+s3], $0x80, v3, vm0, $0xb8;
	[tilespmem:$0x19000] =	vst v63  }
0x201: {  	_ =	swait.ge [sflag:s20], $0x4000  }
0x202: {  	[sflag:s20] =	ssyncset.done $0x0  }
0x203: {  	s0 =	simm.s32 $0xD000;
	s30 =	rddreg [dreg:$0xa];
	[sflag:s20] =	ssyncadd.s32 $0xFFFFC000  }
0x204: {  	[hbm4b:s30+s3] =	stream.linear.scatter [tilespmem:s0], [sflag:$0xA], $0x4000, $0x38;
	[tilespmem:$0x19000] =	vst v63  }
0x205: {  	_ =	swait.ge [sflag:s21], $0x4000  }
0x206: {  	[sflag:s21] =	ssyncset.done $0x0  }
0x207: {  	[sflag:s21] =	ssyncadd.s32 $0xFFFFC000  }
0x208: {  	v3 =	vld [tilespmem:$0x240];
	_ =	sdelay $0x4  }
0x209: {  	v12 =	vshll.u32 v3, $0x1  }
0x20a: {  	v3 =	vand.u32 $0x7, v3;
	v4 =	vand.u32 $0xFFFFFFF0, v12  }
0x20b: {  	v3 =	vor.u32 v3, v4  }
0x20c: {  	v4 =	vperm.xlane v3, v0;
	_ =	sdelay $0x1  }
0x20d: {  	v3 =	vperm.xlane v3, v2;
	v4 =	vadd.s32 v1, v4;
	_ =	sdelay $0x1  }
0x20e: {  	v3 =	vadd.s32 v1, v3;
	_ =	sdelay $0x2  }
0x20f: {  	[tilespmem:s0], [sflag:$0x4] =	stream.indirect_vreg.gather [hbm4b:s1+s3], $0x80, v4, vm0, $0xb8;
	[tilespmem:$0x19000] =	vst v63  }
0x210: {  	s4 =	simm.s32 $0xD800  }
0x211: {  	[tilespmem:s4], [sflag:$0x4] =	stream.indirect_vreg.gather [hbm4b:s1+s3], $0x80, v3, vm0, $0xb8;
	[tilespmem:$0x19000] =	vst v63  }
0x212: {  	v3 =	vld [tilespmem:$0x250];
	_ =	sdelay $0x4  }
0x213: {  	v13 =	vshll.u32 v3, $0x1  }
0x214: {  	v3 =	vand.u32 $0x7, v3;
	v4 =	vand.u32 $0xFFFFFFF0, v13  }
0x215: {  	v3 =	vor.u32 v3, v4  }
0x216: {  	v4 =	vperm.xlane v3, v0;
	_ =	sdelay $0x1  }
0x217: {  	v3 =	vperm.xlane v3, v2;
	v4 =	vadd.s32 v1, v4;
	_ =	sdelay $0x1  }
0x218: {  	v3 =	vadd.s32 v1, v3;
	_ =	sdelay $0x1  }
0x219: {  	s30 =	simm.s32 $0xE000  }
0x21a: {  	[tilespmem:s30], [sflag:$0x4] =	stream.indirect_vreg.gather [hbm4b:s1+s3], $0x80, v4, vm0, $0xb8;
	[tilespmem:$0x19000] =	vst v63  }
0x21b: {  	s11 =	simm.s32 $0xE800  }
0x21c: {  	[tilespmem:s11], [sflag:$0x4] =	stream.indirect_vreg.gather [hbm4b:s1+s3], $0x80, v3, vm0, $0xb8;
	[tilespmem:$0x19000] =	vst v63  }
0x21d: {  	v3 =	vld [tilespmem:$0x260];
	_ =	sdelay $0x4  }
0x21e: {  	v14 =	vshll.u32 v3, $0x1  }
0x21f: {  	v3 =	vand.u32 $0x7, v3;
	v4 =	vand.u32 $0xFFFFFFF0, v14  }
0x220: {  	v3 =	vor.u32 v3, v4  }
0x221: {  	v4 =	vperm.xlane v3, v0;
	_ =	sdelay $0x1  }
0x222: {  	v3 =	vperm.xlane v3, v2;
	v4 =	vadd.s32 v1, v4;
	_ =	sdelay $0x1  }
0x223: {  	v3 =	vadd.s32 v1, v3;
	_ =	sdelay $0x1  }
0x224: {  	s28 =	simm.s32 $0xF000  }
0x225: {  	[tilespmem:s28], [sflag:$0x4] =	stream.indirect_vreg.gather [hbm4b:s1+s3], $0x80, v4, vm0, $0xb8;
	[tilespmem:$0x19000] =	vst v63  }
0x226: {  	s4 =	simm.s32 $0xF800  }
0x227: {  	[tilespmem:s4], [sflag:$0x4] =	stream.indirect_vreg.gather [hbm4b:s1+s3], $0x80, v3, vm0, $0xb8;
	[tilespmem:$0x19000] =	vst v63  }
0x228: {  	v3 =	vld [tilespmem:$0x270];
	_ =	sdelay $0x4  }
0x229: {  	v15 =	vshll.u32 v3, $0x1  }
0x22a: {  	v3 =	vand.u32 $0x7, v3;
	v4 =	vand.u32 $0xFFFFFFF0, v15  }
0x22b: {  	v3 =	vor.u32 v3, v4  }
0x22c: {  	v4 =	vperm.xlane v3, v0;
	_ =	sdelay $0x1  }
0x22d: {  	v3 =	vperm.xlane v3, v2;
	v4 =	vadd.s32 v1, v4;
	_ =	sdelay $0x1  }
0x22e: {  	v3 =	vadd.s32 v1, v3;
	_ =	sdelay $0x1  }
0x22f: {  	s11 =	simm.s32 $0x10000  }
0x230: {  	[tilespmem:s11], [sflag:$0x4] =	stream.indirect_vreg.gather [hbm4b:s1+s3], $0x80, v4, vm0, $0xb8;
	[tilespmem:$0x19000] =	vst v63  }
0x231: {  	s28 =	simm.s32 $0x10800  }
0x232: {  	[tilespmem:s28], [sflag:$0x4] =	stream.indirect_vreg.gather [hbm4b:s1+s3], $0x80, v3, vm0, $0xb8;
	[tilespmem:$0x19000] =	vst v63  }
0x233: {  	_ =	swait.ge [sflag:s14], $0x4000  }
0x234: {  	[sflag:s14] =	ssyncset.done $0x0  }
0x235: {  	s11 =	simm.s32 $0x11000;
	s4 =	rddreg [dreg:$0xb];
	[sflag:s14] =	ssyncadd.s32 $0xFFFFC000  }
0x236: {  	[hbm4b:s4+s3] =	stream.linear.scatter [tilespmem:s11], [sflag:$0xB], $0x4000, $0x38;
	[tilespmem:$0x19000] =	vst v63  }
0x237: {  	_ =	swait.ge [sflag:s24], $0x4000  }
0x238: {  	[sflag:s24] =	ssyncset.done $0x0  }
0x239: {  	[sflag:s24] =	ssyncadd.s32 $0xFFFFC000  }
0x23a: {  	v3 =	vld [tilespmem:$0x280];
	_ =	sdelay $0x4  }
0x23b: {  	v16 =	vshll.u32 v3, $0x1  }
0x23c: {  	v3 =	vand.u32 $0x7, v3;
	v4 =	vand.u32 $0xFFFFFFF0, v16  }
0x23d: {  	v3 =	vor.u32 v3, v4  }
0x23e: {  	v4 =	vperm.xlane v3, v0;
	_ =	sdelay $0x1  }
0x23f: {  	v3 =	vperm.xlane v3, v2;
	v4 =	vadd.s32 v1, v4;
	_ =	sdelay $0x1  }
0x240: {  	v3 =	vadd.s32 v1, v3;
	_ =	sdelay $0x2  }
0x241: {  	[tilespmem:s11], [sflag:$0x5] =	stream.indirect_vreg.gather [hbm4b:s1+s3], $0x80, v4, vm0, $0xb8;
	[tilespmem:$0x19000] =	vst v63  }
0x242: {  	s28 =	simm.s32 $0x11800  }
0x243: {  	[tilespmem:s28], [sflag:$0x5] =	stream.indirect_vreg.gather [hbm4b:s1+s3], $0x80, v3, vm0, $0xb8;
	[tilespmem:$0x19000] =	vst v63  }
0x244: {  	v3 =	vld [tilespmem:$0x290];
	_ =	sdelay $0x4  }
0x245: {  	v17 =	vshll.u32 v3, $0x1  }
0x246: {  	v3 =	vand.u32 $0x7, v3;
	v4 =	vand.u32 $0xFFFFFFF0, v17  }
0x247: {  	v3 =	vor.u32 v3, v4  }
0x248: {  	v4 =	vperm.xlane v3, v0;
	_ =	sdelay $0x1  }
0x249: {  	v3 =	vperm.xlane v3, v2;
	v4 =	vadd.s32 v1, v4;
	_ =	sdelay $0x1  }
0x24a: {  	v3 =	vadd.s32 v1, v3;
	_ =	sdelay $0x1  }
0x24b: {  	s31 =	simm.s32 $0x12000  }
0x24c: {  	[tilespmem:s31], [sflag:$0x5] =	stream.indirect_vreg.gather [hbm4b:s1+s3], $0x80, v4, vm0, $0xb8;
	[tilespmem:$0x19000] =	vst v63  }
0x24d: {  	s11 =	simm.s32 $0x12800  }
0x24e: {  	[tilespmem:s11], [sflag:$0x5] =	stream.indirect_vreg.gather [hbm4b:s1+s3], $0x80, v3, vm0, $0xb8;
	[tilespmem:$0x19000] =	vst v63  }
0x24f: {  	v3 =	vld [tilespmem:$0x2A0];
	_ =	sdelay $0x4  }
0x250: {  	v18 =	vshll.u32 v3, $0x1  }
0x251: {  	v3 =	vand.u32 $0x7, v3;
	v4 =	vand.u32 $0xFFFFFFF0, v18  }
0x252: {  	v3 =	vor.u32 v3, v4  }
0x253: {  	v4 =	vperm.xlane v3, v0;
	_ =	sdelay $0x1  }
0x254: {  	v3 =	vperm.xlane v3, v2;
	v4 =	vadd.s32 v1, v4;
	_ =	sdelay $0x1  }
0x255: {  	v3 =	vadd.s32 v1, v3;
	_ =	sdelay $0x1  }
0x256: {  	s31 =	simm.s32 $0x13000  }
0x257: {  	[tilespmem:s31], [sflag:$0x5] =	stream.indirect_vreg.gather [hbm4b:s1+s3], $0x80, v4, vm0, $0xb8;
	[tilespmem:$0x19000] =	vst v63  }
0x258: {  	s4 =	simm.s32 $0x13800  }
0x259: {  	[tilespmem:s4], [sflag:$0x5] =	stream.indirect_vreg.gather [hbm4b:s1+s3], $0x80, v3, vm0, $0xb8;
	[tilespmem:$0x19000] =	vst v63  }
0x25a: {  	v3 =	vld [tilespmem:$0x2B0];
	_ =	sdelay $0x4  }
0x25b: {  	v19 =	vshll.u32 v3, $0x1  }
0x25c: {  	v3 =	vand.u32 $0x7, v3;
	v4 =	vand.u32 $0xFFFFFFF0, v19  }
0x25d: {  	v3 =	vor.u32 v3, v4  }
0x25e: {  	v4 =	vperm.xlane v3, v0;
	_ =	sdelay $0x1  }
0x25f: {  	v3 =	vperm.xlane v3, v2;
	v4 =	vadd.s32 v1, v4;
	_ =	sdelay $0x1  }
0x260: {  	v3 =	vadd.s32 v1, v3;
	_ =	sdelay $0x1  }
0x261: {  	s28 =	simm.s32 $0x14000  }
0x262: {  	[tilespmem:s28], [sflag:$0x5] =	stream.indirect_vreg.gather [hbm4b:s1+s3], $0x80, v4, vm0, $0xb8;
	[tilespmem:$0x19000] =	vst v63  }
0x263: {  	s31 =	simm.s32 $0x14800  }
0x264: {  	[tilespmem:s31], [sflag:$0x5] =	stream.indirect_vreg.gather [hbm4b:s1+s3], $0x80, v3, vm0, $0xb8;
	[tilespmem:$0x19000] =	vst v63  }
0x265: {  	_ =	swait.ge [sflag:s25], $0x4000  }
0x266: {  	[sflag:s25] =	ssyncset.done $0x0  }
0x267: {  	s4 =	simm.s32 $0x15000;
	s0 =	rddreg [dreg:$0xc];
	[sflag:s25] =	ssyncadd.s32 $0xFFFFC000  }
0x268: {  	[hbm4b:s0+s3] =	stream.linear.scatter [tilespmem:s4], [sflag:$0xC], $0x4000, $0x38;
	[tilespmem:$0x19000] =	vst v63  }
0x269: {  	_ =	swait.ge [sflag:s26], $0x4000  }
0x26a: {  	[sflag:s26] =	ssyncset.done $0x0  }
0x26b: {  	[sflag:s26] =	ssyncadd.s32 $0xFFFFC000  }
0x26c: {  	v3 =	vld [tilespmem:$0x2C0];
	_ =	sdelay $0x4  }
0x26d: {  	v20 =	vshll.u32 v3, $0x1  }
0x26e: {  	v3 =	vand.u32 $0x7, v3;
	v4 =	vand.u32 $0xFFFFFFF0, v20  }
0x26f: {  	v3 =	vor.u32 v3, v4  }
0x270: {  	v4 =	vperm.xlane v3, v0;
	_ =	sdelay $0x1  }
0x271: {  	v3 =	vperm.xlane v3, v2;
	v4 =	vadd.s32 v1, v4;
	_ =	sdelay $0x1  }
0x272: {  	v3 =	vadd.s32 v1, v3;
	_ =	sdelay $0x2  }
0x273: {  	[tilespmem:s4], [sflag:$0x6] =	stream.indirect_vreg.gather [hbm4b:s1+s3], $0x80, v4, vm0, $0xb8;
	[tilespmem:$0x19000] =	vst v63  }
0x274: {  	s28 =	simm.s32 $0x15800  }
0x275: {  	[tilespmem:s28], [sflag:$0x6] =	stream.indirect_vreg.gather [hbm4b:s1+s3], $0x80, v3, vm0, $0xb8;
	[tilespmem:$0x19000] =	vst v63  }
0x276: {  	v3 =	vld [tilespmem:$0x2D0];
	_ =	sdelay $0x4  }
0x277: {  	v21 =	vshll.u32 v3, $0x1  }
0x278: {  	v3 =	vand.u32 $0x7, v3;
	v4 =	vand.u32 $0xFFFFFFF0, v21  }
0x279: {  	v3 =	vor.u32 v3, v4  }
0x27a: {  	v4 =	vperm.xlane v3, v0;
	_ =	sdelay $0x1  }
0x27b: {  	v3 =	vperm.xlane v3, v2;
	v4 =	vadd.s32 v1, v4;
	_ =	sdelay $0x1  }
0x27c: {  	v3 =	vadd.s32 v1, v3;
	_ =	sdelay $0x1  }
0x27d: {  	s31 =	simm.s32 $0x16000  }
0x27e: {  	[tilespmem:s31], [sflag:$0x6] =	stream.indirect_vreg.gather [hbm4b:s1+s3], $0x80, v4, vm0, $0xb8;
	[tilespmem:$0x19000] =	vst v63  }
0x27f: {  	s22 =	simm.s32 $0x16800  }
0x280: {  	[tilespmem:s22], [sflag:$0x6] =	stream.indirect_vreg.gather [hbm4b:s1+s3], $0x80, v3, vm0, $0xb8;
	[tilespmem:$0x19000] =	vst v63  }
0x281: {  	v3 =	vld [tilespmem:$0x2E0];
	_ =	sdelay $0x4  }
0x282: {  	v22 =	vshll.u32 v3, $0x1  }
0x283: {  	v3 =	vand.u32 $0x7, v3;
	v4 =	vand.u32 $0xFFFFFFF0, v22  }
0x284: {  	v3 =	vor.u32 v3, v4  }
0x285: {  	v4 =	vperm.xlane v3, v0;
	_ =	sdelay $0x1  }
0x286: {  	v3 =	vperm.xlane v3, v2;
	v4 =	vadd.s32 v1, v4;
	_ =	sdelay $0x1  }
0x287: {  	v3 =	vadd.s32 v1, v3;
	_ =	sdelay $0x1  }
0x288: {  	s22 =	simm.s32 $0x17000  }
0x289: {  	[tilespmem:s22], [sflag:$0x6] =	stream.indirect_vreg.gather [hbm4b:s1+s3], $0x80, v4, vm0, $0xb8;
	[tilespmem:$0x19000] =	vst v63  }
0x28a: {  	s29 =	simm.s32 $0x17800  }
0x28b: {  	[tilespmem:s29], [sflag:$0x6] =	stream.indirect_vreg.gather [hbm4b:s1+s3], $0x80, v3, vm0, $0xb8;
	[tilespmem:$0x19000] =	vst v63  }
0x28c: {  	v3 =	vld [tilespmem:$0x2F0];
	_ =	sdelay $0x4  }
0x28d: {  	v23 =	vshll.u32 v3, $0x1  }
0x28e: {  	v3 =	vand.u32 $0x7, v3;
	v4 =	vand.u32 $0xFFFFFFF0, v23  }
0x28f: {  	v3 =	vor.u32 v3, v4  }
0x290: {  	v4 =	vperm.xlane v3, v0;
	_ =	sdelay $0x1  }
0x291: {  	v3 =	vperm.xlane v3, v2;
	v4 =	vadd.s32 v1, v4;
	_ =	sdelay $0x1  }
0x292: {  	v3 =	vadd.s32 v1, v3;
	_ =	sdelay $0x1  }
0x293: {  	s29 =	simm.s32 $0x18000  }
0x294: {  	[tilespmem:s29], [sflag:$0x6] =	stream.indirect_vreg.gather [hbm4b:s1+s3], $0x80, v4, vm0, $0xb8;
	[tilespmem:$0x19000] =	vst v63  }
0x295: {  	s31 =	simm.s32 $0x18800  }
0x296: {  	[tilespmem:s31], [sflag:$0x6] =	stream.indirect_vreg.gather [hbm4b:s1+s3], $0x80, v3, vm0, $0xb8;
	[tilespmem:$0x19000] =	vst v63  }
0x297: {  	_ =	swait.ge [sflag:s13], $0x4000  }
0x298: {  	[sflag:s13] =	ssyncset.done $0x0  }
0x299: {  	s0 =	simm.s32 $0x1000;
	s28 =	rddreg [dreg:$0xd];
	[sflag:s13] =	ssyncadd.s32 $0xFFFFC000  }
0x29a: {  	[hbm4b:s28+s3] =	stream.linear.scatter [tilespmem:s0], [sflag:$0x7], $0x4000, $0x38;
	[tilespmem:$0x19000] =	vst v63  }
0x29b: {  	_ =	swait.ge [sflag:s15], $0x4000  }
0x29c: {  	[sflag:s15] =	ssyncset.done $0x0  }
0x29d: {  	[sflag:s15] =	ssyncadd.s32 $0xFFFFC000  }
0x29e: {  	v3 =	vld [tilespmem:$0x300];
	_ =	sdelay $0x4  }
0x29f: {  	v24 =	vshll.u32 v3, $0x1  }
0x2a0: {  	v3 =	vand.u32 $0x7, v3;
	v4 =	vand.u32 $0xFFFFFFF0, v24  }
0x2a1: {  	v3 =	vor.u32 v3, v4  }
0x2a2: {  	v4 =	vperm.xlane v3, v0;
	_ =	sdelay $0x1  }
0x2a3: {  	v3 =	vperm.xlane v3, v2;
	v4 =	vadd.s32 v1, v4;
	_ =	sdelay $0x1  }
0x2a4: {  	v3 =	vadd.s32 v1, v3;
	_ =	sdelay $0x2  }
0x2a5: {  	[tilespmem:s0], [sflag:$0x1] =	stream.indirect_vreg.gather [hbm4b:s1+s3], $0x80, v4, vm0, $0xb8;
	[tilespmem:$0x19000] =	vst v63  }
0x2a6: {  	s28 =	simm.s32 $0x1800  }
0x2a7: {  	[tilespmem:s28], [sflag:$0x1] =	stream.indirect_vreg.gather [hbm4b:s1+s3], $0x80, v3, vm0, $0xb8;
	[tilespmem:$0x19000] =	vst v63  }
0x2a8: {  	v3 =	vld [tilespmem:$0x310];
	_ =	sdelay $0x4  }
0x2a9: {  	v25 =	vshll.u32 v3, $0x1  }
0x2aa: {  	v3 =	vand.u32 $0x7, v3;
	v4 =	vand.u32 $0xFFFFFFF0, v25  }
0x2ab: {  	v3 =	vor.u32 v3, v4  }
0x2ac: {  	v4 =	vperm.xlane v3, v0;
	_ =	sdelay $0x1  }
0x2ad: {  	v3 =	vperm.xlane v3, v2;
	v4 =	vadd.s32 v1, v4;
	_ =	sdelay $0x1  }
0x2ae: {  	v3 =	vadd.s32 v1, v3;
	_ =	sdelay $0x1  }
0x2af: {  	s28 =	simm.s32 $0x2000  }
0x2b0: {  	[tilespmem:s28], [sflag:$0x1] =	stream.indirect_vreg.gather [hbm4b:s1+s3], $0x80, v4, vm0, $0xb8;
	[tilespmem:$0x19000] =	vst v63  }
0x2b1: {  	_ = 	snop  }
0x2b2: {  	[tilespmem:s12], [sflag:$0x1] =	stream.indirect_vreg.gather [hbm4b:s1+s3], $0x80, v3, vm0, $0xb8;
	[tilespmem:$0x19000] =	vst v63  }
0x2b3: {  	v3 =	vld [tilespmem:$0x320];
	_ =	sdelay $0x4  }
0x2b4: {  	v26 =	vshll.u32 v3, $0x1  }
0x2b5: {  	v3 =	vand.u32 $0x7, v3;
	v4 =	vand.u32 $0xFFFFFFF0, v26  }
0x2b6: {  	v3 =	vor.u32 v3, v4  }
0x2b7: {  	v4 =	vperm.xlane v3, v0;
	_ =	sdelay $0x1  }
0x2b8: {  	v3 =	vperm.xlane v3, v2;
	v4 =	vadd.s32 v1, v4;
	_ =	sdelay $0x1  }
0x2b9: {  	v3 =	vadd.s32 v1, v3;
	_ =	sdelay $0x1  }
0x2ba: {  	s12 =	simm.s32 $0x3000  }
0x2bb: {  	[tilespmem:s12], [sflag:$0x1] =	stream.indirect_vreg.gather [hbm4b:s1+s3], $0x80, v4, vm0, $0xb8;
	[tilespmem:$0x19000] =	vst v63  }
0x2bc: {  	_ = 	snop  }
0x2bd: {  	[tilespmem:s2], [sflag:$0x1] =	stream.indirect_vreg.gather [hbm4b:s1+s3], $0x80, v3, vm0, $0xb8;
	[tilespmem:$0x19000] =	vst v63  }
0x2be: {  	v3 =	vld [tilespmem:$0x330];
	_ =	sdelay $0x4  }
0x2bf: {  	v27 =	vshll.u32 v3, $0x1  }
0x2c0: {  	v3 =	vand.u32 $0x7, v3;
	v4 =	vand.u32 $0xFFFFFFF0, v27  }
0x2c1: {  	v3 =	vor.u32 v3, v4  }
0x2c2: {  	v4 =	vperm.xlane v3, v0;
	_ =	sdelay $0x1  }
0x2c3: {  	v3 =	vperm.xlane v3, v2;
	v4 =	vadd.s32 v1, v4;
	_ =	sdelay $0x1  }
0x2c4: {  	v3 =	vadd.s32 v1, v3;
	_ =	sdelay $0x1  }
0x2c5: {  	s28 =	simm.s32 $0x4000  }
0x2c6: {  	[tilespmem:s28], [sflag:$0x1] =	stream.indirect_vreg.gather [hbm4b:s1+s3], $0x80, v4, vm0, $0xb8;
	[tilespmem:$0x19000] =	vst v63  }
0x2c7: {  	_ = 	snop  }
0x2c8: {  	[tilespmem:s9], [sflag:$0x1] =	stream.indirect_vreg.gather [hbm4b:s1+s3], $0x80, v3, vm0, $0xb8;
	[tilespmem:$0x19000] =	vst v63  }
0x2c9: {  	_ =	swait.ge [sflag:s16], $0x4000  }
0x2ca: {  	[sflag:s16] =	ssyncset.done $0x0  }
0x2cb: {  	s9 =	simm.s32 $0x5000;
	s2 =	rddreg [dreg:$0xe];
	[sflag:s16] =	ssyncadd.s32 $0xFFFFC000  }
0x2cc: {  	[hbm4b:s2+s3] =	stream.linear.scatter [tilespmem:s9], [sflag:$0x8], $0x4000, $0x38;
	[tilespmem:$0x19000] =	vst v63  }
0x2cd: {  	_ =	swait.ge [sflag:s17], $0x4000  }
0x2ce: {  	[sflag:s17] =	ssyncset.done $0x0  }
0x2cf: {  	[sflag:s17] =	ssyncadd.s32 $0xFFFFC000  }
0x2d0: {  	v3 =	vld [tilespmem:$0x340];
	_ =	sdelay $0x4  }
0x2d1: {  	v28 =	vshll.u32 v3, $0x1  }
0x2d2: {  	v3 =	vand.u32 $0x7, v3;
	v4 =	vand.u32 $0xFFFFFFF0, v28  }
0x2d3: {  	v3 =	vor.u32 v3, v4  }
0x2d4: {  	v4 =	vperm.xlane v3, v0;
	_ =	sdelay $0x1  }
0x2d5: {  	v3 =	vperm.xlane v3, v2;
	v4 =	vadd.s32 v1, v4;
	_ =	sdelay $0x1  }
0x2d6: {  	v3 =	vadd.s32 v1, v3;
	_ =	sdelay $0x2  }
0x2d7: {  	[tilespmem:s9], [sflag:$0x2] =	stream.indirect_vreg.gather [hbm4b:s1+s3], $0x80, v4, vm0, $0xb8;
	[tilespmem:$0x19000] =	vst v63  }
0x2d8: {  	s12 =	simm.s32 $0x5800  }
0x2d9: {  	[tilespmem:s12], [sflag:$0x2] =	stream.indirect_vreg.gather [hbm4b:s1+s3], $0x80, v3, vm0, $0xb8;
	[tilespmem:$0x19000] =	vst v63  }
0x2da: {  	v3 =	vld [tilespmem:$0x350];
	_ =	sdelay $0x4  }
0x2db: {  	v29 =	vshll.u32 v3, $0x1  }
0x2dc: {  	v3 =	vand.u32 $0x7, v3;
	v4 =	vand.u32 $0xFFFFFFF0, v29  }
0x2dd: {  	v3 =	vor.u32 v3, v4  }
0x2de: {  	v4 =	vperm.xlane v3, v0;
	_ =	sdelay $0x1  }
0x2df: {  	v3 =	vperm.xlane v3, v2;
	v4 =	vadd.s32 v1, v4;
	_ =	sdelay $0x1  }
0x2e0: {  	v3 =	vadd.s32 v1, v3;
	_ =	sdelay $0x1  }
0x2e1: {  	s28 =	simm.s32 $0x6000  }
0x2e2: {  	[tilespmem:s28], [sflag:$0x2] =	stream.indirect_vreg.gather [hbm4b:s1+s3], $0x80, v4, vm0, $0xb8;
	[tilespmem:$0x19000] =	vst v63  }
0x2e3: {  	_ = 	snop  }
0x2e4: {  	[tilespmem:s7], [sflag:$0x2] =	stream.indirect_vreg.gather [hbm4b:s1+s3], $0x80, v3, vm0, $0xb8;
	[tilespmem:$0x19000] =	vst v63  }
0x2e5: {  	v3 =	vld [tilespmem:$0x360];
	_ =	sdelay $0x4  }
0x2e6: {  	v30 =	vshll.u32 v3, $0x1  }
0x2e7: {  	v3 =	vand.u32 $0x7, v3;
	v4 =	vand.u32 $0xFFFFFFF0, v30  }
0x2e8: {  	v3 =	vor.u32 v3, v4  }
0x2e9: {  	v4 =	vperm.xlane v3, v0;
	_ =	sdelay $0x1  }
0x2ea: {  	v3 =	vperm.xlane v3, v2;
	v4 =	vadd.s32 v1, v4;
	_ =	sdelay $0x1  }
0x2eb: {  	v3 =	vadd.s32 v1, v3;
	_ =	sdelay $0x1  }
0x2ec: {  	s7 =	simm.s32 $0x7000  }
0x2ed: {  	[tilespmem:s7], [sflag:$0x2] =	stream.indirect_vreg.gather [hbm4b:s1+s3], $0x80, v4, vm0, $0xb8;
	[tilespmem:$0x19000] =	vst v63  }
0x2ee: {  	_ = 	snop  }
0x2ef: {  	[tilespmem:s5], [sflag:$0x2] =	stream.indirect_vreg.gather [hbm4b:s1+s3], $0x80, v3, vm0, $0xb8;
	[tilespmem:$0x19000] =	vst v63  }
0x2f0: {  	v3 =	vld [tilespmem:$0x370];
	_ =	sdelay $0x4  }
0x2f1: {  	v31 =	vshll.u32 v3, $0x1  }
0x2f2: {  	v3 =	vand.u32 $0x7, v3;
	v4 =	vand.u32 $0xFFFFFFF0, v31  }
0x2f3: {  	v3 =	vor.u32 v3, v4  }
0x2f4: {  	v4 =	vperm.xlane v3, v0;
	_ =	sdelay $0x1  }
0x2f5: {  	v3 =	vperm.xlane v3, v2;
	v4 =	vadd.s32 v1, v4;
	_ =	sdelay $0x1  }
0x2f6: {  	v3 =	vadd.s32 v1, v3;
	_ =	sdelay $0x1  }
0x2f7: {  	s9 =	simm.s32 $0x8000  }
0x2f8: {  	[tilespmem:s9], [sflag:$0x2] =	stream.indirect_vreg.gather [hbm4b:s1+s3], $0x80, v4, vm0, $0xb8;
	[tilespmem:$0x19000] =	vst v63  }
0x2f9: {  	_ = 	snop  }
0x2fa: {  	[tilespmem:s10], [sflag:$0x2] =	stream.indirect_vreg.gather [hbm4b:s1+s3], $0x80, v3, vm0, $0xb8;
	[tilespmem:$0x19000] =	vst v63  }
0x2fb: {  	_ =	swait.ge [sflag:s18], $0x4000  }
0x2fc: {  	[sflag:s18] =	ssyncset.done $0x0  }
0x2fd: {  	s12 =	simm.s32 $0x9000;
	s10 =	rddreg [dreg:$0xf];
	[sflag:s18] =	ssyncadd.s32 $0xFFFFC000  }
0x2fe: {  	[hbm4b:s10+s3] =	stream.linear.scatter [tilespmem:s12], [sflag:$0x9], $0x4000, $0x38;
	[tilespmem:$0x19000] =	vst v63  }
0x2ff: {  	_ =	swait.ge [sflag:s19], $0x4000  }
0x300: {  	[sflag:s19] =	ssyncset.done $0x0  }
0x301: {  	[sflag:s19] =	ssyncadd.s32 $0xFFFFC000  }
0x302: {  	v3 =	vld [tilespmem:$0x380];
	_ =	sdelay $0x4  }
0x303: {  	v32 =	vshll.u32 v3, $0x1  }
0x304: {  	v3 =	vand.u32 $0x7, v3;
	v4 =	vand.u32 $0xFFFFFFF0, v32  }
0x305: {  	v3 =	vor.u32 v3, v4  }
0x306: {  	v4 =	vperm.xlane v3, v0;
	_ =	sdelay $0x1  }
0x307: {  	v3 =	vperm.xlane v3, v2;
	v4 =	vadd.s32 v1, v4;
	_ =	sdelay $0x1  }
0x308: {  	v3 =	vadd.s32 v1, v3;
	_ =	sdelay $0x2  }
0x309: {  	[tilespmem:s12], [sflag:$0x3] =	stream.indirect_vreg.gather [hbm4b:s1+s3], $0x80, v4, vm0, $0xb8;
	[tilespmem:$0x19000] =	vst v63  }
0x30a: {  	s28 =	simm.s32 $0x9800  }
0x30b: {  	[tilespmem:s28], [sflag:$0x3] =	stream.indirect_vreg.gather [hbm4b:s1+s3], $0x80, v3, vm0, $0xb8;
	[tilespmem:$0x19000] =	vst v63  }
0x30c: {  	v3 =	vld [tilespmem:$0x390];
	_ =	sdelay $0x4  }
0x30d: {  	v33 =	vshll.u32 v3, $0x1  }
0x30e: {  	v3 =	vand.u32 $0x7, v3;
	v4 =	vand.u32 $0xFFFFFFF0, v33  }
0x30f: {  	v3 =	vor.u32 v3, v4  }
0x310: {  	v4 =	vperm.xlane v3, v0;
	_ =	sdelay $0x1  }
0x311: {  	v3 =	vperm.xlane v3, v2;
	v4 =	vadd.s32 v1, v4;
	_ =	sdelay $0x1  }
0x312: {  	v3 =	vadd.s32 v1, v3;
	_ =	sdelay $0x1  }
0x313: {  	s5 =	simm.s32 $0xA000  }
0x314: {  	[tilespmem:s5], [sflag:$0x3] =	stream.indirect_vreg.gather [hbm4b:s1+s3], $0x80, v4, vm0, $0xb8;
	[tilespmem:$0x19000] =	vst v63  }
0x315: {  	_ = 	snop  }
0x316: {  	[tilespmem:s6], [sflag:$0x3] =	stream.indirect_vreg.gather [hbm4b:s1+s3], $0x80, v3, vm0, $0xb8;
	[tilespmem:$0x19000] =	vst v63  }
0x317: {  	v3 =	vld [tilespmem:$0x3A0];
	_ =	sdelay $0x4  }
0x318: {  	v34 =	vshll.u32 v3, $0x1  }
0x319: {  	v3 =	vand.u32 $0x7, v3;
	v4 =	vand.u32 $0xFFFFFFF0, v34  }
0x31a: {  	v3 =	vor.u32 v3, v4  }
0x31b: {  	v4 =	vperm.xlane v3, v0;
	_ =	sdelay $0x1  }
0x31c: {  	v3 =	vperm.xlane v3, v2;
	v4 =	vadd.s32 v1, v4;
	_ =	sdelay $0x1  }
0x31d: {  	v3 =	vadd.s32 v1, v3;
	_ =	sdelay $0x1  }
0x31e: {  	s7 =	simm.s32 $0xB000  }
0x31f: {  	[tilespmem:s7], [sflag:$0x3] =	stream.indirect_vreg.gather [hbm4b:s1+s3], $0x80, v4, vm0, $0xb8;
	[tilespmem:$0x19000] =	vst v63  }
0x320: {  	_ = 	snop  }
0x321: {  	[tilespmem:s23], [sflag:$0x3] =	stream.indirect_vreg.gather [hbm4b:s1+s3], $0x80, v3, vm0, $0xb8;
	[tilespmem:$0x19000] =	vst v63  }
0x322: {  	v3 =	vld [tilespmem:$0x3B0];
	_ =	sdelay $0x4  }
0x323: {  	v35 =	vshll.u32 v3, $0x1  }
0x324: {  	v3 =	vand.u32 $0x7, v3;
	v4 =	vand.u32 $0xFFFFFFF0, v35  }
0x325: {  	v3 =	vor.u32 v3, v4  }
0x326: {  	v4 =	vperm.xlane v3, v0;
	_ =	sdelay $0x1  }
0x327: {  	v3 =	vperm.xlane v3, v2;
	v4 =	vadd.s32 v1, v4;
	_ =	sdelay $0x1  }
0x328: {  	v3 =	vadd.s32 v1, v3;
	_ =	sdelay $0x1  }
0x329: {  	s9 =	simm.s32 $0xC000  }
0x32a: {  	[tilespmem:s9], [sflag:$0x3] =	stream.indirect_vreg.gather [hbm4b:s1+s3], $0x80, v4, vm0, $0xb8;
	[tilespmem:$0x19000] =	vst v63  }
0x32b: {  	_ = 	snop  }
0x32c: {  	[tilespmem:s8], [sflag:$0x3] =	stream.indirect_vreg.gather [hbm4b:s1+s3], $0x80, v3, vm0, $0xb8;
	[tilespmem:$0x19000] =	vst v63  }
0x32d: {  	_ =	swait.ge [sflag:s20], $0x4000  }
0x32e: {  	[sflag:s20] =	ssyncset.done $0x0  }
0x32f: {  	s12 =	simm.s32 $0xD000;
	s10 =	rddreg [dreg:$0x10];
	[sflag:s20] =	ssyncadd.s32 $0xFFFFC000  }
0x330: {  	[hbm4b:s10+s3] =	stream.linear.scatter [tilespmem:s12], [sflag:$0xA], $0x4000, $0x38;
	[tilespmem:$0x19000] =	vst v63  }
0x331: {  	_ =	swait.ge [sflag:s21], $0x4000  }
0x332: {  	[sflag:s21] =	ssyncset.done $0x0  }
0x333: {  	[sflag:s21] =	ssyncadd.s32 $0xFFFFC000  }
0x334: {  	v3 =	vld [tilespmem:$0x3C0];
	_ =	sdelay $0x4  }
0x335: {  	v36 =	vshll.u32 v3, $0x1  }
0x336: {  	v3 =	vand.u32 $0x7, v3;
	v4 =	vand.u32 $0xFFFFFFF0, v36  }
0x337: {  	v3 =	vor.u32 v3, v4  }
0x338: {  	v4 =	vperm.xlane v3, v0;
	_ =	sdelay $0x1  }
0x339: {  	v3 =	vperm.xlane v3, v2;
	v4 =	vadd.s32 v1, v4;
	_ =	sdelay $0x1  }
0x33a: {  	v3 =	vadd.s32 v1, v3;
	_ =	sdelay $0x2  }
0x33b: {  	[tilespmem:s12], [sflag:$0x4] =	stream.indirect_vreg.gather [hbm4b:s1+s3], $0x80, v4, vm0, $0xb8;
	[tilespmem:$0x19000] =	vst v63  }
0x33c: {  	s23 =	simm.s32 $0xD800  }
0x33d: {  	[tilespmem:s23], [sflag:$0x4] =	stream.indirect_vreg.gather [hbm4b:s1+s3], $0x80, v3, vm0, $0xb8;
	[tilespmem:$0x19000] =	vst v63  }
0x33e: {  	v3 =	vld [tilespmem:$0x3D0];
	_ =	sdelay $0x4  }
0x33f: {  	v37 =	vshll.u32 v3, $0x1  }
0x340: {  	v3 =	vand.u32 $0x7, v3;
	v4 =	vand.u32 $0xFFFFFFF0, v37  }
0x341: {  	v3 =	vor.u32 v3, v4  }
0x342: {  	v4 =	vperm.xlane v3, v0;
	_ =	sdelay $0x1  }
0x343: {  	v3 =	vperm.xlane v3, v2;
	v4 =	vadd.s32 v1, v4;
	_ =	sdelay $0x1  }
0x344: {  	v3 =	vadd.s32 v1, v3;
	_ =	sdelay $0x2  }
0x345: {  	[tilespmem:s30], [sflag:$0x4] =	stream.indirect_vreg.gather [hbm4b:s1+s3], $0x80, v4, vm0, $0xb8;
	[tilespmem:$0x19000] =	vst v63  }
0x346: {  	s28 =	simm.s32 $0xE800  }
0x347: {  	[tilespmem:s28], [sflag:$0x4] =	stream.indirect_vreg.gather [hbm4b:s1+s3], $0x80, v3, vm0, $0xb8;
	[tilespmem:$0x19000] =	vst v63  }
0x348: {  	v3 =	vld [tilespmem:$0x3E0];
	_ =	sdelay $0x4  }
0x349: {  	v38 =	vshll.u32 v3, $0x1  }
0x34a: {  	v3 =	vand.u32 $0x7, v3;
	v4 =	vand.u32 $0xFFFFFFF0, v38  }
0x34b: {  	v3 =	vor.u32 v3, v4  }
0x34c: {  	v4 =	vperm.xlane v3, v0;
	_ =	sdelay $0x1  }
0x34d: {  	v3 =	vperm.xlane v3, v2;
	v4 =	vadd.s32 v1, v4;
	_ =	sdelay $0x1  }
0x34e: {  	v3 =	vadd.s32 v1, v3;
	_ =	sdelay $0x1  }
0x34f: {  	s30 =	simm.s32 $0xF000  }
0x350: {  	[tilespmem:s30], [sflag:$0x4] =	stream.indirect_vreg.gather [hbm4b:s1+s3], $0x80, v4, vm0, $0xb8;
	[tilespmem:$0x19000] =	vst v63  }
0x351: {  	s5 =	simm.s32 $0xF800  }
0x352: {  	[tilespmem:s5], [sflag:$0x4] =	stream.indirect_vreg.gather [hbm4b:s1+s3], $0x80, v3, vm0, $0xb8;
	[tilespmem:$0x19000] =	vst v63  }
0x353: {  	v3 =	vld [tilespmem:$0x3F0];
	_ =	sdelay $0x4  }
0x354: {  	v39 =	vshll.u32 v3, $0x1  }
0x355: {  	v3 =	vand.u32 $0x7, v3;
	v4 =	vand.u32 $0xFFFFFFF0, v39  }
0x356: {  	v3 =	vor.u32 v3, v4  }
0x357: {  	v4 =	vperm.xlane v3, v0;
	_ =	sdelay $0x1  }
0x358: {  	v3 =	vperm.xlane v3, v2;
	v4 =	vadd.s32 v1, v4;
	_ =	sdelay $0x1  }
0x359: {  	v3 =	vadd.s32 v1, v3;
	_ =	sdelay $0x1  }
0x35a: {  	s6 =	simm.s32 $0x10000  }
0x35b: {  	[tilespmem:s6], [sflag:$0x4] =	stream.indirect_vreg.gather [hbm4b:s1+s3], $0x80, v4, vm0, $0xb8;
	[tilespmem:$0x19000] =	vst v63  }
0x35c: {  	s7 =	simm.s32 $0x10800  }
0x35d: {  	[tilespmem:s7], [sflag:$0x4] =	stream.indirect_vreg.gather [hbm4b:s1+s3], $0x80, v3, vm0, $0xb8;
	[tilespmem:$0x19000] =	vst v63  }
0x35e: {  	_ =	swait.ge [sflag:s14], $0x4000  }
0x35f: {  	[sflag:s14] =	ssyncset.done $0x0  }
0x360: {  	s9 =	simm.s32 $0x11000;
	s8 =	rddreg [dreg:$0x11];
	[sflag:s14] =	ssyncadd.s32 $0xFFFFC000  }
0x361: {  	[hbm4b:s8+s3] =	stream.linear.scatter [tilespmem:s9], [sflag:$0xB], $0x4000, $0x38;
	[tilespmem:$0x19000] =	vst v63  }
0x362: {  	_ =	swait.ge [sflag:s24], $0x4000  }
0x363: {  	[sflag:s24] =	ssyncset.done $0x0  }
0x364: {  	[sflag:s24] =	ssyncadd.s32 $0xFFFFC000  }
0x365: {  	v3 =	vld [tilespmem:$0x400];
	_ =	sdelay $0x4  }
0x366: {  	v40 =	vshll.u32 v3, $0x1  }
0x367: {  	v3 =	vand.u32 $0x7, v3;
	v4 =	vand.u32 $0xFFFFFFF0, v40  }
0x368: {  	v3 =	vor.u32 v3, v4  }
0x369: {  	v4 =	vperm.xlane v3, v0;
	_ =	sdelay $0x1  }
0x36a: {  	v3 =	vperm.xlane v3, v2;
	v4 =	vadd.s32 v1, v4;
	_ =	sdelay $0x1  }
0x36b: {  	v3 =	vadd.s32 v1, v3;
	_ =	sdelay $0x2  }
0x36c: {  	[tilespmem:s9], [sflag:$0x5] =	stream.indirect_vreg.gather [hbm4b:s1+s3], $0x80, v4, vm0, $0xb8;
	[tilespmem:$0x19000] =	vst v63  }
0x36d: {  	s10 =	simm.s32 $0x11800  }
0x36e: {  	[tilespmem:s10], [sflag:$0x5] =	stream.indirect_vreg.gather [hbm4b:s1+s3], $0x80, v3, vm0, $0xb8;
	[tilespmem:$0x19000] =	vst v63  }
0x36f: {  	v3 =	vld [tilespmem:$0x410];
	_ =	sdelay $0x4  }
0x370: {  	v41 =	vshll.u32 v3, $0x1  }
0x371: {  	v3 =	vand.u32 $0x7, v3;
	v4 =	vand.u32 $0xFFFFFFF0, v41  }
0x372: {  	v3 =	vor.u32 v3, v4  }
0x373: {  	v4 =	vperm.xlane v3, v0;
	_ =	sdelay $0x1  }
0x374: {  	v3 =	vperm.xlane v3, v2;
	v4 =	vadd.s32 v1, v4;
	_ =	sdelay $0x1  }
0x375: {  	v3 =	vadd.s32 v1, v3;
	_ =	sdelay $0x1  }
0x376: {  	s12 =	simm.s32 $0x12000  }
0x377: {  	[tilespmem:s12], [sflag:$0x5] =	stream.indirect_vreg.gather [hbm4b:s1+s3], $0x80, v4, vm0, $0xb8;
	[tilespmem:$0x19000] =	vst v63  }
0x378: {  	_ = 	snop  }
0x379: {  	[tilespmem:s11], [sflag:$0x5] =	stream.indirect_vreg.gather [hbm4b:s1+s3], $0x80, v3, vm0, $0xb8;
	[tilespmem:$0x19000] =	vst v63  }
0x37a: {  	v3 =	vld [tilespmem:$0x420];
	_ =	sdelay $0x4  }
0x37b: {  	v42 =	vshll.u32 v3, $0x1  }
0x37c: {  	v3 =	vand.u32 $0x7, v3;
	v4 =	vand.u32 $0xFFFFFFF0, v42  }
0x37d: {  	v3 =	vor.u32 v3, v4  }
0x37e: {  	v4 =	vperm.xlane v3, v0;
	_ =	sdelay $0x1  }
0x37f: {  	v3 =	vperm.xlane v3, v2;
	v4 =	vadd.s32 v1, v4;
	_ =	sdelay $0x1  }
0x380: {  	v3 =	vadd.s32 v1, v3;
	_ =	sdelay $0x1  }
0x381: {  	s23 =	simm.s32 $0x13000  }
0x382: {  	[tilespmem:s23], [sflag:$0x5] =	stream.indirect_vreg.gather [hbm4b:s1+s3], $0x80, v4, vm0, $0xb8;
	[tilespmem:$0x19000] =	vst v63  }
0x383: {  	s28 =	simm.s32 $0x13800  }
0x384: {  	[tilespmem:s28], [sflag:$0x5] =	stream.indirect_vreg.gather [hbm4b:s1+s3], $0x80, v3, vm0, $0xb8;
	[tilespmem:$0x19000] =	vst v63  }
0x385: {  	v3 =	vld [tilespmem:$0x430];
	_ =	sdelay $0x4  }
0x386: {  	v43 =	vshll.u32 v3, $0x1  }
0x387: {  	v3 =	vand.u32 $0x7, v3;
	v4 =	vand.u32 $0xFFFFFFF0, v43  }
0x388: {  	v3 =	vor.u32 v3, v4  }
0x389: {  	v4 =	vperm.xlane v3, v0;
	_ =	sdelay $0x1  }
0x38a: {  	v3 =	vperm.xlane v3, v2;
	v4 =	vadd.s32 v1, v4;
	_ =	sdelay $0x1  }
0x38b: {  	v3 =	vadd.s32 v1, v3;
	_ =	sdelay $0x1  }
0x38c: {  	s30 =	simm.s32 $0x14000  }
0x38d: {  	[tilespmem:s30], [sflag:$0x5] =	stream.indirect_vreg.gather [hbm4b:s1+s3], $0x80, v4, vm0, $0xb8;
	[tilespmem:$0x19000] =	vst v63  }
0x38e: {  	s5 =	simm.s32 $0x14800  }
0x38f: {  	[tilespmem:s5], [sflag:$0x5] =	stream.indirect_vreg.gather [hbm4b:s1+s3], $0x80, v3, vm0, $0xb8;
	[tilespmem:$0x19000] =	vst v63  }
0x390: {  	_ =	swait.ge [sflag:s25], $0x4000  }
0x391: {  	[sflag:s25] =	ssyncset.done $0x0  }
0x392: {  	s4 =	simm.s32 $0x15000;
	s6 =	rddreg [dreg:$0x12];
	[sflag:s25] =	ssyncadd.s32 $0xFFFFC000  }
0x393: {  	[hbm4b:s6+s3] =	stream.linear.scatter [tilespmem:s4], [sflag:$0xC], $0x4000, $0x38;
	[tilespmem:$0x19000] =	vst v63  }
0x394: {  	_ =	swait.ge [sflag:s26], $0x4000  }
0x395: {  	[sflag:s26] =	ssyncset.done $0x0  }
0x396: {  	[sflag:s26] =	ssyncadd.s32 $0xFFFFC000  }
0x397: {  	v3 =	vld [tilespmem:$0x440];
	_ =	sdelay $0x4  }
0x398: {  	v44 =	vshll.u32 v3, $0x1  }
0x399: {  	v3 =	vand.u32 $0x7, v3;
	v4 =	vand.u32 $0xFFFFFFF0, v44  }
0x39a: {  	v3 =	vor.u32 v3, v4  }
0x39b: {  	v4 =	vperm.xlane v3, v0;
	_ =	sdelay $0x1  }
0x39c: {  	v3 =	vperm.xlane v3, v2;
	v4 =	vadd.s32 v1, v4;
	_ =	sdelay $0x1  }
0x39d: {  	v3 =	vadd.s32 v1, v3;
	_ =	sdelay $0x2  }
0x39e: {  	[tilespmem:s4], [sflag:$0x6] =	stream.indirect_vreg.gather [hbm4b:s1+s3], $0x80, v4, vm0, $0xb8;
	[tilespmem:$0x19000] =	vst v63  }
0x39f: {  	s12 =	simm.s32 $0x15800  }
0x3a0: {  	[tilespmem:s12], [sflag:$0x6] =	stream.indirect_vreg.gather [hbm4b:s1+s3], $0x80, v3, vm0, $0xb8;
	[tilespmem:$0x19000] =	vst v63  }
0x3a1: {  	v3 =	vld [tilespmem:$0x450];
	_ =	sdelay $0x4  }
0x3a2: {  	v45 =	vshll.u32 v3, $0x1  }
0x3a3: {  	v3 =	vand.u32 $0x7, v3;
	v4 =	vand.u32 $0xFFFFFFF0, v45  }
0x3a4: {  	v3 =	vor.u32 v3, v4  }
0x3a5: {  	v4 =	vperm.xlane v3, v0;
	_ =	sdelay $0x1  }
0x3a6: {  	v3 =	vperm.xlane v3, v2;
	v4 =	vadd.s32 v1, v4;
	_ =	sdelay $0x1  }
0x3a7: {  	v3 =	vadd.s32 v1, v3;
	_ =	sdelay $0x1  }
0x3a8: {  	s7 =	simm.s32 $0x16000  }
0x3a9: {  	[tilespmem:s7], [sflag:$0x6] =	stream.indirect_vreg.gather [hbm4b:s1+s3], $0x80, v4, vm0, $0xb8;
	[tilespmem:$0x19000] =	vst v63  }
0x3aa: {  	s6 =	simm.s32 $0x16800  }
0x3ab: {  	[tilespmem:s6], [sflag:$0x6] =	stream.indirect_vreg.gather [hbm4b:s1+s3], $0x80, v3, vm0, $0xb8;
	[tilespmem:$0x19000] =	vst v63  }
0x3ac: {  	v3 =	vld [tilespmem:$0x460];
	_ =	sdelay $0x4  }
0x3ad: {  	v46 =	vshll.u32 v3, $0x1  }
0x3ae: {  	v3 =	vand.u32 $0x7, v3;
	v4 =	vand.u32 $0xFFFFFFF0, v46  }
0x3af: {  	v3 =	vor.u32 v3, v4  }
0x3b0: {  	v4 =	vperm.xlane v3, v0;
	_ =	sdelay $0x1  }
0x3b1: {  	v3 =	vperm.xlane v3, v2;
	v4 =	vadd.s32 v1, v4;
	_ =	sdelay $0x1  }
0x3b2: {  	v3 =	vadd.s32 v1, v3;
	_ =	sdelay $0x2  }
0x3b3: {  	[tilespmem:s22], [sflag:$0x6] =	stream.indirect_vreg.gather [hbm4b:s1+s3], $0x80, v4, vm0, $0xb8;
	[tilespmem:$0x19000] =	vst v63  }
0x3b4: {  	s5 =	simm.s32 $0x17800  }
0x3b5: {  	[tilespmem:s5], [sflag:$0x6] =	stream.indirect_vreg.gather [hbm4b:s1+s3], $0x80, v3, vm0, $0xb8;
	[tilespmem:$0x19000] =	vst v63  }
0x3b6: {  	v3 =	vld [tilespmem:$0x470];
	_ =	sdelay $0x4  }
0x3b7: {  	v47 =	vshll.u32 v3, $0x1  }
0x3b8: {  	v3 =	vand.u32 $0x7, v3;
	v4 =	vand.u32 $0xFFFFFFF0, v47  }
0x3b9: {  	v3 =	vor.u32 v3, v4  }
0x3ba: {  	v4 =	vperm.xlane v3, v0;
	_ =	sdelay $0x1  }
0x3bb: {  	v3 =	vperm.xlane v3, v2;
	v4 =	vadd.s32 v1, v4;
	_ =	sdelay $0x1  }
0x3bc: {  	v3 =	vadd.s32 v1, v3;
	_ =	sdelay $0x2  }
0x3bd: {  	[tilespmem:s29], [sflag:$0x6] =	stream.indirect_vreg.gather [hbm4b:s1+s3], $0x80, v4, vm0, $0xb8;
	[tilespmem:$0x19000] =	vst v63  }
0x3be: {  	_ = 	snop  }
0x3bf: {  	[tilespmem:s31], [sflag:$0x6] =	stream.indirect_vreg.gather [hbm4b:s1+s3], $0x80, v3, vm0, $0xb8;
	[tilespmem:$0x19000] =	vst v63  }
0x3c0: {  	_ =	swait.ge [sflag:s13], $0x4000  }
0x3c1: {  	[sflag:s13] =	ssyncset.done $0x0  }
0x3c2: {  	s9 =	simm.s32 $0x1000;
	s8 =	rddreg [dreg:$0x13];
	[sflag:s13] =	ssyncadd.s32 $0xFFFFC000  }
0x3c3: {  	[hbm4b:s8+s3] =	stream.linear.scatter [tilespmem:s9], [sflag:$0x7], $0x4000, $0x38;
	[tilespmem:$0x19000] =	vst v63  }
0x3c4: {  	_ =	swait.ge [sflag:s15], $0x4000  }
0x3c5: {  	[sflag:s15] =	ssyncset.done $0x0  }
0x3c6: {  	[sflag:s15] =	ssyncadd.s32 $0xFFFFC000  }
0x3c7: {  	v3 =	vld [tilespmem:$0x480];
	_ =	sdelay $0x4  }
0x3c8: {  	v48 =	vshll.u32 v3, $0x1  }
0x3c9: {  	v3 =	vand.u32 $0x7, v3;
	v4 =	vand.u32 $0xFFFFFFF0, v48  }
0x3ca: {  	v3 =	vor.u32 v3, v4  }
0x3cb: {  	v4 =	vperm.xlane v3, v0;
	_ =	sdelay $0x1  }
0x3cc: {  	v3 =	vperm.xlane v3, v2;
	v4 =	vadd.s32 v1, v4;
	_ =	sdelay $0x1  }
0x3cd: {  	v3 =	vadd.s32 v1, v3;
	_ =	sdelay $0x2  }
0x3ce: {  	[tilespmem:s9], [sflag:$0x1] =	stream.indirect_vreg.gather [hbm4b:s1+s3], $0x80, v4, vm0, $0xb8;
	[tilespmem:$0x19000] =	vst v63  }
0x3cf: {  	s10 =	simm.s32 $0x1800  }
0x3d0: {  	[tilespmem:s10], [sflag:$0x1] =	stream.indirect_vreg.gather [hbm4b:s1+s3], $0x80, v3, vm0, $0xb8;
	[tilespmem:$0x19000] =	vst v63  }
0x3d1: {  	v3 =	vld [tilespmem:$0x490];
	_ =	sdelay $0x4  }
0x3d2: {  	v49 =	vshll.u32 v3, $0x1  }
0x3d3: {  	v3 =	vand.u32 $0x7, v3;
	v4 =	vand.u32 $0xFFFFFFF0, v49  }
0x3d4: {  	v3 =	vor.u32 v3, v4  }
0x3d5: {  	v4 =	vperm.xlane v3, v0;
	_ =	sdelay $0x1  }
0x3d6: {  	v3 =	vperm.xlane v3, v2;
	v4 =	vadd.s32 v1, v4;
	_ =	sdelay $0x1  }
0x3d7: {  	v3 =	vadd.s32 v1, v3;
	_ =	sdelay $0x1  }
0x3d8: {  	s9 =	simm.s32 $0x2000  }
0x3d9: {  	[tilespmem:s9], [sflag:$0x1] =	stream.indirect_vreg.gather [hbm4b:s1+s3], $0x80, v4, vm0, $0xb8;
	[tilespmem:$0x19000] =	vst v63  }
0x3da: {  	s11 =	simm.s32 $0x2800  }
0x3db: {  	[tilespmem:s11], [sflag:$0x1] =	stream.indirect_vreg.gather [hbm4b:s1+s3], $0x80, v3, vm0, $0xb8;
	[tilespmem:$0x19000] =	vst v63  }
0x3dc: {  	v3 =	vld [tilespmem:$0x4A0];
	_ =	sdelay $0x4  }
0x3dd: {  	v50 =	vshll.u32 v3, $0x1  }
0x3de: {  	v3 =	vand.u32 $0x7, v3;
	v4 =	vand.u32 $0xFFFFFFF0, v50  }
0x3df: {  	v3 =	vor.u32 v3, v4  }
0x3e0: {  	v4 =	vperm.xlane v3, v0;
	_ =	sdelay $0x1  }
0x3e1: {  	v3 =	vperm.xlane v3, v2;
	v4 =	vadd.s32 v1, v4;
	_ =	sdelay $0x1  }
0x3e2: {  	v3 =	vadd.s32 v1, v3;
	_ =	sdelay $0x1  }
0x3e3: {  	s7 =	simm.s32 $0x3000  }
0x3e4: {  	[tilespmem:s7], [sflag:$0x1] =	stream.indirect_vreg.gather [hbm4b:s1+s3], $0x80, v4, vm0, $0xb8;
	[tilespmem:$0x19000] =	vst v63  }
0x3e5: {  	s11 =	simm.s32 $0x3800  }
0x3e6: {  	[tilespmem:s11], [sflag:$0x1] =	stream.indirect_vreg.gather [hbm4b:s1+s3], $0x80, v3, vm0, $0xb8;
	[tilespmem:$0x19000] =	vst v63  }
0x3e7: {  	v3 =	vld [tilespmem:$0x4B0];
	_ =	sdelay $0x4  }
0x3e8: {  	v51 =	vshll.u32 v3, $0x1  }
0x3e9: {  	v3 =	vand.u32 $0x7, v3;
	v4 =	vand.u32 $0xFFFFFFF0, v51  }
0x3ea: {  	v3 =	vor.u32 v3, v4  }
0x3eb: {  	v4 =	vperm.xlane v3, v0;
	_ =	sdelay $0x1  }
0x3ec: {  	v3 =	vperm.xlane v3, v2;
	v4 =	vadd.s32 v1, v4;
	_ =	sdelay $0x1  }
0x3ed: {  	v3 =	vadd.s32 v1, v3;
	_ =	sdelay $0x1  }
0x3ee: {  	s10 =	simm.s32 $0x4000  }
0x3ef: {  	[tilespmem:s10], [sflag:$0x1] =	stream.indirect_vreg.gather [hbm4b:s1+s3], $0x80, v4, vm0, $0xb8;
	[tilespmem:$0x19000] =	vst v63  }
0x3f0: {  	s31 =	simm.s32 $0x4800  }
0x3f1: {  	[tilespmem:s31], [sflag:$0x1] =	stream.indirect_vreg.gather [hbm4b:s1+s3], $0x80, v3, vm0, $0xb8;
	[tilespmem:$0x19000] =	vst v63  }
0x3f2: {  	_ =	swait.ge [sflag:s16], $0x4000  }
0x3f3: {  	[sflag:s16] =	ssyncset.done $0x0  }
0x3f4: {  	s2 =	simm.s32 $0x5000;
	s22 =	rddreg [dreg:$0x14];
	[sflag:s16] =	ssyncadd.s32 $0xFFFFC000  }
0x3f5: {  	[hbm4b:s22+s3] =	stream.linear.scatter [tilespmem:s2], [sflag:$0x8], $0x4000, $0x38;
	[tilespmem:$0x19000] =	vst v63  }
0x3f6: {  	_ =	swait.ge [sflag:s17], $0x4000  }
0x3f7: {  	[sflag:s17] =	ssyncset.done $0x0  }
0x3f8: {  	[sflag:s17] =	ssyncadd.s32 $0xFFFFC000  }
0x3f9: {  	v3 =	vld [tilespmem:$0x4C0];
	_ =	sdelay $0x4  }
0x3fa: {  	v52 =	vshll.u32 v3, $0x1  }
0x3fb: {  	v3 =	vand.u32 $0x7, v3;
	v4 =	vand.u32 $0xFFFFFFF0, v52  }
0x3fc: {  	v3 =	vor.u32 v3, v4  }
0x3fd: {  	v4 =	vperm.xlane v3, v0;
	_ =	sdelay $0x1  }
0x3fe: {  	v3 =	vperm.xlane v3, v2;
	v4 =	vadd.s32 v1, v4;
	_ =	sdelay $0x1  }
0x3ff: {  	v3 =	vadd.s32 v1, v3;
	_ =	sdelay $0x2  }
0x400: {  	[tilespmem:s2], [sflag:$0x2] =	stream.indirect_vreg.gather [hbm4b:s1+s3], $0x80, v4, vm0, $0xb8;
	[tilespmem:$0x19000] =	vst v63  }
0x401: {  	s8 =	simm.s32 $0x5800  }
0x402: {  	[tilespmem:s8], [sflag:$0x2] =	stream.indirect_vreg.gather [hbm4b:s1+s3], $0x80, v3, vm0, $0xb8;
	[tilespmem:$0x19000] =	vst v63  }
0x403: {  	v3 =	vld [tilespmem:$0x4D0];
	_ =	sdelay $0x4  }
0x404: {  	v53 =	vshll.u32 v3, $0x1  }
0x405: {  	v3 =	vand.u32 $0x7, v3;
	v4 =	vand.u32 $0xFFFFFFF0, v53  }
0x406: {  	v3 =	vor.u32 v3, v4  }
0x407: {  	v4 =	vperm.xlane v3, v0;
	_ =	sdelay $0x1  }
0x408: {  	v3 =	vperm.xlane v3, v2;
	v4 =	vadd.s32 v1, v4;
	_ =	sdelay $0x1  }
0x409: {  	v3 =	vadd.s32 v1, v3;
	_ =	sdelay $0x1  }
0x40a: {  	s2 =	simm.s32 $0x6000  }
0x40b: {  	[tilespmem:s2], [sflag:$0x2] =	stream.indirect_vreg.gather [hbm4b:s1+s3], $0x80, v4, vm0, $0xb8;
	[tilespmem:$0x19000] =	vst v63  }
0x40c: {  	s22 =	simm.s32 $0x6800  }
0x40d: {  	[tilespmem:s22], [sflag:$0x2] =	stream.indirect_vreg.gather [hbm4b:s1+s3], $0x80, v3, vm0, $0xb8;
	[tilespmem:$0x19000] =	vst v63  }
0x40e: {  	v3 =	vld [tilespmem:$0x4E0];
	_ =	sdelay $0x4  }
0x40f: {  	v54 =	vshll.u32 v3, $0x1  }
0x410: {  	v3 =	vand.u32 $0x7, v3;
	v4 =	vand.u32 $0xFFFFFFF0, v54  }
0x411: {  	v3 =	vor.u32 v3, v4  }
0x412: {  	v4 =	vperm.xlane v3, v0;
	_ =	sdelay $0x1  }
0x413: {  	v3 =	vperm.xlane v3, v2;
	v4 =	vadd.s32 v1, v4;
	_ =	sdelay $0x1  }
0x414: {  	v3 =	vadd.s32 v1, v3;
	_ =	sdelay $0x1  }
0x415: {  	s23 =	simm.s32 $0x7000  }
0x416: {  	[tilespmem:s23], [sflag:$0x2] =	stream.indirect_vreg.gather [hbm4b:s1+s3], $0x80, v4, vm0, $0xb8;
	[tilespmem:$0x19000] =	vst v63  }
0x417: {  	s29 =	simm.s32 $0x7800  }
0x418: {  	[tilespmem:s29], [sflag:$0x2] =	stream.indirect_vreg.gather [hbm4b:s1+s3], $0x80, v3, vm0, $0xb8;
	[tilespmem:$0x19000] =	vst v63  }
0x419: {  	v3 =	vld [tilespmem:$0x4F0];
	_ =	sdelay $0x4  }
0x41a: {  	v55 =	vshll.u32 v3, $0x1  }
0x41b: {  	v3 =	vand.u32 $0x7, v3;
	v4 =	vand.u32 $0xFFFFFFF0, v55  }
0x41c: {  	v3 =	vor.u32 v3, v4  }
0x41d: {  	v4 =	vperm.xlane v3, v0;
	_ =	sdelay $0x1  }
0x41e: {  	v3 =	vperm.xlane v3, v2;
	v4 =	vadd.s32 v1, v4;
	_ =	sdelay $0x1  }
0x41f: {  	v3 =	vadd.s32 v1, v3;
	_ =	sdelay $0x1  }
0x420: {  	s23 =	simm.s32 $0x8000  }
0x421: {  	[tilespmem:s23], [sflag:$0x2] =	stream.indirect_vreg.gather [hbm4b:s1+s3], $0x80, v4, vm0, $0xb8;
	[tilespmem:$0x19000] =	vst v63  }
0x422: {  	s30 =	simm.s32 $0x8800  }
0x423: {  	[tilespmem:s30], [sflag:$0x2] =	stream.indirect_vreg.gather [hbm4b:s1+s3], $0x80, v3, vm0, $0xb8;
	[tilespmem:$0x19000] =	vst v63  }
0x424: {  	_ =	swait.ge [sflag:s18], $0x4000  }
0x425: {  	[sflag:s18] =	ssyncset.done $0x0  }
0x426: {  	s0 =	simm.s32 $0x9000;
	s28 =	rddreg [dreg:$0x15];
	[sflag:s18] =	ssyncadd.s32 $0xFFFFC000  }
0x427: {  	[hbm4b:s28+s3] =	stream.linear.scatter [tilespmem:s0], [sflag:$0x9], $0x4000, $0x38;
	[tilespmem:$0x19000] =	vst v63  }
0x428: {  	_ =	swait.ge [sflag:s19], $0x4000  }
0x429: {  	[sflag:s19] =	ssyncset.done $0x0  }
0x42a: {  	[sflag:s19] =	ssyncadd.s32 $0xFFFFC000  }
0x42b: {  	v3 =	vld [tilespmem:$0x500];
	_ =	sdelay $0x4  }
0x42c: {  	v56 =	vshll.u32 v3, $0x1  }
0x42d: {  	v3 =	vand.u32 $0x7, v3;
	v4 =	vand.u32 $0xFFFFFFF0, v56  }
0x42e: {  	v3 =	vor.u32 v3, v4  }
0x42f: {  	v4 =	vperm.xlane v3, v0;
	_ =	sdelay $0x1  }
0x430: {  	v3 =	vperm.xlane v3, v2;
	v4 =	vadd.s32 v1, v4;
	_ =	sdelay $0x1  }
0x431: {  	v3 =	vadd.s32 v1, v3;
	_ =	sdelay $0x2  }
0x432: {  	[tilespmem:s0], [sflag:$0x3] =	stream.indirect_vreg.gather [hbm4b:s1+s3], $0x80, v4, vm0, $0xb8;
	[tilespmem:$0x19000] =	vst v63  }
0x433: {  	s28 =	simm.s32 $0x9800  }
0x434: {  	[tilespmem:s28], [sflag:$0x3] =	stream.indirect_vreg.gather [hbm4b:s1+s3], $0x80, v3, vm0, $0xb8;
	[tilespmem:$0x19000] =	vst v63  }
0x435: {  	v3 =	vld [tilespmem:$0x510];
	_ =	sdelay $0x4  }
0x436: {  	v57 =	vshll.u32 v3, $0x1  }
0x437: {  	v3 =	vand.u32 $0x7, v3;
	v4 =	vand.u32 $0xFFFFFFF0, v57  }
0x438: {  	v3 =	vor.u32 v3, v4  }
0x439: {  	v4 =	vperm.xlane v3, v0;
	_ =	sdelay $0x1  }
0x43a: {  	v3 =	vperm.xlane v3, v2;
	v4 =	vadd.s32 v1, v4;
	_ =	sdelay $0x1  }
0x43b: {  	v3 =	vadd.s32 v1, v3;
	_ =	sdelay $0x1  }
0x43c: {  	s28 =	simm.s32 $0xA000  }
0x43d: {  	[tilespmem:s28], [sflag:$0x3] =	stream.indirect_vreg.gather [hbm4b:s1+s3], $0x80, v4, vm0, $0xb8;
	[tilespmem:$0x19000] =	vst v63  }
0x43e: {  	s28 =	simm.s32 $0xA800  }
0x43f: {  	[tilespmem:s28], [sflag:$0x3] =	stream.indirect_vreg.gather [hbm4b:s1+s3], $0x80, v3, vm0, $0xb8;
	[tilespmem:$0x19000] =	vst v63  }
0x440: {  	v3 =	vld [tilespmem:$0x520];
	_ =	sdelay $0x4  }
0x441: {  	v58 =	vshll.u32 v3, $0x1  }
0x442: {  	v3 =	vand.u32 $0x7, v3;
	v4 =	vand.u32 $0xFFFFFFF0, v58  }
0x443: {  	v3 =	vor.u32 v3, v4  }
0x444: {  	v4 =	vperm.xlane v3, v0;
	_ =	sdelay $0x1  }
0x445: {  	v3 =	vperm.xlane v3, v2;
	v4 =	vadd.s32 v1, v4;
	_ =	sdelay $0x1  }
0x446: {  	v3 =	vadd.s32 v1, v3;
	_ =	sdelay $0x1  }
0x447: {  	s28 =	simm.s32 $0xB000  }
0x448: {  	[tilespmem:s28], [sflag:$0x3] =	stream.indirect_vreg.gather [hbm4b:s1+s3], $0x80, v4, vm0, $0xb8;
	[tilespmem:$0x19000] =	vst v63  }
0x449: {  	s28 =	simm.s32 $0xB800  }
0x44a: {  	[tilespmem:s28], [sflag:$0x3] =	stream.indirect_vreg.gather [hbm4b:s1+s3], $0x80, v3, vm0, $0xb8;
	[tilespmem:$0x19000] =	vst v63  }
0x44b: {  	v3 =	vld [tilespmem:$0x530];
	_ =	sdelay $0x4  }
0x44c: {  	v59 =	vshll.u32 v3, $0x1  }
0x44d: {  	v3 =	vand.u32 $0x7, v3;
	v4 =	vand.u32 $0xFFFFFFF0, v59  }
0x44e: {  	v3 =	vor.u32 v3, v4  }
0x44f: {  	v4 =	vperm.xlane v3, v0;
	_ =	sdelay $0x1  }
0x450: {  	v3 =	vperm.xlane v3, v2;
	v4 =	vadd.s32 v1, v4;
	_ =	sdelay $0x1  }
0x451: {  	v3 =	vadd.s32 v1, v3;
	_ =	sdelay $0x1  }
0x452: {  	s28 =	simm.s32 $0xC000  }
0x453: {  	[tilespmem:s28], [sflag:$0x3] =	stream.indirect_vreg.gather [hbm4b:s1+s3], $0x80, v4, vm0, $0xb8;
	[tilespmem:$0x19000] =	vst v63  }
0x454: {  	s28 =	simm.s32 $0xC800  }
0x455: {  	[tilespmem:s28], [sflag:$0x3] =	stream.indirect_vreg.gather [hbm4b:s1+s3], $0x80, v3, vm0, $0xb8;
	[tilespmem:$0x19000] =	vst v63  }
0x456: {  	_ =	swait.ge [sflag:s20], $0x4000  }
0x457: {  	[sflag:s20] =	ssyncset.done $0x0  }
0x458: {  	s0 =	simm.s32 $0xD000;
	s28 =	rddreg [dreg:$0x16];
	[sflag:s20] =	ssyncadd.s32 $0xFFFFC000  }
0x459: {  	[hbm4b:s28+s3] =	stream.linear.scatter [tilespmem:s0], [sflag:$0xA], $0x4000, $0x38;
	[tilespmem:$0x19000] =	vst v63  }
0x45a: {  	_ =	swait.ge [sflag:s21], $0x4000  }
0x45b: {  	[sflag:s21] =	ssyncset.done $0x0  }
0x45c: {  	[sflag:s21] =	ssyncadd.s32 $0xFFFFC000  }
0x45d: {  	v3 =	vld [tilespmem:$0x540];
	_ =	sdelay $0x4  }
0x45e: {  	v60 =	vshll.u32 v3, $0x1  }
0x45f: {  	v3 =	vand.u32 $0x7, v3;
	v4 =	vand.u32 $0xFFFFFFF0, v60  }
0x460: {  	v3 =	vor.u32 v3, v4  }
0x461: {  	v4 =	vperm.xlane v3, v0;
	_ =	sdelay $0x1  }
0x462: {  	v3 =	vperm.xlane v3, v2;
	v4 =	vadd.s32 v1, v4;
	_ =	sdelay $0x1  }
0x463: {  	v3 =	vadd.s32 v1, v3;
	_ =	sdelay $0x2  }
0x464: {  	[tilespmem:s0], [sflag:$0x4] =	stream.indirect_vreg.gather [hbm4b:s1+s3], $0x80, v4, vm0, $0xb8;
	[tilespmem:$0x19000] =	vst v63  }
0x465: {  	s28 =	simm.s32 $0xD800  }
0x466: {  	[tilespmem:s28], [sflag:$0x4] =	stream.indirect_vreg.gather [hbm4b:s1+s3], $0x80, v3, vm0, $0xb8;
	[tilespmem:$0x19000] =	vst v63  }
0x467: {  	v3 =	vld [tilespmem:$0x550];
	_ =	sdelay $0x4  }
0x468: {  	v61 =	vshll.u32 v3, $0x1  }
0x469: {  	v3 =	vand.u32 $0x7, v3;
	v4 =	vand.u32 $0xFFFFFFF0, v61  }
0x46a: {  	v3 =	vor.u32 v3, v4  }
0x46b: {  	v4 =	vperm.xlane v3, v0;
	_ =	sdelay $0x1  }
0x46c: {  	v3 =	vperm.xlane v3, v2;
	v4 =	vadd.s32 v1, v4;
	_ =	sdelay $0x1  }
0x46d: {  	v3 =	vadd.s32 v1, v3;
	_ =	sdelay $0x1  }
0x46e: {  	s28 =	simm.s32 $0xE000  }
0x46f: {  	[tilespmem:s28], [sflag:$0x4] =	stream.indirect_vreg.gather [hbm4b:s1+s3], $0x80, v4, vm0, $0xb8;
	[tilespmem:$0x19000] =	vst v63  }
0x470: {  	s28 =	simm.s32 $0xE800  }
0x471: {  	[tilespmem:s28], [sflag:$0x4] =	stream.indirect_vreg.gather [hbm4b:s1+s3], $0x80, v3, vm0, $0xb8;
	[tilespmem:$0x19000] =	vst v63  }
0x472: {  	v3 =	vld [tilespmem:$0x560];
	_ =	sdelay $0x4  }
0x473: {  	v62 =	vshll.u32 v3, $0x1  }
0x474: {  	v3 =	vand.u32 $0x7, v3;
	v4 =	vand.u32 $0xFFFFFFF0, v62  }
0x475: {  	v3 =	vor.u32 v3, v4  }
0x476: {  	v4 =	vperm.xlane v3, v0;
	_ =	sdelay $0x1  }
0x477: {  	v3 =	vperm.xlane v3, v2;
	v4 =	vadd.s32 v1, v4;
	_ =	sdelay $0x1  }
0x478: {  	v3 =	vadd.s32 v1, v3;
	_ =	sdelay $0x1  }
0x479: {  	s28 =	simm.s32 $0xF000  }
0x47a: {  	[tilespmem:s28], [sflag:$0x4] =	stream.indirect_vreg.gather [hbm4b:s1+s3], $0x80, v4, vm0, $0xb8;
	[tilespmem:$0x19000] =	vst v63  }
0x47b: {  	s28 =	simm.s32 $0xF800  }
0x47c: {  	[tilespmem:s28], [sflag:$0x4] =	stream.indirect_vreg.gather [hbm4b:s1+s3], $0x80, v3, vm0, $0xb8;
	[tilespmem:$0x19000] =	vst v63  }
0x47d: {  	v3 =	vld [tilespmem:$0x570];
	_ =	sdelay $0x4  }
0x47e: {  	v63 =	vshll.u32 v3, $0x1  }
0x47f: {  	v3 =	vand.u32 $0x7, v3;
	v4 =	vand.u32 $0xFFFFFFF0, v63  }
0x480: {  	v3 =	vor.u32 v3, v4  }
0x481: {  	v4 =	vperm.xlane v3, v0;
	_ =	sdelay $0x1  }
0x482: {  	v3 =	vperm.xlane v3, v2;
	v4 =	vadd.s32 v1, v4;
	_ =	sdelay $0x1  }
0x483: {  	v3 =	vadd.s32 v1, v3;
	_ =	sdelay $0x1  }
0x484: {  	s28 =	simm.s32 $0x10000  }
0x485: {  	[tilespmem:s28], [sflag:$0x4] =	stream.indirect_vreg.gather [hbm4b:s1+s3], $0x80, v4, vm0, $0xb8;
	[tilespmem:$0x19000] =	vst v63  }
0x486: {  	s28 =	simm.s32 $0x10800  }
0x487: {  	[tilespmem:s28], [sflag:$0x4] =	stream.indirect_vreg.gather [hbm4b:s1+s3], $0x80, v3, vm0, $0xb8;
	[tilespmem:$0x19000] =	vst v63  }
0x488: {  	_ =	swait.ge [sflag:s14], $0x4000  }
0x489: {  	[sflag:s14] =	ssyncset.done $0x0  }
0x48a: {  	s0 =	simm.s32 $0x11000;
	s28 =	rddreg [dreg:$0x17];
	[sflag:s14] =	ssyncadd.s32 $0xFFFFC000  }
0x48b: {  	[hbm4b:s28+s3] =	stream.linear.scatter [tilespmem:s0], [sflag:$0xB], $0x4000, $0x38;
	[tilespmem:$0x19000] =	vst v63  }
0x48c: {  	_ =	swait.ge [sflag:s24], $0x4000  }
0x48d: {  	[sflag:s24] =	ssyncset.done $0x0  }
0x48e: {  	[sflag:s24] =	ssyncadd.s32 $0xFFFFC000  }
0x48f: {  	v3 =	vld [tilespmem:$0x580];
	_ =	sdelay $0x4  }
0x490: {  	v8 =	vshll.u32 v3, $0x1  }
0x491: {  	v3 =	vand.u32 $0x7, v3;
	v4 =	vand.u32 $0xFFFFFFF0, v8  }
0x492: {  	v3 =	vor.u32 v3, v4  }
0x493: {  	v4 =	vperm.xlane v3, v0;
	_ =	sdelay $0x1  }
0x494: {  	v3 =	vperm.xlane v3, v2;
	v4 =	vadd.s32 v1, v4;
	_ =	sdelay $0x1  }
0x495: {  	v3 =	vadd.s32 v1, v3;
	_ =	sdelay $0x2  }
0x496: {  	[tilespmem:s0], [sflag:$0x5] =	stream.indirect_vreg.gather [hbm4b:s1+s3], $0x80, v4, vm0, $0xb8;
	[tilespmem:$0x19000] =	vst v63  }
0x497: {  	s28 =	simm.s32 $0x11800  }
0x498: {  	[tilespmem:s28], [sflag:$0x5] =	stream.indirect_vreg.gather [hbm4b:s1+s3], $0x80, v3, vm0, $0xb8;
	[tilespmem:$0x19000] =	vst v63  }
0x499: {  	v3 =	vld [tilespmem:$0x590];
	_ =	sdelay $0x4  }
0x49a: {  	v9 =	vshll.u32 v3, $0x1  }
0x49b: {  	v3 =	vand.u32 $0x7, v3;
	v4 =	vand.u32 $0xFFFFFFF0, v9  }
0x49c: {  	v3 =	vor.u32 v3, v4  }
0x49d: {  	v4 =	vperm.xlane v3, v0;
	_ =	sdelay $0x1  }
0x49e: {  	v3 =	vperm.xlane v3, v2;
	v4 =	vadd.s32 v1, v4;
	_ =	sdelay $0x1  }
0x49f: {  	v3 =	vadd.s32 v1, v3;
	_ =	sdelay $0x1  }
0x4a0: {  	s28 =	simm.s32 $0x12000  }
0x4a1: {  	[tilespmem:s28], [sflag:$0x5] =	stream.indirect_vreg.gather [hbm4b:s1+s3], $0x80, v4, vm0, $0xb8;
	[tilespmem:$0x19000] =	vst v63  }
0x4a2: {  	s28 =	simm.s32 $0x12800  }
0x4a3: {  	[tilespmem:s28], [sflag:$0x5] =	stream.indirect_vreg.gather [hbm4b:s1+s3], $0x80, v3, vm0, $0xb8;
	[tilespmem:$0x19000] =	vst v63  }
0x4a4: {  	v3 =	vld [tilespmem:$0x5A0];
	_ =	sdelay $0x4  }
0x4a5: {  	v10 =	vshll.u32 v3, $0x1  }
0x4a6: {  	v3 =	vand.u32 $0x7, v3;
	v4 =	vand.u32 $0xFFFFFFF0, v10  }
0x4a7: {  	v3 =	vor.u32 v3, v4  }
0x4a8: {  	v4 =	vperm.xlane v3, v0;
	_ =	sdelay $0x1  }
0x4a9: {  	v3 =	vperm.xlane v3, v2;
	v4 =	vadd.s32 v1, v4;
	_ =	sdelay $0x1  }
0x4aa: {  	v3 =	vadd.s32 v1, v3;
	_ =	sdelay $0x1  }
0x4ab: {  	s28 =	simm.s32 $0x13000  }
0x4ac: {  	[tilespmem:s28], [sflag:$0x5] =	stream.indirect_vreg.gather [hbm4b:s1+s3], $0x80, v4, vm0, $0xb8;
	[tilespmem:$0x19000] =	vst v63  }
0x4ad: {  	s28 =	simm.s32 $0x13800  }
0x4ae: {  	[tilespmem:s28], [sflag:$0x5] =	stream.indirect_vreg.gather [hbm4b:s1+s3], $0x80, v3, vm0, $0xb8;
	[tilespmem:$0x19000] =	vst v63  }
0x4af: {  	v3 =	vld [tilespmem:$0x5B0];
	_ =	sdelay $0x4  }
0x4b0: {  	v11 =	vshll.u32 v3, $0x1  }
0x4b1: {  	v3 =	vand.u32 $0x7, v3;
	v4 =	vand.u32 $0xFFFFFFF0, v11  }
0x4b2: {  	v3 =	vor.u32 v3, v4  }
0x4b3: {  	v4 =	vperm.xlane v3, v0;
	_ =	sdelay $0x1  }
0x4b4: {  	v3 =	vperm.xlane v3, v2;
	v4 =	vadd.s32 v1, v4;
	_ =	sdelay $0x1  }
0x4b5: {  	v3 =	vadd.s32 v1, v3;
	_ =	sdelay $0x1  }
0x4b6: {  	s28 =	simm.s32 $0x14000  }
0x4b7: {  	[tilespmem:s28], [sflag:$0x5] =	stream.indirect_vreg.gather [hbm4b:s1+s3], $0x80, v4, vm0, $0xb8;
	[tilespmem:$0x19000] =	vst v63  }
0x4b8: {  	s28 =	simm.s32 $0x14800  }
0x4b9: {  	[tilespmem:s28], [sflag:$0x5] =	stream.indirect_vreg.gather [hbm4b:s1+s3], $0x80, v3, vm0, $0xb8;
	[tilespmem:$0x19000] =	vst v63  }
0x4ba: {  	_ =	swait.ge [sflag:s25], $0x4000  }
0x4bb: {  	[sflag:s25] =	ssyncset.done $0x0  }
0x4bc: {  	s0 =	simm.s32 $0x15000;
	s28 =	rddreg [dreg:$0x18];
	[sflag:s25] =	ssyncadd.s32 $0xFFFFC000  }
0x4bd: {  	[hbm4b:s28+s3] =	stream.linear.scatter [tilespmem:s0], [sflag:$0xC], $0x4000, $0x38;
	[tilespmem:$0x19000] =	vst v63  }
0x4be: {  	_ =	swait.ge [sflag:s26], $0x4000  }
0x4bf: {  	[sflag:s26] =	ssyncset.done $0x0  }
0x4c0: {  	[sflag:s26] =	ssyncadd.s32 $0xFFFFC000  }
0x4c1: {  	v3 =	vld [tilespmem:$0x5C0];
	_ =	sdelay $0x4  }
0x4c2: {  	v12 =	vshll.u32 v3, $0x1  }
0x4c3: {  	v3 =	vand.u32 $0x7, v3;
	v4 =	vand.u32 $0xFFFFFFF0, v12  }
0x4c4: {  	v3 =	vor.u32 v3, v4  }
0x4c5: {  	v4 =	vperm.xlane v3, v0;
	_ =	sdelay $0x1  }
0x4c6: {  	v3 =	vperm.xlane v3, v2;
	v4 =	vadd.s32 v1, v4;
	_ =	sdelay $0x1  }
0x4c7: {  	v3 =	vadd.s32 v1, v3;
	_ =	sdelay $0x2  }
0x4c8: {  	[tilespmem:s0], [sflag:$0x6] =	stream.indirect_vreg.gather [hbm4b:s1+s3], $0x80, v4, vm0, $0xb8;
	[tilespmem:$0x19000] =	vst v63  }
0x4c9: {  	_ = 	snop  }
0x4ca: {  	[tilespmem:s12], [sflag:$0x6] =	stream.indirect_vreg.gather [hbm4b:s1+s3], $0x80, v3, vm0, $0xb8;
	[tilespmem:$0x19000] =	vst v63  }
0x4cb: {  	v3 =	vld [tilespmem:$0x5D0];
	_ =	sdelay $0x4  }
0x4cc: {  	v13 =	vshll.u32 v3, $0x1  }
0x4cd: {  	v3 =	vand.u32 $0x7, v3;
	v4 =	vand.u32 $0xFFFFFFF0, v13  }
0x4ce: {  	v3 =	vor.u32 v3, v4  }
0x4cf: {  	v4 =	vperm.xlane v3, v0;
	_ =	sdelay $0x1  }
0x4d0: {  	v3 =	vperm.xlane v3, v2;
	v4 =	vadd.s32 v1, v4;
	_ =	sdelay $0x1  }
0x4d1: {  	v3 =	vadd.s32 v1, v3;
	_ =	sdelay $0x1  }
0x4d2: {  	s28 =	simm.s32 $0x16000  }
0x4d3: {  	[tilespmem:s28], [sflag:$0x6] =	stream.indirect_vreg.gather [hbm4b:s1+s3], $0x80, v4, vm0, $0xb8;
	[tilespmem:$0x19000] =	vst v63  }
0x4d4: {  	_ = 	snop  }
0x4d5: {  	[tilespmem:s6], [sflag:$0x6] =	stream.indirect_vreg.gather [hbm4b:s1+s3], $0x80, v3, vm0, $0xb8;
	[tilespmem:$0x19000] =	vst v63  }
0x4d6: {  	v3 =	vld [tilespmem:$0x5E0];
	_ =	sdelay $0x4  }
0x4d7: {  	v14 =	vshll.u32 v3, $0x1  }
0x4d8: {  	v3 =	vand.u32 $0x7, v3;
	v4 =	vand.u32 $0xFFFFFFF0, v14  }
0x4d9: {  	v3 =	vor.u32 v3, v4  }
0x4da: {  	v4 =	vperm.xlane v3, v0;
	_ =	sdelay $0x1  }
0x4db: {  	v3 =	vperm.xlane v3, v2;
	v4 =	vadd.s32 v1, v4;
	_ =	sdelay $0x1  }
0x4dc: {  	v3 =	vadd.s32 v1, v3;
	_ =	sdelay $0x1  }
0x4dd: {  	s28 =	simm.s32 $0x17000  }
0x4de: {  	[tilespmem:s28], [sflag:$0x6] =	stream.indirect_vreg.gather [hbm4b:s1+s3], $0x80, v4, vm0, $0xb8;
	[tilespmem:$0x19000] =	vst v63  }
0x4df: {  	_ = 	snop  }
0x4e0: {  	[tilespmem:s5], [sflag:$0x6] =	stream.indirect_vreg.gather [hbm4b:s1+s3], $0x80, v3, vm0, $0xb8;
	[tilespmem:$0x19000] =	vst v63  }
0x4e1: {  	v3 =	vld [tilespmem:$0x5F0];
	_ =	sdelay $0x4  }
0x4e2: {  	v15 =	vshll.u32 v3, $0x1  }
0x4e3: {  	v3 =	vand.u32 $0x7, v3;
	v4 =	vand.u32 $0xFFFFFFF0, v15  }
0x4e4: {  	v3 =	vor.u32 v3, v4  }
0x4e5: {  	v4 =	vperm.xlane v3, v0;
	_ =	sdelay $0x1  }
0x4e6: {  	v3 =	vperm.xlane v3, v2;
	v4 =	vadd.s32 v1, v4;
	_ =	sdelay $0x1  }
0x4e7: {  	v3 =	vadd.s32 v1, v3;
	_ =	sdelay $0x1  }
0x4e8: {  	s12 =	simm.s32 $0x18000  }
0x4e9: {  	[tilespmem:s12], [sflag:$0x6] =	stream.indirect_vreg.gather [hbm4b:s1+s3], $0x80, v4, vm0, $0xb8;
	[tilespmem:$0x19000] =	vst v63  }
0x4ea: {  	s28 =	simm.s32 $0x18800  }
0x4eb: {  	[tilespmem:s28], [sflag:$0x6] =	stream.indirect_vreg.gather [hbm4b:s1+s3], $0x80, v3, vm0, $0xb8;
	[tilespmem:$0x19000] =	vst v63  }
0x4ec: {  	_ =	swait.ge [sflag:s13], $0x4000  }
0x4ed: {  	[sflag:s13] =	ssyncset.done $0x0  }
0x4ee: {  	s4 =	simm.s32 $0x1000;
	s6 =	rddreg [dreg:$0x19];
	[sflag:s13] =	ssyncadd.s32 $0xFFFFC000  }
0x4ef: {  	[hbm4b:s6+s3] =	stream.linear.scatter [tilespmem:s4], [sflag:$0x7], $0x4000, $0x38;
	[tilespmem:$0x19000] =	vst v63  }
0x4f0: {  	_ =	swait.ge [sflag:s15], $0x4000  }
0x4f1: {  	[sflag:s15] =	ssyncset.done $0x0  }
0x4f2: {  	[sflag:s15] =	ssyncadd.s32 $0xFFFFC000  }
0x4f3: {  	v3 =	vld [tilespmem:$0x600];
	_ =	sdelay $0x4  }
0x4f4: {  	v16 =	vshll.u32 v3, $0x1  }
0x4f5: {  	v3 =	vand.u32 $0x7, v3;
	v4 =	vand.u32 $0xFFFFFFF0, v16  }
0x4f6: {  	v3 =	vor.u32 v3, v4  }
0x4f7: {  	v4 =	vperm.xlane v3, v0;
	_ =	sdelay $0x1  }
0x4f8: {  	v3 =	vperm.xlane v3, v2;
	v4 =	vadd.s32 v1, v4;
	_ =	sdelay $0x1  }
0x4f9: {  	v3 =	vadd.s32 v1, v3;
	_ =	sdelay $0x2  }
0x4fa: {  	[tilespmem:s4], [sflag:$0x1] =	stream.indirect_vreg.gather [hbm4b:s1+s3], $0x80, v4, vm0, $0xb8;
	[tilespmem:$0x19000] =	vst v63  }
0x4fb: {  	s12 =	simm.s32 $0x1800  }
0x4fc: {  	[tilespmem:s12], [sflag:$0x1] =	stream.indirect_vreg.gather [hbm4b:s1+s3], $0x80, v3, vm0, $0xb8;
	[tilespmem:$0x19000] =	vst v63  }
0x4fd: {  	v3 =	vld [tilespmem:$0x610];
	_ =	sdelay $0x4  }
0x4fe: {  	v17 =	vshll.u32 v3, $0x1  }
0x4ff: {  	v3 =	vand.u32 $0x7, v3;
	v4 =	vand.u32 $0xFFFFFFF0, v17  }
0x500: {  	v3 =	vor.u32 v3, v4  }
0x501: {  	v4 =	vperm.xlane v3, v0;
	_ =	sdelay $0x1  }
0x502: {  	v3 =	vperm.xlane v3, v2;
	v4 =	vadd.s32 v1, v4;
	_ =	sdelay $0x1  }
0x503: {  	v3 =	vadd.s32 v1, v3;
	_ =	sdelay $0x2  }
0x504: {  	[tilespmem:s9], [sflag:$0x1] =	stream.indirect_vreg.gather [hbm4b:s1+s3], $0x80, v4, vm0, $0xb8;
	[tilespmem:$0x19000] =	vst v63  }
0x505: {  	s28 =	simm.s32 $0x2800  }
0x506: {  	[tilespmem:s28], [sflag:$0x1] =	stream.indirect_vreg.gather [hbm4b:s1+s3], $0x80, v3, vm0, $0xb8;
	[tilespmem:$0x19000] =	vst v63  }
0x507: {  	v3 =	vld [tilespmem:$0x620];
	_ =	sdelay $0x4  }
0x508: {  	v18 =	vshll.u32 v3, $0x1  }
0x509: {  	v3 =	vand.u32 $0x7, v3;
	v4 =	vand.u32 $0xFFFFFFF0, v18  }
0x50a: {  	v3 =	vor.u32 v3, v4  }
0x50b: {  	v4 =	vperm.xlane v3, v0;
	_ =	sdelay $0x1  }
0x50c: {  	v3 =	vperm.xlane v3, v2;
	v4 =	vadd.s32 v1, v4;
	_ =	sdelay $0x1  }
0x50d: {  	v3 =	vadd.s32 v1, v3;
	_ =	sdelay $0x2  }
0x50e: {  	[tilespmem:s7], [sflag:$0x1] =	stream.indirect_vreg.gather [hbm4b:s1+s3], $0x80, v4, vm0, $0xb8;
	[tilespmem:$0x19000] =	vst v63  }
0x50f: {  	_ = 	snop  }
0x510: {  	[tilespmem:s11], [sflag:$0x1] =	stream.indirect_vreg.gather [hbm4b:s1+s3], $0x80, v3, vm0, $0xb8;
	[tilespmem:$0x19000] =	vst v63  }
0x511: {  	v3 =	vld [tilespmem:$0x630];
	_ =	sdelay $0x4  }
0x512: {  	v19 =	vshll.u32 v3, $0x1  }
0x513: {  	v3 =	vand.u32 $0x7, v3;
	v4 =	vand.u32 $0xFFFFFFF0, v19  }
0x514: {  	v3 =	vor.u32 v3, v4  }
0x515: {  	v4 =	vperm.xlane v3, v0;
	_ =	sdelay $0x1  }
0x516: {  	v3 =	vperm.xlane v3, v2;
	v4 =	vadd.s32 v1, v4;
	_ =	sdelay $0x1  }
0x517: {  	v3 =	vadd.s32 v1, v3;
	_ =	sdelay $0x2  }
0x518: {  	[tilespmem:s10], [sflag:$0x1] =	stream.indirect_vreg.gather [hbm4b:s1+s3], $0x80, v4, vm0, $0xb8;
	[tilespmem:$0x19000] =	vst v63  }
0x519: {  	_ = 	snop  }
0x51a: {  	[tilespmem:s31], [sflag:$0x1] =	stream.indirect_vreg.gather [hbm4b:s1+s3], $0x80, v3, vm0, $0xb8;
	[tilespmem:$0x19000] =	vst v63  }
0x51b: {  	_ =	swait.ge [sflag:s16], $0x4000  }
0x51c: {  	[sflag:s16] =	ssyncset.done $0x0  }
0x51d: {  	s5 =	simm.s32 $0x5000;
	s4 =	rddreg [dreg:$0x1a];
	[sflag:s16] =	ssyncadd.s32 $0xFFFFC000  }
0x51e: {  	[hbm4b:s4+s3] =	stream.linear.scatter [tilespmem:s5], [sflag:$0x8], $0x4000, $0x38;
	[tilespmem:$0x19000] =	vst v63  }
0x51f: {  	_ =	swait.ge [sflag:s17], $0x4000  }
0x520: {  	[sflag:s17] =	ssyncset.done $0x0  }
0x521: {  	[sflag:s17] =	ssyncadd.s32 $0xFFFFC000  }
0x522: {  	v3 =	vld [tilespmem:$0x640];
	_ =	sdelay $0x4  }
0x523: {  	v20 =	vshll.u32 v3, $0x1  }
0x524: {  	v3 =	vand.u32 $0x7, v3;
	v4 =	vand.u32 $0xFFFFFFF0, v20  }
0x525: {  	v3 =	vor.u32 v3, v4  }
0x526: {  	v4 =	vperm.xlane v3, v0;
	_ =	sdelay $0x1  }
0x527: {  	v3 =	vperm.xlane v3, v2;
	v4 =	vadd.s32 v1, v4;
	_ =	sdelay $0x1  }
0x528: {  	v3 =	vadd.s32 v1, v3;
	_ =	sdelay $0x2  }
0x529: {  	[tilespmem:s5], [sflag:$0x2] =	stream.indirect_vreg.gather [hbm4b:s1+s3], $0x80, v4, vm0, $0xb8;
	[tilespmem:$0x19000] =	vst v63  }
0x52a: {  	_ = 	snop  }
0x52b: {  	[tilespmem:s8], [sflag:$0x2] =	stream.indirect_vreg.gather [hbm4b:s1+s3], $0x80, v3, vm0, $0xb8;
	[tilespmem:$0x19000] =	vst v63  }
0x52c: {  	v3 =	vld [tilespmem:$0x650];
	_ =	sdelay $0x4  }
0x52d: {  	v21 =	vshll.u32 v3, $0x1  }
0x52e: {  	v3 =	vand.u32 $0x7, v3;
	v4 =	vand.u32 $0xFFFFFFF0, v21  }
0x52f: {  	v3 =	vor.u32 v3, v4  }
0x530: {  	v4 =	vperm.xlane v3, v0;
	_ =	sdelay $0x1  }
0x531: {  	v3 =	vperm.xlane v3, v2;
	v4 =	vadd.s32 v1, v4;
	_ =	sdelay $0x1  }
0x532: {  	v3 =	vadd.s32 v1, v3;
	_ =	sdelay $0x2  }
0x533: {  	[tilespmem:s2], [sflag:$0x2] =	stream.indirect_vreg.gather [hbm4b:s1+s3], $0x80, v4, vm0, $0xb8;
	[tilespmem:$0x19000] =	vst v63  }
0x534: {  	_ = 	snop  }
0x535: {  	[tilespmem:s22], [sflag:$0x2] =	stream.indirect_vreg.gather [hbm4b:s1+s3], $0x80, v3, vm0, $0xb8;
	[tilespmem:$0x19000] =	vst v63  }
0x536: {  	v3 =	vld [tilespmem:$0x660];
	_ =	sdelay $0x4  }
0x537: {  	v22 =	vshll.u32 v3, $0x1  }
0x538: {  	v3 =	vand.u32 $0x7, v3;
	v4 =	vand.u32 $0xFFFFFFF0, v22  }
0x539: {  	v3 =	vor.u32 v3, v4  }
0x53a: {  	v4 =	vperm.xlane v3, v0;
	_ =	sdelay $0x1  }
0x53b: {  	v3 =	vperm.xlane v3, v2;
	v4 =	vadd.s32 v1, v4;
	_ =	sdelay $0x1  }
0x53c: {  	v3 =	vadd.s32 v1, v3;
	_ =	sdelay $0x1  }
0x53d: {  	s6 =	simm.s32 $0x7000  }
0x53e: {  	[tilespmem:s6], [sflag:$0x2] =	stream.indirect_vreg.gather [hbm4b:s1+s3], $0x80, v4, vm0, $0xb8;
	[tilespmem:$0x19000] =	vst v63  }
0x53f: {  	_ = 	snop  }
0x540: {  	[tilespmem:s29], [sflag:$0x2] =	stream.indirect_vreg.gather [hbm4b:s1+s3], $0x80, v3, vm0, $0xb8;
	[tilespmem:$0x19000] =	vst v63  }
0x541: {  	v3 =	vld [tilespmem:$0x670];
	_ =	sdelay $0x4  }
0x542: {  	v23 =	vshll.u32 v3, $0x1  }
0x543: {  	v3 =	vand.u32 $0x7, v3;
	v4 =	vand.u32 $0xFFFFFFF0, v23  }
0x544: {  	v3 =	vor.u32 v3, v4  }
0x545: {  	v4 =	vperm.xlane v3, v0;
	_ =	sdelay $0x1  }
0x546: {  	v3 =	vperm.xlane v3, v2;
	v4 =	vadd.s32 v1, v4;
	_ =	sdelay $0x1  }
0x547: {  	v3 =	vadd.s32 v1, v3;
	_ =	sdelay $0x2  }
0x548: {  	[tilespmem:s23], [sflag:$0x2] =	stream.indirect_vreg.gather [hbm4b:s1+s3], $0x80, v4, vm0, $0xb8;
	[tilespmem:$0x19000] =	vst v63  }
0x549: {  	_ = 	snop  }
0x54a: {  	[tilespmem:s30], [sflag:$0x2] =	stream.indirect_vreg.gather [hbm4b:s1+s3], $0x80, v3, vm0, $0xb8;
	[tilespmem:$0x19000] =	vst v63  }
0x54b: {  	_ =	swait.ge [sflag:s18], $0x4000  }
0x54c: {  	[sflag:s18] =	ssyncset.done $0x0  }
0x54d: {  	s8 =	simm.s32 $0x9000;
	s7 =	rddreg [dreg:$0x1b];
	[sflag:s18] =	ssyncadd.s32 $0xFFFFC000  }
0x54e: {  	[hbm4b:s7+s3] =	stream.linear.scatter [tilespmem:s8], [sflag:$0x9], $0x4000, $0x38;
	[tilespmem:$0x19000] =	vst v63  }
0x54f: {  	_ =	swait.ge [sflag:s19], $0x4000  }
0x550: {  	[sflag:s19] =	ssyncset.done $0x0  }
0x551: {  	[sflag:s19] =	ssyncadd.s32 $0xFFFFC000  }
0x552: {  	v3 =	vld [tilespmem:$0x680];
	_ =	sdelay $0x4  }
0x553: {  	v24 =	vshll.u32 v3, $0x1  }
0x554: {  	v3 =	vand.u32 $0x7, v3;
	v4 =	vand.u32 $0xFFFFFFF0, v24  }
0x555: {  	v3 =	vor.u32 v3, v4  }
0x556: {  	v4 =	vperm.xlane v3, v0;
	_ =	sdelay $0x1  }
0x557: {  	v3 =	vperm.xlane v3, v2;
	v4 =	vadd.s32 v1, v4;
	_ =	sdelay $0x1  }
0x558: {  	v3 =	vadd.s32 v1, v3;
	_ =	sdelay $0x2  }
0x559: {  	[tilespmem:s8], [sflag:$0x3] =	stream.indirect_vreg.gather [hbm4b:s1+s3], $0x80, v4, vm0, $0xb8;
	[tilespmem:$0x19000] =	vst v63  }
0x55a: {  	s9 =	simm.s32 $0x9800  }
0x55b: {  	[tilespmem:s9], [sflag:$0x3] =	stream.indirect_vreg.gather [hbm4b:s1+s3], $0x80, v3, vm0, $0xb8;
	[tilespmem:$0x19000] =	vst v63  }
0x55c: {  	v3 =	vld [tilespmem:$0x690];
	_ =	sdelay $0x4  }
0x55d: {  	v25 =	vshll.u32 v3, $0x1  }
0x55e: {  	v3 =	vand.u32 $0x7, v3;
	v4 =	vand.u32 $0xFFFFFFF0, v25  }
0x55f: {  	v3 =	vor.u32 v3, v4  }
0x560: {  	v4 =	vperm.xlane v3, v0;
	_ =	sdelay $0x1  }
0x561: {  	v3 =	vperm.xlane v3, v2;
	v4 =	vadd.s32 v1, v4;
	_ =	sdelay $0x1  }
0x562: {  	v3 =	vadd.s32 v1, v3;
	_ =	sdelay $0x1  }
0x563: {  	s7 =	simm.s32 $0xA000  }
0x564: {  	[tilespmem:s7], [sflag:$0x3] =	stream.indirect_vreg.gather [hbm4b:s1+s3], $0x80, v4, vm0, $0xb8;
	[tilespmem:$0x19000] =	vst v63  }
0x565: {  	s5 =	simm.s32 $0xA800  }
0x566: {  	[tilespmem:s5], [sflag:$0x3] =	stream.indirect_vreg.gather [hbm4b:s1+s3], $0x80, v3, vm0, $0xb8;
	[tilespmem:$0x19000] =	vst v63  }
0x567: {  	v3 =	vld [tilespmem:$0x6A0];
	_ =	sdelay $0x4  }
0x568: {  	v26 =	vshll.u32 v3, $0x1  }
0x569: {  	v3 =	vand.u32 $0x7, v3;
	v4 =	vand.u32 $0xFFFFFFF0, v26  }
0x56a: {  	v3 =	vor.u32 v3, v4  }
0x56b: {  	v4 =	vperm.xlane v3, v0;
	_ =	sdelay $0x1  }
0x56c: {  	v3 =	vperm.xlane v3, v2;
	v4 =	vadd.s32 v1, v4;
	_ =	sdelay $0x1  }
0x56d: {  	v3 =	vadd.s32 v1, v3;
	_ =	sdelay $0x1  }
0x56e: {  	s11 =	simm.s32 $0xB000  }
0x56f: {  	[tilespmem:s11], [sflag:$0x3] =	stream.indirect_vreg.gather [hbm4b:s1+s3], $0x80, v4, vm0, $0xb8;
	[tilespmem:$0x19000] =	vst v63  }
0x570: {  	s23 =	simm.s32 $0xB800  }
0x571: {  	[tilespmem:s23], [sflag:$0x3] =	stream.indirect_vreg.gather [hbm4b:s1+s3], $0x80, v3, vm0, $0xb8;
	[tilespmem:$0x19000] =	vst v63  }
0x572: {  	v3 =	vld [tilespmem:$0x6B0];
	_ =	sdelay $0x4  }
0x573: {  	v27 =	vshll.u32 v3, $0x1  }
0x574: {  	v3 =	vand.u32 $0x7, v3;
	v4 =	vand.u32 $0xFFFFFFF0, v27  }
0x575: {  	v3 =	vor.u32 v3, v4  }
0x576: {  	v4 =	vperm.xlane v3, v0;
	_ =	sdelay $0x1  }
0x577: {  	v3 =	vperm.xlane v3, v2;
	v4 =	vadd.s32 v1, v4;
	_ =	sdelay $0x1  }
0x578: {  	v3 =	vadd.s32 v1, v3;
	_ =	sdelay $0x1  }
0x579: {  	s29 =	simm.s32 $0xC000  }
0x57a: {  	[tilespmem:s29], [sflag:$0x3] =	stream.indirect_vreg.gather [hbm4b:s1+s3], $0x80, v4, vm0, $0xb8;
	[tilespmem:$0x19000] =	vst v63  }
0x57b: {  	s8 =	simm.s32 $0xC800  }
0x57c: {  	[tilespmem:s8], [sflag:$0x3] =	stream.indirect_vreg.gather [hbm4b:s1+s3], $0x80, v3, vm0, $0xb8;
	[tilespmem:$0x19000] =	vst v63  }
0x57d: {  	_ =	swait.ge [sflag:s20], $0x4000  }
0x57e: {  	[sflag:s20] =	ssyncset.done $0x0  }
0x57f: {  	s22 =	simm.s32 $0xD000;
	s10 =	rddreg [dreg:$0x1c];
	[sflag:s20] =	ssyncadd.s32 $0xFFFFC000  }
0x580: {  	[hbm4b:s10+s3] =	stream.linear.scatter [tilespmem:s22], [sflag:$0xA], $0x4000, $0x38;
	[tilespmem:$0x19000] =	vst v63  }
0x581: {  	_ =	swait.ge [sflag:s21], $0x4000  }
0x582: {  	[sflag:s21] =	ssyncset.done $0x0  }
0x583: {  	[sflag:s21] =	ssyncadd.s32 $0xFFFFC000  }
0x584: {  	v3 =	vld [tilespmem:$0x6C0];
	_ =	sdelay $0x4  }
0x585: {  	v28 =	vshll.u32 v3, $0x1  }
0x586: {  	v3 =	vand.u32 $0x7, v3;
	v4 =	vand.u32 $0xFFFFFFF0, v28  }
0x587: {  	v3 =	vor.u32 v3, v4  }
0x588: {  	v4 =	vperm.xlane v3, v0;
	_ =	sdelay $0x1  }
0x589: {  	v3 =	vperm.xlane v3, v2;
	v4 =	vadd.s32 v1, v4;
	_ =	sdelay $0x1  }
0x58a: {  	v3 =	vadd.s32 v1, v3;
	_ =	sdelay $0x2  }
0x58b: {  	[tilespmem:s22], [sflag:$0x4] =	stream.indirect_vreg.gather [hbm4b:s1+s3], $0x80, v4, vm0, $0xb8;
	[tilespmem:$0x19000] =	vst v63  }
0x58c: {  	s10 =	simm.s32 $0xD800  }
0x58d: {  	[tilespmem:s10], [sflag:$0x4] =	stream.indirect_vreg.gather [hbm4b:s1+s3], $0x80, v3, vm0, $0xb8;
	[tilespmem:$0x19000] =	vst v63  }
0x58e: {  	v3 =	vld [tilespmem:$0x6D0];
	_ =	sdelay $0x4  }
0x58f: {  	v29 =	vshll.u32 v3, $0x1  }
0x590: {  	v3 =	vand.u32 $0x7, v3;
	v4 =	vand.u32 $0xFFFFFFF0, v29  }
0x591: {  	v3 =	vor.u32 v3, v4  }
0x592: {  	v4 =	vperm.xlane v3, v0;
	_ =	sdelay $0x1  }
0x593: {  	v3 =	vperm.xlane v3, v2;
	v4 =	vadd.s32 v1, v4;
	_ =	sdelay $0x1  }
0x594: {  	v3 =	vadd.s32 v1, v3;
	_ =	sdelay $0x1  }
0x595: {  	s6 =	simm.s32 $0xE000  }
0x596: {  	[tilespmem:s6], [sflag:$0x4] =	stream.indirect_vreg.gather [hbm4b:s1+s3], $0x80, v4, vm0, $0xb8;
	[tilespmem:$0x19000] =	vst v63  }
0x597: {  	s28 =	simm.s32 $0xE800  }
0x598: {  	[tilespmem:s28], [sflag:$0x4] =	stream.indirect_vreg.gather [hbm4b:s1+s3], $0x80, v3, vm0, $0xb8;
	[tilespmem:$0x19000] =	vst v63  }
0x599: {  	v3 =	vld [tilespmem:$0x6E0];
	_ =	sdelay $0x4  }
0x59a: {  	v30 =	vshll.u32 v3, $0x1  }
0x59b: {  	v3 =	vand.u32 $0x7, v3;
	v4 =	vand.u32 $0xFFFFFFF0, v30  }
0x59c: {  	v3 =	vor.u32 v3, v4  }
0x59d: {  	v4 =	vperm.xlane v3, v0;
	_ =	sdelay $0x1  }
0x59e: {  	v3 =	vperm.xlane v3, v2;
	v4 =	vadd.s32 v1, v4;
	_ =	sdelay $0x1  }
0x59f: {  	v3 =	vadd.s32 v1, v3;
	_ =	sdelay $0x1  }
0x5a0: {  	s30 =	simm.s32 $0xF000  }
0x5a1: {  	[tilespmem:s30], [sflag:$0x4] =	stream.indirect_vreg.gather [hbm4b:s1+s3], $0x80, v4, vm0, $0xb8;
	[tilespmem:$0x19000] =	vst v63  }
0x5a2: {  	s9 =	simm.s32 $0xF800  }
0x5a3: {  	[tilespmem:s9], [sflag:$0x4] =	stream.indirect_vreg.gather [hbm4b:s1+s3], $0x80, v3, vm0, $0xb8;
	[tilespmem:$0x19000] =	vst v63  }
0x5a4: {  	v3 =	vld [tilespmem:$0x6F0];
	_ =	sdelay $0x4  }
0x5a5: {  	v31 =	vshll.u32 v3, $0x1  }
0x5a6: {  	v3 =	vand.u32 $0x7, v3;
	v4 =	vand.u32 $0xFFFFFFF0, v31  }
0x5a7: {  	v3 =	vor.u32 v3, v4  }
0x5a8: {  	v4 =	vperm.xlane v3, v0;
	_ =	sdelay $0x1  }
0x5a9: {  	v3 =	vperm.xlane v3, v2;
	v4 =	vadd.s32 v1, v4;
	_ =	sdelay $0x1  }
0x5aa: {  	v3 =	vadd.s32 v1, v3;
	_ =	sdelay $0x1  }
0x5ab: {  	s31 =	simm.s32 $0x10000  }
0x5ac: {  	[tilespmem:s31], [sflag:$0x4] =	stream.indirect_vreg.gather [hbm4b:s1+s3], $0x80, v4, vm0, $0xb8;
	[tilespmem:$0x19000] =	vst v63  }
0x5ad: {  	s22 =	simm.s32 $0x10800  }
0x5ae: {  	[tilespmem:s22], [sflag:$0x4] =	stream.indirect_vreg.gather [hbm4b:s1+s3], $0x80, v3, vm0, $0xb8;
	[tilespmem:$0x19000] =	vst v63  }
0x5af: {  	_ =	swait.ge [sflag:s14], $0x4000  }
0x5b0: {  	[sflag:s14] =	ssyncset.done $0x0  }
0x5b1: {  	s4 =	simm.s32 $0x11000;
	s2 =	rddreg [dreg:$0x1d];
	[sflag:s14] =	ssyncadd.s32 $0xFFFFC000  }
0x5b2: {  	[hbm4b:s2+s3] =	stream.linear.scatter [tilespmem:s4], [sflag:$0xB], $0x4000, $0x38;
	[tilespmem:$0x19000] =	vst v63  }
0x5b3: {  	_ =	swait.ge [sflag:s24], $0x4000  }
0x5b4: {  	[sflag:s24] =	ssyncset.done $0x0  }
0x5b5: {  	[sflag:s24] =	ssyncadd.s32 $0xFFFFC000  }
0x5b6: {  	v3 =	vld [tilespmem:$0x700];
	_ =	sdelay $0x4  }
0x5b7: {  	v32 =	vshll.u32 v3, $0x1  }
0x5b8: {  	v3 =	vand.u32 $0x7, v3;
	v4 =	vand.u32 $0xFFFFFFF0, v32  }
0x5b9: {  	v3 =	vor.u32 v3, v4  }
0x5ba: {  	v4 =	vperm.xlane v3, v0;
	_ =	sdelay $0x1  }
0x5bb: {  	v3 =	vperm.xlane v3, v2;
	v4 =	vadd.s32 v1, v4;
	_ =	sdelay $0x1  }
0x5bc: {  	v3 =	vadd.s32 v1, v3;
	_ =	sdelay $0x2  }
0x5bd: {  	[tilespmem:s4], [sflag:$0x5] =	stream.indirect_vreg.gather [hbm4b:s1+s3], $0x80, v4, vm0, $0xb8;
	[tilespmem:$0x19000] =	vst v63  }
0x5be: {  	s28 =	simm.s32 $0x11800  }
0x5bf: {  	[tilespmem:s28], [sflag:$0x5] =	stream.indirect_vreg.gather [hbm4b:s1+s3], $0x80, v3, vm0, $0xb8;
	[tilespmem:$0x19000] =	vst v63  }
0x5c0: {  	v3 =	vld [tilespmem:$0x710];
	_ =	sdelay $0x4  }
0x5c1: {  	v33 =	vshll.u32 v3, $0x1  }
0x5c2: {  	v3 =	vand.u32 $0x7, v3;
	v4 =	vand.u32 $0xFFFFFFF0, v33  }
0x5c3: {  	v3 =	vor.u32 v3, v4  }
0x5c4: {  	v4 =	vperm.xlane v3, v0;
	_ =	sdelay $0x1  }
0x5c5: {  	v3 =	vperm.xlane v3, v2;
	v4 =	vadd.s32 v1, v4;
	_ =	sdelay $0x1  }
0x5c6: {  	v3 =	vadd.s32 v1, v3;
	_ =	sdelay $0x1  }
0x5c7: {  	s30 =	simm.s32 $0x12000  }
0x5c8: {  	[tilespmem:s30], [sflag:$0x5] =	stream.indirect_vreg.gather [hbm4b:s1+s3], $0x80, v4, vm0, $0xb8;
	[tilespmem:$0x19000] =	vst v63  }
0x5c9: {  	s31 =	simm.s32 $0x12800  }
0x5ca: {  	[tilespmem:s31], [sflag:$0x5] =	stream.indirect_vreg.gather [hbm4b:s1+s3], $0x80, v3, vm0, $0xb8;
	[tilespmem:$0x19000] =	vst v63  }
0x5cb: {  	v3 =	vld [tilespmem:$0x720];
	_ =	sdelay $0x4  }
0x5cc: {  	v34 =	vshll.u32 v3, $0x1  }
0x5cd: {  	v3 =	vand.u32 $0x7, v3;
	v4 =	vand.u32 $0xFFFFFFF0, v34  }
0x5ce: {  	v3 =	vor.u32 v3, v4  }
0x5cf: {  	v4 =	vperm.xlane v3, v0;
	_ =	sdelay $0x1  }
0x5d0: {  	v3 =	vperm.xlane v3, v2;
	v4 =	vadd.s32 v1, v4;
	_ =	sdelay $0x1  }
0x5d1: {  	v3 =	vadd.s32 v1, v3;
	_ =	sdelay $0x1  }
0x5d2: {  	s4 =	simm.s32 $0x13000  }
0x5d3: {  	[tilespmem:s4], [sflag:$0x5] =	stream.indirect_vreg.gather [hbm4b:s1+s3], $0x80, v4, vm0, $0xb8;
	[tilespmem:$0x19000] =	vst v63  }
0x5d4: {  	s28 =	simm.s32 $0x13800  }
0x5d5: {  	[tilespmem:s28], [sflag:$0x5] =	stream.indirect_vreg.gather [hbm4b:s1+s3], $0x80, v3, vm0, $0xb8;
	[tilespmem:$0x19000] =	vst v63  }
0x5d6: {  	v3 =	vld [tilespmem:$0x730];
	_ =	sdelay $0x4  }
0x5d7: {  	v35 =	vshll.u32 v3, $0x1  }
0x5d8: {  	v3 =	vand.u32 $0x7, v3;
	v4 =	vand.u32 $0xFFFFFFF0, v35  }
0x5d9: {  	v3 =	vor.u32 v3, v4  }
0x5da: {  	v4 =	vperm.xlane v3, v0;
	_ =	sdelay $0x1  }
0x5db: {  	v3 =	vperm.xlane v3, v2;
	v4 =	vadd.s32 v1, v4;
	_ =	sdelay $0x1  }
0x5dc: {  	v3 =	vadd.s32 v1, v3;
	_ =	sdelay $0x1  }
0x5dd: {  	s30 =	simm.s32 $0x14000  }
0x5de: {  	[tilespmem:s30], [sflag:$0x5] =	stream.indirect_vreg.gather [hbm4b:s1+s3], $0x80, v4, vm0, $0xb8;
	[tilespmem:$0x19000] =	vst v63  }
0x5df: {  	s31 =	simm.s32 $0x14800  }
0x5e0: {  	[tilespmem:s31], [sflag:$0x5] =	stream.indirect_vreg.gather [hbm4b:s1+s3], $0x80, v3, vm0, $0xb8;
	[tilespmem:$0x19000] =	vst v63  }
0x5e1: {  	_ =	swait.ge [sflag:s25], $0x4000  }
0x5e2: {  	[sflag:s25] =	ssyncset.done $0x0  }
0x5e3: {  	s4 =	simm.s32 $0x15000;
	s2 =	rddreg [dreg:$0x1e];
	[sflag:s25] =	ssyncadd.s32 $0xFFFFC000  }
0x5e4: {  	[hbm4b:s2+s3] =	stream.linear.scatter [tilespmem:s4], [sflag:$0xC], $0x4000, $0x38;
	[tilespmem:$0x19000] =	vst v63  }
0x5e5: {  	_ =	swait.ge [sflag:s26], $0x4000  }
0x5e6: {  	[sflag:s26] =	ssyncset.done $0x0  }
0x5e7: {  	[sflag:s26] =	ssyncadd.s32 $0xFFFFC000  }
0x5e8: {  	v3 =	vld [tilespmem:$0x740];
	_ =	sdelay $0x4  }
0x5e9: {  	v36 =	vshll.u32 v3, $0x1  }
0x5ea: {  	v3 =	vand.u32 $0x7, v3;
	v4 =	vand.u32 $0xFFFFFFF0, v36  }
0x5eb: {  	v3 =	vor.u32 v3, v4  }
0x5ec: {  	v4 =	vperm.xlane v3, v0;
	_ =	sdelay $0x1  }
0x5ed: {  	v3 =	vperm.xlane v3, v2;
	v4 =	vadd.s32 v1, v4;
	_ =	sdelay $0x1  }
0x5ee: {  	v3 =	vadd.s32 v1, v3;
	_ =	sdelay $0x2  }
0x5ef: {  	[tilespmem:s4], [sflag:$0x6] =	stream.indirect_vreg.gather [hbm4b:s1+s3], $0x80, v4, vm0, $0xb8;
	[tilespmem:$0x19000] =	vst v63  }
0x5f0: {  	s0 =	simm.s32 $0x15800  }
0x5f1: {  	[tilespmem:s0], [sflag:$0x6] =	stream.indirect_vreg.gather [hbm4b:s1+s3], $0x80, v3, vm0, $0xb8;
	[tilespmem:$0x19000] =	vst v63  }
0x5f2: {  	v3 =	vld [tilespmem:$0x750];
	_ =	sdelay $0x4  }
0x5f3: {  	v37 =	vshll.u32 v3, $0x1  }
0x5f4: {  	v3 =	vand.u32 $0x7, v3;
	v4 =	vand.u32 $0xFFFFFFF0, v37  }
0x5f5: {  	v3 =	vor.u32 v3, v4  }
0x5f6: {  	v4 =	vperm.xlane v3, v0;
	_ =	sdelay $0x1  }
0x5f7: {  	v3 =	vperm.xlane v3, v2;
	v4 =	vadd.s32 v1, v4;
	_ =	sdelay $0x1  }
0x5f8: {  	v3 =	vadd.s32 v1, v3;
	_ =	sdelay $0x1  }
0x5f9: {  	s28 =	simm.s32 $0x16000  }
0x5fa: {  	[tilespmem:s28], [sflag:$0x6] =	stream.indirect_vreg.gather [hbm4b:s1+s3], $0x80, v4, vm0, $0xb8;
	[tilespmem:$0x19000] =	vst v63  }
0x5fb: {  	s30 =	simm.s32 $0x16800  }
0x5fc: {  	[tilespmem:s30], [sflag:$0x6] =	stream.indirect_vreg.gather [hbm4b:s1+s3], $0x80, v3, vm0, $0xb8;
	[tilespmem:$0x19000] =	vst v63  }
0x5fd: {  	v3 =	vld [tilespmem:$0x760];
	_ =	sdelay $0x4  }
0x5fe: {  	v38 =	vshll.u32 v3, $0x1  }
0x5ff: {  	v3 =	vand.u32 $0x7, v3;
	v4 =	vand.u32 $0xFFFFFFF0, v38  }
0x600: {  	v3 =	vor.u32 v3, v4  }
0x601: {  	v4 =	vperm.xlane v3, v0;
	_ =	sdelay $0x1  }
0x602: {  	v3 =	vperm.xlane v3, v2;
	v4 =	vadd.s32 v1, v4;
	_ =	sdelay $0x1  }
0x603: {  	v3 =	vadd.s32 v1, v3;
	_ =	sdelay $0x1  }
0x604: {  	s31 =	simm.s32 $0x17000  }
0x605: {  	[tilespmem:s31], [sflag:$0x6] =	stream.indirect_vreg.gather [hbm4b:s1+s3], $0x80, v4, vm0, $0xb8;
	[tilespmem:$0x19000] =	vst v63  }
0x606: {  	s2 =	simm.s32 $0x17800  }
0x607: {  	[tilespmem:s2], [sflag:$0x6] =	stream.indirect_vreg.gather [hbm4b:s1+s3], $0x80, v3, vm0, $0xb8;
	[tilespmem:$0x19000] =	vst v63  }
0x608: {  	v3 =	vld [tilespmem:$0x770];
	_ =	sdelay $0x4  }
0x609: {  	v39 =	vshll.u32 v3, $0x1  }
0x60a: {  	v3 =	vand.u32 $0x7, v3;
	v4 =	vand.u32 $0xFFFFFFF0, v39  }
0x60b: {  	v3 =	vor.u32 v3, v4  }
0x60c: {  	v4 =	vperm.xlane v3, v0;
	_ =	sdelay $0x1  }
0x60d: {  	v3 =	vperm.xlane v3, v2;
	v4 =	vadd.s32 v1, v4;
	_ =	sdelay $0x1  }
0x60e: {  	v3 =	vadd.s32 v1, v3;
	_ =	sdelay $0x1  }
0x60f: {  	s4 =	simm.s32 $0x18000  }
0x610: {  	[tilespmem:s4], [sflag:$0x6] =	stream.indirect_vreg.gather [hbm4b:s1+s3], $0x80, v4, vm0, $0xb8;
	[tilespmem:$0x19000] =	vst v63  }
0x611: {  	s28 =	simm.s32 $0x18800  }
0x612: {  	[tilespmem:s28], [sflag:$0x6] =	stream.indirect_vreg.gather [hbm4b:s1+s3], $0x80, v3, vm0, $0xb8;
	[tilespmem:$0x19000] =	vst v63  }
0x613: {  	_ =	swait.ge [sflag:s13], $0x4000  }
0x614: {  	[sflag:s13] =	ssyncset.done $0x0  }
0x615: {  	s31 =	simm.s32 $0x1000;
	s30 =	rddreg [dreg:$0x1f];
	[sflag:s13] =	ssyncadd.s32 $0xFFFFC000  }
0x616: {  	[hbm4b:s30+s3] =	stream.linear.scatter [tilespmem:s31], [sflag:$0x7], $0x4000, $0x38;
	[tilespmem:$0x19000] =	vst v63  }
0x617: {  	_ =	swait.ge [sflag:s15], $0x4000  }
0x618: {  	[sflag:s15] =	ssyncset.done $0x0  }
0x619: {  	[sflag:s15] =	ssyncadd.s32 $0xFFFFC000  }
0x61a: {  	v3 =	vld [tilespmem:$0x780];
	_ =	sdelay $0x4  }
0x61b: {  	v40 =	vshll.u32 v3, $0x1  }
0x61c: {  	v3 =	vand.u32 $0x7, v3;
	v4 =	vand.u32 $0xFFFFFFF0, v40  }
0x61d: {  	v3 =	vor.u32 v3, v4  }
0x61e: {  	v4 =	vperm.xlane v3, v0;
	_ =	sdelay $0x1  }
0x61f: {  	v3 =	vperm.xlane v3, v2;
	v4 =	vadd.s32 v1, v4;
	_ =	sdelay $0x1  }
0x620: {  	v3 =	vadd.s32 v1, v3;
	_ =	sdelay $0x2  }
0x621: {  	[tilespmem:s31], [sflag:$0x1] =	stream.indirect_vreg.gather [hbm4b:s1+s3], $0x80, v4, vm0, $0xb8;
	[tilespmem:$0x19000] =	vst v63  }
0x622: {  	s4 =	simm.s32 $0x1800  }
0x623: {  	[tilespmem:s4], [sflag:$0x1] =	stream.indirect_vreg.gather [hbm4b:s1+s3], $0x80, v3, vm0, $0xb8;
	[tilespmem:$0x19000] =	vst v63  }
0x624: {  	v3 =	vld [tilespmem:$0x790];
	_ =	sdelay $0x4  }
0x625: {  	v41 =	vshll.u32 v3, $0x1  }
0x626: {  	v3 =	vand.u32 $0x7, v3;
	v4 =	vand.u32 $0xFFFFFFF0, v41  }
0x627: {  	v3 =	vor.u32 v3, v4  }
0x628: {  	v4 =	vperm.xlane v3, v0;
	_ =	sdelay $0x1  }
0x629: {  	v3 =	vperm.xlane v3, v2;
	v4 =	vadd.s32 v1, v4;
	_ =	sdelay $0x1  }
0x62a: {  	v3 =	vadd.s32 v1, v3;
	_ =	sdelay $0x1  }
0x62b: {  	s12 =	simm.s32 $0x2000  }
0x62c: {  	[tilespmem:s12], [sflag:$0x1] =	stream.indirect_vreg.gather [hbm4b:s1+s3], $0x80, v4, vm0, $0xb8;
	[tilespmem:$0x19000] =	vst v63  }
0x62d: {  	s12 =	simm.s32 $0x2800  }
0x62e: {  	[tilespmem:s12], [sflag:$0x1] =	stream.indirect_vreg.gather [hbm4b:s1+s3], $0x80, v3, vm0, $0xb8;
	[tilespmem:$0x19000] =	vst v63  }
0x62f: {  	v3 =	vld [tilespmem:$0x7A0];
	_ =	sdelay $0x4  }
0x630: {  	v42 =	vshll.u32 v3, $0x1  }
0x631: {  	v3 =	vand.u32 $0x7, v3;
	v4 =	vand.u32 $0xFFFFFFF0, v42  }
0x632: {  	v3 =	vor.u32 v3, v4  }
0x633: {  	v4 =	vperm.xlane v3, v0;
	_ =	sdelay $0x1  }
0x634: {  	v3 =	vperm.xlane v3, v2;
	v4 =	vadd.s32 v1, v4;
	_ =	sdelay $0x1  }
0x635: {  	v3 =	vadd.s32 v1, v3;
	_ =	sdelay $0x1  }
0x636: {  	s2 =	simm.s32 $0x3000  }
0x637: {  	[tilespmem:s2], [sflag:$0x1] =	stream.indirect_vreg.gather [hbm4b:s1+s3], $0x80, v4, vm0, $0xb8;
	[tilespmem:$0x19000] =	vst v63  }
0x638: {  	s31 =	simm.s32 $0x3800  }
0x639: {  	[tilespmem:s31], [sflag:$0x1] =	stream.indirect_vreg.gather [hbm4b:s1+s3], $0x80, v3, vm0, $0xb8;
	[tilespmem:$0x19000] =	vst v63  }
0x63a: {  	v3 =	vld [tilespmem:$0x7B0];
	_ =	sdelay $0x4  }
0x63b: {  	v43 =	vshll.u32 v3, $0x1  }
0x63c: {  	v3 =	vand.u32 $0x7, v3;
	v4 =	vand.u32 $0xFFFFFFF0, v43  }
0x63d: {  	v3 =	vor.u32 v3, v4  }
0x63e: {  	v4 =	vperm.xlane v3, v0;
	_ =	sdelay $0x1  }
0x63f: {  	v3 =	vperm.xlane v3, v2;
	v4 =	vadd.s32 v1, v4;
	_ =	sdelay $0x1  }
0x640: {  	v3 =	vadd.s32 v1, v3;
	_ =	sdelay $0x1  }
0x641: {  	s28 =	simm.s32 $0x4000  }
0x642: {  	[tilespmem:s28], [sflag:$0x1] =	stream.indirect_vreg.gather [hbm4b:s1+s3], $0x80, v4, vm0, $0xb8;
	[tilespmem:$0x19000] =	vst v63  }
0x643: {  	s30 =	simm.s32 $0x4800  }
0x644: {  	[tilespmem:s30], [sflag:$0x1] =	stream.indirect_vreg.gather [hbm4b:s1+s3], $0x80, v3, vm0, $0xb8;
	[tilespmem:$0x19000] =	vst v63  }
0x645: {  	_ =	swait.ge [sflag:s16], $0x4000  }
0x646: {  	s0 =	sld [smem:$0x7CF]  }
0x647: {  	[sflag:s16] =	ssyncset.done $0x0  }
0x648: {  	s2 =	simm.s32 $0x5000;
	[sflag:s16] =	ssyncadd.s32 $0xFFFFC000  }
0x649: {  	[hbm4b:s0+s3] =	stream.linear.scatter [tilespmem:s2], [sflag:$0x8], $0x4000, $0x38;
	[tilespmem:$0x19000] =	vst v63  }
0x64a: {  	_ =	swait.ge [sflag:s17], $0x4000  }
0x64b: {  	[sflag:s17] =	ssyncset.done $0x0  }
0x64c: {  	[sflag:s17] =	ssyncadd.s32 $0xFFFFC000  }
0x64d: {  	v3 =	vld [tilespmem:$0x7C0];
	_ =	sdelay $0x4  }
0x64e: {  	v44 =	vshll.u32 v3, $0x1  }
0x64f: {  	v3 =	vand.u32 $0x7, v3;
	v4 =	vand.u32 $0xFFFFFFF0, v44  }
0x650: {  	v3 =	vor.u32 v3, v4  }
0x651: {  	v4 =	vperm.xlane v3, v0;
	_ =	sdelay $0x1  }
0x652: {  	v3 =	vperm.xlane v3, v2;
	v4 =	vadd.s32 v1, v4;
	_ =	sdelay $0x1  }
0x653: {  	v3 =	vadd.s32 v1, v3;
	_ =	sdelay $0x2  }
0x654: {  	[tilespmem:s2], [sflag:$0x2] =	stream.indirect_vreg.gather [hbm4b:s1+s3], $0x80, v4, vm0, $0xb8;
	[tilespmem:$0x19000] =	vst v63  }
0x655: {  	s30 =	simm.s32 $0x5800  }
0x656: {  	[tilespmem:s30], [sflag:$0x2] =	stream.indirect_vreg.gather [hbm4b:s1+s3], $0x80, v3, vm0, $0xb8;
	[tilespmem:$0x19000] =	vst v63  }
0x657: {  	v3 =	vld [tilespmem:$0x7D0];
	_ =	sdelay $0x4  }
0x658: {  	v45 =	vshll.u32 v3, $0x1  }
0x659: {  	v3 =	vand.u32 $0x7, v3;
	v4 =	vand.u32 $0xFFFFFFF0, v45  }
0x65a: {  	v3 =	vor.u32 v3, v4  }
0x65b: {  	v4 =	vperm.xlane v3, v0;
	_ =	sdelay $0x1  }
0x65c: {  	v3 =	vperm.xlane v3, v2;
	v4 =	vadd.s32 v1, v4;
	_ =	sdelay $0x1  }
0x65d: {  	v3 =	vadd.s32 v1, v3;
	_ =	sdelay $0x1  }
0x65e: {  	s2 =	simm.s32 $0x6000  }
0x65f: {  	[tilespmem:s2], [sflag:$0x2] =	stream.indirect_vreg.gather [hbm4b:s1+s3], $0x80, v4, vm0, $0xb8;
	[tilespmem:$0x19000] =	vst v63  }
0x660: {  	s28 =	simm.s32 $0x6800  }
0x661: {  	[tilespmem:s28], [sflag:$0x2] =	stream.indirect_vreg.gather [hbm4b:s1+s3], $0x80, v3, vm0, $0xb8;
	[tilespmem:$0x19000] =	vst v63  }
0x662: {  	v3 =	vld [tilespmem:$0x7E0];
	_ =	sdelay $0x4  }
0x663: {  	v46 =	vshll.u32 v3, $0x1  }
0x664: {  	v3 =	vand.u32 $0x7, v3;
	v4 =	vand.u32 $0xFFFFFFF0, v46  }
0x665: {  	v3 =	vor.u32 v3, v4  }
0x666: {  	v4 =	vperm.xlane v3, v0;
	_ =	sdelay $0x1  }
0x667: {  	v3 =	vperm.xlane v3, v2;
	v4 =	vadd.s32 v1, v4;
	_ =	sdelay $0x1  }
0x668: {  	v3 =	vadd.s32 v1, v3;
	_ =	sdelay $0x1  }
0x669: {  	s30 =	simm.s32 $0x7000  }
0x66a: {  	[tilespmem:s30], [sflag:$0x2] =	stream.indirect_vreg.gather [hbm4b:s1+s3], $0x80, v4, vm0, $0xb8;
	[tilespmem:$0x19000] =	vst v63  }
0x66b: {  	s30 =	simm.s32 $0x7800  }
0x66c: {  	[tilespmem:s30], [sflag:$0x2] =	stream.indirect_vreg.gather [hbm4b:s1+s3], $0x80, v3, vm0, $0xb8;
	[tilespmem:$0x19000] =	vst v63  }
0x66d: {  	v3 =	vld [tilespmem:$0x7F0];
	_ =	sdelay $0x4  }
0x66e: {  	v47 =	vshll.u32 v3, $0x1  }
0x66f: {  	v3 =	vand.u32 $0x7, v3;
	v4 =	vand.u32 $0xFFFFFFF0, v47  }
0x670: {  	v3 =	vor.u32 v3, v4  }
0x671: {  	v4 =	vperm.xlane v3, v0;
	_ =	sdelay $0x1  }
0x672: {  	v3 =	vperm.xlane v3, v2;
	v4 =	vadd.s32 v1, v4;
	_ =	sdelay $0x1  }
0x673: {  	v3 =	vadd.s32 v1, v3;
	_ =	sdelay $0x1  }
0x674: {  	s2 =	simm.s32 $0x8000  }
0x675: {  	[tilespmem:s2], [sflag:$0x2] =	stream.indirect_vreg.gather [hbm4b:s1+s3], $0x80, v4, vm0, $0xb8;
	[tilespmem:$0x19000] =	vst v63  }
0x676: {  	s28 =	simm.s32 $0x8800  }
0x677: {  	[tilespmem:s28], [sflag:$0x2] =	stream.indirect_vreg.gather [hbm4b:s1+s3], $0x80, v3, vm0, $0xb8;
	[tilespmem:$0x19000] =	vst v63  }
0x678: {  	_ =	swait.ge [sflag:s18], $0x4000  }
0x679: {  	s0 =	sld [smem:$0x7D0]  }
0x67a: {  	[sflag:s18] =	ssyncset.done $0x0  }
0x67b: {  	s2 =	simm.s32 $0x9000;
	[sflag:s18] =	ssyncadd.s32 $0xFFFFC000  }
0x67c: {  	[hbm4b:s0+s3] =	stream.linear.scatter [tilespmem:s2], [sflag:$0x9], $0x4000, $0x38;
	[tilespmem:$0x19000] =	vst v63  }
0x67d: {  	_ =	swait.ge [sflag:s19], $0x4000  }
0x67e: {  	[sflag:s19] =	ssyncset.done $0x0  }
0x67f: {  	[sflag:s19] =	ssyncadd.s32 $0xFFFFC000  }
0x680: {  	v3 =	vld [tilespmem:$0x800];
	_ =	sdelay $0x4  }
0x681: {  	v48 =	vshll.u32 v3, $0x1  }
0x682: {  	v3 =	vand.u32 $0x7, v3;
	v4 =	vand.u32 $0xFFFFFFF0, v48  }
0x683: {  	v3 =	vor.u32 v3, v4  }
0x684: {  	v4 =	vperm.xlane v3, v0;
	_ =	sdelay $0x1  }
0x685: {  	v3 =	vperm.xlane v3, v2;
	v4 =	vadd.s32 v1, v4;
	_ =	sdelay $0x1  }
0x686: {  	v3 =	vadd.s32 v1, v3;
	_ =	sdelay $0x2  }
0x687: {  	[tilespmem:s2], [sflag:$0x3] =	stream.indirect_vreg.gather [hbm4b:s1+s3], $0x80, v4, vm0, $0xb8;
	[tilespmem:$0x19000] =	vst v63  }
0x688: {  	s2 =	simm.s32 $0x9800  }
0x689: {  	[tilespmem:s2], [sflag:$0x3] =	stream.indirect_vreg.gather [hbm4b:s1+s3], $0x80, v3, vm0, $0xb8;
	[tilespmem:$0x19000] =	vst v63  }
0x68a: {  	v3 =	vld [tilespmem:$0x810];
	_ =	sdelay $0x4  }
0x68b: {  	v49 =	vshll.u32 v3, $0x1  }
0x68c: {  	v3 =	vand.u32 $0x7, v3;
	v4 =	vand.u32 $0xFFFFFFF0, v49  }
0x68d: {  	v3 =	vor.u32 v3, v4  }
0x68e: {  	v4 =	vperm.xlane v3, v0;
	_ =	sdelay $0x1  }
0x68f: {  	v3 =	vperm.xlane v3, v2;
	v4 =	vadd.s32 v1, v4;
	_ =	sdelay $0x1  }
0x690: {  	v3 =	vadd.s32 v1, v3;
	_ =	sdelay $0x2  }
0x691: {  	[tilespmem:s7], [sflag:$0x3] =	stream.indirect_vreg.gather [hbm4b:s1+s3], $0x80, v4, vm0, $0xb8;
	[tilespmem:$0x19000] =	vst v63  }
0x692: {  	_ = 	snop  }
0x693: {  	[tilespmem:s5], [sflag:$0x3] =	stream.indirect_vreg.gather [hbm4b:s1+s3], $0x80, v3, vm0, $0xb8;
	[tilespmem:$0x19000] =	vst v63  }
0x694: {  	v3 =	vld [tilespmem:$0x820];
	_ =	sdelay $0x4  }
0x695: {  	v50 =	vshll.u32 v3, $0x1  }
0x696: {  	v3 =	vand.u32 $0x7, v3;
	v4 =	vand.u32 $0xFFFFFFF0, v50  }
0x697: {  	v3 =	vor.u32 v3, v4  }
0x698: {  	v4 =	vperm.xlane v3, v0;
	_ =	sdelay $0x1  }
0x699: {  	v3 =	vperm.xlane v3, v2;
	v4 =	vadd.s32 v1, v4;
	_ =	sdelay $0x1  }
0x69a: {  	v3 =	vadd.s32 v1, v3;
	_ =	sdelay $0x2  }
0x69b: {  	[tilespmem:s11], [sflag:$0x3] =	stream.indirect_vreg.gather [hbm4b:s1+s3], $0x80, v4, vm0, $0xb8;
	[tilespmem:$0x19000] =	vst v63  }
0x69c: {  	_ = 	snop  }
0x69d: {  	[tilespmem:s23], [sflag:$0x3] =	stream.indirect_vreg.gather [hbm4b:s1+s3], $0x80, v3, vm0, $0xb8;
	[tilespmem:$0x19000] =	vst v63  }
0x69e: {  	v3 =	vld [tilespmem:$0x830];
	_ =	sdelay $0x4  }
0x69f: {  	v51 =	vshll.u32 v3, $0x1  }
0x6a0: {  	v3 =	vand.u32 $0x7, v3;
	v4 =	vand.u32 $0xFFFFFFF0, v51  }
0x6a1: {  	v3 =	vor.u32 v3, v4  }
0x6a2: {  	v4 =	vperm.xlane v3, v0;
	_ =	sdelay $0x1  }
0x6a3: {  	v3 =	vperm.xlane v3, v2;
	v4 =	vadd.s32 v1, v4;
	_ =	sdelay $0x1  }
0x6a4: {  	v3 =	vadd.s32 v1, v3;
	_ =	sdelay $0x2  }
0x6a5: {  	[tilespmem:s29], [sflag:$0x3] =	stream.indirect_vreg.gather [hbm4b:s1+s3], $0x80, v4, vm0, $0xb8;
	[tilespmem:$0x19000] =	vst v63  }
0x6a6: {  	_ = 	snop  }
0x6a7: {  	[tilespmem:s8], [sflag:$0x3] =	stream.indirect_vreg.gather [hbm4b:s1+s3], $0x80, v3, vm0, $0xb8;
	[tilespmem:$0x19000] =	vst v63  }
0x6a8: {  	_ =	swait.ge [sflag:s20], $0x4000  }
0x6a9: {  	s23 =	sld [smem:$0x7D1]  }
0x6aa: {  	[sflag:s20] =	ssyncset.done $0x0  }
0x6ab: {  	s29 =	simm.s32 $0xD000;
	[sflag:s20] =	ssyncadd.s32 $0xFFFFC000  }
0x6ac: {  	[hbm4b:s23+s3] =	stream.linear.scatter [tilespmem:s29], [sflag:$0xA], $0x4000, $0x38;
	[tilespmem:$0x19000] =	vst v63  }
0x6ad: {  	_ =	swait.ge [sflag:s21], $0x4000  }
0x6ae: {  	[sflag:s21] =	ssyncset.done $0x0  }
0x6af: {  	[sflag:s21] =	ssyncadd.s32 $0xFFFFC000  }
0x6b0: {  	v3 =	vld [tilespmem:$0x840];
	_ =	sdelay $0x4  }
0x6b1: {  	v52 =	vshll.u32 v3, $0x1  }
0x6b2: {  	v3 =	vand.u32 $0x7, v3;
	v4 =	vand.u32 $0xFFFFFFF0, v52  }
0x6b3: {  	v3 =	vor.u32 v3, v4  }
0x6b4: {  	v4 =	vperm.xlane v3, v0;
	_ =	sdelay $0x1  }
0x6b5: {  	v3 =	vperm.xlane v3, v2;
	v4 =	vadd.s32 v1, v4;
	_ =	sdelay $0x1  }
0x6b6: {  	v3 =	vadd.s32 v1, v3;
	_ =	sdelay $0x2  }
0x6b7: {  	[tilespmem:s29], [sflag:$0x4] =	stream.indirect_vreg.gather [hbm4b:s1+s3], $0x80, v4, vm0, $0xb8;
	[tilespmem:$0x19000] =	vst v63  }
0x6b8: {  	_ = 	snop  }
0x6b9: {  	[tilespmem:s10], [sflag:$0x4] =	stream.indirect_vreg.gather [hbm4b:s1+s3], $0x80, v3, vm0, $0xb8;
	[tilespmem:$0x19000] =	vst v63  }
0x6ba: {  	v3 =	vld [tilespmem:$0x850];
	_ =	sdelay $0x4  }
0x6bb: {  	v53 =	vshll.u32 v3, $0x1  }
0x6bc: {  	v3 =	vand.u32 $0x7, v3;
	v4 =	vand.u32 $0xFFFFFFF0, v53  }
0x6bd: {  	v3 =	vor.u32 v3, v4  }
0x6be: {  	v4 =	vperm.xlane v3, v0;
	_ =	sdelay $0x1  }
0x6bf: {  	v3 =	vperm.xlane v3, v2;
	v4 =	vadd.s32 v1, v4;
	_ =	sdelay $0x1  }
0x6c0: {  	v3 =	vadd.s32 v1, v3;
	_ =	sdelay $0x2  }
0x6c1: {  	[tilespmem:s6], [sflag:$0x4] =	stream.indirect_vreg.gather [hbm4b:s1+s3], $0x80, v4, vm0, $0xb8;
	[tilespmem:$0x19000] =	vst v63  }
0x6c2: {  	s2 =	simm.s32 $0xE800  }
0x6c3: {  	[tilespmem:s2], [sflag:$0x4] =	stream.indirect_vreg.gather [hbm4b:s1+s3], $0x80, v3, vm0, $0xb8;
	[tilespmem:$0x19000] =	vst v63  }
0x6c4: {  	v3 =	vld [tilespmem:$0x860];
	_ =	sdelay $0x4  }
0x6c5: {  	v54 =	vshll.u32 v3, $0x1  }
0x6c6: {  	v3 =	vand.u32 $0x7, v3;
	v4 =	vand.u32 $0xFFFFFFF0, v54  }
0x6c7: {  	v3 =	vor.u32 v3, v4  }
0x6c8: {  	v4 =	vperm.xlane v3, v0;
	_ =	sdelay $0x1  }
0x6c9: {  	v3 =	vperm.xlane v3, v2;
	v4 =	vadd.s32 v1, v4;
	_ =	sdelay $0x1  }
0x6ca: {  	v3 =	vadd.s32 v1, v3;
	_ =	sdelay $0x1  }
0x6cb: {  	s5 =	simm.s32 $0xF000  }
0x6cc: {  	[tilespmem:s5], [sflag:$0x4] =	stream.indirect_vreg.gather [hbm4b:s1+s3], $0x80, v4, vm0, $0xb8;
	[tilespmem:$0x19000] =	vst v63  }
0x6cd: {  	_ = 	snop  }
0x6ce: {  	[tilespmem:s9], [sflag:$0x4] =	stream.indirect_vreg.gather [hbm4b:s1+s3], $0x80, v3, vm0, $0xb8;
	[tilespmem:$0x19000] =	vst v63  }
0x6cf: {  	v3 =	vld [tilespmem:$0x870];
	_ =	sdelay $0x4  }
0x6d0: {  	v55 =	vshll.u32 v3, $0x1  }
0x6d1: {  	v3 =	vand.u32 $0x7, v3;
	v4 =	vand.u32 $0xFFFFFFF0, v55  }
0x6d2: {  	v3 =	vor.u32 v3, v4  }
0x6d3: {  	v4 =	vperm.xlane v3, v0;
	_ =	sdelay $0x1  }
0x6d4: {  	v3 =	vperm.xlane v3, v2;
	v4 =	vadd.s32 v1, v4;
	_ =	sdelay $0x1  }
0x6d5: {  	v3 =	vadd.s32 v1, v3;
	_ =	sdelay $0x1  }
0x6d6: {  	s6 =	simm.s32 $0x10000  }
0x6d7: {  	[tilespmem:s6], [sflag:$0x4] =	stream.indirect_vreg.gather [hbm4b:s1+s3], $0x80, v4, vm0, $0xb8;
	[tilespmem:$0x19000] =	vst v63  }
0x6d8: {  	_ = 	snop  }
0x6d9: {  	[tilespmem:s22], [sflag:$0x4] =	stream.indirect_vreg.gather [hbm4b:s1+s3], $0x80, v3, vm0, $0xb8;
	[tilespmem:$0x19000] =	vst v63  }
0x6da: {  	_ =	swait.ge [sflag:s14], $0x4000  }
0x6db: {  	s7 =	sld [smem:$0x7D2]  }
0x6dc: {  	[sflag:s14] =	ssyncset.done $0x0  }
0x6dd: {  	s8 =	simm.s32 $0x11000;
	[sflag:s14] =	ssyncadd.s32 $0xFFFFC000  }
0x6de: {  	[hbm4b:s7+s3] =	stream.linear.scatter [tilespmem:s8], [sflag:$0xB], $0x4000, $0x38;
	[tilespmem:$0x19000] =	vst v63  }
0x6df: {  	_ =	swait.ge [sflag:s24], $0x4000  }
0x6e0: {  	[sflag:s24] =	ssyncset.done $0x0  }
0x6e1: {  	[sflag:s24] =	ssyncadd.s32 $0xFFFFC000  }
0x6e2: {  	v3 =	vld [tilespmem:$0x880];
	_ =	sdelay $0x4  }
0x6e3: {  	v56 =	vshll.u32 v3, $0x1  }
0x6e4: {  	v3 =	vand.u32 $0x7, v3;
	v4 =	vand.u32 $0xFFFFFFF0, v56  }
0x6e5: {  	v3 =	vor.u32 v3, v4  }
0x6e6: {  	v4 =	vperm.xlane v3, v0;
	_ =	sdelay $0x1  }
0x6e7: {  	v3 =	vperm.xlane v3, v2;
	v4 =	vadd.s32 v1, v4;
	_ =	sdelay $0x1  }
0x6e8: {  	v3 =	vadd.s32 v1, v3;
	_ =	sdelay $0x2  }
0x6e9: {  	[tilespmem:s8], [sflag:$0x5] =	stream.indirect_vreg.gather [hbm4b:s1+s3], $0x80, v4, vm0, $0xb8;
	[tilespmem:$0x19000] =	vst v63  }
0x6ea: {  	s9 =	simm.s32 $0x11800  }
0x6eb: {  	[tilespmem:s9], [sflag:$0x5] =	stream.indirect_vreg.gather [hbm4b:s1+s3], $0x80, v3, vm0, $0xb8;
	[tilespmem:$0x19000] =	vst v63  }
0x6ec: {  	v3 =	vld [tilespmem:$0x890];
	_ =	sdelay $0x4  }
0x6ed: {  	v57 =	vshll.u32 v3, $0x1  }
0x6ee: {  	v3 =	vand.u32 $0x7, v3;
	v4 =	vand.u32 $0xFFFFFFF0, v57  }
0x6ef: {  	v3 =	vor.u32 v3, v4  }
0x6f0: {  	v4 =	vperm.xlane v3, v0;
	_ =	sdelay $0x1  }
0x6f1: {  	v3 =	vperm.xlane v3, v2;
	v4 =	vadd.s32 v1, v4;
	_ =	sdelay $0x1  }
0x6f2: {  	v3 =	vadd.s32 v1, v3;
	_ =	sdelay $0x1  }
0x6f3: {  	s10 =	simm.s32 $0x12000  }
0x6f4: {  	[tilespmem:s10], [sflag:$0x5] =	stream.indirect_vreg.gather [hbm4b:s1+s3], $0x80, v4, vm0, $0xb8;
	[tilespmem:$0x19000] =	vst v63  }
0x6f5: {  	s11 =	simm.s32 $0x12800  }
0x6f6: {  	[tilespmem:s11], [sflag:$0x5] =	stream.indirect_vreg.gather [hbm4b:s1+s3], $0x80, v3, vm0, $0xb8;
	[tilespmem:$0x19000] =	vst v63  }
0x6f7: {  	v3 =	vld [tilespmem:$0x8A0];
	_ =	sdelay $0x4  }
0x6f8: {  	v58 =	vshll.u32 v3, $0x1  }
0x6f9: {  	v3 =	vand.u32 $0x7, v3;
	v4 =	vand.u32 $0xFFFFFFF0, v58  }
0x6fa: {  	v3 =	vor.u32 v3, v4  }
0x6fb: {  	v4 =	vperm.xlane v3, v0;
	_ =	sdelay $0x1  }
0x6fc: {  	v3 =	vperm.xlane v3, v2;
	v4 =	vadd.s32 v1, v4;
	_ =	sdelay $0x1  }
0x6fd: {  	v3 =	vadd.s32 v1, v3;
	_ =	sdelay $0x1  }
0x6fe: {  	s22 =	simm.s32 $0x13000  }
0x6ff: {  	[tilespmem:s22], [sflag:$0x5] =	stream.indirect_vreg.gather [hbm4b:s1+s3], $0x80, v4, vm0, $0xb8;
	[tilespmem:$0x19000] =	vst v63  }
0x700: {  	s23 =	simm.s32 $0x13800  }
0x701: {  	[tilespmem:s23], [sflag:$0x5] =	stream.indirect_vreg.gather [hbm4b:s1+s3], $0x80, v3, vm0, $0xb8;
	[tilespmem:$0x19000] =	vst v63  }
0x702: {  	v3 =	vld [tilespmem:$0x8B0];
	_ =	sdelay $0x4  }
0x703: {  	v59 =	vshll.u32 v3, $0x1  }
0x704: {  	v3 =	vand.u32 $0x7, v3;
	v4 =	vand.u32 $0xFFFFFFF0, v59  }
0x705: {  	v3 =	vor.u32 v3, v4  }
0x706: {  	v4 =	vperm.xlane v3, v0;
	_ =	sdelay $0x1  }
0x707: {  	v3 =	vperm.xlane v3, v2;
	v4 =	vadd.s32 v1, v4;
	_ =	sdelay $0x1  }
0x708: {  	v3 =	vadd.s32 v1, v3;
	_ =	sdelay $0x1  }
0x709: {  	s28 =	simm.s32 $0x14000  }
0x70a: {  	[tilespmem:s28], [sflag:$0x5] =	stream.indirect_vreg.gather [hbm4b:s1+s3], $0x80, v4, vm0, $0xb8;
	[tilespmem:$0x19000] =	vst v63  }
0x70b: {  	s2 =	simm.s32 $0x14800  }
0x70c: {  	[tilespmem:s2], [sflag:$0x5] =	stream.indirect_vreg.gather [hbm4b:s1+s3], $0x80, v3, vm0, $0xb8;
	[tilespmem:$0x19000] =	vst v63  }
0x70d: {  	_ =	swait.ge [sflag:s25], $0x4000  }
0x70e: {  	s6 =	sld [smem:$0x7D3]  }
0x70f: {  	[sflag:s25] =	ssyncset.done $0x0  }
0x710: {  	s7 =	simm.s32 $0x15000;
	[sflag:s25] =	ssyncadd.s32 $0xFFFFC000  }
0x711: {  	[hbm4b:s6+s3] =	stream.linear.scatter [tilespmem:s7], [sflag:$0xC], $0x4000, $0x38;
	[tilespmem:$0x19000] =	vst v63  }
0x712: {  	_ =	swait.ge [sflag:s26], $0x4000  }
0x713: {  	[sflag:s26] =	ssyncset.done $0x0  }
0x714: {  	[sflag:s26] =	ssyncadd.s32 $0xFFFFC000  }
0x715: {  	v3 =	vld [tilespmem:$0x8C0];
	_ =	sdelay $0x4  }
0x716: {  	v60 =	vshll.u32 v3, $0x1  }
0x717: {  	v3 =	vand.u32 $0x7, v3;
	v4 =	vand.u32 $0xFFFFFFF0, v60  }
0x718: {  	v3 =	vor.u32 v3, v4  }
0x719: {  	v4 =	vperm.xlane v3, v0;
	_ =	sdelay $0x1  }
0x71a: {  	v3 =	vperm.xlane v3, v2;
	v4 =	vadd.s32 v1, v4;
	_ =	sdelay $0x1  }
0x71b: {  	v3 =	vadd.s32 v1, v3;
	_ =	sdelay $0x2  }
0x71c: {  	[tilespmem:s7], [sflag:$0x6] =	stream.indirect_vreg.gather [hbm4b:s1+s3], $0x80, v4, vm0, $0xb8;
	[tilespmem:$0x19000] =	vst v63  }
0x71d: {  	s10 =	simm.s32 $0x15800  }
0x71e: {  	[tilespmem:s10], [sflag:$0x6] =	stream.indirect_vreg.gather [hbm4b:s1+s3], $0x80, v3, vm0, $0xb8;
	[tilespmem:$0x19000] =	vst v63  }
0x71f: {  	v3 =	vld [tilespmem:$0x8D0];
	_ =	sdelay $0x4  }
0x720: {  	v61 =	vshll.u32 v3, $0x1  }
0x721: {  	v3 =	vand.u32 $0x7, v3;
	v4 =	vand.u32 $0xFFFFFFF0, v61  }
0x722: {  	v3 =	vor.u32 v3, v4  }
0x723: {  	v4 =	vperm.xlane v3, v0;
	_ =	sdelay $0x1  }
0x724: {  	v3 =	vperm.xlane v3, v2;
	v4 =	vadd.s32 v1, v4;
	_ =	sdelay $0x1  }
0x725: {  	v3 =	vadd.s32 v1, v3;
	_ =	sdelay $0x1  }
0x726: {  	s8 =	simm.s32 $0x16000  }
0x727: {  	[tilespmem:s8], [sflag:$0x6] =	stream.indirect_vreg.gather [hbm4b:s1+s3], $0x80, v4, vm0, $0xb8;
	[tilespmem:$0x19000] =	vst v63  }
0x728: {  	s9 =	simm.s32 $0x16800  }
0x729: {  	[tilespmem:s9], [sflag:$0x6] =	stream.indirect_vreg.gather [hbm4b:s1+s3], $0x80, v3, vm0, $0xb8;
	[tilespmem:$0x19000] =	vst v63  }
0x72a: {  	v3 =	vld [tilespmem:$0x8E0];
	_ =	sdelay $0x4  }
0x72b: {  	v62 =	vshll.u32 v3, $0x1  }
0x72c: {  	v3 =	vand.u32 $0x7, v3;
	v4 =	vand.u32 $0xFFFFFFF0, v62  }
0x72d: {  	v3 =	vor.u32 v3, v4  }
0x72e: {  	v4 =	vperm.xlane v3, v0;
	_ =	sdelay $0x1  }
0x72f: {  	v3 =	vperm.xlane v3, v2;
	v4 =	vadd.s32 v1, v4;
	_ =	sdelay $0x1  }
0x730: {  	v3 =	vadd.s32 v1, v3;
	_ =	sdelay $0x1  }
0x731: {  	s11 =	simm.s32 $0x17000  }
0x732: {  	[tilespmem:s11], [sflag:$0x6] =	stream.indirect_vreg.gather [hbm4b:s1+s3], $0x80, v4, vm0, $0xb8;
	[tilespmem:$0x19000] =	vst v63  }
0x733: {  	s22 =	simm.s32 $0x17800  }
0x734: {  	[tilespmem:s22], [sflag:$0x6] =	stream.indirect_vreg.gather [hbm4b:s1+s3], $0x80, v3, vm0, $0xb8;
	[tilespmem:$0x19000] =	vst v63  }
0x735: {  	v3 =	vld [tilespmem:$0x8F0];
	_ =	sdelay $0x4  }
0x736: {  	v63 =	vshll.u32 v3, $0x1  }
0x737: {  	v3 =	vand.u32 $0x7, v3;
	v4 =	vand.u32 $0xFFFFFFF0, v63  }
0x738: {  	v3 =	vor.u32 v3, v4  }
0x739: {  	v4 =	vperm.xlane v3, v0;
	_ =	sdelay $0x1  }
0x73a: {  	v3 =	vperm.xlane v3, v2;
	v4 =	vadd.s32 v1, v4;
	_ =	sdelay $0x1  }
0x73b: {  	v3 =	vadd.s32 v1, v3;
	_ =	sdelay $0x1  }
0x73c: {  	s23 =	simm.s32 $0x18000  }
0x73d: {  	[tilespmem:s23], [sflag:$0x6] =	stream.indirect_vreg.gather [hbm4b:s1+s3], $0x80, v4, vm0, $0xb8;
	[tilespmem:$0x19000] =	vst v63  }
0x73e: {  	s28 =	simm.s32 $0x18800  }
0x73f: {  	[tilespmem:s28], [sflag:$0x6] =	stream.indirect_vreg.gather [hbm4b:s1+s3], $0x80, v3, vm0, $0xb8;
	[tilespmem:$0x19000] =	vst v63  }
0x740: {  	_ =	swait.ge [sflag:s13], $0x4000  }
0x741: {  	s6 =	sld [smem:$0x7D4]  }
0x742: {  	[sflag:s13] =	ssyncset.done $0x0  }
0x743: {  	s7 =	simm.s32 $0x1000;
	[sflag:s13] =	ssyncadd.s32 $0xFFFFC000  }
0x744: {  	[hbm4b:s6+s3] =	stream.linear.scatter [tilespmem:s7], [sflag:$0x7], $0x4000, $0x38;
	[tilespmem:$0x19000] =	vst v63  }
0x745: {  	_ =	swait.ge [sflag:s15], $0x4000  }
0x746: {  	[sflag:s15] =	ssyncset.done $0x0  }
0x747: {  	[sflag:s15] =	ssyncadd.s32 $0xFFFFC000  }
0x748: {  	v3 =	vld [tilespmem:$0x900];
	_ =	sdelay $0x4  }
0x749: {  	v8 =	vshll.u32 v3, $0x1  }
0x74a: {  	v3 =	vand.u32 $0x7, v3;
	v4 =	vand.u32 $0xFFFFFFF0, v8  }
0x74b: {  	v3 =	vor.u32 v3, v4  }
0x74c: {  	v4 =	vperm.xlane v3, v0;
	_ =	sdelay $0x1  }
0x74d: {  	v3 =	vperm.xlane v3, v2;
	v4 =	vadd.s32 v1, v4;
	_ =	sdelay $0x1  }
0x74e: {  	v3 =	vadd.s32 v1, v3;
	_ =	sdelay $0x2  }
0x74f: {  	[tilespmem:s7], [sflag:$0x1] =	stream.indirect_vreg.gather [hbm4b:s1+s3], $0x80, v4, vm0, $0xb8;
	[tilespmem:$0x19000] =	vst v63  }
0x750: {  	_ = 	snop  }
0x751: {  	[tilespmem:s4], [sflag:$0x1] =	stream.indirect_vreg.gather [hbm4b:s1+s3], $0x80, v3, vm0, $0xb8;
	[tilespmem:$0x19000] =	vst v63  }
0x752: {  	v3 =	vld [tilespmem:$0x910];
	_ =	sdelay $0x4  }
0x753: {  	v9 =	vshll.u32 v3, $0x1  }
0x754: {  	v3 =	vand.u32 $0x7, v3;
	v4 =	vand.u32 $0xFFFFFFF0, v9  }
0x755: {  	v3 =	vor.u32 v3, v4  }
0x756: {  	v4 =	vperm.xlane v3, v0;
	_ =	sdelay $0x1  }
0x757: {  	v3 =	vperm.xlane v3, v2;
	v4 =	vadd.s32 v1, v4;
	_ =	sdelay $0x1  }
0x758: {  	v3 =	vadd.s32 v1, v3;
	_ =	sdelay $0x1  }
0x759: {  	s8 =	simm.s32 $0x2000  }
0x75a: {  	[tilespmem:s8], [sflag:$0x1] =	stream.indirect_vreg.gather [hbm4b:s1+s3], $0x80, v4, vm0, $0xb8;
	[tilespmem:$0x19000] =	vst v63  }
0x75b: {  	_ = 	snop  }
0x75c: {  	[tilespmem:s12], [sflag:$0x1] =	stream.indirect_vreg.gather [hbm4b:s1+s3], $0x80, v3, vm0, $0xb8;
	[tilespmem:$0x19000] =	vst v63  }
0x75d: {  	v3 =	vld [tilespmem:$0x920];
	_ =	sdelay $0x4  }
0x75e: {  	v10 =	vshll.u32 v3, $0x1  }
0x75f: {  	v3 =	vand.u32 $0x7, v3;
	v4 =	vand.u32 $0xFFFFFFF0, v10  }
0x760: {  	v3 =	vor.u32 v3, v4  }
0x761: {  	v4 =	vperm.xlane v3, v0;
	_ =	sdelay $0x1  }
0x762: {  	v3 =	vperm.xlane v3, v2;
	v4 =	vadd.s32 v1, v4;
	_ =	sdelay $0x1  }
0x763: {  	v3 =	vadd.s32 v1, v3;
	_ =	sdelay $0x1  }
0x764: {  	s9 =	simm.s32 $0x3000  }
0x765: {  	[tilespmem:s9], [sflag:$0x1] =	stream.indirect_vreg.gather [hbm4b:s1+s3], $0x80, v4, vm0, $0xb8;
	[tilespmem:$0x19000] =	vst v63  }
0x766: {  	_ = 	snop  }
0x767: {  	[tilespmem:s31], [sflag:$0x1] =	stream.indirect_vreg.gather [hbm4b:s1+s3], $0x80, v3, vm0, $0xb8;
	[tilespmem:$0x19000] =	vst v63  }
0x768: {  	v3 =	vld [tilespmem:$0x930];
	_ =	sdelay $0x4  }
0x769: {  	v11 =	vshll.u32 v3, $0x1  }
0x76a: {  	v3 =	vand.u32 $0x7, v3;
	v4 =	vand.u32 $0xFFFFFFF0, v11  }
0x76b: {  	v3 =	vor.u32 v3, v4  }
0x76c: {  	v4 =	vperm.xlane v3, v0;
	_ =	sdelay $0x1  }
0x76d: {  	v3 =	vperm.xlane v3, v2;
	v4 =	vadd.s32 v1, v4;
	_ =	sdelay $0x1  }
0x76e: {  	v3 =	vadd.s32 v1, v3;
	_ =	sdelay $0x1  }
0x76f: {  	s11 =	simm.s32 $0x4000  }
0x770: {  	[tilespmem:s11], [sflag:$0x1] =	stream.indirect_vreg.gather [hbm4b:s1+s3], $0x80, v4, vm0, $0xb8;
	[tilespmem:$0x19000] =	vst v63  }
0x771: {  	s12 =	simm.s32 $0x4800  }
0x772: {  	[tilespmem:s12], [sflag:$0x1] =	stream.indirect_vreg.gather [hbm4b:s1+s3], $0x80, v3, vm0, $0xb8;
	[tilespmem:$0x19000] =	vst v63  }
0x773: {  	_ =	swait.ge [sflag:s16], $0x4000  }
0x774: {  	s22 =	sld [smem:$0x7D5]  }
0x775: {  	[sflag:s16] =	ssyncset.done $0x0  }
0x776: {  	s23 =	simm.s32 $0x5000;
	[sflag:s16] =	ssyncadd.s32 $0xFFFFC000  }
0x777: {  	[hbm4b:s22+s3] =	stream.linear.scatter [tilespmem:s23], [sflag:$0x8], $0x4000, $0x38;
	[tilespmem:$0x19000] =	vst v63  }
0x778: {  	_ =	swait.ge [sflag:s17], $0x4000  }
0x779: {  	[sflag:s17] =	ssyncset.done $0x0  }
0x77a: {  	[sflag:s17] =	ssyncadd.s32 $0xFFFFC000  }
0x77b: {  	v3 =	vld [tilespmem:$0x940];
	_ =	sdelay $0x4  }
0x77c: {  	v12 =	vshll.u32 v3, $0x1  }
0x77d: {  	v3 =	vand.u32 $0x7, v3;
	v4 =	vand.u32 $0xFFFFFFF0, v12  }
0x77e: {  	v3 =	vor.u32 v3, v4  }
0x77f: {  	v4 =	vperm.xlane v3, v0;
	_ =	sdelay $0x1  }
0x780: {  	v3 =	vperm.xlane v3, v2;
	v4 =	vadd.s32 v1, v4;
	_ =	sdelay $0x1  }
0x781: {  	v3 =	vadd.s32 v1, v3;
	_ =	sdelay $0x2  }
0x782: {  	[tilespmem:s23], [sflag:$0x2] =	stream.indirect_vreg.gather [hbm4b:s1+s3], $0x80, v4, vm0, $0xb8;
	[tilespmem:$0x19000] =	vst v63  }
0x783: {  	s31 =	simm.s32 $0x5800  }
0x784: {  	[tilespmem:s31], [sflag:$0x2] =	stream.indirect_vreg.gather [hbm4b:s1+s3], $0x80, v3, vm0, $0xb8;
	[tilespmem:$0x19000] =	vst v63  }
0x785: {  	v3 =	vld [tilespmem:$0x950];
	_ =	sdelay $0x4  }
0x786: {  	v13 =	vshll.u32 v3, $0x1  }
0x787: {  	v3 =	vand.u32 $0x7, v3;
	v4 =	vand.u32 $0xFFFFFFF0, v13  }
0x788: {  	v3 =	vor.u32 v3, v4  }
0x789: {  	v4 =	vperm.xlane v3, v0;
	_ =	sdelay $0x1  }
0x78a: {  	v3 =	vperm.xlane v3, v2;
	v4 =	vadd.s32 v1, v4;
	_ =	sdelay $0x1  }
0x78b: {  	v3 =	vadd.s32 v1, v3;
	_ =	sdelay $0x1  }
0x78c: {  	s4 =	simm.s32 $0x6000  }
0x78d: {  	[tilespmem:s4], [sflag:$0x2] =	stream.indirect_vreg.gather [hbm4b:s1+s3], $0x80, v4, vm0, $0xb8;
	[tilespmem:$0x19000] =	vst v63  }
0x78e: {  	s22 =	simm.s32 $0x6800  }
0x78f: {  	[tilespmem:s22], [sflag:$0x2] =	stream.indirect_vreg.gather [hbm4b:s1+s3], $0x80, v3, vm0, $0xb8;
	[tilespmem:$0x19000] =	vst v63  }
0x790: {  	v3 =	vld [tilespmem:$0x960];
	_ =	sdelay $0x4  }
0x791: {  	v14 =	vshll.u32 v3, $0x1  }
0x792: {  	v3 =	vand.u32 $0x7, v3;
	v4 =	vand.u32 $0xFFFFFFF0, v14  }
0x793: {  	v3 =	vor.u32 v3, v4  }
0x794: {  	v4 =	vperm.xlane v3, v0;
	_ =	sdelay $0x1  }
0x795: {  	v3 =	vperm.xlane v3, v2;
	v4 =	vadd.s32 v1, v4;
	_ =	sdelay $0x1  }
0x796: {  	v3 =	vadd.s32 v1, v3;
	_ =	sdelay $0x1  }
0x797: {  	s6 =	simm.s32 $0x7000  }
0x798: {  	[tilespmem:s6], [sflag:$0x2] =	stream.indirect_vreg.gather [hbm4b:s1+s3], $0x80, v4, vm0, $0xb8;
	[tilespmem:$0x19000] =	vst v63  }
0x799: {  	_ = 	snop  }
0x79a: {  	[tilespmem:s30], [sflag:$0x2] =	stream.indirect_vreg.gather [hbm4b:s1+s3], $0x80, v3, vm0, $0xb8;
	[tilespmem:$0x19000] =	vst v63  }
0x79b: {  	v3 =	vld [tilespmem:$0x970];
	_ =	sdelay $0x4  }
0x79c: {  	v15 =	vshll.u32 v3, $0x1  }
0x79d: {  	v3 =	vand.u32 $0x7, v3;
	v4 =	vand.u32 $0xFFFFFFF0, v15  }
0x79e: {  	v3 =	vor.u32 v3, v4  }
0x79f: {  	v4 =	vperm.xlane v3, v0;
	_ =	sdelay $0x1  }
0x7a0: {  	v3 =	vperm.xlane v3, v2;
	v4 =	vadd.s32 v1, v4;
	_ =	sdelay $0x1  }
0x7a1: {  	v3 =	vadd.s32 v1, v3;
	_ =	sdelay $0x1  }
0x7a2: {  	s8 =	simm.s32 $0x8000  }
0x7a3: {  	[tilespmem:s8], [sflag:$0x2] =	stream.indirect_vreg.gather [hbm4b:s1+s3], $0x80, v4, vm0, $0xb8;
	[tilespmem:$0x19000] =	vst v63  }
0x7a4: {  	s9 =	simm.s32 $0x8800  }
0x7a5: {  	[tilespmem:s9], [sflag:$0x2] =	stream.indirect_vreg.gather [hbm4b:s1+s3], $0x80, v3, vm0, $0xb8;
	[tilespmem:$0x19000] =	vst v63  }
0x7a6: {  	_ =	swait.ge [sflag:s18], $0x4000  }
0x7a7: {  	s12 =	sld [smem:$0x7D6]  }
0x7a8: {  	[sflag:s18] =	ssyncset.done $0x0  }
0x7a9: {  	s30 =	simm.s32 $0x9000;
	[sflag:s18] =	ssyncadd.s32 $0xFFFFC000  }
0x7aa: {  	[hbm4b:s12+s3] =	stream.linear.scatter [tilespmem:s30], [sflag:$0x9], $0x4000, $0x38;
	[tilespmem:$0x19000] =	vst v63  }
0x7ab: {  	_ =	swait.ge [sflag:s19], $0x4000  }
0x7ac: {  	[sflag:s19] =	ssyncset.done $0x0  }
0x7ad: {  	[sflag:s19] =	ssyncadd.s32 $0xFFFFC000  }
0x7ae: {  	v3 =	vld [tilespmem:$0x980];
	_ =	sdelay $0x4  }
0x7af: {  	v16 =	vshll.u32 v3, $0x1  }
0x7b0: {  	v3 =	vand.u32 $0x7, v3;
	v4 =	vand.u32 $0xFFFFFFF0, v16  }
0x7b1: {  	v3 =	vor.u32 v3, v4  }
0x7b2: {  	v4 =	vperm.xlane v3, v0;
	_ =	sdelay $0x1  }
0x7b3: {  	v3 =	vperm.xlane v3, v2;
	v4 =	vadd.s32 v1, v4;
	_ =	sdelay $0x1  }
0x7b4: {  	v3 =	vadd.s32 v1, v3;
	_ =	sdelay $0x2  }
0x7b5: {  	[tilespmem:s30], [sflag:$0x3] =	stream.indirect_vreg.gather [hbm4b:s1+s3], $0x80, v4, vm0, $0xb8;
	[tilespmem:$0x19000] =	vst v63  }
0x7b6: {  	s31 =	simm.s32 $0x9800  }
0x7b7: {  	[tilespmem:s31], [sflag:$0x3] =	stream.indirect_vreg.gather [hbm4b:s1+s3], $0x80, v3, vm0, $0xb8;
	[tilespmem:$0x19000] =	vst v63  }
0x7b8: {  	v3 =	vld [tilespmem:$0x990];
	_ =	sdelay $0x4  }
0x7b9: {  	v17 =	vshll.u32 v3, $0x1  }
0x7ba: {  	v3 =	vand.u32 $0x7, v3;
	v4 =	vand.u32 $0xFFFFFFF0, v17  }
0x7bb: {  	v3 =	vor.u32 v3, v4  }
0x7bc: {  	v4 =	vperm.xlane v3, v0;
	_ =	sdelay $0x1  }
0x7bd: {  	v3 =	vperm.xlane v3, v2;
	v4 =	vadd.s32 v1, v4;
	_ =	sdelay $0x1  }
0x7be: {  	v3 =	vadd.s32 v1, v3;
	_ =	sdelay $0x1  }
0x7bf: {  	s4 =	simm.s32 $0xA000  }
0x7c0: {  	[tilespmem:s4], [sflag:$0x3] =	stream.indirect_vreg.gather [hbm4b:s1+s3], $0x80, v4, vm0, $0xb8;
	[tilespmem:$0x19000] =	vst v63  }
0x7c1: {  	s4 =	simm.s32 $0xA800  }
0x7c2: {  	[tilespmem:s4], [sflag:$0x3] =	stream.indirect_vreg.gather [hbm4b:s1+s3], $0x80, v3, vm0, $0xb8;
	[tilespmem:$0x19000] =	vst v63  }
0x7c3: {  	v3 =	vld [tilespmem:$0x9A0];
	_ =	sdelay $0x4  }
0x7c4: {  	v18 =	vshll.u32 v3, $0x1  }
0x7c5: {  	v3 =	vand.u32 $0x7, v3;
	v4 =	vand.u32 $0xFFFFFFF0, v18  }
0x7c6: {  	v3 =	vor.u32 v3, v4  }
0x7c7: {  	v4 =	vperm.xlane v3, v0;
	_ =	sdelay $0x1  }
0x7c8: {  	v3 =	vperm.xlane v3, v2;
	v4 =	vadd.s32 v1, v4;
	_ =	sdelay $0x1  }
0x7c9: {  	v3 =	vadd.s32 v1, v3;
	_ =	sdelay $0x1  }
0x7ca: {  	s6 =	simm.s32 $0xB000  }
0x7cb: {  	[tilespmem:s6], [sflag:$0x3] =	stream.indirect_vreg.gather [hbm4b:s1+s3], $0x80, v4, vm0, $0xb8;
	[tilespmem:$0x19000] =	vst v63  }
0x7cc: {  	s8 =	simm.s32 $0xB800  }
0x7cd: {  	[tilespmem:s8], [sflag:$0x3] =	stream.indirect_vreg.gather [hbm4b:s1+s3], $0x80, v3, vm0, $0xb8;
	[tilespmem:$0x19000] =	vst v63  }
0x7ce: {  	v3 =	vld [tilespmem:$0x9B0];
	_ =	sdelay $0x4  }
0x7cf: {  	v19 =	vshll.u32 v3, $0x1  }
0x7d0: {  	v3 =	vand.u32 $0x7, v3;
	v4 =	vand.u32 $0xFFFFFFF0, v19  }
0x7d1: {  	v3 =	vor.u32 v3, v4  }
0x7d2: {  	v4 =	vperm.xlane v3, v0;
	_ =	sdelay $0x1  }
0x7d3: {  	v3 =	vperm.xlane v3, v2;
	v4 =	vadd.s32 v1, v4;
	_ =	sdelay $0x1  }
0x7d4: {  	v3 =	vadd.s32 v1, v3;
	_ =	sdelay $0x1  }
0x7d5: {  	s8 =	simm.s32 $0xC000  }
0x7d6: {  	[tilespmem:s8], [sflag:$0x3] =	stream.indirect_vreg.gather [hbm4b:s1+s3], $0x80, v4, vm0, $0xb8;
	[tilespmem:$0x19000] =	vst v63  }
0x7d7: {  	s6 =	simm.s32 $0xC800  }
0x7d8: {  	[tilespmem:s6], [sflag:$0x3] =	stream.indirect_vreg.gather [hbm4b:s1+s3], $0x80, v3, vm0, $0xb8;
	[tilespmem:$0x19000] =	vst v63  }
0x7d9: {  	_ =	swait.ge [sflag:s20], $0x4000  }
0x7da: {  	s9 =	sld [smem:$0x7D8]  }
0x7db: {  	[sflag:s20] =	ssyncset.done $0x0  }
0x7dc: {  	s12 =	simm.s32 $0xD000;
	[sflag:s20] =	ssyncadd.s32 $0xFFFFC000  }
0x7dd: {  	[hbm4b:s9+s3] =	stream.linear.scatter [tilespmem:s12], [sflag:$0xA], $0x4000, $0x38;
	[tilespmem:$0x19000] =	vst v63  }
0x7de: {  	_ =	swait.ge [sflag:s21], $0x4000  }
0x7df: {  	[sflag:s21] =	ssyncset.done $0x0  }
0x7e0: {  	[sflag:s21] =	ssyncadd.s32 $0xFFFFC000  }
0x7e1: {  	v3 =	vld [tilespmem:$0x9C0];
	_ =	sdelay $0x4  }
0x7e2: {  	v20 =	vshll.u32 v3, $0x1  }
0x7e3: {  	v3 =	vand.u32 $0x7, v3;
	v4 =	vand.u32 $0xFFFFFFF0, v20  }
0x7e4: {  	v3 =	vor.u32 v3, v4  }
0x7e5: {  	v4 =	vperm.xlane v3, v0;
	_ =	sdelay $0x1  }
0x7e6: {  	v3 =	vperm.xlane v3, v2;
	v4 =	vadd.s32 v1, v4;
	_ =	sdelay $0x1  }
0x7e7: {  	v3 =	vadd.s32 v1, v3;
	_ =	sdelay $0x2  }
0x7e8: {  	[tilespmem:s12], [sflag:$0x4] =	stream.indirect_vreg.gather [hbm4b:s1+s3], $0x80, v4, vm0, $0xb8;
	[tilespmem:$0x19000] =	vst v63  }
0x7e9: {  	s30 =	simm.s32 $0xD800  }
0x7ea: {  	[tilespmem:s30], [sflag:$0x4] =	stream.indirect_vreg.gather [hbm4b:s1+s3], $0x80, v3, vm0, $0xb8;
	[tilespmem:$0x19000] =	vst v63  }
0x7eb: {  	v3 =	vld [tilespmem:$0x9D0];
	_ =	sdelay $0x4  }
0x7ec: {  	v21 =	vshll.u32 v3, $0x1  }
0x7ed: {  	v3 =	vand.u32 $0x7, v3;
	v4 =	vand.u32 $0xFFFFFFF0, v21  }
0x7ee: {  	v3 =	vor.u32 v3, v4  }
0x7ef: {  	v4 =	vperm.xlane v3, v0;
	_ =	sdelay $0x1  }
0x7f0: {  	v3 =	vperm.xlane v3, v2;
	v4 =	vadd.s32 v1, v4;
	_ =	sdelay $0x1  }
0x7f1: {  	v3 =	vadd.s32 v1, v3;
	_ =	sdelay $0x1  }
0x7f2: {  	s31 =	simm.s32 $0xE000  }
0x7f3: {  	[tilespmem:s31], [sflag:$0x4] =	stream.indirect_vreg.gather [hbm4b:s1+s3], $0x80, v4, vm0, $0xb8;
	[tilespmem:$0x19000] =	vst v63  }
0x7f4: {  	s12 =	simm.s32 $0xE800  }
0x7f5: {  	[tilespmem:s12], [sflag:$0x4] =	stream.indirect_vreg.gather [hbm4b:s1+s3], $0x80, v3, vm0, $0xb8;
	[tilespmem:$0x19000] =	vst v63  }
0x7f6: {  	v3 =	vld [tilespmem:$0x9E0];
	_ =	sdelay $0x4  }
0x7f7: {  	v22 =	vshll.u32 v3, $0x1  }
0x7f8: {  	v3 =	vand.u32 $0x7, v3;
	v4 =	vand.u32 $0xFFFFFFF0, v22  }
0x7f9: {  	v3 =	vor.u32 v3, v4  }
0x7fa: {  	v4 =	vperm.xlane v3, v0;
	_ =	sdelay $0x1  }
0x7fb: {  	v3 =	vperm.xlane v3, v2;
	v4 =	vadd.s32 v1, v4;
	_ =	sdelay $0x1  }
0x7fc: {  	v3 =	vadd.s32 v1, v3;
	_ =	sdelay $0x1  }
0x7fd: {  	s28 =	simm.s32 $0xF000  }
0x7fe: {  	[tilespmem:s28], [sflag:$0x4] =	stream.indirect_vreg.gather [hbm4b:s1+s3], $0x80, v4, vm0, $0xb8;
	[tilespmem:$0x19000] =	vst v63  }
0x7ff: {  	s5 =	simm.s32 $0xF800  }
0x800: {  	[tilespmem:s5], [sflag:$0x4] =	stream.indirect_vreg.gather [hbm4b:s1+s3], $0x80, v3, vm0, $0xb8;
	[tilespmem:$0x19000] =	vst v63  }
0x801: {  	v3 =	vld [tilespmem:$0x9F0];
	_ =	sdelay $0x4  }
0x802: {  	v23 =	vshll.u32 v3, $0x1  }
0x803: {  	v3 =	vand.u32 $0x7, v3;
	v4 =	vand.u32 $0xFFFFFFF0, v23  }
0x804: {  	v3 =	vor.u32 v3, v4  }
0x805: {  	v4 =	vperm.xlane v3, v0;
	_ =	sdelay $0x1  }
0x806: {  	v3 =	vperm.xlane v3, v2;
	v4 =	vadd.s32 v1, v4;
	_ =	sdelay $0x1  }
0x807: {  	v3 =	vadd.s32 v1, v3;
	_ =	sdelay $0x1  }
0x808: {  	s30 =	simm.s32 $0x10000  }
0x809: {  	[tilespmem:s30], [sflag:$0x4] =	stream.indirect_vreg.gather [hbm4b:s1+s3], $0x80, v4, vm0, $0xb8;
	[tilespmem:$0x19000] =	vst v63  }
0x80a: {  	s31 =	simm.s32 $0x10800  }
0x80b: {  	[tilespmem:s31], [sflag:$0x4] =	stream.indirect_vreg.gather [hbm4b:s1+s3], $0x80, v3, vm0, $0xb8;
	[tilespmem:$0x19000] =	vst v63  }
0x80c: {  	_ =	swait.ge [sflag:s14], $0x4000  }
0x80d: {  	s0 =	sld [smem:$0x7DA]  }
0x80e: {  	[sflag:s14] =	ssyncset.done $0x0  }
0x80f: {  	s5 =	simm.s32 $0x11000;
	[sflag:s14] =	ssyncadd.s32 $0xFFFFC000  }
0x810: {  	[hbm4b:s0+s3] =	stream.linear.scatter [tilespmem:s5], [sflag:$0xB], $0x4000, $0x38;
	[tilespmem:$0x19000] =	vst v63  }
0x811: {  	_ =	swait.ge [sflag:s24], $0x4000  }
0x812: {  	[sflag:s24] =	ssyncset.done $0x0  }
0x813: {  	[sflag:s24] =	ssyncadd.s32 $0xFFFFC000  }
0x814: {  	v3 =	vld [tilespmem:$0xA00];
	_ =	sdelay $0x4  }
0x815: {  	v24 =	vshll.u32 v3, $0x1  }
0x816: {  	v3 =	vand.u32 $0x7, v3;
	v4 =	vand.u32 $0xFFFFFFF0, v24  }
0x817: {  	v3 =	vor.u32 v3, v4  }
0x818: {  	v4 =	vperm.xlane v3, v0;
	_ =	sdelay $0x1  }
0x819: {  	v3 =	vperm.xlane v3, v2;
	v4 =	vadd.s32 v1, v4;
	_ =	sdelay $0x1  }
0x81a: {  	v3 =	vadd.s32 v1, v3;
	_ =	sdelay $0x2  }
0x81b: {  	[tilespmem:s5], [sflag:$0x5] =	stream.indirect_vreg.gather [hbm4b:s1+s3], $0x80, v4, vm0, $0xb8;
	[tilespmem:$0x19000] =	vst v63  }
0x81c: {  	s12 =	simm.s32 $0x11800  }
0x81d: {  	[tilespmem:s12], [sflag:$0x5] =	stream.indirect_vreg.gather [hbm4b:s1+s3], $0x80, v3, vm0, $0xb8;
	[tilespmem:$0x19000] =	vst v63  }
0x81e: {  	v3 =	vld [tilespmem:$0xA10];
	_ =	sdelay $0x4  }
0x81f: {  	v25 =	vshll.u32 v3, $0x1  }
0x820: {  	v3 =	vand.u32 $0x7, v3;
	v4 =	vand.u32 $0xFFFFFFF0, v25  }
0x821: {  	v3 =	vor.u32 v3, v4  }
0x822: {  	v4 =	vperm.xlane v3, v0;
	_ =	sdelay $0x1  }
0x823: {  	v3 =	vperm.xlane v3, v2;
	v4 =	vadd.s32 v1, v4;
	_ =	sdelay $0x1  }
0x824: {  	v3 =	vadd.s32 v1, v3;
	_ =	sdelay $0x1  }
0x825: {  	s28 =	simm.s32 $0x12000  }
0x826: {  	[tilespmem:s28], [sflag:$0x5] =	stream.indirect_vreg.gather [hbm4b:s1+s3], $0x80, v4, vm0, $0xb8;
	[tilespmem:$0x19000] =	vst v63  }
0x827: {  	s0 =	simm.s32 $0x12800  }
0x828: {  	[tilespmem:s0], [sflag:$0x5] =	stream.indirect_vreg.gather [hbm4b:s1+s3], $0x80, v3, vm0, $0xb8;
	[tilespmem:$0x19000] =	vst v63  }
0x829: {  	v3 =	vld [tilespmem:$0xA20];
	_ =	sdelay $0x4  }
0x82a: {  	v26 =	vshll.u32 v3, $0x1  }
0x82b: {  	v3 =	vand.u32 $0x7, v3;
	v4 =	vand.u32 $0xFFFFFFF0, v26  }
0x82c: {  	v3 =	vor.u32 v3, v4  }
0x82d: {  	v4 =	vperm.xlane v3, v0;
	_ =	sdelay $0x1  }
0x82e: {  	v3 =	vperm.xlane v3, v2;
	v4 =	vadd.s32 v1, v4;
	_ =	sdelay $0x1  }
0x82f: {  	v3 =	vadd.s32 v1, v3;
	_ =	sdelay $0x1  }
0x830: {  	s29 =	simm.s32 $0x13000  }
0x831: {  	[tilespmem:s29], [sflag:$0x5] =	stream.indirect_vreg.gather [hbm4b:s1+s3], $0x80, v4, vm0, $0xb8;
	[tilespmem:$0x19000] =	vst v63  }
0x832: {  	s5 =	simm.s32 $0x13800  }
0x833: {  	[tilespmem:s5], [sflag:$0x5] =	stream.indirect_vreg.gather [hbm4b:s1+s3], $0x80, v3, vm0, $0xb8;
	[tilespmem:$0x19000] =	vst v63  }
0x834: {  	v3 =	vld [tilespmem:$0xA30];
	_ =	sdelay $0x4  }
0x835: {  	v27 =	vshll.u32 v3, $0x1  }
0x836: {  	v3 =	vand.u32 $0x7, v3;
	v4 =	vand.u32 $0xFFFFFFF0, v27  }
0x837: {  	v3 =	vor.u32 v3, v4  }
0x838: {  	v4 =	vperm.xlane v3, v0;
	_ =	sdelay $0x1  }
0x839: {  	v3 =	vperm.xlane v3, v2;
	v4 =	vadd.s32 v1, v4;
	_ =	sdelay $0x1  }
0x83a: {  	v3 =	vadd.s32 v1, v3;
	_ =	sdelay $0x1  }
0x83b: {  	s29 =	simm.s32 $0x14000  }
0x83c: {  	[tilespmem:s29], [sflag:$0x5] =	stream.indirect_vreg.gather [hbm4b:s1+s3], $0x80, v4, vm0, $0xb8;
	[tilespmem:$0x19000] =	vst v63  }
0x83d: {  	s30 =	simm.s32 $0x14800  }
0x83e: {  	[tilespmem:s30], [sflag:$0x5] =	stream.indirect_vreg.gather [hbm4b:s1+s3], $0x80, v3, vm0, $0xb8;
	[tilespmem:$0x19000] =	vst v63  }
0x83f: {  	_ =	swait.ge [sflag:s25], $0x4000  }
0x840: {  	s31 =	sld [smem:$0x7DC]  }
0x841: {  	[sflag:s25] =	ssyncset.done $0x0  }
0x842: {  	s2 =	simm.s32 $0x15000;
	[sflag:s25] =	ssyncadd.s32 $0xFFFFC000  }
0x843: {  	[hbm4b:s31+s3] =	stream.linear.scatter [tilespmem:s2], [sflag:$0xC], $0x4000, $0x38;
	[tilespmem:$0x19000] =	vst v63  }
0x844: {  	_ =	swait.ge [sflag:s26], $0x4000  }
0x845: {  	[sflag:s26] =	ssyncset.done $0x0  }
0x846: {  	[sflag:s26] =	ssyncadd.s32 $0xFFFFC000  }
0x847: {  	v3 =	vld [tilespmem:$0xA40];
	_ =	sdelay $0x4  }
0x848: {  	v28 =	vshll.u32 v3, $0x1  }
0x849: {  	v3 =	vand.u32 $0x7, v3;
	v4 =	vand.u32 $0xFFFFFFF0, v28  }
0x84a: {  	v3 =	vor.u32 v3, v4  }
0x84b: {  	v4 =	vperm.xlane v3, v0;
	_ =	sdelay $0x1  }
0x84c: {  	v3 =	vperm.xlane v3, v2;
	v4 =	vadd.s32 v1, v4;
	_ =	sdelay $0x1  }
0x84d: {  	v3 =	vadd.s32 v1, v3;
	_ =	sdelay $0x2  }
0x84e: {  	[tilespmem:s2], [sflag:$0x6] =	stream.indirect_vreg.gather [hbm4b:s1+s3], $0x80, v4, vm0, $0xb8;
	[tilespmem:$0x19000] =	vst v63  }
0x84f: {  	_ = 	snop  }
0x850: {  	[tilespmem:s10], [sflag:$0x6] =	stream.indirect_vreg.gather [hbm4b:s1+s3], $0x80, v3, vm0, $0xb8;
	[tilespmem:$0x19000] =	vst v63  }
0x851: {  	v3 =	vld [tilespmem:$0xA50];
	_ =	sdelay $0x4  }
0x852: {  	v29 =	vshll.u32 v3, $0x1  }
0x853: {  	v3 =	vand.u32 $0x7, v3;
	v4 =	vand.u32 $0xFFFFFFF0, v29  }
0x854: {  	v3 =	vor.u32 v3, v4  }
0x855: {  	v4 =	vperm.xlane v3, v0;
	_ =	sdelay $0x1  }
0x856: {  	v3 =	vperm.xlane v3, v2;
	v4 =	vadd.s32 v1, v4;
	_ =	sdelay $0x1  }
0x857: {  	v3 =	vadd.s32 v1, v3;
	_ =	sdelay $0x1  }
0x858: {  	s29 =	simm.s32 $0x16000  }
0x859: {  	[tilespmem:s29], [sflag:$0x6] =	stream.indirect_vreg.gather [hbm4b:s1+s3], $0x80, v4, vm0, $0xb8;
	[tilespmem:$0x19000] =	vst v63  }
0x85a: {  	s12 =	simm.s32 $0x16800  }
0x85b: {  	[tilespmem:s12], [sflag:$0x6] =	stream.indirect_vreg.gather [hbm4b:s1+s3], $0x80, v3, vm0, $0xb8;
	[tilespmem:$0x19000] =	vst v63  }
0x85c: {  	v3 =	vld [tilespmem:$0xA60];
	_ =	sdelay $0x4  }
0x85d: {  	v30 =	vshll.u32 v3, $0x1  }
0x85e: {  	v3 =	vand.u32 $0x7, v3;
	v4 =	vand.u32 $0xFFFFFFF0, v30  }
0x85f: {  	v3 =	vor.u32 v3, v4  }
0x860: {  	v4 =	vperm.xlane v3, v0;
	_ =	sdelay $0x1  }
0x861: {  	v3 =	vperm.xlane v3, v2;
	v4 =	vadd.s32 v1, v4;
	_ =	sdelay $0x1  }
0x862: {  	v3 =	vadd.s32 v1, v3;
	_ =	sdelay $0x1  }
0x863: {  	s30 =	simm.s32 $0x17000  }
0x864: {  	[tilespmem:s30], [sflag:$0x6] =	stream.indirect_vreg.gather [hbm4b:s1+s3], $0x80, v4, vm0, $0xb8;
	[tilespmem:$0x19000] =	vst v63  }
0x865: {  	s10 =	simm.s32 $0x17800  }
0x866: {  	[tilespmem:s10], [sflag:$0x6] =	stream.indirect_vreg.gather [hbm4b:s1+s3], $0x80, v3, vm0, $0xb8;
	[tilespmem:$0x19000] =	vst v63  }
0x867: {  	v3 =	vld [tilespmem:$0xA70];
	_ =	sdelay $0x4  }
0x868: {  	v31 =	vshll.u32 v3, $0x1  }
0x869: {  	v3 =	vand.u32 $0x7, v3;
	v4 =	vand.u32 $0xFFFFFFF0, v31  }
0x86a: {  	v3 =	vor.u32 v3, v4  }
0x86b: {  	v4 =	vperm.xlane v3, v0;
	_ =	sdelay $0x1  }
0x86c: {  	v3 =	vperm.xlane v3, v2;
	v4 =	vadd.s32 v1, v4;
	_ =	sdelay $0x1  }
0x86d: {  	v3 =	vadd.s32 v1, v3;
	_ =	sdelay $0x1  }
0x86e: {  	s31 =	simm.s32 $0x18000  }
0x86f: {  	[tilespmem:s31], [sflag:$0x6] =	stream.indirect_vreg.gather [hbm4b:s1+s3], $0x80, v4, vm0, $0xb8;
	[tilespmem:$0x19000] =	vst v63  }
0x870: {  	s28 =	simm.s32 $0x18800  }
0x871: {  	[tilespmem:s28], [sflag:$0x6] =	stream.indirect_vreg.gather [hbm4b:s1+s3], $0x80, v3, vm0, $0xb8;
	[tilespmem:$0x19000] =	vst v63  }
0x872: {  	_ =	swait.ge [sflag:s13], $0x4000  }
0x873: {  	s2 =	sld [smem:$0x7DE]  }
0x874: {  	[sflag:s13] =	ssyncset.done $0x0  }
0x875: {  	s7 =	simm.s32 $0x1000;
	[sflag:s13] =	ssyncadd.s32 $0xFFFFC000  }
0x876: {  	[hbm4b:s2+s3] =	stream.linear.scatter [tilespmem:s7], [sflag:$0x7], $0x4000, $0x38;
	[tilespmem:$0x19000] =	vst v63  }
0x877: {  	_ =	swait.ge [sflag:s15], $0x4000  }
0x878: {  	[sflag:s15] =	ssyncset.done $0x0  }
0x879: {  	[sflag:s15] =	ssyncadd.s32 $0xFFFFC000  }
0x87a: {  	v3 =	vld [tilespmem:$0xA80];
	_ =	sdelay $0x4  }
0x87b: {  	v32 =	vshll.u32 v3, $0x1  }
0x87c: {  	v3 =	vand.u32 $0x7, v3;
	v4 =	vand.u32 $0xFFFFFFF0, v32  }
0x87d: {  	v3 =	vor.u32 v3, v4  }
0x87e: {  	v4 =	vperm.xlane v3, v0;
	_ =	sdelay $0x1  }
0x87f: {  	v3 =	vperm.xlane v3, v2;
	v4 =	vadd.s32 v1, v4;
	_ =	sdelay $0x1  }
0x880: {  	v3 =	vadd.s32 v1, v3;
	_ =	sdelay $0x2  }
0x881: {  	[tilespmem:s7], [sflag:$0x1] =	stream.indirect_vreg.gather [hbm4b:s1+s3], $0x80, v4, vm0, $0xb8;
	[tilespmem:$0x19000] =	vst v63  }
0x882: {  	s7 =	simm.s32 $0x1800  }
0x883: {  	[tilespmem:s7], [sflag:$0x1] =	stream.indirect_vreg.gather [hbm4b:s1+s3], $0x80, v3, vm0, $0xb8;
	[tilespmem:$0x19000] =	vst v63  }
0x884: {  	v3 =	vld [tilespmem:$0xA90];
	_ =	sdelay $0x4  }
0x885: {  	v33 =	vshll.u32 v3, $0x1  }
0x886: {  	v3 =	vand.u32 $0x7, v3;
	v4 =	vand.u32 $0xFFFFFFF0, v33  }
0x887: {  	v3 =	vor.u32 v3, v4  }
0x888: {  	v4 =	vperm.xlane v3, v0;
	_ =	sdelay $0x1  }
0x889: {  	v3 =	vperm.xlane v3, v2;
	v4 =	vadd.s32 v1, v4;
	_ =	sdelay $0x1  }
0x88a: {  	v3 =	vadd.s32 v1, v3;
	_ =	sdelay $0x1  }
0x88b: {  	s10 =	simm.s32 $0x2000  }
0x88c: {  	[tilespmem:s10], [sflag:$0x1] =	stream.indirect_vreg.gather [hbm4b:s1+s3], $0x80, v4, vm0, $0xb8;
	[tilespmem:$0x19000] =	vst v63  }
0x88d: {  	s2 =	simm.s32 $0x2800  }
0x88e: {  	[tilespmem:s2], [sflag:$0x1] =	stream.indirect_vreg.gather [hbm4b:s1+s3], $0x80, v3, vm0, $0xb8;
	[tilespmem:$0x19000] =	vst v63  }
0x88f: {  	v3 =	vld [tilespmem:$0xAA0];
	_ =	sdelay $0x4  }
0x890: {  	v34 =	vshll.u32 v3, $0x1  }
0x891: {  	v3 =	vand.u32 $0x7, v3;
	v4 =	vand.u32 $0xFFFFFFF0, v34  }
0x892: {  	v3 =	vor.u32 v3, v4  }
0x893: {  	v4 =	vperm.xlane v3, v0;
	_ =	sdelay $0x1  }
0x894: {  	v3 =	vperm.xlane v3, v2;
	v4 =	vadd.s32 v1, v4;
	_ =	sdelay $0x1  }
0x895: {  	v3 =	vadd.s32 v1, v3;
	_ =	sdelay $0x1  }
0x896: {  	s28 =	simm.s32 $0x3000  }
0x897: {  	[tilespmem:s28], [sflag:$0x1] =	stream.indirect_vreg.gather [hbm4b:s1+s3], $0x80, v4, vm0, $0xb8;
	[tilespmem:$0x19000] =	vst v63  }
0x898: {  	s7 =	simm.s32 $0x3800  }
0x899: {  	[tilespmem:s7], [sflag:$0x1] =	stream.indirect_vreg.gather [hbm4b:s1+s3], $0x80, v3, vm0, $0xb8;
	[tilespmem:$0x19000] =	vst v63  }
0x89a: {  	v3 =	vld [tilespmem:$0xAB0];
	_ =	sdelay $0x4  }
0x89b: {  	v35 =	vshll.u32 v3, $0x1  }
0x89c: {  	v3 =	vand.u32 $0x7, v3;
	v4 =	vand.u32 $0xFFFFFFF0, v35  }
0x89d: {  	v3 =	vor.u32 v3, v4  }
0x89e: {  	v4 =	vperm.xlane v3, v0;
	_ =	sdelay $0x1  }
0x89f: {  	v3 =	vperm.xlane v3, v2;
	v4 =	vadd.s32 v1, v4;
	_ =	sdelay $0x1  }
0x8a0: {  	v3 =	vadd.s32 v1, v3;
	_ =	sdelay $0x1  }
0x8a1: {  	s11 =	simm.s32 $0x4000  }
0x8a2: {  	[tilespmem:s11], [sflag:$0x1] =	stream.indirect_vreg.gather [hbm4b:s1+s3], $0x80, v4, vm0, $0xb8;
	[tilespmem:$0x19000] =	vst v63  }
0x8a3: {  	s11 =	simm.s32 $0x4800  }
0x8a4: {  	[tilespmem:s11], [sflag:$0x1] =	stream.indirect_vreg.gather [hbm4b:s1+s3], $0x80, v3, vm0, $0xb8;
	[tilespmem:$0x19000] =	vst v63  }
0x8a5: {  	_ =	swait.ge [sflag:s16], $0x4000  }
0x8a6: {  	s10 =	sld [smem:$0x7E0]  }
0x8a7: {  	[sflag:s16] =	ssyncset.done $0x0  }
0x8a8: {  	s23 =	simm.s32 $0x5000;
	[sflag:s16] =	ssyncadd.s32 $0xFFFFC000  }
0x8a9: {  	[hbm4b:s10+s3] =	stream.linear.scatter [tilespmem:s23], [sflag:$0x8], $0x4000, $0x38;
	[tilespmem:$0x19000] =	vst v63  }
0x8aa: {  	_ =	swait.ge [sflag:s17], $0x4000  }
0x8ab: {  	[sflag:s17] =	ssyncset.done $0x0  }
0x8ac: {  	[sflag:s17] =	ssyncadd.s32 $0xFFFFC000  }
0x8ad: {  	v3 =	vld [tilespmem:$0xAC0];
	_ =	sdelay $0x4  }
0x8ae: {  	v36 =	vshll.u32 v3, $0x1  }
0x8af: {  	v3 =	vand.u32 $0x7, v3;
	v4 =	vand.u32 $0xFFFFFFF0, v36  }
0x8b0: {  	v3 =	vor.u32 v3, v4  }
0x8b1: {  	v4 =	vperm.xlane v3, v0;
	_ =	sdelay $0x1  }
0x8b2: {  	v3 =	vperm.xlane v3, v2;
	v4 =	vadd.s32 v1, v4;
	_ =	sdelay $0x1  }
0x8b3: {  	v3 =	vadd.s32 v1, v3;
	_ =	sdelay $0x2  }
0x8b4: {  	[tilespmem:s23], [sflag:$0x2] =	stream.indirect_vreg.gather [hbm4b:s1+s3], $0x80, v4, vm0, $0xb8;
	[tilespmem:$0x19000] =	vst v63  }
0x8b5: {  	s23 =	simm.s32 $0x5800  }
0x8b6: {  	[tilespmem:s23], [sflag:$0x2] =	stream.indirect_vreg.gather [hbm4b:s1+s3], $0x80, v3, vm0, $0xb8;
	[tilespmem:$0x19000] =	vst v63  }
0x8b7: {  	v3 =	vld [tilespmem:$0xAD0];
	_ =	sdelay $0x4  }
0x8b8: {  	v37 =	vshll.u32 v3, $0x1  }
0x8b9: {  	v3 =	vand.u32 $0x7, v3;
	v4 =	vand.u32 $0xFFFFFFF0, v37  }
0x8ba: {  	v3 =	vor.u32 v3, v4  }
0x8bb: {  	v4 =	vperm.xlane v3, v0;
	_ =	sdelay $0x1  }
0x8bc: {  	v3 =	vperm.xlane v3, v2;
	v4 =	vadd.s32 v1, v4;
	_ =	sdelay $0x1  }
0x8bd: {  	v3 =	vadd.s32 v1, v3;
	_ =	sdelay $0x1  }
0x8be: {  	s28 =	simm.s32 $0x6000  }
0x8bf: {  	[tilespmem:s28], [sflag:$0x2] =	stream.indirect_vreg.gather [hbm4b:s1+s3], $0x80, v4, vm0, $0xb8;
	[tilespmem:$0x19000] =	vst v63  }
0x8c0: {  	_ = 	snop  }
0x8c1: {  	[tilespmem:s22], [sflag:$0x2] =	stream.indirect_vreg.gather [hbm4b:s1+s3], $0x80, v3, vm0, $0xb8;
	[tilespmem:$0x19000] =	vst v63  }
0x8c2: {  	v3 =	vld [tilespmem:$0xAE0];
	_ =	sdelay $0x4  }
0x8c3: {  	v38 =	vshll.u32 v3, $0x1  }
0x8c4: {  	v3 =	vand.u32 $0x7, v3;
	v4 =	vand.u32 $0xFFFFFFF0, v38  }
0x8c5: {  	v3 =	vor.u32 v3, v4  }
0x8c6: {  	v4 =	vperm.xlane v3, v0;
	_ =	sdelay $0x1  }
0x8c7: {  	v3 =	vperm.xlane v3, v2;
	v4 =	vadd.s32 v1, v4;
	_ =	sdelay $0x1  }
0x8c8: {  	v3 =	vadd.s32 v1, v3;
	_ =	sdelay $0x1  }
0x8c9: {  	s22 =	simm.s32 $0x7000  }
0x8ca: {  	[tilespmem:s22], [sflag:$0x2] =	stream.indirect_vreg.gather [hbm4b:s1+s3], $0x80, v4, vm0, $0xb8;
	[tilespmem:$0x19000] =	vst v63  }
0x8cb: {  	s28 =	simm.s32 $0x7800  }
0x8cc: {  	[tilespmem:s28], [sflag:$0x2] =	stream.indirect_vreg.gather [hbm4b:s1+s3], $0x80, v3, vm0, $0xb8;
	[tilespmem:$0x19000] =	vst v63  }
0x8cd: {  	v3 =	vld [tilespmem:$0xAF0];
	_ =	sdelay $0x4  }
0x8ce: {  	v39 =	vshll.u32 v3, $0x1  }
0x8cf: {  	v3 =	vand.u32 $0x7, v3;
	v4 =	vand.u32 $0xFFFFFFF0, v39  }
0x8d0: {  	v3 =	vor.u32 v3, v4  }
0x8d1: {  	v4 =	vperm.xlane v3, v0;
	_ =	sdelay $0x1  }
0x8d2: {  	v3 =	vperm.xlane v3, v2;
	v4 =	vadd.s32 v1, v4;
	_ =	sdelay $0x1  }
0x8d3: {  	v3 =	vadd.s32 v1, v3;
	_ =	sdelay $0x1  }
0x8d4: {  	s22 =	simm.s32 $0x8000  }
0x8d5: {  	[tilespmem:s22], [sflag:$0x2] =	stream.indirect_vreg.gather [hbm4b:s1+s3], $0x80, v4, vm0, $0xb8;
	[tilespmem:$0x19000] =	vst v63  }
0x8d6: {  	s28 =	simm.s32 $0x8800  }
0x8d7: {  	[tilespmem:s28], [sflag:$0x2] =	stream.indirect_vreg.gather [hbm4b:s1+s3], $0x80, v3, vm0, $0xb8;
	[tilespmem:$0x19000] =	vst v63  }
0x8d8: {  	_ =	swait.ge [sflag:s18], $0x4000  }
0x8d9: {  	s22 =	sld [smem:$0x7E2]  }
0x8da: {  	[sflag:s18] =	ssyncset.done $0x0  }
0x8db: {  	s10 =	simm.s32 $0x9000;
	[sflag:s18] =	ssyncadd.s32 $0xFFFFC000  }
0x8dc: {  	[hbm4b:s22+s3] =	stream.linear.scatter [tilespmem:s10], [sflag:$0x9], $0x4000, $0x38;
	[tilespmem:$0x19000] =	vst v63  }
0x8dd: {  	_ =	swait.ge [sflag:s19], $0x4000  }
0x8de: {  	[sflag:s19] =	ssyncset.done $0x0  }
0x8df: {  	[sflag:s19] =	ssyncadd.s32 $0xFFFFC000  }
0x8e0: {  	v3 =	vld [tilespmem:$0xB00];
	_ =	sdelay $0x4  }
0x8e1: {  	v40 =	vshll.u32 v3, $0x1  }
0x8e2: {  	v3 =	vand.u32 $0x7, v3;
	v4 =	vand.u32 $0xFFFFFFF0, v40  }
0x8e3: {  	v3 =	vor.u32 v3, v4  }
0x8e4: {  	v4 =	vperm.xlane v3, v0;
	_ =	sdelay $0x1  }
0x8e5: {  	v3 =	vperm.xlane v3, v2;
	v4 =	vadd.s32 v1, v4;
	_ =	sdelay $0x1  }
0x8e6: {  	v3 =	vadd.s32 v1, v3;
	_ =	sdelay $0x2  }
0x8e7: {  	[tilespmem:s10], [sflag:$0x3] =	stream.indirect_vreg.gather [hbm4b:s1+s3], $0x80, v4, vm0, $0xb8;
	[tilespmem:$0x19000] =	vst v63  }
0x8e8: {  	s28 =	simm.s32 $0x9800  }
0x8e9: {  	[tilespmem:s28], [sflag:$0x3] =	stream.indirect_vreg.gather [hbm4b:s1+s3], $0x80, v3, vm0, $0xb8;
	[tilespmem:$0x19000] =	vst v63  }
0x8ea: {  	v3 =	vld [tilespmem:$0xB10];
	_ =	sdelay $0x4  }
0x8eb: {  	v41 =	vshll.u32 v3, $0x1  }
0x8ec: {  	v3 =	vand.u32 $0x7, v3;
	v4 =	vand.u32 $0xFFFFFFF0, v41  }
0x8ed: {  	v3 =	vor.u32 v3, v4  }
0x8ee: {  	v4 =	vperm.xlane v3, v0;
	_ =	sdelay $0x1  }
0x8ef: {  	v3 =	vperm.xlane v3, v2;
	v4 =	vadd.s32 v1, v4;
	_ =	sdelay $0x1  }
0x8f0: {  	v3 =	vadd.s32 v1, v3;
	_ =	sdelay $0x1  }
0x8f1: {  	s22 =	simm.s32 $0xA000  }
0x8f2: {  	[tilespmem:s22], [sflag:$0x3] =	stream.indirect_vreg.gather [hbm4b:s1+s3], $0x80, v4, vm0, $0xb8;
	[tilespmem:$0x19000] =	vst v63  }
0x8f3: {  	_ = 	snop  }
0x8f4: {  	[tilespmem:s4], [sflag:$0x3] =	stream.indirect_vreg.gather [hbm4b:s1+s3], $0x80, v3, vm0, $0xb8;
	[tilespmem:$0x19000] =	vst v63  }
0x8f5: {  	v3 =	vld [tilespmem:$0xB20];
	_ =	sdelay $0x4  }
0x8f6: {  	v42 =	vshll.u32 v3, $0x1  }
0x8f7: {  	v3 =	vand.u32 $0x7, v3;
	v4 =	vand.u32 $0xFFFFFFF0, v42  }
0x8f8: {  	v3 =	vor.u32 v3, v4  }
0x8f9: {  	v4 =	vperm.xlane v3, v0;
	_ =	sdelay $0x1  }
0x8fa: {  	v3 =	vperm.xlane v3, v2;
	v4 =	vadd.s32 v1, v4;
	_ =	sdelay $0x1  }
0x8fb: {  	v3 =	vadd.s32 v1, v3;
	_ =	sdelay $0x1  }
0x8fc: {  	s28 =	simm.s32 $0xB000  }
0x8fd: {  	[tilespmem:s28], [sflag:$0x3] =	stream.indirect_vreg.gather [hbm4b:s1+s3], $0x80, v4, vm0, $0xb8;
	[tilespmem:$0x19000] =	vst v63  }
0x8fe: {  	s22 =	simm.s32 $0xB800  }
0x8ff: {  	[tilespmem:s22], [sflag:$0x3] =	stream.indirect_vreg.gather [hbm4b:s1+s3], $0x80, v3, vm0, $0xb8;
	[tilespmem:$0x19000] =	vst v63  }
0x900: {  	v3 =	vld [tilespmem:$0xB30];
	_ =	sdelay $0x4  }
0x901: {  	v43 =	vshll.u32 v3, $0x1  }
0x902: {  	v3 =	vand.u32 $0x7, v3;
	v4 =	vand.u32 $0xFFFFFFF0, v43  }
0x903: {  	v3 =	vor.u32 v3, v4  }
0x904: {  	v4 =	vperm.xlane v3, v0;
	_ =	sdelay $0x1  }
0x905: {  	v3 =	vperm.xlane v3, v2;
	v4 =	vadd.s32 v1, v4;
	_ =	sdelay $0x1  }
0x906: {  	v3 =	vadd.s32 v1, v3;
	_ =	sdelay $0x2  }
0x907: {  	[tilespmem:s8], [sflag:$0x3] =	stream.indirect_vreg.gather [hbm4b:s1+s3], $0x80, v4, vm0, $0xb8;
	[tilespmem:$0x19000] =	vst v63  }
0x908: {  	_ = 	snop  }
0x909: {  	[tilespmem:s6], [sflag:$0x3] =	stream.indirect_vreg.gather [hbm4b:s1+s3], $0x80, v3, vm0, $0xb8;
	[tilespmem:$0x19000] =	vst v63  }
0x90a: {  	_ =	swait.ge [sflag:s20], $0x4000  }
0x90b: {  	s4 =	sld [smem:$0x7E3]  }
0x90c: {  	[sflag:s20] =	ssyncset.done $0x0  }
0x90d: {  	s9 =	simm.s32 $0xD000;
	[sflag:s20] =	ssyncadd.s32 $0xFFFFC000  }
0x90e: {  	[hbm4b:s4+s3] =	stream.linear.scatter [tilespmem:s9], [sflag:$0xA], $0x4000, $0x38;
	[tilespmem:$0x19000] =	vst v63  }
0x90f: {  	_ =	swait.ge [sflag:s21], $0x4000  }
0x910: {  	[sflag:s21] =	ssyncset.done $0x0  }
0x911: {  	[sflag:s21] =	ssyncadd.s32 $0xFFFFC000  }
0x912: {  	v3 =	vld [tilespmem:$0xB40];
	_ =	sdelay $0x4  }
0x913: {  	v44 =	vshll.u32 v3, $0x1  }
0x914: {  	v3 =	vand.u32 $0x7, v3;
	v4 =	vand.u32 $0xFFFFFFF0, v44  }
0x915: {  	v3 =	vor.u32 v3, v4  }
0x916: {  	v4 =	vperm.xlane v3, v0;
	_ =	sdelay $0x1  }
0x917: {  	v3 =	vperm.xlane v3, v2;
	v4 =	vadd.s32 v1, v4;
	_ =	sdelay $0x1  }
0x918: {  	v3 =	vadd.s32 v1, v3;
	_ =	sdelay $0x2  }
0x919: {  	[tilespmem:s9], [sflag:$0x4] =	stream.indirect_vreg.gather [hbm4b:s1+s3], $0x80, v4, vm0, $0xb8;
	[tilespmem:$0x19000] =	vst v63  }
0x91a: {  	s6 =	simm.s32 $0xD800  }
0x91b: {  	[tilespmem:s6], [sflag:$0x4] =	stream.indirect_vreg.gather [hbm4b:s1+s3], $0x80, v3, vm0, $0xb8;
	[tilespmem:$0x19000] =	vst v63  }
0x91c: {  	v3 =	vld [tilespmem:$0xB50];
	_ =	sdelay $0x4  }
0x91d: {  	v45 =	vshll.u32 v3, $0x1  }
0x91e: {  	v3 =	vand.u32 $0x7, v3;
	v4 =	vand.u32 $0xFFFFFFF0, v45  }
0x91f: {  	v3 =	vor.u32 v3, v4  }
0x920: {  	v4 =	vperm.xlane v3, v0;
	_ =	sdelay $0x1  }
0x921: {  	v3 =	vperm.xlane v3, v2;
	v4 =	vadd.s32 v1, v4;
	_ =	sdelay $0x1  }
0x922: {  	v3 =	vadd.s32 v1, v3;
	_ =	sdelay $0x1  }
0x923: {  	s8 =	simm.s32 $0xE000  }
0x924: {  	[tilespmem:s8], [sflag:$0x4] =	stream.indirect_vreg.gather [hbm4b:s1+s3], $0x80, v4, vm0, $0xb8;
	[tilespmem:$0x19000] =	vst v63  }
0x925: {  	s9 =	simm.s32 $0xE800  }
0x926: {  	[tilespmem:s9], [sflag:$0x4] =	stream.indirect_vreg.gather [hbm4b:s1+s3], $0x80, v3, vm0, $0xb8;
	[tilespmem:$0x19000] =	vst v63  }
0x927: {  	v3 =	vld [tilespmem:$0xB60];
	_ =	sdelay $0x4  }
0x928: {  	v46 =	vshll.u32 v3, $0x1  }
0x929: {  	v3 =	vand.u32 $0x7, v3;
	v4 =	vand.u32 $0xFFFFFFF0, v46  }
0x92a: {  	v3 =	vor.u32 v3, v4  }
0x92b: {  	v4 =	vperm.xlane v3, v0;
	_ =	sdelay $0x1  }
0x92c: {  	v3 =	vperm.xlane v3, v2;
	v4 =	vadd.s32 v1, v4;
	_ =	sdelay $0x1  }
0x92d: {  	v3 =	vadd.s32 v1, v3;
	_ =	sdelay $0x1  }
0x92e: {  	s10 =	simm.s32 $0xF000  }
0x92f: {  	[tilespmem:s10], [sflag:$0x4] =	stream.indirect_vreg.gather [hbm4b:s1+s3], $0x80, v4, vm0, $0xb8;
	[tilespmem:$0x19000] =	vst v63  }
0x930: {  	s28 =	simm.s32 $0xF800  }
0x931: {  	[tilespmem:s28], [sflag:$0x4] =	stream.indirect_vreg.gather [hbm4b:s1+s3], $0x80, v3, vm0, $0xb8;
	[tilespmem:$0x19000] =	vst v63  }
0x932: {  	v3 =	vld [tilespmem:$0xB70];
	_ =	sdelay $0x4  }
0x933: {  	v47 =	vshll.u32 v3, $0x1  }
0x934: {  	v3 =	vand.u32 $0x7, v3;
	v4 =	vand.u32 $0xFFFFFFF0, v47  }
0x935: {  	v3 =	vor.u32 v3, v4  }
0x936: {  	v4 =	vperm.xlane v3, v0;
	_ =	sdelay $0x1  }
0x937: {  	v3 =	vperm.xlane v3, v2;
	v4 =	vadd.s32 v1, v4;
	_ =	sdelay $0x1  }
0x938: {  	v3 =	vadd.s32 v1, v3;
	_ =	sdelay $0x1  }
0x939: {  	s6 =	simm.s32 $0x10000  }
0x93a: {  	[tilespmem:s6], [sflag:$0x4] =	stream.indirect_vreg.gather [hbm4b:s1+s3], $0x80, v4, vm0, $0xb8;
	[tilespmem:$0x19000] =	vst v63  }
0x93b: {  	s8 =	simm.s32 $0x10800  }
0x93c: {  	[tilespmem:s8], [sflag:$0x4] =	stream.indirect_vreg.gather [hbm4b:s1+s3], $0x80, v3, vm0, $0xb8;
	[tilespmem:$0x19000] =	vst v63  }
0x93d: {  	_ =	swait.ge [sflag:s14], $0x4000  }
0x93e: {  	s9 =	sld [smem:$0x7E4]  }
0x93f: {  	[sflag:s14] =	ssyncset.done $0x0  }
0x940: {  	s10 =	simm.s32 $0x11000;
	[sflag:s14] =	ssyncadd.s32 $0xFFFFC000  }
0x941: {  	[hbm4b:s9+s3] =	stream.linear.scatter [tilespmem:s10], [sflag:$0xB], $0x4000, $0x38;
	[tilespmem:$0x19000] =	vst v63  }
0x942: {  	_ =	swait.ge [sflag:s24], $0x4000  }
0x943: {  	[sflag:s24] =	ssyncset.done $0x0  }
0x944: {  	[sflag:s24] =	ssyncadd.s32 $0xFFFFC000  }
0x945: {  	v3 =	vld [tilespmem:$0xB80];
	_ =	sdelay $0x4  }
0x946: {  	v48 =	vshll.u32 v3, $0x1  }
0x947: {  	v3 =	vand.u32 $0x7, v3;
	v4 =	vand.u32 $0xFFFFFFF0, v48  }
0x948: {  	v3 =	vor.u32 v3, v4  }
0x949: {  	v4 =	vperm.xlane v3, v0;
	_ =	sdelay $0x1  }
0x94a: {  	v3 =	vperm.xlane v3, v2;
	v4 =	vadd.s32 v1, v4;
	_ =	sdelay $0x1  }
0x94b: {  	v3 =	vadd.s32 v1, v3;
	_ =	sdelay $0x2  }
0x94c: {  	[tilespmem:s10], [sflag:$0x5] =	stream.indirect_vreg.gather [hbm4b:s1+s3], $0x80, v4, vm0, $0xb8;
	[tilespmem:$0x19000] =	vst v63  }
0x94d: {  	s28 =	simm.s32 $0x11800  }
0x94e: {  	[tilespmem:s28], [sflag:$0x5] =	stream.indirect_vreg.gather [hbm4b:s1+s3], $0x80, v3, vm0, $0xb8;
	[tilespmem:$0x19000] =	vst v63  }
0x94f: {  	v3 =	vld [tilespmem:$0xB90];
	_ =	sdelay $0x4  }
0x950: {  	v49 =	vshll.u32 v3, $0x1  }
0x951: {  	v3 =	vand.u32 $0x7, v3;
	v4 =	vand.u32 $0xFFFFFFF0, v49  }
0x952: {  	v3 =	vor.u32 v3, v4  }
0x953: {  	v4 =	vperm.xlane v3, v0;
	_ =	sdelay $0x1  }
0x954: {  	v3 =	vperm.xlane v3, v2;
	v4 =	vadd.s32 v1, v4;
	_ =	sdelay $0x1  }
0x955: {  	v3 =	vadd.s32 v1, v3;
	_ =	sdelay $0x1  }
0x956: {  	s8 =	simm.s32 $0x12000  }
0x957: {  	[tilespmem:s8], [sflag:$0x5] =	stream.indirect_vreg.gather [hbm4b:s1+s3], $0x80, v4, vm0, $0xb8;
	[tilespmem:$0x19000] =	vst v63  }
0x958: {  	_ = 	snop  }
0x959: {  	[tilespmem:s0], [sflag:$0x5] =	stream.indirect_vreg.gather [hbm4b:s1+s3], $0x80, v3, vm0, $0xb8;
	[tilespmem:$0x19000] =	vst v63  }
0x95a: {  	v3 =	vld [tilespmem:$0xBA0];
	_ =	sdelay $0x4  }
0x95b: {  	v50 =	vshll.u32 v3, $0x1  }
0x95c: {  	v3 =	vand.u32 $0x7, v3;
	v4 =	vand.u32 $0xFFFFFFF0, v50  }
0x95d: {  	v3 =	vor.u32 v3, v4  }
0x95e: {  	v4 =	vperm.xlane v3, v0;
	_ =	sdelay $0x1  }
0x95f: {  	v3 =	vperm.xlane v3, v2;
	v4 =	vadd.s32 v1, v4;
	_ =	sdelay $0x1  }
0x960: {  	v3 =	vadd.s32 v1, v3;
	_ =	sdelay $0x1  }
0x961: {  	s9 =	simm.s32 $0x13000  }
0x962: {  	[tilespmem:s9], [sflag:$0x5] =	stream.indirect_vreg.gather [hbm4b:s1+s3], $0x80, v4, vm0, $0xb8;
	[tilespmem:$0x19000] =	vst v63  }
0x963: {  	_ = 	snop  }
0x964: {  	[tilespmem:s5], [sflag:$0x5] =	stream.indirect_vreg.gather [hbm4b:s1+s3], $0x80, v3, vm0, $0xb8;
	[tilespmem:$0x19000] =	vst v63  }
0x965: {  	v3 =	vld [tilespmem:$0xBB0];
	_ =	sdelay $0x4  }
0x966: {  	v51 =	vshll.u32 v3, $0x1  }
0x967: {  	v3 =	vand.u32 $0x7, v3;
	v4 =	vand.u32 $0xFFFFFFF0, v51  }
0x968: {  	v3 =	vor.u32 v3, v4  }
0x969: {  	v4 =	vperm.xlane v3, v0;
	_ =	sdelay $0x1  }
0x96a: {  	v3 =	vperm.xlane v3, v2;
	v4 =	vadd.s32 v1, v4;
	_ =	sdelay $0x1  }
0x96b: {  	v3 =	vadd.s32 v1, v3;
	_ =	sdelay $0x1  }
0x96c: {  	s10 =	simm.s32 $0x14000  }
0x96d: {  	[tilespmem:s10], [sflag:$0x5] =	stream.indirect_vreg.gather [hbm4b:s1+s3], $0x80, v4, vm0, $0xb8;
	[tilespmem:$0x19000] =	vst v63  }
0x96e: {  	s28 =	simm.s32 $0x14800  }
0x96f: {  	[tilespmem:s28], [sflag:$0x5] =	stream.indirect_vreg.gather [hbm4b:s1+s3], $0x80, v3, vm0, $0xb8;
	[tilespmem:$0x19000] =	vst v63  }
0x970: {  	_ =	swait.ge [sflag:s25], $0x4000  }
0x971: {  	s4 =	sld [smem:$0x7E5]  }
0x972: {  	[sflag:s25] =	ssyncset.done $0x0  }
0x973: {  	s5 =	simm.s32 $0x15000;
	[sflag:s25] =	ssyncadd.s32 $0xFFFFC000  }
0x974: {  	[hbm4b:s4+s3] =	stream.linear.scatter [tilespmem:s5], [sflag:$0xC], $0x4000, $0x38;
	[tilespmem:$0x19000] =	vst v63  }
0x975: {  	_ =	swait.ge [sflag:s26], $0x4000  }
0x976: {  	[sflag:s26] =	ssyncset.done $0x0  }
0x977: {  	[sflag:s26] =	ssyncadd.s32 $0xFFFFC000  }
0x978: {  	v3 =	vld [tilespmem:$0xBC0];
	_ =	sdelay $0x4  }
0x979: {  	v52 =	vshll.u32 v3, $0x1  }
0x97a: {  	v3 =	vand.u32 $0x7, v3;
	v4 =	vand.u32 $0xFFFFFFF0, v52  }
0x97b: {  	v3 =	vor.u32 v3, v4  }
0x97c: {  	v4 =	vperm.xlane v3, v0;
	_ =	sdelay $0x1  }
0x97d: {  	v3 =	vperm.xlane v3, v2;
	v4 =	vadd.s32 v1, v4;
	_ =	sdelay $0x1  }
0x97e: {  	v3 =	vadd.s32 v1, v3;
	_ =	sdelay $0x2  }
0x97f: {  	[tilespmem:s5], [sflag:$0x6] =	stream.indirect_vreg.gather [hbm4b:s1+s3], $0x80, v4, vm0, $0xb8;
	[tilespmem:$0x19000] =	vst v63  }
0x980: {  	s10 =	simm.s32 $0x15800  }
0x981: {  	[tilespmem:s10], [sflag:$0x6] =	stream.indirect_vreg.gather [hbm4b:s1+s3], $0x80, v3, vm0, $0xb8;
	[tilespmem:$0x19000] =	vst v63  }
0x982: {  	v3 =	vld [tilespmem:$0xBD0];
	_ =	sdelay $0x4  }
0x983: {  	v53 =	vshll.u32 v3, $0x1  }
0x984: {  	v3 =	vand.u32 $0x7, v3;
	v4 =	vand.u32 $0xFFFFFFF0, v53  }
0x985: {  	v3 =	vor.u32 v3, v4  }
0x986: {  	v4 =	vperm.xlane v3, v0;
	_ =	sdelay $0x1  }
0x987: {  	v3 =	vperm.xlane v3, v2;
	v4 =	vadd.s32 v1, v4;
	_ =	sdelay $0x1  }
0x988: {  	v3 =	vadd.s32 v1, v3;
	_ =	sdelay $0x2  }
0x989: {  	[tilespmem:s29], [sflag:$0x6] =	stream.indirect_vreg.gather [hbm4b:s1+s3], $0x80, v4, vm0, $0xb8;
	[tilespmem:$0x19000] =	vst v63  }
0x98a: {  	_ = 	snop  }
0x98b: {  	[tilespmem:s12], [sflag:$0x6] =	stream.indirect_vreg.gather [hbm4b:s1+s3], $0x80, v3, vm0, $0xb8;
	[tilespmem:$0x19000] =	vst v63  }
0x98c: {  	v3 =	vld [tilespmem:$0xBE0];
	_ =	sdelay $0x4  }
0x98d: {  	v54 =	vshll.u32 v3, $0x1  }
0x98e: {  	v3 =	vand.u32 $0x7, v3;
	v4 =	vand.u32 $0xFFFFFFF0, v54  }
0x98f: {  	v3 =	vor.u32 v3, v4  }
0x990: {  	v4 =	vperm.xlane v3, v0;
	_ =	sdelay $0x1  }
0x991: {  	v3 =	vperm.xlane v3, v2;
	v4 =	vadd.s32 v1, v4;
	_ =	sdelay $0x1  }
0x992: {  	v3 =	vadd.s32 v1, v3;
	_ =	sdelay $0x2  }
0x993: {  	[tilespmem:s30], [sflag:$0x6] =	stream.indirect_vreg.gather [hbm4b:s1+s3], $0x80, v4, vm0, $0xb8;
	[tilespmem:$0x19000] =	vst v63  }
0x994: {  	s8 =	simm.s32 $0x17800  }
0x995: {  	[tilespmem:s8], [sflag:$0x6] =	stream.indirect_vreg.gather [hbm4b:s1+s3], $0x80, v3, vm0, $0xb8;
	[tilespmem:$0x19000] =	vst v63  }
0x996: {  	v3 =	vld [tilespmem:$0xBF0];
	_ =	sdelay $0x4  }
0x997: {  	v55 =	vshll.u32 v3, $0x1  }
0x998: {  	v3 =	vand.u32 $0x7, v3;
	v4 =	vand.u32 $0xFFFFFFF0, v55  }
0x999: {  	v3 =	vor.u32 v3, v4  }
0x99a: {  	v4 =	vperm.xlane v3, v0;
	_ =	sdelay $0x1  }
0x99b: {  	v3 =	vperm.xlane v3, v2;
	v4 =	vadd.s32 v1, v4;
	_ =	sdelay $0x1  }
0x99c: {  	v3 =	vadd.s32 v1, v3;
	_ =	sdelay $0x2  }
0x99d: {  	[tilespmem:s31], [sflag:$0x6] =	stream.indirect_vreg.gather [hbm4b:s1+s3], $0x80, v4, vm0, $0xb8;
	[tilespmem:$0x19000] =	vst v63  }
0x99e: {  	s9 =	simm.s32 $0x18800  }
0x99f: {  	[tilespmem:s9], [sflag:$0x6] =	stream.indirect_vreg.gather [hbm4b:s1+s3], $0x80, v3, vm0, $0xb8;
	[tilespmem:$0x19000] =	vst v63  }
0x9a0: {  	_ =	swait.ge [sflag:s13], $0x4000  }
0x9a1: {  	s12 =	sld [smem:$0x7E6]  }
0x9a2: {  	[sflag:s13] =	ssyncset.done $0x0  }
0x9a3: {  	s29 =	simm.s32 $0x1000;
	[sflag:s13] =	ssyncadd.s32 $0xFFFFC000  }
0x9a4: {  	[hbm4b:s12+s3] =	stream.linear.scatter [tilespmem:s29], [sflag:$0x7], $0x4000, $0x38;
	[tilespmem:$0x19000] =	vst v63  }
0x9a5: {  	_ =	swait.ge [sflag:s15], $0x4000  }
0x9a6: {  	[sflag:s15] =	ssyncset.done $0x0  }
0x9a7: {  	[sflag:s15] =	ssyncadd.s32 $0xFFFFC000  }
0x9a8: {  	v3 =	vld [tilespmem:$0xC00];
	_ =	sdelay $0x4  }
0x9a9: {  	v56 =	vshll.u32 v3, $0x1  }
0x9aa: {  	v3 =	vand.u32 $0x7, v3;
	v4 =	vand.u32 $0xFFFFFFF0, v56  }
0x9ab: {  	v3 =	vor.u32 v3, v4  }
0x9ac: {  	v4 =	vperm.xlane v3, v0;
	_ =	sdelay $0x1  }
0x9ad: {  	v3 =	vperm.xlane v3, v2;
	v4 =	vadd.s32 v1, v4;
	_ =	sdelay $0x1  }
0x9ae: {  	v3 =	vadd.s32 v1, v3;
	_ =	sdelay $0x2  }
0x9af: {  	[tilespmem:s29], [sflag:$0x1] =	stream.indirect_vreg.gather [hbm4b:s1+s3], $0x80, v4, vm0, $0xb8;
	[tilespmem:$0x19000] =	vst v63  }
0x9b0: {  	s30 =	simm.s32 $0x1800  }
0x9b1: {  	[tilespmem:s30], [sflag:$0x1] =	stream.indirect_vreg.gather [hbm4b:s1+s3], $0x80, v3, vm0, $0xb8;
	[tilespmem:$0x19000] =	vst v63  }
0x9b2: {  	v3 =	vld [tilespmem:$0xC10];
	_ =	sdelay $0x4  }
0x9b3: {  	v57 =	vshll.u32 v3, $0x1  }
0x9b4: {  	v3 =	vand.u32 $0x7, v3;
	v4 =	vand.u32 $0xFFFFFFF0, v57  }
0x9b5: {  	v3 =	vor.u32 v3, v4  }
0x9b6: {  	v4 =	vperm.xlane v3, v0;
	_ =	sdelay $0x1  }
0x9b7: {  	v3 =	vperm.xlane v3, v2;
	v4 =	vadd.s32 v1, v4;
	_ =	sdelay $0x1  }
0x9b8: {  	v3 =	vadd.s32 v1, v3;
	_ =	sdelay $0x1  }
0x9b9: {  	s31 =	simm.s32 $0x2000  }
0x9ba: {  	[tilespmem:s31], [sflag:$0x1] =	stream.indirect_vreg.gather [hbm4b:s1+s3], $0x80, v4, vm0, $0xb8;
	[tilespmem:$0x19000] =	vst v63  }
0x9bb: {  	_ = 	snop  }
0x9bc: {  	[tilespmem:s2], [sflag:$0x1] =	stream.indirect_vreg.gather [hbm4b:s1+s3], $0x80, v3, vm0, $0xb8;
	[tilespmem:$0x19000] =	vst v63  }
0x9bd: {  	v3 =	vld [tilespmem:$0xC20];
	_ =	sdelay $0x4  }
0x9be: {  	v58 =	vshll.u32 v3, $0x1  }
0x9bf: {  	v3 =	vand.u32 $0x7, v3;
	v4 =	vand.u32 $0xFFFFFFF0, v58  }
0x9c0: {  	v3 =	vor.u32 v3, v4  }
0x9c1: {  	v4 =	vperm.xlane v3, v0;
	_ =	sdelay $0x1  }
0x9c2: {  	v3 =	vperm.xlane v3, v2;
	v4 =	vadd.s32 v1, v4;
	_ =	sdelay $0x1  }
0x9c3: {  	v3 =	vadd.s32 v1, v3;
	_ =	sdelay $0x1  }
0x9c4: {  	s8 =	simm.s32 $0x3000  }
0x9c5: {  	[tilespmem:s8], [sflag:$0x1] =	stream.indirect_vreg.gather [hbm4b:s1+s3], $0x80, v4, vm0, $0xb8;
	[tilespmem:$0x19000] =	vst v63  }
0x9c6: {  	_ = 	snop  }
0x9c7: {  	[tilespmem:s7], [sflag:$0x1] =	stream.indirect_vreg.gather [hbm4b:s1+s3], $0x80, v3, vm0, $0xb8;
	[tilespmem:$0x19000] =	vst v63  }
0x9c8: {  	v3 =	vld [tilespmem:$0xC30];
	_ =	sdelay $0x4  }
0x9c9: {  	v59 =	vshll.u32 v3, $0x1  }
0x9ca: {  	v3 =	vand.u32 $0x7, v3;
	v4 =	vand.u32 $0xFFFFFFF0, v59  }
0x9cb: {  	v3 =	vor.u32 v3, v4  }
0x9cc: {  	v4 =	vperm.xlane v3, v0;
	_ =	sdelay $0x1  }
0x9cd: {  	v3 =	vperm.xlane v3, v2;
	v4 =	vadd.s32 v1, v4;
	_ =	sdelay $0x1  }
0x9ce: {  	v3 =	vadd.s32 v1, v3;
	_ =	sdelay $0x1  }
0x9cf: {  	s9 =	simm.s32 $0x4000  }
0x9d0: {  	[tilespmem:s9], [sflag:$0x1] =	stream.indirect_vreg.gather [hbm4b:s1+s3], $0x80, v4, vm0, $0xb8;
	[tilespmem:$0x19000] =	vst v63  }
0x9d1: {  	_ = 	snop  }
0x9d2: {  	[tilespmem:s11], [sflag:$0x1] =	stream.indirect_vreg.gather [hbm4b:s1+s3], $0x80, v3, vm0, $0xb8;
	[tilespmem:$0x19000] =	vst v63  }
0x9d3: {  	_ =	swait.ge [sflag:s16], $0x4000  }
0x9d4: {  	s12 =	sld [smem:$0x7E7]  }
0x9d5: {  	[sflag:s16] =	ssyncset.done $0x0  }
0x9d6: {  	s29 =	simm.s32 $0x5000;
	[sflag:s16] =	ssyncadd.s32 $0xFFFFC000  }
0x9d7: {  	[hbm4b:s12+s3] =	stream.linear.scatter [tilespmem:s29], [sflag:$0x8], $0x4000, $0x38;
	[tilespmem:$0x19000] =	vst v63  }
0x9d8: {  	_ =	swait.ge [sflag:s17], $0x4000  }
0x9d9: {  	[sflag:s17] =	ssyncset.done $0x0  }
0x9da: {  	[sflag:s17] =	ssyncadd.s32 $0xFFFFC000  }
0x9db: {  	v3 =	vld [tilespmem:$0xC40];
	_ =	sdelay $0x4  }
0x9dc: {  	v60 =	vshll.u32 v3, $0x1  }
0x9dd: {  	v3 =	vand.u32 $0x7, v3;
	v4 =	vand.u32 $0xFFFFFFF0, v60  }
0x9de: {  	v3 =	vor.u32 v3, v4  }
0x9df: {  	v4 =	vperm.xlane v3, v0;
	_ =	sdelay $0x1  }
0x9e0: {  	v3 =	vperm.xlane v3, v2;
	v4 =	vadd.s32 v1, v4;
	_ =	sdelay $0x1  }
0x9e1: {  	v3 =	vadd.s32 v1, v3;
	_ =	sdelay $0x2  }
0x9e2: {  	[tilespmem:s29], [sflag:$0x2] =	stream.indirect_vreg.gather [hbm4b:s1+s3], $0x80, v4, vm0, $0xb8;
	[tilespmem:$0x19000] =	vst v63  }
0x9e3: {  	s9 =	simm.s32 $0x5800  }
0x9e4: {  	[tilespmem:s9], [sflag:$0x2] =	stream.indirect_vreg.gather [hbm4b:s1+s3], $0x80, v3, vm0, $0xb8;
	[tilespmem:$0x19000] =	vst v63  }
0x9e5: {  	v3 =	vld [tilespmem:$0xC50];
	_ =	sdelay $0x4  }
0x9e6: {  	v61 =	vshll.u32 v3, $0x1  }
0x9e7: {  	v3 =	vand.u32 $0x7, v3;
	v4 =	vand.u32 $0xFFFFFFF0, v61  }
0x9e8: {  	v3 =	vor.u32 v3, v4  }
0x9e9: {  	v4 =	vperm.xlane v3, v0;
	_ =	sdelay $0x1  }
0x9ea: {  	v3 =	vperm.xlane v3, v2;
	v4 =	vadd.s32 v1, v4;
	_ =	sdelay $0x1  }
0x9eb: {  	v3 =	vadd.s32 v1, v3;
	_ =	sdelay $0x1  }
0x9ec: {  	s23 =	simm.s32 $0x6000  }
0x9ed: {  	[tilespmem:s23], [sflag:$0x2] =	stream.indirect_vreg.gather [hbm4b:s1+s3], $0x80, v4, vm0, $0xb8;
	[tilespmem:$0x19000] =	vst v63  }
0x9ee: {  	s23 =	simm.s32 $0x6800  }
0x9ef: {  	[tilespmem:s23], [sflag:$0x2] =	stream.indirect_vreg.gather [hbm4b:s1+s3], $0x80, v3, vm0, $0xb8;
	[tilespmem:$0x19000] =	vst v63  }
0x9f0: {  	v3 =	vld [tilespmem:$0xC60];
	_ =	sdelay $0x4  }
0x9f1: {  	v62 =	vshll.u32 v3, $0x1  }
0x9f2: {  	v3 =	vand.u32 $0x7, v3;
	v4 =	vand.u32 $0xFFFFFFF0, v62  }
0x9f3: {  	v3 =	vor.u32 v3, v4  }
0x9f4: {  	v4 =	vperm.xlane v3, v0;
	_ =	sdelay $0x1  }
0x9f5: {  	v3 =	vperm.xlane v3, v2;
	v4 =	vadd.s32 v1, v4;
	_ =	sdelay $0x1  }
0x9f6: {  	v3 =	vadd.s32 v1, v3;
	_ =	sdelay $0x1  }
0x9f7: {  	s31 =	simm.s32 $0x7000  }
0x9f8: {  	[tilespmem:s31], [sflag:$0x2] =	stream.indirect_vreg.gather [hbm4b:s1+s3], $0x80, v4, vm0, $0xb8;
	[tilespmem:$0x19000] =	vst v63  }
0x9f9: {  	s30 =	simm.s32 $0x7800  }
0x9fa: {  	[tilespmem:s30], [sflag:$0x2] =	stream.indirect_vreg.gather [hbm4b:s1+s3], $0x80, v3, vm0, $0xb8;
	[tilespmem:$0x19000] =	vst v63  }
0x9fb: {  	v3 =	vld [tilespmem:$0xC70];
	_ =	sdelay $0x4  }
0x9fc: {  	v63 =	vshll.u32 v3, $0x1  }
0x9fd: {  	v3 =	vand.u32 $0x7, v3;
	v4 =	vand.u32 $0xFFFFFFF0, v63  }
0x9fe: {  	v3 =	vor.u32 v3, v4  }
0x9ff: {  	v4 =	vperm.xlane v3, v0;
	_ =	sdelay $0x1  }
0xa00: {  	v3 =	vperm.xlane v3, v2;
	v4 =	vadd.s32 v1, v4;
	_ =	sdelay $0x1  }
0xa01: {  	v3 =	vadd.s32 v1, v3;
	_ =	sdelay $0x1  }
0xa02: {  	s29 =	simm.s32 $0x8000  }
0xa03: {  	[tilespmem:s29], [sflag:$0x2] =	stream.indirect_vreg.gather [hbm4b:s1+s3], $0x80, v4, vm0, $0xb8;
	[tilespmem:$0x19000] =	vst v63  }
0xa04: {  	s30 =	simm.s32 $0x8800  }
0xa05: {  	[tilespmem:s30], [sflag:$0x2] =	stream.indirect_vreg.gather [hbm4b:s1+s3], $0x80, v3, vm0, $0xb8;
	[tilespmem:$0x19000] =	vst v63  }
0xa06: {  	_ =	swait.ge [sflag:s18], $0x4000  }
0xa07: {  	s5 =	sld [smem:$0x7E8]  }
0xa08: {  	[sflag:s18] =	ssyncset.done $0x0  }
0xa09: {  	s7 =	simm.s32 $0x9000;
	[sflag:s18] =	ssyncadd.s32 $0xFFFFC000  }
0xa0a: {  	[hbm4b:s5+s3] =	stream.linear.scatter [tilespmem:s7], [sflag:$0x9], $0x4000, $0x38;
	[tilespmem:$0x19000] =	vst v63  }
0xa0b: {  	_ =	swait.ge [sflag:s19], $0x4000  }
0xa0c: {  	[sflag:s19] =	ssyncset.done $0x0  }
0xa0d: {  	[sflag:s19] =	ssyncadd.s32 $0xFFFFC000  }
0xa0e: {  	v3 =	vld [tilespmem:$0xC80];
	_ =	sdelay $0x4  }
0xa0f: {  	v8 =	vshll.u32 v3, $0x1  }
0xa10: {  	v3 =	vand.u32 $0x7, v3;
	v4 =	vand.u32 $0xFFFFFFF0, v8  }
0xa11: {  	v3 =	vor.u32 v3, v4  }
0xa12: {  	v4 =	vperm.xlane v3, v0;
	_ =	sdelay $0x1  }
0xa13: {  	v3 =	vperm.xlane v3, v2;
	v4 =	vadd.s32 v1, v4;
	_ =	sdelay $0x1  }
0xa14: {  	v3 =	vadd.s32 v1, v3;
	_ =	sdelay $0x2  }
0xa15: {  	[tilespmem:s7], [sflag:$0x3] =	stream.indirect_vreg.gather [hbm4b:s1+s3], $0x80, v4, vm0, $0xb8;
	[tilespmem:$0x19000] =	vst v63  }
0xa16: {  	s8 =	simm.s32 $0x9800  }
0xa17: {  	[tilespmem:s8], [sflag:$0x3] =	stream.indirect_vreg.gather [hbm4b:s1+s3], $0x80, v3, vm0, $0xb8;
	[tilespmem:$0x19000] =	vst v63  }
0xa18: {  	v3 =	vld [tilespmem:$0xC90];
	_ =	sdelay $0x4  }
0xa19: {  	v9 =	vshll.u32 v3, $0x1  }
0xa1a: {  	v3 =	vand.u32 $0x7, v3;
	v4 =	vand.u32 $0xFFFFFFF0, v9  }
0xa1b: {  	v3 =	vor.u32 v3, v4  }
0xa1c: {  	v4 =	vperm.xlane v3, v0;
	_ =	sdelay $0x1  }
0xa1d: {  	v3 =	vperm.xlane v3, v2;
	v4 =	vadd.s32 v1, v4;
	_ =	sdelay $0x1  }
0xa1e: {  	v3 =	vadd.s32 v1, v3;
	_ =	sdelay $0x1  }
0xa1f: {  	s11 =	simm.s32 $0xA000  }
0xa20: {  	[tilespmem:s11], [sflag:$0x3] =	stream.indirect_vreg.gather [hbm4b:s1+s3], $0x80, v4, vm0, $0xb8;
	[tilespmem:$0x19000] =	vst v63  }
0xa21: {  	s12 =	simm.s32 $0xA800  }
0xa22: {  	[tilespmem:s12], [sflag:$0x3] =	stream.indirect_vreg.gather [hbm4b:s1+s3], $0x80, v3, vm0, $0xb8;
	[tilespmem:$0x19000] =	vst v63  }
0xa23: {  	v3 =	vld [tilespmem:$0xCA0];
	_ =	sdelay $0x4  }
0xa24: {  	v10 =	vshll.u32 v3, $0x1  }
0xa25: {  	v3 =	vand.u32 $0x7, v3;
	v4 =	vand.u32 $0xFFFFFFF0, v10  }
0xa26: {  	v3 =	vor.u32 v3, v4  }
0xa27: {  	v4 =	vperm.xlane v3, v0;
	_ =	sdelay $0x1  }
0xa28: {  	v3 =	vperm.xlane v3, v2;
	v4 =	vadd.s32 v1, v4;
	_ =	sdelay $0x1  }
0xa29: {  	v3 =	vadd.s32 v1, v3;
	_ =	sdelay $0x1  }
0xa2a: {  	s28 =	simm.s32 $0xB000  }
0xa2b: {  	[tilespmem:s28], [sflag:$0x3] =	stream.indirect_vreg.gather [hbm4b:s1+s3], $0x80, v4, vm0, $0xb8;
	[tilespmem:$0x19000] =	vst v63  }
0xa2c: {  	_ = 	snop  }
0xa2d: {  	[tilespmem:s22], [sflag:$0x3] =	stream.indirect_vreg.gather [hbm4b:s1+s3], $0x80, v3, vm0, $0xb8;
	[tilespmem:$0x19000] =	vst v63  }
0xa2e: {  	v3 =	vld [tilespmem:$0xCB0];
	_ =	sdelay $0x4  }
0xa2f: {  	v11 =	vshll.u32 v3, $0x1  }
0xa30: {  	v3 =	vand.u32 $0x7, v3;
	v4 =	vand.u32 $0xFFFFFFF0, v11  }
0xa31: {  	v3 =	vor.u32 v3, v4  }
0xa32: {  	v4 =	vperm.xlane v3, v0;
	_ =	sdelay $0x1  }
0xa33: {  	v3 =	vperm.xlane v3, v2;
	v4 =	vadd.s32 v1, v4;
	_ =	sdelay $0x1  }
0xa34: {  	v3 =	vadd.s32 v1, v3;
	_ =	sdelay $0x1  }
0xa35: {  	s8 =	simm.s32 $0xC000  }
0xa36: {  	[tilespmem:s8], [sflag:$0x3] =	stream.indirect_vreg.gather [hbm4b:s1+s3], $0x80, v4, vm0, $0xb8;
	[tilespmem:$0x19000] =	vst v63  }
0xa37: {  	s22 =	simm.s32 $0xC800  }
0xa38: {  	[tilespmem:s22], [sflag:$0x3] =	stream.indirect_vreg.gather [hbm4b:s1+s3], $0x80, v3, vm0, $0xb8;
	[tilespmem:$0x19000] =	vst v63  }
0xa39: {  	_ =	swait.ge [sflag:s20], $0x4000  }
0xa3a: {  	s11 =	sld [smem:$0x7E9]  }
0xa3b: {  	[sflag:s20] =	ssyncset.done $0x0  }
0xa3c: {  	s12 =	simm.s32 $0xD000;
	[sflag:s20] =	ssyncadd.s32 $0xFFFFC000  }
0xa3d: {  	[hbm4b:s11+s3] =	stream.linear.scatter [tilespmem:s12], [sflag:$0xA], $0x4000, $0x38;
	[tilespmem:$0x19000] =	vst v63  }
0xa3e: {  	_ =	swait.ge [sflag:s21], $0x4000  }
0xa3f: {  	[sflag:s21] =	ssyncset.done $0x0  }
0xa40: {  	[sflag:s21] =	ssyncadd.s32 $0xFFFFC000  }
0xa41: {  	v3 =	vld [tilespmem:$0xCC0];
	_ =	sdelay $0x4  }
0xa42: {  	v12 =	vshll.u32 v3, $0x1  }
0xa43: {  	v3 =	vand.u32 $0x7, v3;
	v4 =	vand.u32 $0xFFFFFFF0, v12  }
0xa44: {  	v3 =	vor.u32 v3, v4  }
0xa45: {  	v4 =	vperm.xlane v3, v0;
	_ =	sdelay $0x1  }
0xa46: {  	v3 =	vperm.xlane v3, v2;
	v4 =	vadd.s32 v1, v4;
	_ =	sdelay $0x1  }
0xa47: {  	v3 =	vadd.s32 v1, v3;
	_ =	sdelay $0x2  }
0xa48: {  	[tilespmem:s12], [sflag:$0x4] =	stream.indirect_vreg.gather [hbm4b:s1+s3], $0x80, v4, vm0, $0xb8;
	[tilespmem:$0x19000] =	vst v63  }
0xa49: {  	s8 =	simm.s32 $0xD800  }
0xa4a: {  	[tilespmem:s8], [sflag:$0x4] =	stream.indirect_vreg.gather [hbm4b:s1+s3], $0x80, v3, vm0, $0xb8;
	[tilespmem:$0x19000] =	vst v63  }
0xa4b: {  	v3 =	vld [tilespmem:$0xCD0];
	_ =	sdelay $0x4  }
0xa4c: {  	v13 =	vshll.u32 v3, $0x1  }
0xa4d: {  	v3 =	vand.u32 $0x7, v3;
	v4 =	vand.u32 $0xFFFFFFF0, v13  }
0xa4e: {  	v3 =	vor.u32 v3, v4  }
0xa4f: {  	v4 =	vperm.xlane v3, v0;
	_ =	sdelay $0x1  }
0xa50: {  	v3 =	vperm.xlane v3, v2;
	v4 =	vadd.s32 v1, v4;
	_ =	sdelay $0x1  }
0xa51: {  	v3 =	vadd.s32 v1, v3;
	_ =	sdelay $0x1  }
0xa52: {  	s28 =	simm.s32 $0xE000  }
0xa53: {  	[tilespmem:s28], [sflag:$0x4] =	stream.indirect_vreg.gather [hbm4b:s1+s3], $0x80, v4, vm0, $0xb8;
	[tilespmem:$0x19000] =	vst v63  }
0xa54: {  	s12 =	simm.s32 $0xE800  }
0xa55: {  	[tilespmem:s12], [sflag:$0x4] =	stream.indirect_vreg.gather [hbm4b:s1+s3], $0x80, v3, vm0, $0xb8;
	[tilespmem:$0x19000] =	vst v63  }
0xa56: {  	v3 =	vld [tilespmem:$0xCE0];
	_ =	sdelay $0x4  }
0xa57: {  	v14 =	vshll.u32 v3, $0x1  }
0xa58: {  	v3 =	vand.u32 $0x7, v3;
	v4 =	vand.u32 $0xFFFFFFF0, v14  }
0xa59: {  	v3 =	vor.u32 v3, v4  }
0xa5a: {  	v4 =	vperm.xlane v3, v0;
	_ =	sdelay $0x1  }
0xa5b: {  	v3 =	vperm.xlane v3, v2;
	v4 =	vadd.s32 v1, v4;
	_ =	sdelay $0x1  }
0xa5c: {  	v3 =	vadd.s32 v1, v3;
	_ =	sdelay $0x1  }
0xa5d: {  	s11 =	simm.s32 $0xF000  }
0xa5e: {  	[tilespmem:s11], [sflag:$0x4] =	stream.indirect_vreg.gather [hbm4b:s1+s3], $0x80, v4, vm0, $0xb8;
	[tilespmem:$0x19000] =	vst v63  }
0xa5f: {  	s28 =	simm.s32 $0xF800  }
0xa60: {  	[tilespmem:s28], [sflag:$0x4] =	stream.indirect_vreg.gather [hbm4b:s1+s3], $0x80, v3, vm0, $0xb8;
	[tilespmem:$0x19000] =	vst v63  }
0xa61: {  	v3 =	vld [tilespmem:$0xCF0];
	_ =	sdelay $0x4  }
0xa62: {  	v15 =	vshll.u32 v3, $0x1  }
0xa63: {  	v3 =	vand.u32 $0x7, v3;
	v4 =	vand.u32 $0xFFFFFFF0, v15  }
0xa64: {  	v3 =	vor.u32 v3, v4  }
0xa65: {  	v4 =	vperm.xlane v3, v0;
	_ =	sdelay $0x1  }
0xa66: {  	v3 =	vperm.xlane v3, v2;
	v4 =	vadd.s32 v1, v4;
	_ =	sdelay $0x1  }
0xa67: {  	v3 =	vadd.s32 v1, v3;
	_ =	sdelay $0x1  }
0xa68: {  	s12 =	simm.s32 $0x10000  }
0xa69: {  	[tilespmem:s12], [sflag:$0x4] =	stream.indirect_vreg.gather [hbm4b:s1+s3], $0x80, v4, vm0, $0xb8;
	[tilespmem:$0x19000] =	vst v63  }
0xa6a: {  	s28 =	simm.s32 $0x10800  }
0xa6b: {  	[tilespmem:s28], [sflag:$0x4] =	stream.indirect_vreg.gather [hbm4b:s1+s3], $0x80, v3, vm0, $0xb8;
	[tilespmem:$0x19000] =	vst v63  }
0xa6c: {  	_ =	swait.ge [sflag:s14], $0x4000  }
0xa6d: {  	s28 =	sld [smem:$0x7EA]  }
0xa6e: {  	[sflag:s14] =	ssyncset.done $0x0  }
0xa6f: {  	s6 =	simm.s32 $0x11000;
	[sflag:s14] =	ssyncadd.s32 $0xFFFFC000  }
0xa70: {  	[hbm4b:s28+s3] =	stream.linear.scatter [tilespmem:s6], [sflag:$0xB], $0x4000, $0x38;
	[tilespmem:$0x19000] =	vst v63  }
0xa71: {  	_ =	swait.ge [sflag:s24], $0x4000  }
0xa72: {  	[sflag:s24] =	ssyncset.done $0x0  }
0xa73: {  	[sflag:s24] =	ssyncadd.s32 $0xFFFFC000  }
0xa74: {  	v3 =	vld [tilespmem:$0xD00];
	_ =	sdelay $0x4  }
0xa75: {  	v16 =	vshll.u32 v3, $0x1  }
0xa76: {  	v3 =	vand.u32 $0x7, v3;
	v4 =	vand.u32 $0xFFFFFFF0, v16  }
0xa77: {  	v3 =	vor.u32 v3, v4  }
0xa78: {  	v4 =	vperm.xlane v3, v0;
	_ =	sdelay $0x1  }
0xa79: {  	v3 =	vperm.xlane v3, v2;
	v4 =	vadd.s32 v1, v4;
	_ =	sdelay $0x1  }
0xa7a: {  	v3 =	vadd.s32 v1, v3;
	_ =	sdelay $0x2  }
0xa7b: {  	[tilespmem:s6], [sflag:$0x5] =	stream.indirect_vreg.gather [hbm4b:s1+s3], $0x80, v4, vm0, $0xb8;
	[tilespmem:$0x19000] =	vst v63  }
0xa7c: {  	s28 =	simm.s32 $0x11800  }
0xa7d: {  	[tilespmem:s28], [sflag:$0x5] =	stream.indirect_vreg.gather [hbm4b:s1+s3], $0x80, v3, vm0, $0xb8;
	[tilespmem:$0x19000] =	vst v63  }
0xa7e: {  	v3 =	vld [tilespmem:$0xD10];
	_ =	sdelay $0x4  }
0xa7f: {  	v17 =	vshll.u32 v3, $0x1  }
0xa80: {  	v3 =	vand.u32 $0x7, v3;
	v4 =	vand.u32 $0xFFFFFFF0, v17  }
0xa81: {  	v3 =	vor.u32 v3, v4  }
0xa82: {  	v4 =	vperm.xlane v3, v0;
	_ =	sdelay $0x1  }
0xa83: {  	v3 =	vperm.xlane v3, v2;
	v4 =	vadd.s32 v1, v4;
	_ =	sdelay $0x1  }
0xa84: {  	v3 =	vadd.s32 v1, v3;
	_ =	sdelay $0x1  }
0xa85: {  	s6 =	simm.s32 $0x12000  }
0xa86: {  	[tilespmem:s6], [sflag:$0x5] =	stream.indirect_vreg.gather [hbm4b:s1+s3], $0x80, v4, vm0, $0xb8;
	[tilespmem:$0x19000] =	vst v63  }
0xa87: {  	s28 =	simm.s32 $0x12800  }
0xa88: {  	[tilespmem:s28], [sflag:$0x5] =	stream.indirect_vreg.gather [hbm4b:s1+s3], $0x80, v3, vm0, $0xb8;
	[tilespmem:$0x19000] =	vst v63  }
0xa89: {  	v3 =	vld [tilespmem:$0xD20];
	_ =	sdelay $0x4  }
0xa8a: {  	v18 =	vshll.u32 v3, $0x1  }
0xa8b: {  	v3 =	vand.u32 $0x7, v3;
	v4 =	vand.u32 $0xFFFFFFF0, v18  }
0xa8c: {  	v3 =	vor.u32 v3, v4  }
0xa8d: {  	v4 =	vperm.xlane v3, v0;
	_ =	sdelay $0x1  }
0xa8e: {  	v3 =	vperm.xlane v3, v2;
	v4 =	vadd.s32 v1, v4;
	_ =	sdelay $0x1  }
0xa8f: {  	v3 =	vadd.s32 v1, v3;
	_ =	sdelay $0x1  }
0xa90: {  	s6 =	simm.s32 $0x13000  }
0xa91: {  	[tilespmem:s6], [sflag:$0x5] =	stream.indirect_vreg.gather [hbm4b:s1+s3], $0x80, v4, vm0, $0xb8;
	[tilespmem:$0x19000] =	vst v63  }
0xa92: {  	s28 =	simm.s32 $0x13800  }
0xa93: {  	[tilespmem:s28], [sflag:$0x5] =	stream.indirect_vreg.gather [hbm4b:s1+s3], $0x80, v3, vm0, $0xb8;
	[tilespmem:$0x19000] =	vst v63  }
0xa94: {  	v3 =	vld [tilespmem:$0xD30];
	_ =	sdelay $0x4  }
0xa95: {  	v19 =	vshll.u32 v3, $0x1  }
0xa96: {  	v3 =	vand.u32 $0x7, v3;
	v4 =	vand.u32 $0xFFFFFFF0, v19  }
0xa97: {  	v3 =	vor.u32 v3, v4  }
0xa98: {  	v4 =	vperm.xlane v3, v0;
	_ =	sdelay $0x1  }
0xa99: {  	v3 =	vperm.xlane v3, v2;
	v4 =	vadd.s32 v1, v4;
	_ =	sdelay $0x1  }
0xa9a: {  	v3 =	vadd.s32 v1, v3;
	_ =	sdelay $0x1  }
0xa9b: {  	s28 =	simm.s32 $0x14000  }
0xa9c: {  	[tilespmem:s28], [sflag:$0x5] =	stream.indirect_vreg.gather [hbm4b:s1+s3], $0x80, v4, vm0, $0xb8;
	[tilespmem:$0x19000] =	vst v63  }
0xa9d: {  	s6 =	simm.s32 $0x14800  }
0xa9e: {  	[tilespmem:s6], [sflag:$0x5] =	stream.indirect_vreg.gather [hbm4b:s1+s3], $0x80, v3, vm0, $0xb8;
	[tilespmem:$0x19000] =	vst v63  }
0xa9f: {  	_ =	swait.ge [sflag:s25], $0x4000  }
0xaa0: {  	s28 =	sld [smem:$0x7EB]  }
0xaa1: {  	[sflag:s25] =	ssyncset.done $0x0  }
0xaa2: {  	s0 =	simm.s32 $0x15000;
	[sflag:s25] =	ssyncadd.s32 $0xFFFFC000  }
0xaa3: {  	[hbm4b:s28+s3] =	stream.linear.scatter [tilespmem:s0], [sflag:$0xC], $0x4000, $0x38;
	[tilespmem:$0x19000] =	vst v63  }
0xaa4: {  	_ =	swait.ge [sflag:s26], $0x4000  }
0xaa5: {  	[sflag:s26] =	ssyncset.done $0x0  }
0xaa6: {  	[sflag:s26] =	ssyncadd.s32 $0xFFFFC000  }
0xaa7: {  	v3 =	vld [tilespmem:$0xD40];
	_ =	sdelay $0x4  }
0xaa8: {  	v20 =	vshll.u32 v3, $0x1  }
0xaa9: {  	v3 =	vand.u32 $0x7, v3;
	v4 =	vand.u32 $0xFFFFFFF0, v20  }
0xaaa: {  	v3 =	vor.u32 v3, v4  }
0xaab: {  	v4 =	vperm.xlane v3, v0;
	_ =	sdelay $0x1  }
0xaac: {  	v3 =	vperm.xlane v3, v2;
	v4 =	vadd.s32 v1, v4;
	_ =	sdelay $0x1  }
0xaad: {  	v3 =	vadd.s32 v1, v3;
	_ =	sdelay $0x2  }
0xaae: {  	[tilespmem:s0], [sflag:$0x6] =	stream.indirect_vreg.gather [hbm4b:s1+s3], $0x80, v4, vm0, $0xb8;
	[tilespmem:$0x19000] =	vst v63  }
0xaaf: {  	_ = 	snop  }
0xab0: {  	[tilespmem:s10], [sflag:$0x6] =	stream.indirect_vreg.gather [hbm4b:s1+s3], $0x80, v3, vm0, $0xb8;
	[tilespmem:$0x19000] =	vst v63  }
0xab1: {  	v3 =	vld [tilespmem:$0xD50];
	_ =	sdelay $0x4  }
0xab2: {  	v21 =	vshll.u32 v3, $0x1  }
0xab3: {  	v3 =	vand.u32 $0x7, v3;
	v4 =	vand.u32 $0xFFFFFFF0, v21  }
0xab4: {  	v3 =	vor.u32 v3, v4  }
0xab5: {  	v4 =	vperm.xlane v3, v0;
	_ =	sdelay $0x1  }
0xab6: {  	v3 =	vperm.xlane v3, v2;
	v4 =	vadd.s32 v1, v4;
	_ =	sdelay $0x1  }
0xab7: {  	v3 =	vadd.s32 v1, v3;
	_ =	sdelay $0x1  }
0xab8: {  	s10 =	simm.s32 $0x16000  }
0xab9: {  	[tilespmem:s10], [sflag:$0x6] =	stream.indirect_vreg.gather [hbm4b:s1+s3], $0x80, v4, vm0, $0xb8;
	[tilespmem:$0x19000] =	vst v63  }
0xaba: {  	s28 =	simm.s32 $0x16800  }
0xabb: {  	[tilespmem:s28], [sflag:$0x6] =	stream.indirect_vreg.gather [hbm4b:s1+s3], $0x80, v3, vm0, $0xb8;
	[tilespmem:$0x19000] =	vst v63  }
0xabc: {  	v3 =	vld [tilespmem:$0xD60];
	_ =	sdelay $0x4  }
0xabd: {  	v22 =	vshll.u32 v3, $0x1  }
0xabe: {  	v3 =	vand.u32 $0x7, v3;
	v4 =	vand.u32 $0xFFFFFFF0, v22  }
0xabf: {  	v3 =	vor.u32 v3, v4  }
0xac0: {  	v4 =	vperm.xlane v3, v0;
	_ =	sdelay $0x1  }
0xac1: {  	v3 =	vperm.xlane v3, v2;
	v4 =	vadd.s32 v1, v4;
	_ =	sdelay $0x1  }
0xac2: {  	v3 =	vadd.s32 v1, v3;
	_ =	sdelay $0x1  }
0xac3: {  	s28 =	simm.s32 $0x17000  }
0xac4: {  	[tilespmem:s28], [sflag:$0x6] =	stream.indirect_vreg.gather [hbm4b:s1+s3], $0x80, v4, vm0, $0xb8;
	[tilespmem:$0x19000] =	vst v63  }
0xac5: {  	s28 =	simm.s32 $0x17800  }
0xac6: {  	[tilespmem:s28], [sflag:$0x6] =	stream.indirect_vreg.gather [hbm4b:s1+s3], $0x80, v3, vm0, $0xb8;
	[tilespmem:$0x19000] =	vst v63  }
0xac7: {  	v3 =	vld [tilespmem:$0xD70];
	_ =	sdelay $0x4  }
0xac8: {  	v23 =	vshll.u32 v3, $0x1  }
0xac9: {  	v3 =	vand.u32 $0x7, v3;
	v4 =	vand.u32 $0xFFFFFFF0, v23  }
0xaca: {  	v3 =	vor.u32 v3, v4  }
0xacb: {  	v4 =	vperm.xlane v3, v0;
	_ =	sdelay $0x1  }
0xacc: {  	v3 =	vperm.xlane v3, v2;
	v4 =	vadd.s32 v1, v4;
	_ =	sdelay $0x1  }
0xacd: {  	v3 =	vadd.s32 v1, v3;
	_ =	sdelay $0x1  }
0xace: {  	s28 =	simm.s32 $0x18000  }
0xacf: {  	[tilespmem:s28], [sflag:$0x6] =	stream.indirect_vreg.gather [hbm4b:s1+s3], $0x80, v4, vm0, $0xb8;
	[tilespmem:$0x19000] =	vst v63  }
0xad0: {  	s28 =	simm.s32 $0x18800  }
0xad1: {  	[tilespmem:s28], [sflag:$0x6] =	stream.indirect_vreg.gather [hbm4b:s1+s3], $0x80, v3, vm0, $0xb8;
	[tilespmem:$0x19000] =	vst v63  }
0xad2: {  	_ =	swait.ge [sflag:s13], $0x4000  }
0xad3: {  	s0 =	sld [smem:$0x7EC]  }
0xad4: {  	[sflag:s13] =	ssyncset.done $0x0  }
0xad5: {  	s4 =	simm.s32 $0x1000;
	[sflag:s13] =	ssyncadd.s32 $0xFFFFC000  }
0xad6: {  	[hbm4b:s0+s3] =	stream.linear.scatter [tilespmem:s4], [sflag:$0x7], $0x4000, $0x38;
	[tilespmem:$0x19000] =	vst v63  }
0xad7: {  	_ =	swait.ge [sflag:s15], $0x4000  }
0xad8: {  	[sflag:s15] =	ssyncset.done $0x0  }
0xad9: {  	[sflag:s15] =	ssyncadd.s32 $0xFFFFC000  }
0xada: {  	v3 =	vld [tilespmem:$0xD80];
	_ =	sdelay $0x4  }
0xadb: {  	v24 =	vshll.u32 v3, $0x1  }
0xadc: {  	v3 =	vand.u32 $0x7, v3;
	v4 =	vand.u32 $0xFFFFFFF0, v24  }
0xadd: {  	v3 =	vor.u32 v3, v4  }
0xade: {  	v4 =	vperm.xlane v3, v0;
	_ =	sdelay $0x1  }
0xadf: {  	v3 =	vperm.xlane v3, v2;
	v4 =	vadd.s32 v1, v4;
	_ =	sdelay $0x1  }
0xae0: {  	v3 =	vadd.s32 v1, v3;
	_ =	sdelay $0x2  }
0xae1: {  	[tilespmem:s4], [sflag:$0x1] =	stream.indirect_vreg.gather [hbm4b:s1+s3], $0x80, v4, vm0, $0xb8;
	[tilespmem:$0x19000] =	vst v63  }
0xae2: {  	s28 =	simm.s32 $0x1800  }
0xae3: {  	[tilespmem:s28], [sflag:$0x1] =	stream.indirect_vreg.gather [hbm4b:s1+s3], $0x80, v3, vm0, $0xb8;
	[tilespmem:$0x19000] =	vst v63  }
0xae4: {  	v3 =	vld [tilespmem:$0xD90];
	_ =	sdelay $0x4  }
0xae5: {  	v25 =	vshll.u32 v3, $0x1  }
0xae6: {  	v3 =	vand.u32 $0x7, v3;
	v4 =	vand.u32 $0xFFFFFFF0, v25  }
0xae7: {  	v3 =	vor.u32 v3, v4  }
0xae8: {  	v4 =	vperm.xlane v3, v0;
	_ =	sdelay $0x1  }
0xae9: {  	v3 =	vperm.xlane v3, v2;
	v4 =	vadd.s32 v1, v4;
	_ =	sdelay $0x1  }
0xaea: {  	v3 =	vadd.s32 v1, v3;
	_ =	sdelay $0x1  }
0xaeb: {  	s4 =	simm.s32 $0x2000  }
0xaec: {  	[tilespmem:s4], [sflag:$0x1] =	stream.indirect_vreg.gather [hbm4b:s1+s3], $0x80, v4, vm0, $0xb8;
	[tilespmem:$0x19000] =	vst v63  }
0xaed: {  	s28 =	simm.s32 $0x2800  }
0xaee: {  	[tilespmem:s28], [sflag:$0x1] =	stream.indirect_vreg.gather [hbm4b:s1+s3], $0x80, v3, vm0, $0xb8;
	[tilespmem:$0x19000] =	vst v63  }
0xaef: {  	v3 =	vld [tilespmem:$0xDA0];
	_ =	sdelay $0x4  }
0xaf0: {  	v26 =	vshll.u32 v3, $0x1  }
0xaf1: {  	v3 =	vand.u32 $0x7, v3;
	v4 =	vand.u32 $0xFFFFFFF0, v26  }
0xaf2: {  	v3 =	vor.u32 v3, v4  }
0xaf3: {  	v4 =	vperm.xlane v3, v0;
	_ =	sdelay $0x1  }
0xaf4: {  	v3 =	vperm.xlane v3, v2;
	v4 =	vadd.s32 v1, v4;
	_ =	sdelay $0x1  }
0xaf5: {  	v3 =	vadd.s32 v1, v3;
	_ =	sdelay $0x1  }
0xaf6: {  	s4 =	simm.s32 $0x3000  }
0xaf7: {  	[tilespmem:s4], [sflag:$0x1] =	stream.indirect_vreg.gather [hbm4b:s1+s3], $0x80, v4, vm0, $0xb8;
	[tilespmem:$0x19000] =	vst v63  }
0xaf8: {  	s28 =	simm.s32 $0x3800  }
0xaf9: {  	[tilespmem:s28], [sflag:$0x1] =	stream.indirect_vreg.gather [hbm4b:s1+s3], $0x80, v3, vm0, $0xb8;
	[tilespmem:$0x19000] =	vst v63  }
0xafa: {  	v3 =	vld [tilespmem:$0xDB0];
	_ =	sdelay $0x4  }
0xafb: {  	v27 =	vshll.u32 v3, $0x1  }
0xafc: {  	v3 =	vand.u32 $0x7, v3;
	v4 =	vand.u32 $0xFFFFFFF0, v27  }
0xafd: {  	v3 =	vor.u32 v3, v4  }
0xafe: {  	v4 =	vperm.xlane v3, v0;
	_ =	sdelay $0x1  }
0xaff: {  	v3 =	vperm.xlane v3, v2;
	v4 =	vadd.s32 v1, v4;
	_ =	sdelay $0x1  }
0xb00: {  	v3 =	vadd.s32 v1, v3;
	_ =	sdelay $0x1  }
0xb01: {  	s4 =	simm.s32 $0x4000  }
0xb02: {  	[tilespmem:s4], [sflag:$0x1] =	stream.indirect_vreg.gather [hbm4b:s1+s3], $0x80, v4, vm0, $0xb8;
	[tilespmem:$0x19000] =	vst v63  }
0xb03: {  	s28 =	simm.s32 $0x4800  }
0xb04: {  	[tilespmem:s28], [sflag:$0x1] =	stream.indirect_vreg.gather [hbm4b:s1+s3], $0x80, v3, vm0, $0xb8;
	[tilespmem:$0x19000] =	vst v63  }
0xb05: {  	_ =	swait.ge [sflag:s16], $0x4000  }
0xb06: {  	s4 =	sld [smem:$0x7ED]  }
0xb07: {  	[sflag:s16] =	ssyncset.done $0x0  }
0xb08: {  	s2 =	simm.s32 $0x5000;
	[sflag:s16] =	ssyncadd.s32 $0xFFFFC000  }
0xb09: {  	[hbm4b:s4+s3] =	stream.linear.scatter [tilespmem:s2], [sflag:$0x8], $0x4000, $0x38;
	[tilespmem:$0x19000] =	vst v63  }
0xb0a: {  	_ =	swait.ge [sflag:s17], $0x4000  }
0xb0b: {  	[sflag:s17] =	ssyncset.done $0x0  }
0xb0c: {  	[sflag:s17] =	ssyncadd.s32 $0xFFFFC000  }
0xb0d: {  	v3 =	vld [tilespmem:$0xDC0];
	_ =	sdelay $0x4  }
0xb0e: {  	v28 =	vshll.u32 v3, $0x1  }
0xb0f: {  	v3 =	vand.u32 $0x7, v3;
	v4 =	vand.u32 $0xFFFFFFF0, v28  }
0xb10: {  	v3 =	vor.u32 v3, v4  }
0xb11: {  	v4 =	vperm.xlane v3, v0;
	_ =	sdelay $0x1  }
0xb12: {  	v3 =	vperm.xlane v3, v2;
	v4 =	vadd.s32 v1, v4;
	_ =	sdelay $0x1  }
0xb13: {  	v3 =	vadd.s32 v1, v3;
	_ =	sdelay $0x2  }
0xb14: {  	[tilespmem:s2], [sflag:$0x2] =	stream.indirect_vreg.gather [hbm4b:s1+s3], $0x80, v4, vm0, $0xb8;
	[tilespmem:$0x19000] =	vst v63  }
0xb15: {  	_ = 	snop  }
0xb16: {  	[tilespmem:s9], [sflag:$0x2] =	stream.indirect_vreg.gather [hbm4b:s1+s3], $0x80, v3, vm0, $0xb8;
	[tilespmem:$0x19000] =	vst v63  }
0xb17: {  	v3 =	vld [tilespmem:$0xDD0];
	_ =	sdelay $0x4  }
0xb18: {  	v29 =	vshll.u32 v3, $0x1  }
0xb19: {  	v3 =	vand.u32 $0x7, v3;
	v4 =	vand.u32 $0xFFFFFFF0, v29  }
0xb1a: {  	v3 =	vor.u32 v3, v4  }
0xb1b: {  	v4 =	vperm.xlane v3, v0;
	_ =	sdelay $0x1  }
0xb1c: {  	v3 =	vperm.xlane v3, v2;
	v4 =	vadd.s32 v1, v4;
	_ =	sdelay $0x1  }
0xb1d: {  	v3 =	vadd.s32 v1, v3;
	_ =	sdelay $0x1  }
0xb1e: {  	s28 =	simm.s32 $0x6000  }
0xb1f: {  	[tilespmem:s28], [sflag:$0x2] =	stream.indirect_vreg.gather [hbm4b:s1+s3], $0x80, v4, vm0, $0xb8;
	[tilespmem:$0x19000] =	vst v63  }
0xb20: {  	_ = 	snop  }
0xb21: {  	[tilespmem:s23], [sflag:$0x2] =	stream.indirect_vreg.gather [hbm4b:s1+s3], $0x80, v3, vm0, $0xb8;
	[tilespmem:$0x19000] =	vst v63  }
0xb22: {  	v3 =	vld [tilespmem:$0xDE0];
	_ =	sdelay $0x4  }
0xb23: {  	v30 =	vshll.u32 v3, $0x1  }
0xb24: {  	v3 =	vand.u32 $0x7, v3;
	v4 =	vand.u32 $0xFFFFFFF0, v30  }
0xb25: {  	v3 =	vor.u32 v3, v4  }
0xb26: {  	v4 =	vperm.xlane v3, v0;
	_ =	sdelay $0x1  }
0xb27: {  	v3 =	vperm.xlane v3, v2;
	v4 =	vadd.s32 v1, v4;
	_ =	sdelay $0x1  }
0xb28: {  	v3 =	vadd.s32 v1, v3;
	_ =	sdelay $0x2  }
0xb29: {  	[tilespmem:s31], [sflag:$0x2] =	stream.indirect_vreg.gather [hbm4b:s1+s3], $0x80, v4, vm0, $0xb8;
	[tilespmem:$0x19000] =	vst v63  }
0xb2a: {  	s0 =	simm.s32 $0x7800  }
0xb2b: {  	[tilespmem:s0], [sflag:$0x2] =	stream.indirect_vreg.gather [hbm4b:s1+s3], $0x80, v3, vm0, $0xb8;
	[tilespmem:$0x19000] =	vst v63  }
0xb2c: {  	v3 =	vld [tilespmem:$0xDF0];
	_ =	sdelay $0x4  }
0xb2d: {  	v31 =	vshll.u32 v3, $0x1  }
0xb2e: {  	v3 =	vand.u32 $0x7, v3;
	v4 =	vand.u32 $0xFFFFFFF0, v31  }
0xb2f: {  	v3 =	vor.u32 v3, v4  }
0xb30: {  	v4 =	vperm.xlane v3, v0;
	_ =	sdelay $0x1  }
0xb31: {  	v3 =	vperm.xlane v3, v2;
	v4 =	vadd.s32 v1, v4;
	_ =	sdelay $0x1  }
0xb32: {  	v3 =	vadd.s32 v1, v3;
	_ =	sdelay $0x2  }
0xb33: {  	[tilespmem:s29], [sflag:$0x2] =	stream.indirect_vreg.gather [hbm4b:s1+s3], $0x80, v4, vm0, $0xb8;
	[tilespmem:$0x19000] =	vst v63  }
0xb34: {  	_ = 	snop  }
0xb35: {  	[tilespmem:s30], [sflag:$0x2] =	stream.indirect_vreg.gather [hbm4b:s1+s3], $0x80, v3, vm0, $0xb8;
	[tilespmem:$0x19000] =	vst v63  }
0xb36: {  	_ =	swait.ge [sflag:s18], $0x4000  }
0xb37: {  	s2 =	sld [smem:$0x7EE]  }
0xb38: {  	[sflag:s18] =	ssyncset.done $0x0  }
0xb39: {  	s7 =	simm.s32 $0x9000;
	[sflag:s18] =	ssyncadd.s32 $0xFFFFC000  }
0xb3a: {  	[hbm4b:s2+s3] =	stream.linear.scatter [tilespmem:s7], [sflag:$0x9], $0x4000, $0x38;
	[tilespmem:$0x19000] =	vst v63  }
0xb3b: {  	_ =	swait.ge [sflag:s19], $0x4000  }
0xb3c: {  	[sflag:s19] =	ssyncset.done $0x0  }
0xb3d: {  	[sflag:s19] =	ssyncadd.s32 $0xFFFFC000  }
0xb3e: {  	v3 =	vld [tilespmem:$0xE00];
	_ =	sdelay $0x4  }
0xb3f: {  	v32 =	vshll.u32 v3, $0x1  }
0xb40: {  	v3 =	vand.u32 $0x7, v3;
	v4 =	vand.u32 $0xFFFFFFF0, v32  }
0xb41: {  	v3 =	vor.u32 v3, v4  }
0xb42: {  	v4 =	vperm.xlane v3, v0;
	_ =	sdelay $0x1  }
0xb43: {  	v3 =	vperm.xlane v3, v2;
	v4 =	vadd.s32 v1, v4;
	_ =	sdelay $0x1  }
0xb44: {  	v3 =	vadd.s32 v1, v3;
	_ =	sdelay $0x2  }
0xb45: {  	[tilespmem:s7], [sflag:$0x3] =	stream.indirect_vreg.gather [hbm4b:s1+s3], $0x80, v4, vm0, $0xb8;
	[tilespmem:$0x19000] =	vst v63  }
0xb46: {  	s4 =	simm.s32 $0x9800  }
0xb47: {  	[tilespmem:s4], [sflag:$0x3] =	stream.indirect_vreg.gather [hbm4b:s1+s3], $0x80, v3, vm0, $0xb8;
	[tilespmem:$0x19000] =	vst v63  }
0xb48: {  	v3 =	vld [tilespmem:$0xE10];
	_ =	sdelay $0x4  }
0xb49: {  	v33 =	vshll.u32 v3, $0x1  }
0xb4a: {  	v3 =	vand.u32 $0x7, v3;
	v4 =	vand.u32 $0xFFFFFFF0, v33  }
0xb4b: {  	v3 =	vor.u32 v3, v4  }
0xb4c: {  	v4 =	vperm.xlane v3, v0;
	_ =	sdelay $0x1  }
0xb4d: {  	v3 =	vperm.xlane v3, v2;
	v4 =	vadd.s32 v1, v4;
	_ =	sdelay $0x1  }
0xb4e: {  	v3 =	vadd.s32 v1, v3;
	_ =	sdelay $0x1  }
0xb4f: {  	s7 =	simm.s32 $0xA000  }
0xb50: {  	[tilespmem:s7], [sflag:$0x3] =	stream.indirect_vreg.gather [hbm4b:s1+s3], $0x80, v4, vm0, $0xb8;
	[tilespmem:$0x19000] =	vst v63  }
0xb51: {  	s9 =	simm.s32 $0xA800  }
0xb52: {  	[tilespmem:s9], [sflag:$0x3] =	stream.indirect_vreg.gather [hbm4b:s1+s3], $0x80, v3, vm0, $0xb8;
	[tilespmem:$0x19000] =	vst v63  }
0xb53: {  	v3 =	vld [tilespmem:$0xE20];
	_ =	sdelay $0x4  }
0xb54: {  	v34 =	vshll.u32 v3, $0x1  }
0xb55: {  	v3 =	vand.u32 $0x7, v3;
	v4 =	vand.u32 $0xFFFFFFF0, v34  }
0xb56: {  	v3 =	vor.u32 v3, v4  }
0xb57: {  	v4 =	vperm.xlane v3, v0;
	_ =	sdelay $0x1  }
0xb58: {  	v3 =	vperm.xlane v3, v2;
	v4 =	vadd.s32 v1, v4;
	_ =	sdelay $0x1  }
0xb59: {  	v3 =	vadd.s32 v1, v3;
	_ =	sdelay $0x1  }
0xb5a: {  	s23 =	simm.s32 $0xB000  }
0xb5b: {  	[tilespmem:s23], [sflag:$0x3] =	stream.indirect_vreg.gather [hbm4b:s1+s3], $0x80, v4, vm0, $0xb8;
	[tilespmem:$0x19000] =	vst v63  }
0xb5c: {  	s2 =	simm.s32 $0xB800  }
0xb5d: {  	[tilespmem:s2], [sflag:$0x3] =	stream.indirect_vreg.gather [hbm4b:s1+s3], $0x80, v3, vm0, $0xb8;
	[tilespmem:$0x19000] =	vst v63  }
0xb5e: {  	v3 =	vld [tilespmem:$0xE30];
	_ =	sdelay $0x4  }
0xb5f: {  	v35 =	vshll.u32 v3, $0x1  }
0xb60: {  	v3 =	vand.u32 $0x7, v3;
	v4 =	vand.u32 $0xFFFFFFF0, v35  }
0xb61: {  	v3 =	vor.u32 v3, v4  }
0xb62: {  	v4 =	vperm.xlane v3, v0;
	_ =	sdelay $0x1  }
0xb63: {  	v3 =	vperm.xlane v3, v2;
	v4 =	vadd.s32 v1, v4;
	_ =	sdelay $0x1  }
0xb64: {  	v3 =	vadd.s32 v1, v3;
	_ =	sdelay $0x1  }
0xb65: {  	s28 =	simm.s32 $0xC000  }
0xb66: {  	[tilespmem:s28], [sflag:$0x3] =	stream.indirect_vreg.gather [hbm4b:s1+s3], $0x80, v4, vm0, $0xb8;
	[tilespmem:$0x19000] =	vst v63  }
0xb67: {  	_ = 	snop  }
0xb68: {  	[tilespmem:s22], [sflag:$0x3] =	stream.indirect_vreg.gather [hbm4b:s1+s3], $0x80, v3, vm0, $0xb8;
	[tilespmem:$0x19000] =	vst v63  }
0xb69: {  	_ =	swait.ge [sflag:s20], $0x4000  }
0xb6a: {  	s7 =	sld [smem:$0x7EF]  }
0xb6b: {  	[sflag:s20] =	ssyncset.done $0x0  }
0xb6c: {  	s5 =	simm.s32 $0xD000;
	[sflag:s20] =	ssyncadd.s32 $0xFFFFC000  }
0xb6d: {  	[hbm4b:s7+s3] =	stream.linear.scatter [tilespmem:s5], [sflag:$0xA], $0x4000, $0x38;
	[tilespmem:$0x19000] =	vst v63  }
0xb6e: {  	_ =	swait.ge [sflag:s21], $0x4000  }
0xb6f: {  	[sflag:s21] =	ssyncset.done $0x0  }
0xb70: {  	[sflag:s21] =	ssyncadd.s32 $0xFFFFC000  }
0xb71: {  	v3 =	vld [tilespmem:$0xE40];
	_ =	sdelay $0x4  }
0xb72: {  	v36 =	vshll.u32 v3, $0x1  }
0xb73: {  	v3 =	vand.u32 $0x7, v3;
	v4 =	vand.u32 $0xFFFFFFF0, v36  }
0xb74: {  	v3 =	vor.u32 v3, v4  }
0xb75: {  	v4 =	vperm.xlane v3, v0;
	_ =	sdelay $0x1  }
0xb76: {  	v3 =	vperm.xlane v3, v2;
	v4 =	vadd.s32 v1, v4;
	_ =	sdelay $0x1  }
0xb77: {  	v3 =	vadd.s32 v1, v3;
	_ =	sdelay $0x2  }
0xb78: {  	[tilespmem:s5], [sflag:$0x4] =	stream.indirect_vreg.gather [hbm4b:s1+s3], $0x80, v4, vm0, $0xb8;
	[tilespmem:$0x19000] =	vst v63  }
0xb79: {  	_ = 	snop  }
0xb7a: {  	[tilespmem:s8], [sflag:$0x4] =	stream.indirect_vreg.gather [hbm4b:s1+s3], $0x80, v3, vm0, $0xb8;
	[tilespmem:$0x19000] =	vst v63  }
0xb7b: {  	v3 =	vld [tilespmem:$0xE50];
	_ =	sdelay $0x4  }
0xb7c: {  	v37 =	vshll.u32 v3, $0x1  }
0xb7d: {  	v3 =	vand.u32 $0x7, v3;
	v4 =	vand.u32 $0xFFFFFFF0, v37  }
0xb7e: {  	v3 =	vor.u32 v3, v4  }
0xb7f: {  	v4 =	vperm.xlane v3, v0;
	_ =	sdelay $0x1  }
0xb80: {  	v3 =	vperm.xlane v3, v2;
	v4 =	vadd.s32 v1, v4;
	_ =	sdelay $0x1  }
0xb81: {  	v3 =	vadd.s32 v1, v3;
	_ =	sdelay $0x1  }
0xb82: {  	s8 =	simm.s32 $0xE000  }
0xb83: {  	[tilespmem:s8], [sflag:$0x4] =	stream.indirect_vreg.gather [hbm4b:s1+s3], $0x80, v4, vm0, $0xb8;
	[tilespmem:$0x19000] =	vst v63  }
0xb84: {  	s9 =	simm.s32 $0xE800  }
0xb85: {  	[tilespmem:s9], [sflag:$0x4] =	stream.indirect_vreg.gather [hbm4b:s1+s3], $0x80, v3, vm0, $0xb8;
	[tilespmem:$0x19000] =	vst v63  }
0xb86: {  	v3 =	vld [tilespmem:$0xE60];
	_ =	sdelay $0x4  }
0xb87: {  	v38 =	vshll.u32 v3, $0x1  }
0xb88: {  	v3 =	vand.u32 $0x7, v3;
	v4 =	vand.u32 $0xFFFFFFF0, v38  }
0xb89: {  	v3 =	vor.u32 v3, v4  }
0xb8a: {  	v4 =	vperm.xlane v3, v0;
	_ =	sdelay $0x1  }
0xb8b: {  	v3 =	vperm.xlane v3, v2;
	v4 =	vadd.s32 v1, v4;
	_ =	sdelay $0x1  }
0xb8c: {  	v3 =	vadd.s32 v1, v3;
	_ =	sdelay $0x2  }
0xb8d: {  	[tilespmem:s11], [sflag:$0x4] =	stream.indirect_vreg.gather [hbm4b:s1+s3], $0x80, v4, vm0, $0xb8;
	[tilespmem:$0x19000] =	vst v63  }
0xb8e: {  	s11 =	simm.s32 $0xF800  }
0xb8f: {  	[tilespmem:s11], [sflag:$0x4] =	stream.indirect_vreg.gather [hbm4b:s1+s3], $0x80, v3, vm0, $0xb8;
	[tilespmem:$0x19000] =	vst v63  }
0xb90: {  	v3 =	vld [tilespmem:$0xE70];
	_ =	sdelay $0x4  }
0xb91: {  	v39 =	vshll.u32 v3, $0x1  }
0xb92: {  	v3 =	vand.u32 $0x7, v3;
	v4 =	vand.u32 $0xFFFFFFF0, v39  }
0xb93: {  	v3 =	vor.u32 v3, v4  }
0xb94: {  	v4 =	vperm.xlane v3, v0;
	_ =	sdelay $0x1  }
0xb95: {  	v3 =	vperm.xlane v3, v2;
	v4 =	vadd.s32 v1, v4;
	_ =	sdelay $0x1  }
0xb96: {  	v3 =	vadd.s32 v1, v3;
	_ =	sdelay $0x2  }
0xb97: {  	[tilespmem:s12], [sflag:$0x4] =	stream.indirect_vreg.gather [hbm4b:s1+s3], $0x80, v4, vm0, $0xb8;
	[tilespmem:$0x19000] =	vst v63  }
0xb98: {  	s28 =	simm.s32 $0x10800  }
0xb99: {  	[tilespmem:s28], [sflag:$0x4] =	stream.indirect_vreg.gather [hbm4b:s1+s3], $0x80, v3, vm0, $0xb8;
	[tilespmem:$0x19000] =	vst v63  }
0xb9a: {  	_ =	swait.ge [sflag:s14], $0x4000  }
0xb9b: {  	s5 =	sld [smem:$0x7F0]  }
0xb9c: {  	[sflag:s14] =	ssyncset.done $0x0  }
0xb9d: {  	s8 =	simm.s32 $0x11000;
	[sflag:s14] =	ssyncadd.s32 $0xFFFFC000  }
0xb9e: {  	[hbm4b:s5+s3] =	stream.linear.scatter [tilespmem:s8], [sflag:$0xB], $0x4000, $0x38;
	[tilespmem:$0x19000] =	vst v63  }
0xb9f: {  	_ =	swait.ge [sflag:s24], $0x4000  }
0xba0: {  	[sflag:s24] =	ssyncset.done $0x0  }
0xba1: {  	[sflag:s24] =	ssyncadd.s32 $0xFFFFC000  }
0xba2: {  	v3 =	vld [tilespmem:$0xE80];
	_ =	sdelay $0x4  }
0xba3: {  	v40 =	vshll.u32 v3, $0x1  }
0xba4: {  	v3 =	vand.u32 $0x7, v3;
	v4 =	vand.u32 $0xFFFFFFF0, v40  }
0xba5: {  	v3 =	vor.u32 v3, v4  }
0xba6: {  	v4 =	vperm.xlane v3, v0;
	_ =	sdelay $0x1  }
0xba7: {  	v3 =	vperm.xlane v3, v2;
	v4 =	vadd.s32 v1, v4;
	_ =	sdelay $0x1  }
0xba8: {  	v3 =	vadd.s32 v1, v3;
	_ =	sdelay $0x2  }
0xba9: {  	[tilespmem:s8], [sflag:$0x5] =	stream.indirect_vreg.gather [hbm4b:s1+s3], $0x80, v4, vm0, $0xb8;
	[tilespmem:$0x19000] =	vst v63  }
0xbaa: {  	s12 =	simm.s32 $0x11800  }
0xbab: {  	[tilespmem:s12], [sflag:$0x5] =	stream.indirect_vreg.gather [hbm4b:s1+s3], $0x80, v3, vm0, $0xb8;
	[tilespmem:$0x19000] =	vst v63  }
0xbac: {  	v3 =	vld [tilespmem:$0xE90];
	_ =	sdelay $0x4  }
0xbad: {  	v41 =	vshll.u32 v3, $0x1  }
0xbae: {  	v3 =	vand.u32 $0x7, v3;
	v4 =	vand.u32 $0xFFFFFFF0, v41  }
0xbaf: {  	v3 =	vor.u32 v3, v4  }
0xbb0: {  	v4 =	vperm.xlane v3, v0;
	_ =	sdelay $0x1  }
0xbb1: {  	v3 =	vperm.xlane v3, v2;
	v4 =	vadd.s32 v1, v4;
	_ =	sdelay $0x1  }
0xbb2: {  	v3 =	vadd.s32 v1, v3;
	_ =	sdelay $0x1  }
0xbb3: {  	s28 =	simm.s32 $0x12000  }
0xbb4: {  	[tilespmem:s28], [sflag:$0x5] =	stream.indirect_vreg.gather [hbm4b:s1+s3], $0x80, v4, vm0, $0xb8;
	[tilespmem:$0x19000] =	vst v63  }
0xbb5: {  	s8 =	simm.s32 $0x12800  }
0xbb6: {  	[tilespmem:s8], [sflag:$0x5] =	stream.indirect_vreg.gather [hbm4b:s1+s3], $0x80, v3, vm0, $0xb8;
	[tilespmem:$0x19000] =	vst v63  }
0xbb7: {  	v3 =	vld [tilespmem:$0xEA0];
	_ =	sdelay $0x4  }
0xbb8: {  	v42 =	vshll.u32 v3, $0x1  }
0xbb9: {  	v3 =	vand.u32 $0x7, v3;
	v4 =	vand.u32 $0xFFFFFFF0, v42  }
0xbba: {  	v3 =	vor.u32 v3, v4  }
0xbbb: {  	v4 =	vperm.xlane v3, v0;
	_ =	sdelay $0x1  }
0xbbc: {  	v3 =	vperm.xlane v3, v2;
	v4 =	vadd.s32 v1, v4;
	_ =	sdelay $0x1  }
0xbbd: {  	v3 =	vadd.s32 v1, v3;
	_ =	sdelay $0x1  }
0xbbe: {  	s12 =	simm.s32 $0x13000  }
0xbbf: {  	[tilespmem:s12], [sflag:$0x5] =	stream.indirect_vreg.gather [hbm4b:s1+s3], $0x80, v4, vm0, $0xb8;
	[tilespmem:$0x19000] =	vst v63  }
0xbc0: {  	s28 =	simm.s32 $0x13800  }
0xbc1: {  	[tilespmem:s28], [sflag:$0x5] =	stream.indirect_vreg.gather [hbm4b:s1+s3], $0x80, v3, vm0, $0xb8;
	[tilespmem:$0x19000] =	vst v63  }
0xbc2: {  	v3 =	vld [tilespmem:$0xEB0];
	_ =	sdelay $0x4  }
0xbc3: {  	v43 =	vshll.u32 v3, $0x1  }
0xbc4: {  	v3 =	vand.u32 $0x7, v3;
	v4 =	vand.u32 $0xFFFFFFF0, v43  }
0xbc5: {  	v3 =	vor.u32 v3, v4  }
0xbc6: {  	v4 =	vperm.xlane v3, v0;
	_ =	sdelay $0x1  }
0xbc7: {  	v3 =	vperm.xlane v3, v2;
	v4 =	vadd.s32 v1, v4;
	_ =	sdelay $0x1  }
0xbc8: {  	v3 =	vadd.s32 v1, v3;
	_ =	sdelay $0x1  }
0xbc9: {  	s8 =	simm.s32 $0x14000  }
0xbca: {  	[tilespmem:s8], [sflag:$0x5] =	stream.indirect_vreg.gather [hbm4b:s1+s3], $0x80, v4, vm0, $0xb8;
	[tilespmem:$0x19000] =	vst v63  }
0xbcb: {  	_ = 	snop  }
0xbcc: {  	[tilespmem:s6], [sflag:$0x5] =	stream.indirect_vreg.gather [hbm4b:s1+s3], $0x80, v3, vm0, $0xb8;
	[tilespmem:$0x19000] =	vst v63  }
0xbcd: {  	_ =	swait.ge [sflag:s25], $0x4000  }
0xbce: {  	s12 =	sld [smem:$0x7F1]  }
0xbcf: {  	[sflag:s25] =	ssyncset.done $0x0  }
0xbd0: {  	s5 =	simm.s32 $0x15000;
	[sflag:s25] =	ssyncadd.s32 $0xFFFFC000  }
0xbd1: {  	[hbm4b:s12+s3] =	stream.linear.scatter [tilespmem:s5], [sflag:$0xC], $0x4000, $0x38;
	[tilespmem:$0x19000] =	vst v63  }
0xbd2: {  	_ =	swait.ge [sflag:s26], $0x4000  }
0xbd3: {  	[sflag:s26] =	ssyncset.done $0x0  }
0xbd4: {  	[sflag:s26] =	ssyncadd.s32 $0xFFFFC000  }
0xbd5: {  	v3 =	vld [tilespmem:$0xEC0];
	_ =	sdelay $0x4  }
0xbd6: {  	v44 =	vshll.u32 v3, $0x1  }
0xbd7: {  	v3 =	vand.u32 $0x7, v3;
	v4 =	vand.u32 $0xFFFFFFF0, v44  }
0xbd8: {  	v3 =	vor.u32 v3, v4  }
0xbd9: {  	v4 =	vperm.xlane v3, v0;
	_ =	sdelay $0x1  }
0xbda: {  	v3 =	vperm.xlane v3, v2;
	v4 =	vadd.s32 v1, v4;
	_ =	sdelay $0x1  }
0xbdb: {  	v3 =	vadd.s32 v1, v3;
	_ =	sdelay $0x2  }
0xbdc: {  	[tilespmem:s5], [sflag:$0x6] =	stream.indirect_vreg.gather [hbm4b:s1+s3], $0x80, v4, vm0, $0xb8;
	[tilespmem:$0x19000] =	vst v63  }
0xbdd: {  	s6 =	simm.s32 $0x15800  }
0xbde: {  	[tilespmem:s6], [sflag:$0x6] =	stream.indirect_vreg.gather [hbm4b:s1+s3], $0x80, v3, vm0, $0xb8;
	[tilespmem:$0x19000] =	vst v63  }
0xbdf: {  	v3 =	vld [tilespmem:$0xED0];
	_ =	sdelay $0x4  }
0xbe0: {  	v45 =	vshll.u32 v3, $0x1  }
0xbe1: {  	v3 =	vand.u32 $0x7, v3;
	v4 =	vand.u32 $0xFFFFFFF0, v45  }
0xbe2: {  	v3 =	vor.u32 v3, v4  }
0xbe3: {  	v4 =	vperm.xlane v3, v0;
	_ =	sdelay $0x1  }
0xbe4: {  	v3 =	vperm.xlane v3, v2;
	v4 =	vadd.s32 v1, v4;
	_ =	sdelay $0x1  }
0xbe5: {  	v3 =	vadd.s32 v1, v3;
	_ =	sdelay $0x1  }
0xbe6: {  	s10 =	simm.s32 $0x16000  }
0xbe7: {  	[tilespmem:s10], [sflag:$0x6] =	stream.indirect_vreg.gather [hbm4b:s1+s3], $0x80, v4, vm0, $0xb8;
	[tilespmem:$0x19000] =	vst v63  }
0xbe8: {  	s10 =	simm.s32 $0x16800  }
0xbe9: {  	[tilespmem:s10], [sflag:$0x6] =	stream.indirect_vreg.gather [hbm4b:s1+s3], $0x80, v3, vm0, $0xb8;
	[tilespmem:$0x19000] =	vst v63  }
0xbea: {  	v3 =	vld [tilespmem:$0xEE0];
	_ =	sdelay $0x4  }
0xbeb: {  	v46 =	vshll.u32 v3, $0x1  }
0xbec: {  	v3 =	vand.u32 $0x7, v3;
	v4 =	vand.u32 $0xFFFFFFF0, v46  }
0xbed: {  	v3 =	vor.u32 v3, v4  }
0xbee: {  	v4 =	vperm.xlane v3, v0;
	_ =	sdelay $0x1  }
0xbef: {  	v3 =	vperm.xlane v3, v2;
	v4 =	vadd.s32 v1, v4;
	_ =	sdelay $0x1  }
0xbf0: {  	v3 =	vadd.s32 v1, v3;
	_ =	sdelay $0x1  }
0xbf1: {  	s12 =	simm.s32 $0x17000  }
0xbf2: {  	[tilespmem:s12], [sflag:$0x6] =	stream.indirect_vreg.gather [hbm4b:s1+s3], $0x80, v4, vm0, $0xb8;
	[tilespmem:$0x19000] =	vst v63  }
0xbf3: {  	s28 =	simm.s32 $0x17800  }
0xbf4: {  	[tilespmem:s28], [sflag:$0x6] =	stream.indirect_vreg.gather [hbm4b:s1+s3], $0x80, v3, vm0, $0xb8;
	[tilespmem:$0x19000] =	vst v63  }
0xbf5: {  	v3 =	vld [tilespmem:$0xEF0];
	_ =	sdelay $0x4  }
0xbf6: {  	v47 =	vshll.u32 v3, $0x1  }
0xbf7: {  	v3 =	vand.u32 $0x7, v3;
	v4 =	vand.u32 $0xFFFFFFF0, v47  }
0xbf8: {  	v3 =	vor.u32 v3, v4  }
0xbf9: {  	v4 =	vperm.xlane v3, v0;
	_ =	sdelay $0x1  }
0xbfa: {  	v3 =	vperm.xlane v3, v2;
	v4 =	vadd.s32 v1, v4;
	_ =	sdelay $0x1  }
0xbfb: {  	v3 =	vadd.s32 v1, v3;
	_ =	sdelay $0x1  }
0xbfc: {  	s6 =	simm.s32 $0x18000  }
0xbfd: {  	[tilespmem:s6], [sflag:$0x6] =	stream.indirect_vreg.gather [hbm4b:s1+s3], $0x80, v4, vm0, $0xb8;
	[tilespmem:$0x19000] =	vst v63  }
0xbfe: {  	s10 =	simm.s32 $0x18800  }
0xbff: {  	[tilespmem:s10], [sflag:$0x6] =	stream.indirect_vreg.gather [hbm4b:s1+s3], $0x80, v3, vm0, $0xb8;
	[tilespmem:$0x19000] =	vst v63  }
0xc00: {  	_ =	swait.ge [sflag:s13], $0x4000  }
0xc01: {  	s12 =	sld [smem:$0x7F2]  }
0xc02: {  	[sflag:s13] =	ssyncset.done $0x0  }
0xc03: {  	s5 =	simm.s32 $0x1000;
	[sflag:s13] =	ssyncadd.s32 $0xFFFFC000  }
0xc04: {  	[hbm4b:s12+s3] =	stream.linear.scatter [tilespmem:s5], [sflag:$0x7], $0x4000, $0x38;
	[tilespmem:$0x19000] =	vst v63  }
0xc05: {  	_ =	swait.ge [sflag:s15], $0x4000  }
0xc06: {  	[sflag:s15] =	ssyncset.done $0x0  }
0xc07: {  	[sflag:s15] =	ssyncadd.s32 $0xFFFFC000  }
0xc08: {  	v3 =	vld [tilespmem:$0xF00];
	_ =	sdelay $0x4  }
0xc09: {  	v48 =	vshll.u32 v3, $0x1  }
0xc0a: {  	v3 =	vand.u32 $0x7, v3;
	v4 =	vand.u32 $0xFFFFFFF0, v48  }
0xc0b: {  	v3 =	vor.u32 v3, v4  }
0xc0c: {  	v4 =	vperm.xlane v3, v0;
	_ =	sdelay $0x1  }
0xc0d: {  	v3 =	vperm.xlane v3, v2;
	v4 =	vadd.s32 v1, v4;
	_ =	sdelay $0x1  }
0xc0e: {  	v3 =	vadd.s32 v1, v3;
	_ =	sdelay $0x2  }
0xc0f: {  	[tilespmem:s5], [sflag:$0x1] =	stream.indirect_vreg.gather [hbm4b:s1+s3], $0x80, v4, vm0, $0xb8;
	[tilespmem:$0x19000] =	vst v63  }
0xc10: {  	s6 =	simm.s32 $0x1800  }
0xc11: {  	[tilespmem:s6], [sflag:$0x1] =	stream.indirect_vreg.gather [hbm4b:s1+s3], $0x80, v3, vm0, $0xb8;
	[tilespmem:$0x19000] =	vst v63  }
0xc12: {  	v3 =	vld [tilespmem:$0xF10];
	_ =	sdelay $0x4  }
0xc13: {  	v49 =	vshll.u32 v3, $0x1  }
0xc14: {  	v3 =	vand.u32 $0x7, v3;
	v4 =	vand.u32 $0xFFFFFFF0, v49  }
0xc15: {  	v3 =	vor.u32 v3, v4  }
0xc16: {  	v4 =	vperm.xlane v3, v0;
	_ =	sdelay $0x1  }
0xc17: {  	v3 =	vperm.xlane v3, v2;
	v4 =	vadd.s32 v1, v4;
	_ =	sdelay $0x1  }
0xc18: {  	v3 =	vadd.s32 v1, v3;
	_ =	sdelay $0x1  }
0xc19: {  	s12 =	simm.s32 $0x2000  }
0xc1a: {  	[tilespmem:s12], [sflag:$0x1] =	stream.indirect_vreg.gather [hbm4b:s1+s3], $0x80, v4, vm0, $0xb8;
	[tilespmem:$0x19000] =	vst v63  }
0xc1b: {  	s28 =	simm.s32 $0x2800  }
0xc1c: {  	[tilespmem:s28], [sflag:$0x1] =	stream.indirect_vreg.gather [hbm4b:s1+s3], $0x80, v3, vm0, $0xb8;
	[tilespmem:$0x19000] =	vst v63  }
0xc1d: {  	v3 =	vld [tilespmem:$0xF20];
	_ =	sdelay $0x4  }
0xc1e: {  	v50 =	vshll.u32 v3, $0x1  }
0xc1f: {  	v3 =	vand.u32 $0x7, v3;
	v4 =	vand.u32 $0xFFFFFFF0, v50  }
0xc20: {  	v3 =	vor.u32 v3, v4  }
0xc21: {  	v4 =	vperm.xlane v3, v0;
	_ =	sdelay $0x1  }
0xc22: {  	v3 =	vperm.xlane v3, v2;
	v4 =	vadd.s32 v1, v4;
	_ =	sdelay $0x1  }
0xc23: {  	v3 =	vadd.s32 v1, v3;
	_ =	sdelay $0x1  }
0xc24: {  	s6 =	simm.s32 $0x3000  }
0xc25: {  	[tilespmem:s6], [sflag:$0x1] =	stream.indirect_vreg.gather [hbm4b:s1+s3], $0x80, v4, vm0, $0xb8;
	[tilespmem:$0x19000] =	vst v63  }
0xc26: {  	s12 =	simm.s32 $0x3800  }
0xc27: {  	[tilespmem:s12], [sflag:$0x1] =	stream.indirect_vreg.gather [hbm4b:s1+s3], $0x80, v3, vm0, $0xb8;
	[tilespmem:$0x19000] =	vst v63  }
0xc28: {  	v3 =	vld [tilespmem:$0xF30];
	_ =	sdelay $0x4  }
0xc29: {  	v51 =	vshll.u32 v3, $0x1  }
0xc2a: {  	v3 =	vand.u32 $0x7, v3;
	v4 =	vand.u32 $0xFFFFFFF0, v51  }
0xc2b: {  	v3 =	vor.u32 v3, v4  }
0xc2c: {  	v4 =	vperm.xlane v3, v0;
	_ =	sdelay $0x1  }
0xc2d: {  	v3 =	vperm.xlane v3, v2;
	v4 =	vadd.s32 v1, v4;
	_ =	sdelay $0x1  }
0xc2e: {  	v3 =	vadd.s32 v1, v3;
	_ =	sdelay $0x1  }
0xc2f: {  	s28 =	simm.s32 $0x4000  }
0xc30: {  	[tilespmem:s28], [sflag:$0x1] =	stream.indirect_vreg.gather [hbm4b:s1+s3], $0x80, v4, vm0, $0xb8;
	[tilespmem:$0x19000] =	vst v63  }
0xc31: {  	s6 =	simm.s32 $0x4800  }
0xc32: {  	[tilespmem:s6], [sflag:$0x1] =	stream.indirect_vreg.gather [hbm4b:s1+s3], $0x80, v3, vm0, $0xb8;
	[tilespmem:$0x19000] =	vst v63  }
0xc33: {  	_ =	swait.ge [sflag:s16], $0x4000  }
0xc34: {  	s12 =	sld [smem:$0x7F3]  }
0xc35: {  	[sflag:s16] =	ssyncset.done $0x0  }
0xc36: {  	s5 =	simm.s32 $0x5000;
	[sflag:s16] =	ssyncadd.s32 $0xFFFFC000  }
0xc37: {  	[hbm4b:s12+s3] =	stream.linear.scatter [tilespmem:s5], [sflag:$0x8], $0x4000, $0x38;
	[tilespmem:$0x19000] =	vst v63  }
0xc38: {  	_ =	swait.ge [sflag:s17], $0x4000  }
0xc39: {  	[sflag:s17] =	ssyncset.done $0x0  }
0xc3a: {  	[sflag:s17] =	ssyncadd.s32 $0xFFFFC000  }
0xc3b: {  	v3 =	vld [tilespmem:$0xF40];
	_ =	sdelay $0x4  }
0xc3c: {  	v52 =	vshll.u32 v3, $0x1  }
0xc3d: {  	v3 =	vand.u32 $0x7, v3;
	v4 =	vand.u32 $0xFFFFFFF0, v52  }
0xc3e: {  	v3 =	vor.u32 v3, v4  }
0xc3f: {  	v4 =	vperm.xlane v3, v0;
	_ =	sdelay $0x1  }
0xc40: {  	v3 =	vperm.xlane v3, v2;
	v4 =	vadd.s32 v1, v4;
	_ =	sdelay $0x1  }
0xc41: {  	v3 =	vadd.s32 v1, v3;
	_ =	sdelay $0x2  }
0xc42: {  	[tilespmem:s5], [sflag:$0x2] =	stream.indirect_vreg.gather [hbm4b:s1+s3], $0x80, v4, vm0, $0xb8;
	[tilespmem:$0x19000] =	vst v63  }
0xc43: {  	s6 =	simm.s32 $0x5800  }
0xc44: {  	[tilespmem:s6], [sflag:$0x2] =	stream.indirect_vreg.gather [hbm4b:s1+s3], $0x80, v3, vm0, $0xb8;
	[tilespmem:$0x19000] =	vst v63  }
0xc45: {  	v3 =	vld [tilespmem:$0xF50];
	_ =	sdelay $0x4  }
0xc46: {  	v53 =	vshll.u32 v3, $0x1  }
0xc47: {  	v3 =	vand.u32 $0x7, v3;
	v4 =	vand.u32 $0xFFFFFFF0, v53  }
0xc48: {  	v3 =	vor.u32 v3, v4  }
0xc49: {  	v4 =	vperm.xlane v3, v0;
	_ =	sdelay $0x1  }
0xc4a: {  	v3 =	vperm.xlane v3, v2;
	v4 =	vadd.s32 v1, v4;
	_ =	sdelay $0x1  }
0xc4b: {  	v3 =	vadd.s32 v1, v3;
	_ =	sdelay $0x1  }
0xc4c: {  	s28 =	simm.s32 $0x6000  }
0xc4d: {  	[tilespmem:s28], [sflag:$0x2] =	stream.indirect_vreg.gather [hbm4b:s1+s3], $0x80, v4, vm0, $0xb8;
	[tilespmem:$0x19000] =	vst v63  }
0xc4e: {  	s6 =	simm.s32 $0x6800  }
0xc4f: {  	[tilespmem:s6], [sflag:$0x2] =	stream.indirect_vreg.gather [hbm4b:s1+s3], $0x80, v3, vm0, $0xb8;
	[tilespmem:$0x19000] =	vst v63  }
0xc50: {  	v3 =	vld [tilespmem:$0xF60];
	_ =	sdelay $0x4  }
0xc51: {  	v54 =	vshll.u32 v3, $0x1  }
0xc52: {  	v3 =	vand.u32 $0x7, v3;
	v4 =	vand.u32 $0xFFFFFFF0, v54  }
0xc53: {  	v3 =	vor.u32 v3, v4  }
0xc54: {  	v4 =	vperm.xlane v3, v0;
	_ =	sdelay $0x1  }
0xc55: {  	v3 =	vperm.xlane v3, v2;
	v4 =	vadd.s32 v1, v4;
	_ =	sdelay $0x1  }
0xc56: {  	v3 =	vadd.s32 v1, v3;
	_ =	sdelay $0x1  }
0xc57: {  	s28 =	simm.s32 $0x7000  }
0xc58: {  	[tilespmem:s28], [sflag:$0x2] =	stream.indirect_vreg.gather [hbm4b:s1+s3], $0x80, v4, vm0, $0xb8;
	[tilespmem:$0x19000] =	vst v63  }
0xc59: {  	_ = 	snop  }
0xc5a: {  	[tilespmem:s0], [sflag:$0x2] =	stream.indirect_vreg.gather [hbm4b:s1+s3], $0x80, v3, vm0, $0xb8;
	[tilespmem:$0x19000] =	vst v63  }
0xc5b: {  	v3 =	vld [tilespmem:$0xF70];
	_ =	sdelay $0x4  }
0xc5c: {  	v55 =	vshll.u32 v3, $0x1  }
0xc5d: {  	v3 =	vand.u32 $0x7, v3;
	v4 =	vand.u32 $0xFFFFFFF0, v55  }
0xc5e: {  	v3 =	vor.u32 v3, v4  }
0xc5f: {  	v4 =	vperm.xlane v3, v0;
	_ =	sdelay $0x1  }
0xc60: {  	v3 =	vperm.xlane v3, v2;
	v4 =	vadd.s32 v1, v4;
	_ =	sdelay $0x1  }
0xc61: {  	v3 =	vadd.s32 v1, v3;
	_ =	sdelay $0x1  }
0xc62: {  	s29 =	simm.s32 $0x8000  }
0xc63: {  	[tilespmem:s29], [sflag:$0x2] =	stream.indirect_vreg.gather [hbm4b:s1+s3], $0x80, v4, vm0, $0xb8;
	[tilespmem:$0x19000] =	vst v63  }
0xc64: {  	s31 =	simm.s32 $0x8800  }
0xc65: {  	[tilespmem:s31], [sflag:$0x2] =	stream.indirect_vreg.gather [hbm4b:s1+s3], $0x80, v3, vm0, $0xb8;
	[tilespmem:$0x19000] =	vst v63  }
0xc66: {  	_ =	swait.ge [sflag:s18], $0x4000  }
0xc67: {  	s6 =	sld [smem:$0x7F4]  }
0xc68: {  	[sflag:s18] =	ssyncset.done $0x0  }
0xc69: {  	s29 =	simm.s32 $0x9000;
	[sflag:s18] =	ssyncadd.s32 $0xFFFFC000  }
0xc6a: {  	[hbm4b:s6+s3] =	stream.linear.scatter [tilespmem:s29], [sflag:$0x9], $0x4000, $0x38;
	[tilespmem:$0x19000] =	vst v63  }
0xc6b: {  	_ =	swait.ge [sflag:s19], $0x4000  }
0xc6c: {  	[sflag:s19] =	ssyncset.done $0x0  }
0xc6d: {  	[sflag:s19] =	ssyncadd.s32 $0xFFFFC000  }
0xc6e: {  	v3 =	vld [tilespmem:$0xF80];
	_ =	sdelay $0x4  }
0xc6f: {  	v56 =	vshll.u32 v3, $0x1  }
0xc70: {  	v3 =	vand.u32 $0x7, v3;
	v4 =	vand.u32 $0xFFFFFFF0, v56  }
0xc71: {  	v3 =	vor.u32 v3, v4  }
0xc72: {  	v4 =	vperm.xlane v3, v0;
	_ =	sdelay $0x1  }
0xc73: {  	v3 =	vperm.xlane v3, v2;
	v4 =	vadd.s32 v1, v4;
	_ =	sdelay $0x1  }
0xc74: {  	v3 =	vadd.s32 v1, v3;
	_ =	sdelay $0x2  }
0xc75: {  	[tilespmem:s29], [sflag:$0x3] =	stream.indirect_vreg.gather [hbm4b:s1+s3], $0x80, v4, vm0, $0xb8;
	[tilespmem:$0x19000] =	vst v63  }
0xc76: {  	s30 =	simm.s32 $0x9800  }
0xc77: {  	[tilespmem:s30], [sflag:$0x3] =	stream.indirect_vreg.gather [hbm4b:s1+s3], $0x80, v3, vm0, $0xb8;
	[tilespmem:$0x19000] =	vst v63  }
0xc78: {  	v3 =	vld [tilespmem:$0xF90];
	_ =	sdelay $0x4  }
0xc79: {  	v57 =	vshll.u32 v3, $0x1  }
0xc7a: {  	v3 =	vand.u32 $0x7, v3;
	v4 =	vand.u32 $0xFFFFFFF0, v57  }
0xc7b: {  	v3 =	vor.u32 v3, v4  }
0xc7c: {  	v4 =	vperm.xlane v3, v0;
	_ =	sdelay $0x1  }
0xc7d: {  	v3 =	vperm.xlane v3, v2;
	v4 =	vadd.s32 v1, v4;
	_ =	sdelay $0x1  }
0xc7e: {  	v3 =	vadd.s32 v1, v3;
	_ =	sdelay $0x1  }
0xc7f: {  	s30 =	simm.s32 $0xA000  }
0xc80: {  	[tilespmem:s30], [sflag:$0x3] =	stream.indirect_vreg.gather [hbm4b:s1+s3], $0x80, v4, vm0, $0xb8;
	[tilespmem:$0x19000] =	vst v63  }
0xc81: {  	s31 =	simm.s32 $0xA800  }
0xc82: {  	[tilespmem:s31], [sflag:$0x3] =	stream.indirect_vreg.gather [hbm4b:s1+s3], $0x80, v3, vm0, $0xb8;
	[tilespmem:$0x19000] =	vst v63  }
0xc83: {  	v3 =	vld [tilespmem:$0xFA0];
	_ =	sdelay $0x4  }
0xc84: {  	v58 =	vshll.u32 v3, $0x1  }
0xc85: {  	v3 =	vand.u32 $0x7, v3;
	v4 =	vand.u32 $0xFFFFFFF0, v58  }
0xc86: {  	v3 =	vor.u32 v3, v4  }
0xc87: {  	v4 =	vperm.xlane v3, v0;
	_ =	sdelay $0x1  }
0xc88: {  	v3 =	vperm.xlane v3, v2;
	v4 =	vadd.s32 v1, v4;
	_ =	sdelay $0x1  }
0xc89: {  	v3 =	vadd.s32 v1, v3;
	_ =	sdelay $0x1  }
0xc8a: {  	s23 =	simm.s32 $0xB000  }
0xc8b: {  	[tilespmem:s23], [sflag:$0x3] =	stream.indirect_vreg.gather [hbm4b:s1+s3], $0x80, v4, vm0, $0xb8;
	[tilespmem:$0x19000] =	vst v63  }
0xc8c: {  	_ = 	snop  }
0xc8d: {  	[tilespmem:s2], [sflag:$0x3] =	stream.indirect_vreg.gather [hbm4b:s1+s3], $0x80, v3, vm0, $0xb8;
	[tilespmem:$0x19000] =	vst v63  }
0xc8e: {  	v3 =	vld [tilespmem:$0xFB0];
	_ =	sdelay $0x4  }
0xc8f: {  	v59 =	vshll.u32 v3, $0x1  }
0xc90: {  	v3 =	vand.u32 $0x7, v3;
	v4 =	vand.u32 $0xFFFFFFF0, v59  }
0xc91: {  	v3 =	vor.u32 v3, v4  }
0xc92: {  	v4 =	vperm.xlane v3, v0;
	_ =	sdelay $0x1  }
0xc93: {  	v3 =	vperm.xlane v3, v2;
	v4 =	vadd.s32 v1, v4;
	_ =	sdelay $0x1  }
0xc94: {  	v3 =	vadd.s32 v1, v3;
	_ =	sdelay $0x1  }
0xc95: {  	s6 =	simm.s32 $0xC000  }
0xc96: {  	[tilespmem:s6], [sflag:$0x3] =	stream.indirect_vreg.gather [hbm4b:s1+s3], $0x80, v4, vm0, $0xb8;
	[tilespmem:$0x19000] =	vst v63  }
0xc97: {  	s22 =	simm.s32 $0xC800  }
0xc98: {  	[tilespmem:s22], [sflag:$0x3] =	stream.indirect_vreg.gather [hbm4b:s1+s3], $0x80, v3, vm0, $0xb8;
	[tilespmem:$0x19000] =	vst v63  }
0xc99: {  	_ =	swait.ge [sflag:s20], $0x4000  }
0xc9a: {  	s23 =	sld [smem:$0x7F5]  }
0xc9b: {  	[sflag:s20] =	ssyncset.done $0x0  }
0xc9c: {  	s29 =	simm.s32 $0xD000;
	[sflag:s20] =	ssyncadd.s32 $0xFFFFC000  }
0xc9d: {  	[hbm4b:s23+s3] =	stream.linear.scatter [tilespmem:s29], [sflag:$0xA], $0x4000, $0x38;
	[tilespmem:$0x19000] =	vst v63  }
0xc9e: {  	_ =	swait.ge [sflag:s21], $0x4000  }
0xc9f: {  	[sflag:s21] =	ssyncset.done $0x0  }
0xca0: {  	[sflag:s21] =	ssyncadd.s32 $0xFFFFC000  }
0xca1: {  	v3 =	vld [tilespmem:$0xFC0];
	_ =	sdelay $0x4  }
0xca2: {  	v60 =	vshll.u32 v3, $0x1  }
0xca3: {  	v3 =	vand.u32 $0x7, v3;
	v4 =	vand.u32 $0xFFFFFFF0, v60  }
0xca4: {  	v3 =	vor.u32 v3, v4  }
0xca5: {  	v4 =	vperm.xlane v3, v0;
	_ =	sdelay $0x1  }
0xca6: {  	v3 =	vperm.xlane v3, v2;
	v4 =	vadd.s32 v1, v4;
	_ =	sdelay $0x1  }
0xca7: {  	v3 =	vadd.s32 v1, v3;
	_ =	sdelay $0x2  }
0xca8: {  	[tilespmem:s29], [sflag:$0x4] =	stream.indirect_vreg.gather [hbm4b:s1+s3], $0x80, v4, vm0, $0xb8;
	[tilespmem:$0x19000] =	vst v63  }
0xca9: {  	s30 =	simm.s32 $0xD800  }
0xcaa: {  	[tilespmem:s30], [sflag:$0x4] =	stream.indirect_vreg.gather [hbm4b:s1+s3], $0x80, v3, vm0, $0xb8;
	[tilespmem:$0x19000] =	vst v63  }
0xcab: {  	v3 =	vld [tilespmem:$0xFD0];
	_ =	sdelay $0x4  }
0xcac: {  	v61 =	vshll.u32 v3, $0x1  }
0xcad: {  	v3 =	vand.u32 $0x7, v3;
	v4 =	vand.u32 $0xFFFFFFF0, v61  }
0xcae: {  	v3 =	vor.u32 v3, v4  }
0xcaf: {  	v4 =	vperm.xlane v3, v0;
	_ =	sdelay $0x1  }
0xcb0: {  	v3 =	vperm.xlane v3, v2;
	v4 =	vadd.s32 v1, v4;
	_ =	sdelay $0x1  }
0xcb1: {  	v3 =	vadd.s32 v1, v3;
	_ =	sdelay $0x1  }
0xcb2: {  	s31 =	simm.s32 $0xE000  }
0xcb3: {  	[tilespmem:s31], [sflag:$0x4] =	stream.indirect_vreg.gather [hbm4b:s1+s3], $0x80, v4, vm0, $0xb8;
	[tilespmem:$0x19000] =	vst v63  }
0xcb4: {  	s9 =	simm.s32 $0xE800  }
0xcb5: {  	[tilespmem:s9], [sflag:$0x4] =	stream.indirect_vreg.gather [hbm4b:s1+s3], $0x80, v3, vm0, $0xb8;
	[tilespmem:$0x19000] =	vst v63  }
0xcb6: {  	v3 =	vld [tilespmem:$0xFE0];
	_ =	sdelay $0x4  }
0xcb7: {  	v62 =	vshll.u32 v3, $0x1  }
0xcb8: {  	v3 =	vand.u32 $0x7, v3;
	v4 =	vand.u32 $0xFFFFFFF0, v62  }
0xcb9: {  	v3 =	vor.u32 v3, v4  }
0xcba: {  	v4 =	vperm.xlane v3, v0;
	_ =	sdelay $0x1  }
0xcbb: {  	v3 =	vperm.xlane v3, v2;
	v4 =	vadd.s32 v1, v4;
	_ =	sdelay $0x1  }
0xcbc: {  	v3 =	vadd.s32 v1, v3;
	_ =	sdelay $0x1  }
0xcbd: {  	s7 =	simm.s32 $0xF000  }
0xcbe: {  	[tilespmem:s7], [sflag:$0x4] =	stream.indirect_vreg.gather [hbm4b:s1+s3], $0x80, v4, vm0, $0xb8;
	[tilespmem:$0x19000] =	vst v63  }
0xcbf: {  	s6 =	simm.s32 $0xF800  }
0xcc0: {  	[tilespmem:s6], [sflag:$0x4] =	stream.indirect_vreg.gather [hbm4b:s1+s3], $0x80, v3, vm0, $0xb8;
	[tilespmem:$0x19000] =	vst v63  }
0xcc1: {  	v3 =	vld [tilespmem:$0xFF0];
	_ =	sdelay $0x4  }
0xcc2: {  	v63 =	vshll.u32 v3, $0x1  }
0xcc3: {  	v3 =	vand.u32 $0x7, v3;
	v4 =	vand.u32 $0xFFFFFFF0, v63  }
0xcc4: {  	v3 =	vor.u32 v3, v4  }
0xcc5: {  	v4 =	vperm.xlane v3, v0;
	_ =	sdelay $0x1  }
0xcc6: {  	v3 =	vperm.xlane v3, v2;
	v4 =	vadd.s32 v1, v4;
	_ =	sdelay $0x1  }
0xcc7: {  	v3 =	vadd.s32 v1, v3;
	_ =	sdelay $0x1  }
0xcc8: {  	s11 =	simm.s32 $0x10000  }
0xcc9: {  	[tilespmem:s11], [sflag:$0x4] =	stream.indirect_vreg.gather [hbm4b:s1+s3], $0x80, v4, vm0, $0xb8;
	[tilespmem:$0x19000] =	vst v63  }
0xcca: {  	s9 =	simm.s32 $0x10800  }
0xccb: {  	[tilespmem:s9], [sflag:$0x4] =	stream.indirect_vreg.gather [hbm4b:s1+s3], $0x80, v3, vm0, $0xb8;
	[tilespmem:$0x19000] =	vst v63  }
0xccc: {  	s7 =	sld [smem:$0x7CE];
	_ =	swait.ge [sflag:s14], $0x4000  }
0xccd: {  	s11 =	sld [smem:$0x7F6]  }
0xcce: {  	[sflag:s14] =	ssyncset.done $0x0  }
0xccf: {  	s4 =	simm.s32 $0x11000;
	[sflag:s14] =	ssyncadd.s32 $0xFFFFC000  }
0xcd0: {  	[hbm4b:s11+s3] =	stream.linear.scatter [tilespmem:s4], [sflag:$0xB], $0x4000, $0x38;
	[tilespmem:$0x19000] =	vst v63  }
0xcd1: {  	_ =	swait.ge [sflag:s25], $0x4000  }
0xcd2: {  	s22 =	sld [smem:$0x7F7]  }
0xcd3: {  	[sflag:s25] =	ssyncset.done $0x0  }
0xcd4: {  	s8 =	simm.s32 $0x15000;
	[sflag:s25] =	ssyncadd.s32 $0xFFFFC000  }
0xcd5: {  	[hbm4b:s22+s3] =	stream.linear.scatter [tilespmem:s8], [sflag:$0xC], $0x4000, $0x38;
	[tilespmem:$0x19000] =	vst v63  }
0xcd6: {  	_ =	swait.ge [sflag:s13], $0x4000  }
0xcd7: {  	s23 =	sld [smem:$0x7F8]  }
0xcd8: {  	[sflag:s13] =	ssyncset.done $0x0  }
0xcd9: {  	s10 =	simm.s32 $0x1000;
	[sflag:s13] =	ssyncadd.s32 $0xFFFFC000  }
0xcda: {  	[hbm4b:s23+s3] =	stream.linear.scatter [tilespmem:s10], [sflag:$0x7], $0x4000, $0x38;
	[tilespmem:$0x19000] =	vst v63  }
0xcdb: {  	_ =	swait.ge [sflag:s16], $0x4000  }
0xcdc: {  	s29 =	sld [smem:$0x7FA]  }
0xcdd: {  	[sflag:s16] =	ssyncset.done $0x0  }
0xcde: {  	s12 =	simm.s32 $0x5000;
	[sflag:s16] =	ssyncadd.s32 $0xFFFFC000  }
0xcdf: {  	[hbm4b:s29+s3] =	stream.linear.scatter [tilespmem:s12], [sflag:$0x8], $0x4000, $0x38;
	[tilespmem:$0x19000] =	vst v63  }
0xce0: {  	_ =	swait.ge [sflag:s18], $0x4000  }
0xce1: {  	s30 =	sld [smem:$0x7FB]  }
0xce2: {  	[sflag:s18] =	ssyncset.done $0x0  }
0xce3: {  	s0 =	simm.s32 $0x9000;
	[sflag:s18] =	ssyncadd.s32 $0xFFFFC000  }
0xce4: {  	[hbm4b:s30+s3] =	stream.linear.scatter [tilespmem:s0], [sflag:$0x9], $0x4000, $0x38;
	[tilespmem:$0x19000] =	vst v63  }
0xce5: {  	_ =	swait.ge [sflag:s20], $0x4000  }
0xce6: {  	s31 =	sld [smem:$0x7FC]  }
0xce7: {  	[sflag:s20] =	ssyncset.done $0x0  }
0xce8: {  	s5 =	simm.s32 $0xD000;
	[sflag:s20] =	ssyncadd.s32 $0xFFFFC000  }
0xce9: {  	[hbm4b:s31+s3] =	stream.linear.scatter [tilespmem:s5], [sflag:$0xA], $0x4000, $0x38;
	[tilespmem:$0x19000] =	vst v63  }
0xcea: {  	_ =	swait.ge [sflag:s24], $0x4000  }
0xceb: {  	[sflag:s24] =	ssyncset.done $0x0  }
0xcec: {  	[sflag:s24] =	ssyncadd.s32 $0xFFFFC000  }
0xced: {  	_ =	swait.ge [sflag:s26], $0x4000  }
0xcee: {  	[sflag:s26] =	ssyncset.done $0x0  }
0xcef: {  	[sflag:s26] =	ssyncadd.s32 $0xFFFFC000  }
0xcf0: {  	_ =	swait.ge [sflag:s15], $0x4000  }
0xcf1: {  	[sflag:s15] =	ssyncset.done $0x0  }
0xcf2: {  	[sflag:s15] =	ssyncadd.s32 $0xFFFFC000  }
0xcf3: {  	_ =	swait.ge [sflag:s17], $0x4000  }
0xcf4: {  	[sflag:s17] =	ssyncset.done $0x0  }
0xcf5: {  	[sflag:s17] =	ssyncadd.s32 $0xFFFFC000  }
0xcf6: {  	p0 =	sne.s32 s7, $0x1;
	_ =	swait.ge [sflag:s19], $0x4000  }
.Ltmp0:
0xcf7: {  	[sflag:s19] =	ssyncset.done $0x0;
	(pc) =	sbr.rel @p0 .LBB2_1-.Ltmp0, $4  }
0xcf8: {  	[sflag:s19] =	ssyncadd.s32 $0xFFFFC000  }
0xcf9: {  	_ =	swait.ge [sflag:s21], $0x4000  }
0xcfa: {  	[sflag:s21] =	ssyncset.done $0x0  }
0xcfb: {  	s2 =	sadd.s32 $0xFFFFFFFF, s7;
	[sflag:s21] =	ssyncadd.s32 $0xFFFFC000  }
0xcfc: {  	_ =	sfence.sel $0x180000  }
0xcfd: {  	[bflag:$0x0] =	sbarrier.arrive $0xFFFF  }
0xcfe: {  	_ =	strace $0x90000047  }
0xcff: {  	s0 =	stileid.u32;
	[bflag:$0x2] =	sbarrier.arrive $0xFFFF  }
0xd00: {  	p0 =	sne.s32 s0, $0x0;
	s0 =	rddreg [dreg:$0x4]  }
0xd01: {  	s0 =	sadd.s32 @!p0 $0x100000, s0  }
0xd02: {  	[sflag:s0] =	ssyncadd.tile.s32 @!p0 $0x1;
	_ =	shalt  }
.Lfunc_end2:
_tile_overlayer_lowered:
.L_overlay_start_2:
0xd03: {  	(tag) =	ssettag $0x2  }
0xd04: {  	s0 =	rddreg [dreg:$0x0];
	s2 =	stileid.u32  }
0xd05: {  	s1 =	rddreg [dreg:$0x1];
	p0 =	sne.s32 s2, $0x0  }
0xd06: {  	s3 =	rddreg [dreg:$0x2];
	[bflag:$0x3] =	sbarrier.arrive $0xFFFF;
	s2 =	simm.s32 @!p0 $0x1C0D  }
0xd07: {  	[timem:s3], [sflag:s2] =	dma.local @!p0 [hbm:s0], s1  }
0xd08: {  	s0 =	simm.s32 @!p0 $0xD  }
0xd09: {  	_ =	swait.ge @!p0 [sflag:s0], s1  }
0xd0a: {  	s1 =	ssub.s32 @!p0 $0x0, s1;
	[sflag:s0] =	ssyncset.done @!p0 $0x0  }
0xd0b: {  	[sflag:s0] =	ssyncadd.s32 @!p0 s1  }
0xd0c: {  	[bflag:$0x3] =	sbarrier.arrive $0xFFFF  }
0xd0d: {  	_ =	shalt  }

</sc_bundles>
